<compile_context>
chip_gen: v7x
topology: tpu7x:2x2x1
jax: 0.10.2.dev20260603
libtpu: 0.0.44.dev20260713+nightly
codegen_flags: <defaults>
</compile_context>

<pallas_src>
import functools

import jax
import jax.numpy as jnp
from jax import lax
from jax.experimental import pallas as pl
from jax.experimental.pallas import tpu as pltpu
from jax.experimental.pallas import tpu_sc as plsc

_B = 1024
_L = 50
_W = 4
_EMB = 300
_EMBP = 304
_NCH = _EMBP // 16
_RPAD = 384
_CLS = 14

_NC = 2
_NS = 16
_NWORK = _NC * _NS
_BATCH_PER_W = _B // _NWORK
_SEG = 25
_SEG_PER_B = _L // _SEG
_NSEG = _B * _SEG_PER_B
_SEG_PER_W = _NSEG // _NWORK

_E_TAB_ROWS = -(-24049217 // 128)
_N_PAD = 4928
_MCOLS = 40
_MGC = 32
_ECOLS = 120
_SW = 104


def _lane_bcast(v, lane):
    idx = jnp.full((16,), lane, jnp.int32)
    dnums = lax.GatherDimensionNumbers(
        offset_dims=(), collapsed_slice_dims=(0,), start_index_map=(0,))
    return lax.gather(v, idx[:, None], dnums, (1,),
                      mode=lax.GatherScatterMode.PROMISE_IN_BOUNDS)


def _sc_body(m_hbm, mg_hbm, s_hbm, er_hbm, ec_hbm, r_hbm, e2_hbm, n_hbm,
             out_hbm, m_idx, mg_idx, s_idx, er_idx, ec_idx, rn_v, ra_v,
             ev_v, n_tab, h_v, sem):
    wid = lax.axis_index("s") * _NC + lax.axis_index("c")
    seg0 = wid * _SEG_PER_W

    pltpu.sync_copy(m_hbm.at[pl.ds(seg0, _SEG_PER_W)], m_idx)
    pltpu.sync_copy(mg_hbm.at[pl.ds(seg0, _SEG_PER_W)], mg_idx)
    pltpu.sync_copy(s_hbm.at[pl.ds(seg0, _SEG_PER_W)], s_idx)
    pltpu.sync_copy(er_hbm.at[pl.ds(seg0, _SEG_PER_W)], er_idx)
    pltpu.sync_copy(ec_hbm.at[pl.ds(seg0, _SEG_PER_W)], ec_idx)
    pltpu.sync_copy(n_hbm, n_tab)

    def batch_body(bb, carry):
        accs = [jnp.zeros((16,), jnp.float32)] * _NCH
        for half in range(_SEG_PER_B):
            s = bb * _SEG_PER_B + half
            c1 = pltpu.async_copy(r_hbm.at[mg_idx.at[s]], rn_v, sem)
            c2 = pltpu.async_copy(r_hbm.at[s_idx.at[s]], ra_v, sem)
            c3 = pltpu.async_copy(e2_hbm.at[er_idx.at[s]], ev_v, sem)
            c1.wait()
            c2.wait()
            c3.wait()

            def pos_body(i, acc_t):
                mi = m_idx[s, pl.ds(i, 16)][0]
                n_spl = n_tab[pl.ds(mi, 16)][0]
                e_spl = []
                for w in range(_W):
                    col = ec_idx[s, pl.ds(i * _W + w, 16)][0]
                    colb = col & ~15
                    ev = ev_v[i * _W + w, pl.ds(colb, 16)]
                    e_spl.append(_lane_bcast(ev, col & 15))
                new = []
                for c in range(_NCH):
                    sl = pl.ds(c * 16, 16)
                    m01 = jnp.maximum(ra_v[i * _W + 0, sl] * e_spl[0],
                                      ra_v[i * _W + 1, sl] * e_spl[1])
                    m23 = jnp.maximum(ra_v[i * _W + 2, sl] * e_spl[2],
                                      ra_v[i * _W + 3, sl] * e_spl[3])
                    m = jnp.maximum(m01, m23)
                    r = rn_v[i, sl]
                    new.append(acc_t[c] + (m + n_spl * (r - m)))
                return tuple(new)

            accs = list(lax.fori_loop(0, _SEG, pos_body, tuple(accs)))
        for c in range(_NCH):
            h_v[pl.ds(c * 16, 16)] = accs[c]
        pltpu.sync_copy(h_v, out_hbm.at[wid * _BATCH_PER_W + bb])
        return carry

    lax.fori_loop(0, _BATCH_PER_W, batch_body, 0)


_sc_kernel = functools.partial(
    pl.kernel,
    mesh=plsc.VectorSubcoreMesh(core_axis_name="c", subcore_axis_name="s"),
    out_type=jax.ShapeDtypeStruct((_B, _EMBP), jnp.float32),
    scratch_types=[
        pltpu.VMEM((_SEG_PER_W, _MCOLS), jnp.int32),
        pltpu.VMEM((_SEG_PER_W, _MGC), jnp.int32),
        pltpu.VMEM((_SEG_PER_W, _SW), jnp.int32),
        pltpu.VMEM((_SEG_PER_W, _SW), jnp.int32),
        pltpu.VMEM((_SEG_PER_W, _ECOLS), jnp.int32),
        pltpu.VMEM((_MGC, _RPAD), jnp.float32),
        pltpu.VMEM((_SW, _RPAD), jnp.float32),
        pltpu.VMEM((_SW, 128), jnp.float32),
        pltpu.VMEM((_N_PAD,), jnp.float32),
        pltpu.VMEM((_EMBP,), jnp.float32),
        pltpu.SemaphoreType.DMA,
    ],
)(_sc_body)


def _tc_head(h_ref, w_ref, b_ref, o_ref):
    h = h_ref[...]
    logits = lax.dot_general(h, w_ref[...], (((1,), (1,)), ((), ())),
                             preferred_element_type=jnp.float32)
    logits = logits + b_ref[...]
    relu = jnp.maximum(logits, 0.0)
    mx = jnp.max(relu, axis=1, keepdims=True)
    ex = jnp.exp(relu - mx)
    o_ref[...] = ex / jnp.sum(ex, axis=1, keepdims=True)


def kernel(master_nodes, slave_nodes_list, slave_edges_list, R, E, N,
           W_fc, b_fc):
    m0 = master_nodes.astype(jnp.int32).reshape(_NSEG, _SEG)
    m2 = jnp.pad(m0, ((0, 0), (0, _MCOLS - _SEG)))
    segi = jnp.arange(_NSEG, dtype=jnp.int32)[:, None]
    mg_fill = (segi * (_MGC - _SEG)
               + jnp.arange(_MGC - _SEG, dtype=jnp.int32)) % 4904 + 1
    mg = jnp.concatenate([m0, mg_fill], axis=1)
    s2 = slave_nodes_list.astype(jnp.int32).reshape(_NSEG, _SEG * _W)
    sp_fill = (segi * (_SW - _SEG * _W)
               + jnp.arange(_SW - _SEG * _W, dtype=jnp.int32)) % 4904 + 1
    s2 = jnp.concatenate([s2, sp_fill], axis=1)
    e2i = slave_edges_list.astype(jnp.int32).reshape(_NSEG, _SEG * _W)
    ep_fill = (segi * (_SW - _SEG * _W)
               + jnp.arange(_SW - _SEG * _W, dtype=jnp.int32)) % 24049216 + 1
    er = jnp.concatenate([e2i // 128, ep_fill // 128], axis=1)
    ec = jnp.pad(e2i % 128, ((0, 0), (0, _ECOLS - _SEG * _W)))
    r_pad = jnp.pad(R, ((0, 0), (0, _RPAD - _EMB)))
    e_tab = jnp.pad(E.reshape(-1), (0, _E_TAB_ROWS * 128 - E.shape[0]))
    e_tab = e_tab.reshape(_E_TAB_ROWS, 128)
    n_tab = jnp.pad(N.reshape(-1), (0, _N_PAD - N.shape[0]))

    h = _sc_kernel(m2, mg, s2, er, ec, r_pad, e_tab, n_tab)

    w_pad = jnp.pad(W_fc, ((0, 0), (0, _EMBP - _EMB)))
    out = pl.pallas_call(
        _tc_head,
        out_shape=jax.ShapeDtypeStruct((_B, _CLS), jnp.float32),
    )(h, w_pad, b_fc.reshape(1, _CLS))
    return out

# --- scband reference (transcript-rebuilt; emitter-appended) ---
"""Pipeline reference for scband-text-level-gnn-2362232013143 (READ-ONLY COPY).

The authoritative reference and input builder live on the scoring server;
editing this copy changes nothing except your own understanding.
"""

import jax, jax.numpy as jnp
import numpy as np

NUM_NODES = 4904
EMB = 300
NUM_CLASSES = 14
B = 1024
L = 50
W = 4


def setup_inputs(seed: int = 0) -> dict:
    key = jax.random.key(seed)
    k1, k2, k3, k4, k5, k6, k7 = jax.random.split(key, 7)
    master_nodes = jax.random.randint(k1, (B, L), 0, NUM_NODES + 1)
    slave_nodes_list = jax.random.randint(k2, (B, L, W), 0, NUM_NODES + 1)
    slave_edges_list = jax.random.randint(k3, (B, L, W), 0, NUM_NODES * NUM_NODES + 1)
    # learned parameters
    R = jax.random.normal(k4, (NUM_NODES + 1, EMB), dtype=jnp.float32)
    R = R.at[0].set(0.0)  # padding_idx=0
    E = jax.random.normal(k5, (NUM_NODES * NUM_NODES + 1, 1), dtype=jnp.float32)
    E = E.at[0].set(0.0)  # padding_idx=0
    N = jax.random.normal(k6, (NUM_NODES + 1, 1), dtype=jnp.float32)
    N = N.at[0].set(0.0)  # padding_idx=0
    W_fc = jax.random.normal(k7, (NUM_CLASSES, EMB), dtype=jnp.float32) * 0.05
    b_fc = jnp.zeros((NUM_CLASSES,), dtype=jnp.float32)
    return {
        "master_nodes": master_nodes,
        "slave_nodes_list": slave_nodes_list,
        "slave_edges_list": slave_edges_list,
        "R": R,
        "E": E,
        "N": N,
        "W_fc": W_fc,
        "b_fc": b_fc,
    }


def reference(master_nodes, slave_nodes_list, slave_edges_list, R, E, N, W_fc, b_fc):
    Rn = jnp.take(R, master_nodes, axis=0)            # [B, L, EMB]
    Ra = jnp.take(R, slave_nodes_list, axis=0)        # [B, L, W, EMB]
    Ean = jnp.take(E, slave_edges_list, axis=0)       # [B, L, W, 1]
    Mn = jnp.max(Ra * Ean, axis=2)                    # [B, L, EMB]
    Nn = jnp.take(N, master_nodes, axis=0)            # [B, L, 1]
    x = (1.0 - Nn) * Mn + Nn * Rn                     # [B, L, EMB]
    h = jnp.sum(x, axis=1)                            # [B, EMB]
    logits = h @ W_fc.T + b_fc                        # [B, NUM_CLASSES]
    relu = jnp.maximum(logits, 0.0)
    out = jax.nn.softmax(relu, axis=1)
    # Dropout(0.5) is identity in eval mode
    return out

if __name__ == "__main__":
    import jax
    _d = setup_inputs()
    print(jax.jit(kernel)(*tuple(_d.values())))

</pallas_src>

<mosaic_0001>
#map = affine_map<(d0, d1) -> (0, 0)>
#map1 = affine_map<(d0, d1) -> (0)>
module attributes {stable_mosaic.version = 14 : i64} {
  func.func @_sc_body(%arg0: i32, %arg1: i32, %arg2: memref<2048x40xi32, #tpu.memory_space<hbm>>, %arg3: memref<2048x32xi32, #tpu.memory_space<hbm>>, %arg4: memref<2048x104xi32, #tpu.memory_space<hbm>>, %arg5: memref<2048x104xi32, #tpu.memory_space<hbm>>, %arg6: memref<2048x120xi32, #tpu.memory_space<hbm>>, %arg7: memref<4905x384xf32, #tpu.memory_space<hbm>>, %arg8: memref<187885x128xf32, #tpu.memory_space<hbm>>, %arg9: memref<4928xf32, #tpu.memory_space<hbm>>, %arg10: memref<1024x304xf32, #tpu.memory_space<hbm>>, %arg11: memref<64x40xi32, #tpu.memory_space<vmem>>, %arg12: memref<64x32xi32, #tpu.memory_space<vmem>>, %arg13: memref<64x104xi32, #tpu.memory_space<vmem>>, %arg14: memref<64x104xi32, #tpu.memory_space<vmem>>, %arg15: memref<64x120xi32, #tpu.memory_space<vmem>>, %arg16: memref<32x384xf32, #tpu.memory_space<vmem>>, %arg17: memref<104x384xf32, #tpu.memory_space<vmem>>, %arg18: memref<104x128xf32, #tpu.memory_space<vmem>>, %arg19: memref<4928xf32, #tpu.memory_space<vmem>>, %arg20: memref<304xf32, #tpu.memory_space<vmem>>, %arg21: memref<!tpu.dma_semaphore, #tpu.memory_space<semaphore_mem>>) attributes {dimension_semantics = [#tpu.dimension_semantics<core_parallel>, #tpu.dimension_semantics<subcore_parallel>], iteration_bounds = array<i64: 2, 16>, scalar_prefetch = 0 : i64, scratch_operands = 11 : i64, tpu.core_type = #tpu.core_type<sc_vector_subcore>, window_params = [{transform_indices = #map}, {transform_indices = #map}, {transform_indices = #map}, {transform_indices = #map}, {transform_indices = #map}, {transform_indices = #map}, {transform_indices = #map}, {transform_indices = #map1}, {transform_indices = #map}]} {
    %mul3A = arith.constant 2 : i32
    %mul3A_0 = arith.muli %arg1, %mul3A : i32
    %add3A = arith.addi %mul3A_0, %arg0 : i32
    %mul3A_1 = arith.constant 64 : i32
    %mul3A_2 = arith.muli %add3A, %mul3A_1 : i32
    "tpu.region"() ({
      %run_scoped3A = tpu.sem_alloc : memref<!tpu.dma_semaphore, #tpu.memory_space<semaphore_mem>>
      %dma_start3A = arith.constant 0 : i32
      %dma_start3A_8 = tpu.memref_slice %arg2[%mul3A_2, %dma_start3A] : memref<2048x40xi32, #tpu.memory_space<hbm>> -> memref<64x40xi32, #tpu.memory_space<hbm>>
      %dma_start3A_9 = arith.constant 0 : i32
      %dma_start3A_10 = tpu.memref_slice %arg2[%mul3A_2, %dma_start3A_9] : memref<2048x40xi32, #tpu.memory_space<hbm>> -> memref<64x40xi32, #tpu.memory_space<hbm>>
      tpu.enqueue_dma source(%dma_start3A_10 : memref<64x40xi32, #tpu.memory_space<hbm>>) target(%arg11 : memref<64x40xi32, #tpu.memory_space<vmem>>) target_semaphore(%run_scoped3A : memref<!tpu.dma_semaphore, #tpu.memory_space<semaphore_mem>>)
      %dma_wait3A = arith.constant 0 : i32
      %dma_wait3A_11 = tpu.memref_slice %arg2[%mul3A_2, %dma_wait3A] : memref<2048x40xi32, #tpu.memory_space<hbm>> -> memref<64x40xi32, #tpu.memory_space<hbm>>
      %dma_wait3A_12 = arith.constant 0 : i32
      %dma_wait3A_13 = tpu.memref_slice %arg2[%mul3A_2, %dma_wait3A_12] : memref<2048x40xi32, #tpu.memory_space<hbm>> -> memref<64x40xi32, #tpu.memory_space<hbm>>
      tpu.wait_dma2 semaphore(%run_scoped3A : memref<!tpu.dma_semaphore, #tpu.memory_space<semaphore_mem>>) src(%dma_wait3A_13 : memref<64x40xi32, #tpu.memory_space<hbm>>) dst(%arg11 : memref<64x40xi32, #tpu.memory_space<vmem>>)
      tpu.yield
    }) : () -> ()
    "tpu.region"() ({
      %run_scoped3A = tpu.sem_alloc : memref<!tpu.dma_semaphore, #tpu.memory_space<semaphore_mem>>
      %dma_start3A = arith.constant 0 : i32
      %dma_start3A_8 = tpu.memref_slice %arg3[%mul3A_2, %dma_start3A] : memref<2048x32xi32, #tpu.memory_space<hbm>> -> memref<64x32xi32, #tpu.memory_space<hbm>>
      %dma_start3A_9 = arith.constant 0 : i32
      %dma_start3A_10 = tpu.memref_slice %arg3[%mul3A_2, %dma_start3A_9] : memref<2048x32xi32, #tpu.memory_space<hbm>> -> memref<64x32xi32, #tpu.memory_space<hbm>>
      tpu.enqueue_dma source(%dma_start3A_10 : memref<64x32xi32, #tpu.memory_space<hbm>>) target(%arg12 : memref<64x32xi32, #tpu.memory_space<vmem>>) target_semaphore(%run_scoped3A : memref<!tpu.dma_semaphore, #tpu.memory_space<semaphore_mem>>)
      %dma_wait3A = arith.constant 0 : i32
      %dma_wait3A_11 = tpu.memref_slice %arg3[%mul3A_2, %dma_wait3A] : memref<2048x32xi32, #tpu.memory_space<hbm>> -> memref<64x32xi32, #tpu.memory_space<hbm>>
      %dma_wait3A_12 = arith.constant 0 : i32
      %dma_wait3A_13 = tpu.memref_slice %arg3[%mul3A_2, %dma_wait3A_12] : memref<2048x32xi32, #tpu.memory_space<hbm>> -> memref<64x32xi32, #tpu.memory_space<hbm>>
      tpu.wait_dma2 semaphore(%run_scoped3A : memref<!tpu.dma_semaphore, #tpu.memory_space<semaphore_mem>>) src(%dma_wait3A_13 : memref<64x32xi32, #tpu.memory_space<hbm>>) dst(%arg12 : memref<64x32xi32, #tpu.memory_space<vmem>>)
      tpu.yield
    }) : () -> ()
    "tpu.region"() ({
      %run_scoped3A = tpu.sem_alloc : memref<!tpu.dma_semaphore, #tpu.memory_space<semaphore_mem>>
      %dma_start3A = arith.constant 0 : i32
      %dma_start3A_8 = tpu.memref_slice %arg4[%mul3A_2, %dma_start3A] : memref<2048x104xi32, #tpu.memory_space<hbm>> -> memref<64x104xi32, #tpu.memory_space<hbm>>
      %dma_start3A_9 = arith.constant 0 : i32
      %dma_start3A_10 = tpu.memref_slice %arg4[%mul3A_2, %dma_start3A_9] : memref<2048x104xi32, #tpu.memory_space<hbm>> -> memref<64x104xi32, #tpu.memory_space<hbm>>
      tpu.enqueue_dma source(%dma_start3A_10 : memref<64x104xi32, #tpu.memory_space<hbm>>) target(%arg13 : memref<64x104xi32, #tpu.memory_space<vmem>>) target_semaphore(%run_scoped3A : memref<!tpu.dma_semaphore, #tpu.memory_space<semaphore_mem>>)
      %dma_wait3A = arith.constant 0 : i32
      %dma_wait3A_11 = tpu.memref_slice %arg4[%mul3A_2, %dma_wait3A] : memref<2048x104xi32, #tpu.memory_space<hbm>> -> memref<64x104xi32, #tpu.memory_space<hbm>>
      %dma_wait3A_12 = arith.constant 0 : i32
      %dma_wait3A_13 = tpu.memref_slice %arg4[%mul3A_2, %dma_wait3A_12] : memref<2048x104xi32, #tpu.memory_space<hbm>> -> memref<64x104xi32, #tpu.memory_space<hbm>>
      tpu.wait_dma2 semaphore(%run_scoped3A : memref<!tpu.dma_semaphore, #tpu.memory_space<semaphore_mem>>) src(%dma_wait3A_13 : memref<64x104xi32, #tpu.memory_space<hbm>>) dst(%arg13 : memref<64x104xi32, #tpu.memory_space<vmem>>)
      tpu.yield
    }) : () -> ()
    "tpu.region"() ({
      %run_scoped3A = tpu.sem_alloc : memref<!tpu.dma_semaphore, #tpu.memory_space<semaphore_mem>>
      %dma_start3A = arith.constant 0 : i32
      %dma_start3A_8 = tpu.memref_slice %arg5[%mul3A_2, %dma_start3A] : memref<2048x104xi32, #tpu.memory_space<hbm>> -> memref<64x104xi32, #tpu.memory_space<hbm>>
      %dma_start3A_9 = arith.constant 0 : i32
      %dma_start3A_10 = tpu.memref_slice %arg5[%mul3A_2, %dma_start3A_9] : memref<2048x104xi32, #tpu.memory_space<hbm>> -> memref<64x104xi32, #tpu.memory_space<hbm>>
      tpu.enqueue_dma source(%dma_start3A_10 : memref<64x104xi32, #tpu.memory_space<hbm>>) target(%arg14 : memref<64x104xi32, #tpu.memory_space<vmem>>) target_semaphore(%run_scoped3A : memref<!tpu.dma_semaphore, #tpu.memory_space<semaphore_mem>>)
      %dma_wait3A = arith.constant 0 : i32
      %dma_wait3A_11 = tpu.memref_slice %arg5[%mul3A_2, %dma_wait3A] : memref<2048x104xi32, #tpu.memory_space<hbm>> -> memref<64x104xi32, #tpu.memory_space<hbm>>
      %dma_wait3A_12 = arith.constant 0 : i32
      %dma_wait3A_13 = tpu.memref_slice %arg5[%mul3A_2, %dma_wait3A_12] : memref<2048x104xi32, #tpu.memory_space<hbm>> -> memref<64x104xi32, #tpu.memory_space<hbm>>
      tpu.wait_dma2 semaphore(%run_scoped3A : memref<!tpu.dma_semaphore, #tpu.memory_space<semaphore_mem>>) src(%dma_wait3A_13 : memref<64x104xi32, #tpu.memory_space<hbm>>) dst(%arg14 : memref<64x104xi32, #tpu.memory_space<vmem>>)
      tpu.yield
    }) : () -> ()
    "tpu.region"() ({
      %run_scoped3A = tpu.sem_alloc : memref<!tpu.dma_semaphore, #tpu.memory_space<semaphore_mem>>
      %dma_start3A = arith.constant 0 : i32
      %dma_start3A_8 = tpu.memref_slice %arg6[%mul3A_2, %dma_start3A] : memref<2048x120xi32, #tpu.memory_space<hbm>> -> memref<64x120xi32, #tpu.memory_space<hbm>>
      %dma_start3A_9 = arith.constant 0 : i32
      %dma_start3A_10 = tpu.memref_slice %arg6[%mul3A_2, %dma_start3A_9] : memref<2048x120xi32, #tpu.memory_space<hbm>> -> memref<64x120xi32, #tpu.memory_space<hbm>>
      tpu.enqueue_dma source(%dma_start3A_10 : memref<64x120xi32, #tpu.memory_space<hbm>>) target(%arg15 : memref<64x120xi32, #tpu.memory_space<vmem>>) target_semaphore(%run_scoped3A : memref<!tpu.dma_semaphore, #tpu.memory_space<semaphore_mem>>)
      %dma_wait3A = arith.constant 0 : i32
      %dma_wait3A_11 = tpu.memref_slice %arg6[%mul3A_2, %dma_wait3A] : memref<2048x120xi32, #tpu.memory_space<hbm>> -> memref<64x120xi32, #tpu.memory_space<hbm>>
      %dma_wait3A_12 = arith.constant 0 : i32
      %dma_wait3A_13 = tpu.memref_slice %arg6[%mul3A_2, %dma_wait3A_12] : memref<2048x120xi32, #tpu.memory_space<hbm>> -> memref<64x120xi32, #tpu.memory_space<hbm>>
      tpu.wait_dma2 semaphore(%run_scoped3A : memref<!tpu.dma_semaphore, #tpu.memory_space<semaphore_mem>>) src(%dma_wait3A_13 : memref<64x120xi32, #tpu.memory_space<hbm>>) dst(%arg15 : memref<64x120xi32, #tpu.memory_space<vmem>>)
      tpu.yield
    }) : () -> ()
    "tpu.region"() ({
      %run_scoped3A = tpu.sem_alloc : memref<!tpu.dma_semaphore, #tpu.memory_space<semaphore_mem>>
      tpu.enqueue_dma source(%arg9 : memref<4928xf32, #tpu.memory_space<hbm>>) target(%arg19 : memref<4928xf32, #tpu.memory_space<vmem>>) target_semaphore(%run_scoped3A : memref<!tpu.dma_semaphore, #tpu.memory_space<semaphore_mem>>)
      tpu.wait_dma2 semaphore(%run_scoped3A : memref<!tpu.dma_semaphore, #tpu.memory_space<semaphore_mem>>) src(%arg9 : memref<4928xf32, #tpu.memory_space<hbm>>) dst(%arg19 : memref<4928xf32, #tpu.memory_space<vmem>>)
      tpu.yield
    }) : () -> ()
    %scan3A = arith.constant 0 : i32
    %scan3A_3 = arith.constant 0 : i32
    %scan3A_4 = arith.constant 32 : i32
    %scan3A_5 = arith.addi %scan3A_3, %scan3A_4 : i32
    %scan3A_6 = arith.constant 1 : i32
    scf.for %scan3A_8 = %scan3A_3 to %scan3A_5 step %scan3A_6  : i32 {
      %broadcast_in_dim3A = arith.constant 0.000000e+00 : f32
      %broadcast_in_dim3A_9 = vector.broadcast %broadcast_in_dim3A : f32 to vector<16xf32>
      %mul3A_10 = arith.constant 2 : i32
      %mul3A_11 = arith.muli %scan3A_8, %mul3A_10 : i32
      %add3A_12 = arith.constant 0 : i32
      %add3A_13 = arith.addi %mul3A_11, %add3A_12 : i32
      %dma_start3A = arith.constant 0 : i32
      %dma_start3A_14 = tpu.memref_slice %arg12[%add3A_13, %dma_start3A] : memref<64x32xi32, #tpu.memory_space<vmem>> -> memref<1x32xi32, #tpu.memory_space<vmem>>
      %dma_start3A_15 = tpu.memref_squeeze %dma_start3A_14 : memref<1x32xi32, #tpu.memory_space<vmem>> -> memref<32xi32, #tpu.memory_space<vmem>>
      %dma_start3A_16 = arith.constant 0 : i32
      %dma_start3A_17 = arith.constant 0 : i32
      %dma_start3A_18 = tpu.memref_slice %arg7[%dma_start3A_16, %dma_start3A_17] : memref<4905x384xf32, #tpu.memory_space<hbm>> -> memref<4905x384xf32, #tpu.memory_space<hbm>>
      tpu.enqueue_indirect_dma source(%dma_start3A_18 : memref<4905x384xf32, #tpu.memory_space<hbm>>) target(%arg16 : memref<32x384xf32, #tpu.memory_space<vmem>>) offsets(%dma_start3A_15 : memref<32xi32, #tpu.memory_space<vmem>>) semaphore(%arg21 : memref<!tpu.dma_semaphore, #tpu.memory_space<semaphore_mem>>)
      %dma_start3A_19 = arith.constant 0 : i32
      %dma_start3A_20 = tpu.memref_slice %arg13[%add3A_13, %dma_start3A_19] : memref<64x104xi32, #tpu.memory_space<vmem>> -> memref<1x104xi32, #tpu.memory_space<vmem>>
      %dma_start3A_21 = tpu.memref_squeeze %dma_start3A_20 : memref<1x104xi32, #tpu.memory_space<vmem>> -> memref<104xi32, #tpu.memory_space<vmem>>
      %dma_start3A_22 = arith.constant 0 : i32
      %dma_start3A_23 = arith.constant 0 : i32
      %dma_start3A_24 = tpu.memref_slice %arg7[%dma_start3A_22, %dma_start3A_23] : memref<4905x384xf32, #tpu.memory_space<hbm>> -> memref<4905x384xf32, #tpu.memory_space<hbm>>
      tpu.enqueue_indirect_dma source(%dma_start3A_24 : memref<4905x384xf32, #tpu.memory_space<hbm>>) target(%arg17 : memref<104x384xf32, #tpu.memory_space<vmem>>) offsets(%dma_start3A_21 : memref<104xi32, #tpu.memory_space<vmem>>) semaphore(%arg21 : memref<!tpu.dma_semaphore, #tpu.memory_space<semaphore_mem>>)
      %dma_start3A_25 = arith.constant 0 : i32
      %dma_start3A_26 = tpu.memref_slice %arg14[%add3A_13, %dma_start3A_25] : memref<64x104xi32, #tpu.memory_space<vmem>> -> memref<1x104xi32, #tpu.memory_space<vmem>>
      %dma_start3A_27 = tpu.memref_squeeze %dma_start3A_26 : memref<1x104xi32, #tpu.memory_space<vmem>> -> memref<104xi32, #tpu.memory_space<vmem>>
      %dma_start3A_28 = arith.constant 0 : i32
      %dma_start3A_29 = arith.constant 0 : i32
      %dma_start3A_30 = tpu.memref_slice %arg8[%dma_start3A_28, %dma_start3A_29] : memref<187885x128xf32, #tpu.memory_space<hbm>> -> memref<187885x128xf32, #tpu.memory_space<hbm>>
      tpu.enqueue_indirect_dma source(%dma_start3A_30 : memref<187885x128xf32, #tpu.memory_space<hbm>>) target(%arg18 : memref<104x128xf32, #tpu.memory_space<vmem>>) offsets(%dma_start3A_27 : memref<104xi32, #tpu.memory_space<vmem>>) semaphore(%arg21 : memref<!tpu.dma_semaphore, #tpu.memory_space<semaphore_mem>>)
      %dma_wait3A = arith.constant 0 : i32
      %dma_wait3A_31 = tpu.memref_slice %arg12[%add3A_13, %dma_wait3A] : memref<64x32xi32, #tpu.memory_space<vmem>> -> memref<1x32xi32, #tpu.memory_space<vmem>>
      %dma_wait3A_32 = tpu.memref_squeeze %dma_wait3A_31 : memref<1x32xi32, #tpu.memory_space<vmem>> -> memref<32xi32, #tpu.memory_space<vmem>>
      %dma_wait3A_33 = arith.constant 0 : i32
      %dma_wait3A_34 = arith.constant 0 : i32
      %dma_wait3A_35 = tpu.memref_slice %arg7[%dma_wait3A_33, %dma_wait3A_34] : memref<4905x384xf32, #tpu.memory_space<hbm>> -> memref<4905x384xf32, #tpu.memory_space<hbm>>
      tpu.wait_indirect_dma semaphore(%arg21 : memref<!tpu.dma_semaphore, #tpu.memory_space<semaphore_mem>>) src(%dma_wait3A_35 : memref<4905x384xf32, #tpu.memory_space<hbm>>) dst(%arg16 : memref<32x384xf32, #tpu.memory_space<vmem>>)
      %dma_wait3A_36 = arith.constant 0 : i32
      %dma_wait3A_37 = tpu.memref_slice %arg13[%add3A_13, %dma_wait3A_36] : memref<64x104xi32, #tpu.memory_space<vmem>> -> memref<1x104xi32, #tpu.memory_space<vmem>>
      %dma_wait3A_38 = tpu.memref_squeeze %dma_wait3A_37 : memref<1x104xi32, #tpu.memory_space<vmem>> -> memref<104xi32, #tpu.memory_space<vmem>>
      %dma_wait3A_39 = arith.constant 0 : i32
      %dma_wait3A_40 = arith.constant 0 : i32
      %dma_wait3A_41 = tpu.memref_slice %arg7[%dma_wait3A_39, %dma_wait3A_40] : memref<4905x384xf32, #tpu.memory_space<hbm>> -> memref<4905x384xf32, #tpu.memory_space<hbm>>
      tpu.wait_indirect_dma semaphore(%arg21 : memref<!tpu.dma_semaphore, #tpu.memory_space<semaphore_mem>>) src(%dma_wait3A_41 : memref<4905x384xf32, #tpu.memory_space<hbm>>) dst(%arg17 : memref<104x384xf32, #tpu.memory_space<vmem>>)
      %dma_wait3A_42 = arith.constant 0 : i32
      %dma_wait3A_43 = tpu.memref_slice %arg14[%add3A_13, %dma_wait3A_42] : memref<64x104xi32, #tpu.memory_space<vmem>> -> memref<1x104xi32, #tpu.memory_space<vmem>>
      %dma_wait3A_44 = tpu.memref_squeeze %dma_wait3A_43 : memref<1x104xi32, #tpu.memory_space<vmem>> -> memref<104xi32, #tpu.memory_space<vmem>>
      %dma_wait3A_45 = arith.constant 0 : i32
      %dma_wait3A_46 = arith.constant 0 : i32
      %dma_wait3A_47 = tpu.memref_slice %arg8[%dma_wait3A_45, %dma_wait3A_46] : memref<187885x128xf32, #tpu.memory_space<hbm>> -> memref<187885x128xf32, #tpu.memory_space<hbm>>
      tpu.wait_indirect_dma semaphore(%arg21 : memref<!tpu.dma_semaphore, #tpu.memory_space<semaphore_mem>>) src(%dma_wait3A_47 : memref<187885x128xf32, #tpu.memory_space<hbm>>) dst(%arg18 : memref<104x128xf32, #tpu.memory_space<vmem>>)
      %scan3A_48 = arith.constant 0 : i32
      %scan3A_49 = arith.constant 25 : i32
      %scan3A_50 = arith.addi %scan3A_48, %scan3A_49 : i32
      %scan3A_51 = arith.constant 1 : i32
      %scan3A_52:19 = scf.for %scan3A_178 = %scan3A_48 to %scan3A_50 step %scan3A_51 iter_args(%scan3A_179 = %broadcast_in_dim3A_9, %scan3A_180 = %broadcast_in_dim3A_9, %scan3A_181 = %broadcast_in_dim3A_9, %scan3A_182 = %broadcast_in_dim3A_9, %scan3A_183 = %broadcast_in_dim3A_9, %scan3A_184 = %broadcast_in_dim3A_9, %scan3A_185 = %broadcast_in_dim3A_9, %scan3A_186 = %broadcast_in_dim3A_9, %scan3A_187 = %broadcast_in_dim3A_9, %scan3A_188 = %broadcast_in_dim3A_9, %scan3A_189 = %broadcast_in_dim3A_9, %scan3A_190 = %broadcast_in_dim3A_9, %scan3A_191 = %broadcast_in_dim3A_9, %scan3A_192 = %broadcast_in_dim3A_9, %scan3A_193 = %broadcast_in_dim3A_9, %scan3A_194 = %broadcast_in_dim3A_9, %scan3A_195 = %broadcast_in_dim3A_9, %scan3A_196 = %broadcast_in_dim3A_9, %scan3A_197 = %broadcast_in_dim3A_9) -> (vector<16xf32>, vector<16xf32>, vector<16xf32>, vector<16xf32>, vector<16xf32>, vector<16xf32>, vector<16xf32>, vector<16xf32>, vector<16xf32>, vector<16xf32>, vector<16xf32>, vector<16xf32>, vector<16xf32>, vector<16xf32>, vector<16xf32>, vector<16xf32>, vector<16xf32>, vector<16xf32>, vector<16xf32>)  : i32 {
        %get3A = arith.index_cast %add3A_13 : i32 to index
        %get3A_198 = arith.index_cast %scan3A_178 : i32 to index
        %get3A_199 = tpu.vector_load %arg11[%get3A, %get3A_198] {strides = array<i32>} : memref<64x40xi32, #tpu.memory_space<vmem>>, vector<1x16xi32>,
        %get3A_200 = vector.shape_cast %get3A_199 : vector<1x16xi32> to vector<16xi32>
        %slice3A = vector.extract_strided_slice %get3A_200 {offsets = [0], sizes = [1], strides = [1]} : vector<16xi32> to vector<1xi32>
        %squeeze3A = vector.extract %slice3A[0] : i32 from vector<1xi32>
        %get3A_201 = arith.index_cast %squeeze3A : i32 to index
        %get3A_202 = tpu.vector_load %arg19[%get3A_201] {strides = array<i32>} : memref<4928xf32, #tpu.memory_space<vmem>>, vector<16xf32>,
        %get3A_203 = vector.shape_cast %get3A_202 : vector<16xf32> to vector<16xf32>
        %slice3A_204 = vector.extract_strided_slice %get3A_203 {offsets = [0], sizes = [1], strides = [1]} : vector<16xf32> to vector<1xf32>
        %squeeze3A_205 = vector.extract %slice3A_204[0] : f32 from vector<1xf32>
        %mul3A_206 = arith.constant 4 : i32
        %mul3A_207 = arith.muli %scan3A_178, %mul3A_206 : i32
        %add3A_208 = arith.constant 0 : i32
        %add3A_209 = arith.addi %mul3A_207, %add3A_208 : i32
        %get3A_210 = arith.index_cast %add3A_13 : i32 to index
        %get3A_211 = arith.index_cast %add3A_209 : i32 to index
        %get3A_212 = tpu.vector_load %arg15[%get3A_210, %get3A_211] {strides = array<i32>} : memref<64x120xi32, #tpu.memory_space<vmem>>, vector<1x16xi32>,
        %get3A_213 = vector.shape_cast %get3A_212 : vector<1x16xi32> to vector<16xi32>
        %slice3A_214 = vector.extract_strided_slice %get3A_213 {offsets = [0], sizes = [1], strides = [1]} : vector<16xi32> to vector<1xi32>
        %squeeze3A_215 = vector.extract %slice3A_214[0] : i32 from vector<1xi32>
        %and3A = arith.constant -16 : i32
        %and3A_216 = arith.andi %squeeze3A_215, %and3A : i32
        %mul3A_217 = arith.constant 4 : i32
        %mul3A_218 = arith.muli %scan3A_178, %mul3A_217 : i32
        %add3A_219 = arith.constant 0 : i32
        %add3A_220 = arith.addi %mul3A_218, %add3A_219 : i32
        %get3A_221 = arith.index_cast %add3A_220 : i32 to index
        %get3A_222 = arith.index_cast %and3A_216 : i32 to index
        %get3A_223 = tpu.vector_load %arg18[%get3A_221, %get3A_222] {strides = array<i32>} : memref<104x128xf32, #tpu.memory_space<vmem>>, vector<1x16xf32>,
        %get3A_224 = vector.shape_cast %get3A_223 : vector<1x16xf32> to vector<16xf32>
        %and3A_225 = arith.constant 15 : i32
        %and3A_226 = arith.andi %squeeze3A_215, %and3A_225 : i32
        %broadcast_in_dim3A_227 = vector.broadcast %and3A_226 : i32 to vector<16xi32>
        %broadcast_in_dim3A_228 = vector.shape_cast %broadcast_in_dim3A_227 : vector<16xi32> to vector<16x1xi32>
        %gather3A = vector.shape_cast %broadcast_in_dim3A_228 : vector<16x1xi32> to vector<16xi32>
        %gather3A_229 = tpu.dynamic_gather %get3A_224[%gather3A] in [0] : vector<16xf32>, vector<16xi32> -> vector<16xf32>
        %mul3A_230 = arith.constant 4 : i32
        %mul3A_231 = arith.muli %scan3A_178, %mul3A_230 : i32
        %add3A_232 = arith.constant 1 : i32
        %add3A_233 = arith.addi %mul3A_231, %add3A_232 : i32
        %get3A_234 = arith.index_cast %add3A_13 : i32 to index
        %get3A_235 = arith.index_cast %add3A_233 : i32 to index
        %get3A_236 = tpu.vector_load %arg15[%get3A_234, %get3A_235] {strides = array<i32>} : memref<64x120xi32, #tpu.memory_space<vmem>>, vector<1x16xi32>,
        %get3A_237 = vector.shape_cast %get3A_236 : vector<1x16xi32> to vector<16xi32>
        %slice3A_238 = vector.extract_strided_slice %get3A_237 {offsets = [0], sizes = [1], strides = [1]} : vector<16xi32> to vector<1xi32>
        %squeeze3A_239 = vector.extract %slice3A_238[0] : i32 from vector<1xi32>
        %and3A_240 = arith.constant -16 : i32
        %and3A_241 = arith.andi %squeeze3A_239, %and3A_240 : i32
        %mul3A_242 = arith.constant 4 : i32
        %mul3A_243 = arith.muli %scan3A_178, %mul3A_242 : i32
        %add3A_244 = arith.constant 1 : i32
        %add3A_245 = arith.addi %mul3A_243, %add3A_244 : i32
        %get3A_246 = arith.index_cast %add3A_245 : i32 to index
        %get3A_247 = arith.index_cast %and3A_241 : i32 to index
        %get3A_248 = tpu.vector_load %arg18[%get3A_246, %get3A_247] {strides = array<i32>} : memref<104x128xf32, #tpu.memory_space<vmem>>, vector<1x16xf32>,
        %get3A_249 = vector.shape_cast %get3A_248 : vector<1x16xf32> to vector<16xf32>
        %and3A_250 = arith.constant 15 : i32
        %and3A_251 = arith.andi %squeeze3A_239, %and3A_250 : i32
        %broadcast_in_dim3A_252 = vector.broadcast %and3A_251 : i32 to vector<16xi32>
        %broadcast_in_dim3A_253 = vector.shape_cast %broadcast_in_dim3A_252 : vector<16xi32> to vector<16x1xi32>
        %gather3A_254 = vector.shape_cast %broadcast_in_dim3A_253 : vector<16x1xi32> to vector<16xi32>
        %gather3A_255 = tpu.dynamic_gather %get3A_249[%gather3A_254] in [0] : vector<16xf32>, vector<16xi32> -> vector<16xf32>
        %mul3A_256 = arith.constant 4 : i32
        %mul3A_257 = arith.muli %scan3A_178, %mul3A_256 : i32
        %add3A_258 = arith.constant 2 : i32
        %add3A_259 = arith.addi %mul3A_257, %add3A_258 : i32
        %get3A_260 = arith.index_cast %add3A_13 : i32 to index
        %get3A_261 = arith.index_cast %add3A_259 : i32 to index
        %get3A_262 = tpu.vector_load %arg15[%get3A_260, %get3A_261] {strides = array<i32>} : memref<64x120xi32, #tpu.memory_space<vmem>>, vector<1x16xi32>,
        %get3A_263 = vector.shape_cast %get3A_262 : vector<1x16xi32> to vector<16xi32>
        %slice3A_264 = vector.extract_strided_slice %get3A_263 {offsets = [0], sizes = [1], strides = [1]} : vector<16xi32> to vector<1xi32>
        %squeeze3A_265 = vector.extract %slice3A_264[0] : i32 from vector<1xi32>
        %and3A_266 = arith.constant -16 : i32
        %and3A_267 = arith.andi %squeeze3A_265, %and3A_266 : i32
        %mul3A_268 = arith.constant 4 : i32
        %mul3A_269 = arith.muli %scan3A_178, %mul3A_268 : i32
        %add3A_270 = arith.constant 2 : i32
        %add3A_271 = arith.addi %mul3A_269, %add3A_270 : i32
        %get3A_272 = arith.index_cast %add3A_271 : i32 to index
        %get3A_273 = arith.index_cast %and3A_267 : i32 to index
        %get3A_274 = tpu.vector_load %arg18[%get3A_272, %get3A_273] {strides = array<i32>} : memref<104x128xf32, #tpu.memory_space<vmem>>, vector<1x16xf32>,
        %get3A_275 = vector.shape_cast %get3A_274 : vector<1x16xf32> to vector<16xf32>
        %and3A_276 = arith.constant 15 : i32
        %and3A_277 = arith.andi %squeeze3A_265, %and3A_276 : i32
        %broadcast_in_dim3A_278 = vector.broadcast %and3A_277 : i32 to vector<16xi32>
        %broadcast_in_dim3A_279 = vector.shape_cast %broadcast_in_dim3A_278 : vector<16xi32> to vector<16x1xi32>
        %gather3A_280 = vector.shape_cast %broadcast_in_dim3A_279 : vector<16x1xi32> to vector<16xi32>
        %gather3A_281 = tpu.dynamic_gather %get3A_275[%gather3A_280] in [0] : vector<16xf32>, vector<16xi32> -> vector<16xf32>
        %mul3A_282 = arith.constant 4 : i32
        %mul3A_283 = arith.muli %scan3A_178, %mul3A_282 : i32
        %add3A_284 = arith.constant 3 : i32
        %add3A_285 = arith.addi %mul3A_283, %add3A_284 : i32
        %get3A_286 = arith.index_cast %add3A_13 : i32 to index
        %get3A_287 = arith.index_cast %add3A_285 : i32 to index
        %get3A_288 = tpu.vector_load %arg15[%get3A_286, %get3A_287] {strides = array<i32>} : memref<64x120xi32, #tpu.memory_space<vmem>>, vector<1x16xi32>,
        %get3A_289 = vector.shape_cast %get3A_288 : vector<1x16xi32> to vector<16xi32>
        %slice3A_290 = vector.extract_strided_slice %get3A_289 {offsets = [0], sizes = [1], strides = [1]} : vector<16xi32> to vector<1xi32>
        %squeeze3A_291 = vector.extract %slice3A_290[0] : i32 from vector<1xi32>
        %and3A_292 = arith.constant -16 : i32
        %and3A_293 = arith.andi %squeeze3A_291, %and3A_292 : i32
        %mul3A_294 = arith.constant 4 : i32
        %mul3A_295 = arith.muli %scan3A_178, %mul3A_294 : i32
        %add3A_296 = arith.constant 3 : i32
        %add3A_297 = arith.addi %mul3A_295, %add3A_296 : i32
        %get3A_298 = arith.index_cast %add3A_297 : i32 to index
        %get3A_299 = arith.index_cast %and3A_293 : i32 to index
        %get3A_300 = tpu.vector_load %arg18[%get3A_298, %get3A_299] {strides = array<i32>} : memref<104x128xf32, #tpu.memory_space<vmem>>, vector<1x16xf32>,
        %get3A_301 = vector.shape_cast %get3A_300 : vector<1x16xf32> to vector<16xf32>
        %and3A_302 = arith.constant 15 : i32
        %and3A_303 = arith.andi %squeeze3A_291, %and3A_302 : i32
        %broadcast_in_dim3A_304 = vector.broadcast %and3A_303 : i32 to vector<16xi32>
        %broadcast_in_dim3A_305 = vector.shape_cast %broadcast_in_dim3A_304 : vector<16xi32> to vector<16x1xi32>
        %gather3A_306 = vector.shape_cast %broadcast_in_dim3A_305 : vector<16x1xi32> to vector<16xi32>
        %gather3A_307 = tpu.dynamic_gather %get3A_301[%gather3A_306] in [0] : vector<16xf32>, vector<16xi32> -> vector<16xf32>
        %mul3A_308 = arith.constant 4 : i32
        %mul3A_309 = arith.muli %scan3A_178, %mul3A_308 : i32
        %add3A_310 = arith.constant 0 : i32
        %add3A_311 = arith.addi %mul3A_309, %add3A_310 : i32
        %get3A_312 = arith.index_cast %add3A_311 : i32 to index
        %get3A_313 = arith.constant 0 : index
        %get3A_314 = tpu.vector_load %arg17[%get3A_312, %get3A_313] {strides = array<i32>} : memref<104x384xf32, #tpu.memory_space<vmem>>, vector<1x16xf32>,
        %get3A_315 = vector.shape_cast %get3A_314 : vector<1x16xf32> to vector<16xf32>
        %mul3A_316 = arith.mulf %get3A_315, %gather3A_229 : vector<16xf32>
        %mul3A_317 = arith.constant 4 : i32
        %mul3A_318 = arith.muli %scan3A_178, %mul3A_317 : i32
        %add3A_319 = arith.constant 1 : i32
        %add3A_320 = arith.addi %mul3A_318, %add3A_319 : i32
        %get3A_321 = arith.index_cast %add3A_320 : i32 to index
        %get3A_322 = arith.constant 0 : index
        %get3A_323 = tpu.vector_load %arg17[%get3A_321, %get3A_322] {strides = array<i32>} : memref<104x384xf32, #tpu.memory_space<vmem>>, vector<1x16xf32>,
        %get3A_324 = vector.shape_cast %get3A_323 : vector<1x16xf32> to vector<16xf32>
        %mul3A_325 = arith.mulf %get3A_324, %gather3A_255 : vector<16xf32>
        %max3A = arith.maximumf %mul3A_316, %mul3A_325 : vector<16xf32>
        %mul3A_326 = arith.constant 4 : i32
        %mul3A_327 = arith.muli %scan3A_178, %mul3A_326 : i32
        %add3A_328 = arith.constant 2 : i32
        %add3A_329 = arith.addi %mul3A_327, %add3A_328 : i32
        %get3A_330 = arith.index_cast %add3A_329 : i32 to index
        %get3A_331 = arith.constant 0 : index
        %get3A_332 = tpu.vector_load %arg17[%get3A_330, %get3A_331] {strides = array<i32>} : memref<104x384xf32, #tpu.memory_space<vmem>>, vector<1x16xf32>,
        %get3A_333 = vector.shape_cast %get3A_332 : vector<1x16xf32> to vector<16xf32>
        %mul3A_334 = arith.mulf %get3A_333, %gather3A_281 : vector<16xf32>
        %mul3A_335 = arith.constant 4 : i32
        %mul3A_336 = arith.muli %scan3A_178, %mul3A_335 : i32
        %add3A_337 = arith.constant 3 : i32
        %add3A_338 = arith.addi %mul3A_336, %add3A_337 : i32
        %get3A_339 = arith.index_cast %add3A_338 : i32 to index
        %get3A_340 = arith.constant 0 : index
        %get3A_341 = tpu.vector_load %arg17[%get3A_339, %get3A_340] {strides = array<i32>} : memref<104x384xf32, #tpu.memory_space<vmem>>, vector<1x16xf32>,
        %get3A_342 = vector.shape_cast %get3A_341 : vector<1x16xf32> to vector<16xf32>
        %mul3A_343 = arith.mulf %get3A_342, %gather3A_307 : vector<16xf32>
        %max3A_344 = arith.maximumf %mul3A_334, %mul3A_343 : vector<16xf32>
        %max3A_345 = arith.maximumf %max3A, %max3A_344 : vector<16xf32>
        %get3A_346 = arith.index_cast %scan3A_178 : i32 to index
        %get3A_347 = arith.constant 0 : index
        %get3A_348 = tpu.vector_load %arg16[%get3A_346, %get3A_347] {strides = array<i32>} : memref<32x384xf32, #tpu.memory_space<vmem>>, vector<1x16xf32>,
        %get3A_349 = vector.shape_cast %get3A_348 : vector<1x16xf32> to vector<16xf32>
        %sub3A = arith.subf %get3A_349, %max3A_345 : vector<16xf32>
        %mul3A_350 = vector.broadcast %squeeze3A_205 : f32 to vector<16xf32>
        %mul3A_351 = arith.mulf %mul3A_350, %sub3A : vector<16xf32>
        %add3A_352 = arith.addf %max3A_345, %mul3A_351 : vector<16xf32>
        %add3A_353 = arith.addf %scan3A_179, %add3A_352 : vector<16xf32>
        %mul3A_354 = arith.constant 4 : i32
        %mul3A_355 = arith.muli %scan3A_178, %mul3A_354 : i32
        %add3A_356 = arith.constant 0 : i32
        %add3A_357 = arith.addi %mul3A_355, %add3A_356 : i32
        %get3A_358 = arith.index_cast %add3A_357 : i32 to index
        %get3A_359 = arith.constant 16 : index
        %get3A_360 = tpu.vector_load %arg17[%get3A_358, %get3A_359] {strides = array<i32>} : memref<104x384xf32, #tpu.memory_space<vmem>>, vector<1x16xf32>,
        %get3A_361 = vector.shape_cast %get3A_360 : vector<1x16xf32> to vector<16xf32>
        %mul3A_362 = arith.mulf %get3A_361, %gather3A_229 : vector<16xf32>
        %mul3A_363 = arith.constant 4 : i32
        %mul3A_364 = arith.muli %scan3A_178, %mul3A_363 : i32
        %add3A_365 = arith.constant 1 : i32
        %add3A_366 = arith.addi %mul3A_364, %add3A_365 : i32
        %get3A_367 = arith.index_cast %add3A_366 : i32 to index
        %get3A_368 = arith.constant 16 : index
        %get3A_369 = tpu.vector_load %arg17[%get3A_367, %get3A_368] {strides = array<i32>} : memref<104x384xf32, #tpu.memory_space<vmem>>, vector<1x16xf32>,
        %get3A_370 = vector.shape_cast %get3A_369 : vector<1x16xf32> to vector<16xf32>
        %mul3A_371 = arith.mulf %get3A_370, %gather3A_255 : vector<16xf32>
        %max3A_372 = arith.maximumf %mul3A_362, %mul3A_371 : vector<16xf32>
        %mul3A_373 = arith.constant 4 : i32
        %mul3A_374 = arith.muli %scan3A_178, %mul3A_373 : i32
        %add3A_375 = arith.constant 2 : i32
        %add3A_376 = arith.addi %mul3A_374, %add3A_375 : i32
        %get3A_377 = arith.index_cast %add3A_376 : i32 to index
        %get3A_378 = arith.constant 16 : index
        %get3A_379 = tpu.vector_load %arg17[%get3A_377, %get3A_378] {strides = array<i32>} : memref<104x384xf32, #tpu.memory_space<vmem>>, vector<1x16xf32>,
        %get3A_380 = vector.shape_cast %get3A_379 : vector<1x16xf32> to vector<16xf32>
        %mul3A_381 = arith.mulf %get3A_380, %gather3A_281 : vector<16xf32>
        %mul3A_382 = arith.constant 4 : i32
        %mul3A_383 = arith.muli %scan3A_178, %mul3A_382 : i32
        %add3A_384 = arith.constant 3 : i32
        %add3A_385 = arith.addi %mul3A_383, %add3A_384 : i32
        %get3A_386 = arith.index_cast %add3A_385 : i32 to index
        %get3A_387 = arith.constant 16 : index
        %get3A_388 = tpu.vector_load %arg17[%get3A_386, %get3A_387] {strides = array<i32>} : memref<104x384xf32, #tpu.memory_space<vmem>>, vector<1x16xf32>,
        %get3A_389 = vector.shape_cast %get3A_388 : vector<1x16xf32> to vector<16xf32>
        %mul3A_390 = arith.mulf %get3A_389, %gather3A_307 : vector<16xf32>
        %max3A_391 = arith.maximumf %mul3A_381, %mul3A_390 : vector<16xf32>
        %max3A_392 = arith.maximumf %max3A_372, %max3A_391 : vector<16xf32>
        %get3A_393 = arith.index_cast %scan3A_178 : i32 to index
        %get3A_394 = arith.constant 16 : index
        %get3A_395 = tpu.vector_load %arg16[%get3A_393, %get3A_394] {strides = array<i32>} : memref<32x384xf32, #tpu.memory_space<vmem>>, vector<1x16xf32>,
        %get3A_396 = vector.shape_cast %get3A_395 : vector<1x16xf32> to vector<16xf32>
        %sub3A_397 = arith.subf %get3A_396, %max3A_392 : vector<16xf32>
        %mul3A_398 = vector.broadcast %squeeze3A_205 : f32 to vector<16xf32>
        %mul3A_399 = arith.mulf %mul3A_398, %sub3A_397 : vector<16xf32>
        %add3A_400 = arith.addf %max3A_392, %mul3A_399 : vector<16xf32>
        %add3A_401 = arith.addf %scan3A_180, %add3A_400 : vector<16xf32>
        %mul3A_402 = arith.constant 4 : i32
        %mul3A_403 = arith.muli %scan3A_178, %mul3A_402 : i32
        %add3A_404 = arith.constant 0 : i32
        %add3A_405 = arith.addi %mul3A_403, %add3A_404 : i32
        %get3A_406 = arith.index_cast %add3A_405 : i32 to index
        %get3A_407 = arith.constant 32 : index
        %get3A_408 = tpu.vector_load %arg17[%get3A_406, %get3A_407] {strides = array<i32>} : memref<104x384xf32, #tpu.memory_space<vmem>>, vector<1x16xf32>,
        %get3A_409 = vector.shape_cast %get3A_408 : vector<1x16xf32> to vector<16xf32>
        %mul3A_410 = arith.mulf %get3A_409, %gather3A_229 : vector<16xf32>
        %mul3A_411 = arith.constant 4 : i32
        %mul3A_412 = arith.muli %scan3A_178, %mul3A_411 : i32
        %add3A_413 = arith.constant 1 : i32
        %add3A_414 = arith.addi %mul3A_412, %add3A_413 : i32
        %get3A_415 = arith.index_cast %add3A_414 : i32 to index
        %get3A_416 = arith.constant 32 : index
        %get3A_417 = tpu.vector_load %arg17[%get3A_415, %get3A_416] {strides = array<i32>} : memref<104x384xf32, #tpu.memory_space<vmem>>, vector<1x16xf32>,
        %get3A_418 = vector.shape_cast %get3A_417 : vector<1x16xf32> to vector<16xf32>
        %mul3A_419 = arith.mulf %get3A_418, %gather3A_255 : vector<16xf32>
        %max3A_420 = arith.maximumf %mul3A_410, %mul3A_419 : vector<16xf32>
        %mul3A_421 = arith.constant 4 : i32
        %mul3A_422 = arith.muli %scan3A_178, %mul3A_421 : i32
        %add3A_423 = arith.constant 2 : i32
        %add3A_424 = arith.addi %mul3A_422, %add3A_423 : i32
        %get3A_425 = arith.index_cast %add3A_424 : i32 to index
        %get3A_426 = arith.constant 32 : index
        %get3A_427 = tpu.vector_load %arg17[%get3A_425, %get3A_426] {strides = array<i32>} : memref<104x384xf32, #tpu.memory_space<vmem>>, vector<1x16xf32>,
        %get3A_428 = vector.shape_cast %get3A_427 : vector<1x16xf32> to vector<16xf32>
        %mul3A_429 = arith.mulf %get3A_428, %gather3A_281 : vector<16xf32>
        %mul3A_430 = arith.constant 4 : i32
        %mul3A_431 = arith.muli %scan3A_178, %mul3A_430 : i32
        %add3A_432 = arith.constant 3 : i32
        %add3A_433 = arith.addi %mul3A_431, %add3A_432 : i32
        %get3A_434 = arith.index_cast %add3A_433 : i32 to index
        %get3A_435 = arith.constant 32 : index
        %get3A_436 = tpu.vector_load %arg17[%get3A_434, %get3A_435] {strides = array<i32>} : memref<104x384xf32, #tpu.memory_space<vmem>>, vector<1x16xf32>,
        %get3A_437 = vector.shape_cast %get3A_436 : vector<1x16xf32> to vector<16xf32>
        %mul3A_438 = arith.mulf %get3A_437, %gather3A_307 : vector<16xf32>
        %max3A_439 = arith.maximumf %mul3A_429, %mul3A_438 : vector<16xf32>
        %max3A_440 = arith.maximumf %max3A_420, %max3A_439 : vector<16xf32>
        %get3A_441 = arith.index_cast %scan3A_178 : i32 to index
        %get3A_442 = arith.constant 32 : index
        %get3A_443 = tpu.vector_load %arg16[%get3A_441, %get3A_442] {strides = array<i32>} : memref<32x384xf32, #tpu.memory_space<vmem>>, vector<1x16xf32>,
        %get3A_444 = vector.shape_cast %get3A_443 : vector<1x16xf32> to vector<16xf32>
        %sub3A_445 = arith.subf %get3A_444, %max3A_440 : vector<16xf32>
        %mul3A_446 = vector.broadcast %squeeze3A_205 : f32 to vector<16xf32>
        %mul3A_447 = arith.mulf %mul3A_446, %sub3A_445 : vector<16xf32>
        %add3A_448 = arith.addf %max3A_440, %mul3A_447 : vector<16xf32>
        %add3A_449 = arith.addf %scan3A_181, %add3A_448 : vector<16xf32>
        %mul3A_450 = arith.constant 4 : i32
        %mul3A_451 = arith.muli %scan3A_178, %mul3A_450 : i32
        %add3A_452 = arith.constant 0 : i32
        %add3A_453 = arith.addi %mul3A_451, %add3A_452 : i32
        %get3A_454 = arith.index_cast %add3A_453 : i32 to index
        %get3A_455 = arith.constant 48 : index
        %get3A_456 = tpu.vector_load %arg17[%get3A_454, %get3A_455] {strides = array<i32>} : memref<104x384xf32, #tpu.memory_space<vmem>>, vector<1x16xf32>,
        %get3A_457 = vector.shape_cast %get3A_456 : vector<1x16xf32> to vector<16xf32>
        %mul3A_458 = arith.mulf %get3A_457, %gather3A_229 : vector<16xf32>
        %mul3A_459 = arith.constant 4 : i32
        %mul3A_460 = arith.muli %scan3A_178, %mul3A_459 : i32
        %add3A_461 = arith.constant 1 : i32
        %add3A_462 = arith.addi %mul3A_460, %add3A_461 : i32
        %get3A_463 = arith.index_cast %add3A_462 : i32 to index
        %get3A_464 = arith.constant 48 : index
        %get3A_465 = tpu.vector_load %arg17[%get3A_463, %get3A_464] {strides = array<i32>} : memref<104x384xf32, #tpu.memory_space<vmem>>, vector<1x16xf32>,
        %get3A_466 = vector.shape_cast %get3A_465 : vector<1x16xf32> to vector<16xf32>
        %mul3A_467 = arith.mulf %get3A_466, %gather3A_255 : vector<16xf32>
        %max3A_468 = arith.maximumf %mul3A_458, %mul3A_467 : vector<16xf32>
        %mul3A_469 = arith.constant 4 : i32
        %mul3A_470 = arith.muli %scan3A_178, %mul3A_469 : i32
        %add3A_471 = arith.constant 2 : i32
        %add3A_472 = arith.addi %mul3A_470, %add3A_471 : i32
        %get3A_473 = arith.index_cast %add3A_472 : i32 to index
        %get3A_474 = arith.constant 48 : index
        %get3A_475 = tpu.vector_load %arg17[%get3A_473, %get3A_474] {strides = array<i32>} : memref<104x384xf32, #tpu.memory_space<vmem>>, vector<1x16xf32>,
        %get3A_476 = vector.shape_cast %get3A_475 : vector<1x16xf32> to vector<16xf32>
        %mul3A_477 = arith.mulf %get3A_476, %gather3A_281 : vector<16xf32>
        %mul3A_478 = arith.constant 4 : i32
        %mul3A_479 = arith.muli %scan3A_178, %mul3A_478 : i32
        %add3A_480 = arith.constant 3 : i32
        %add3A_481 = arith.addi %mul3A_479, %add3A_480 : i32
        %get3A_482 = arith.index_cast %add3A_481 : i32 to index
        %get3A_483 = arith.constant 48 : index
        %get3A_484 = tpu.vector_load %arg17[%get3A_482, %get3A_483] {strides = array<i32>} : memref<104x384xf32, #tpu.memory_space<vmem>>, vector<1x16xf32>,
        %get3A_485 = vector.shape_cast %get3A_484 : vector<1x16xf32> to vector<16xf32>
        %mul3A_486 = arith.mulf %get3A_485, %gather3A_307 : vector<16xf32>
        %max3A_487 = arith.maximumf %mul3A_477, %mul3A_486 : vector<16xf32>
        %max3A_488 = arith.maximumf %max3A_468, %max3A_487 : vector<16xf32>
        %get3A_489 = arith.index_cast %scan3A_178 : i32 to index
        %get3A_490 = arith.constant 48 : index
        %get3A_491 = tpu.vector_load %arg16[%get3A_489, %get3A_490] {strides = array<i32>} : memref<32x384xf32, #tpu.memory_space<vmem>>, vector<1x16xf32>,
        %get3A_492 = vector.shape_cast %get3A_491 : vector<1x16xf32> to vector<16xf32>
        %sub3A_493 = arith.subf %get3A_492, %max3A_488 : vector<16xf32>
        %mul3A_494 = vector.broadcast %squeeze3A_205 : f32 to vector<16xf32>
        %mul3A_495 = arith.mulf %mul3A_494, %sub3A_493 : vector<16xf32>
        %add3A_496 = arith.addf %max3A_488, %mul3A_495 : vector<16xf32>
        %add3A_497 = arith.addf %scan3A_182, %add3A_496 : vector<16xf32>
        %mul3A_498 = arith.constant 4 : i32
        %mul3A_499 = arith.muli %scan3A_178, %mul3A_498 : i32
        %add3A_500 = arith.constant 0 : i32
        %add3A_501 = arith.addi %mul3A_499, %add3A_500 : i32
        %get3A_502 = arith.index_cast %add3A_501 : i32 to index
        %get3A_503 = arith.constant 64 : index
        %get3A_504 = tpu.vector_load %arg17[%get3A_502, %get3A_503] {strides = array<i32>} : memref<104x384xf32, #tpu.memory_space<vmem>>, vector<1x16xf32>,
        %get3A_505 = vector.shape_cast %get3A_504 : vector<1x16xf32> to vector<16xf32>
        %mul3A_506 = arith.mulf %get3A_505, %gather3A_229 : vector<16xf32>
        %mul3A_507 = arith.constant 4 : i32
        %mul3A_508 = arith.muli %scan3A_178, %mul3A_507 : i32
        %add3A_509 = arith.constant 1 : i32
        %add3A_510 = arith.addi %mul3A_508, %add3A_509 : i32
        %get3A_511 = arith.index_cast %add3A_510 : i32 to index
        %get3A_512 = arith.constant 64 : index
        %get3A_513 = tpu.vector_load %arg17[%get3A_511, %get3A_512] {strides = array<i32>} : memref<104x384xf32, #tpu.memory_space<vmem>>, vector<1x16xf32>,
        %get3A_514 = vector.shape_cast %get3A_513 : vector<1x16xf32> to vector<16xf32>
        %mul3A_515 = arith.mulf %get3A_514, %gather3A_255 : vector<16xf32>
        %max3A_516 = arith.maximumf %mul3A_506, %mul3A_515 : vector<16xf32>
        %mul3A_517 = arith.constant 4 : i32
        %mul3A_518 = arith.muli %scan3A_178, %mul3A_517 : i32
        %add3A_519 = arith.constant 2 : i32
        %add3A_520 = arith.addi %mul3A_518, %add3A_519 : i32
        %get3A_521 = arith.index_cast %add3A_520 : i32 to index
        %get3A_522 = arith.constant 64 : index
        %get3A_523 = tpu.vector_load %arg17[%get3A_521, %get3A_522] {strides = array<i32>} : memref<104x384xf32, #tpu.memory_space<vmem>>, vector<1x16xf32>,
        %get3A_524 = vector.shape_cast %get3A_523 : vector<1x16xf32> to vector<16xf32>
        %mul3A_525 = arith.mulf %get3A_524, %gather3A_281 : vector<16xf32>
        %mul3A_526 = arith.constant 4 : i32
        %mul3A_527 = arith.muli %scan3A_178, %mul3A_526 : i32
        %add3A_528 = arith.constant 3 : i32
        %add3A_529 = arith.addi %mul3A_527, %add3A_528 : i32
        %get3A_530 = arith.index_cast %add3A_529 : i32 to index
        %get3A_531 = arith.constant 64 : index
        %get3A_532 = tpu.vector_load %arg17[%get3A_530, %get3A_531] {strides = array<i32>} : memref<104x384xf32, #tpu.memory_space<vmem>>, vector<1x16xf32>,
        %get3A_533 = vector.shape_cast %get3A_532 : vector<1x16xf32> to vector<16xf32>
        %mul3A_534 = arith.mulf %get3A_533, %gather3A_307 : vector<16xf32>
        %max3A_535 = arith.maximumf %mul3A_525, %mul3A_534 : vector<16xf32>
        %max3A_536 = arith.maximumf %max3A_516, %max3A_535 : vector<16xf32>
        %get3A_537 = arith.index_cast %scan3A_178 : i32 to index
        %get3A_538 = arith.constant 64 : index
        %get3A_539 = tpu.vector_load %arg16[%get3A_537, %get3A_538] {strides = array<i32>} : memref<32x384xf32, #tpu.memory_space<vmem>>, vector<1x16xf32>,
        %get3A_540 = vector.shape_cast %get3A_539 : vector<1x16xf32> to vector<16xf32>
        %sub3A_541 = arith.subf %get3A_540, %max3A_536 : vector<16xf32>
        %mul3A_542 = vector.broadcast %squeeze3A_205 : f32 to vector<16xf32>
        %mul3A_543 = arith.mulf %mul3A_542, %sub3A_541 : vector<16xf32>
        %add3A_544 = arith.addf %max3A_536, %mul3A_543 : vector<16xf32>
        %add3A_545 = arith.addf %scan3A_183, %add3A_544 : vector<16xf32>
        %mul3A_546 = arith.constant 4 : i32
        %mul3A_547 = arith.muli %scan3A_178, %mul3A_546 : i32
        %add3A_548 = arith.constant 0 : i32
        %add3A_549 = arith.addi %mul3A_547, %add3A_548 : i32
        %get3A_550 = arith.index_cast %add3A_549 : i32 to index
        %get3A_551 = arith.constant 80 : index
        %get3A_552 = tpu.vector_load %arg17[%get3A_550, %get3A_551] {strides = array<i32>} : memref<104x384xf32, #tpu.memory_space<vmem>>, vector<1x16xf32>,
        %get3A_553 = vector.shape_cast %get3A_552 : vector<1x16xf32> to vector<16xf32>
        %mul3A_554 = arith.mulf %get3A_553, %gather3A_229 : vector<16xf32>
        %mul3A_555 = arith.constant 4 : i32
        %mul3A_556 = arith.muli %scan3A_178, %mul3A_555 : i32
        %add3A_557 = arith.constant 1 : i32
        %add3A_558 = arith.addi %mul3A_556, %add3A_557 : i32
        %get3A_559 = arith.index_cast %add3A_558 : i32 to index
        %get3A_560 = arith.constant 80 : index
        %get3A_561 = tpu.vector_load %arg17[%get3A_559, %get3A_560] {strides = array<i32>} : memref<104x384xf32, #tpu.memory_space<vmem>>, vector<1x16xf32>,
        %get3A_562 = vector.shape_cast %get3A_561 : vector<1x16xf32> to vector<16xf32>
        %mul3A_563 = arith.mulf %get3A_562, %gather3A_255 : vector<16xf32>
        %max3A_564 = arith.maximumf %mul3A_554, %mul3A_563 : vector<16xf32>
        %mul3A_565 = arith.constant 4 : i32
        %mul3A_566 = arith.muli %scan3A_178, %mul3A_565 : i32
        %add3A_567 = arith.constant 2 : i32
        %add3A_568 = arith.addi %mul3A_566, %add3A_567 : i32
        %get3A_569 = arith.index_cast %add3A_568 : i32 to index
        %get3A_570 = arith.constant 80 : index
        %get3A_571 = tpu.vector_load %arg17[%get3A_569, %get3A_570] {strides = array<i32>} : memref<104x384xf32, #tpu.memory_space<vmem>>, vector<1x16xf32>,
        %get3A_572 = vector.shape_cast %get3A_571 : vector<1x16xf32> to vector<16xf32>
        %mul3A_573 = arith.mulf %get3A_572, %gather3A_281 : vector<16xf32>
        %mul3A_574 = arith.constant 4 : i32
        %mul3A_575 = arith.muli %scan3A_178, %mul3A_574 : i32
        %add3A_576 = arith.constant 3 : i32
        %add3A_577 = arith.addi %mul3A_575, %add3A_576 : i32
        %get3A_578 = arith.index_cast %add3A_577 : i32 to index
        %get3A_579 = arith.constant 80 : index
        %get3A_580 = tpu.vector_load %arg17[%get3A_578, %get3A_579] {strides = array<i32>} : memref<104x384xf32, #tpu.memory_space<vmem>>, vector<1x16xf32>,
        %get3A_581 = vector.shape_cast %get3A_580 : vector<1x16xf32> to vector<16xf32>
        %mul3A_582 = arith.mulf %get3A_581, %gather3A_307 : vector<16xf32>
        %max3A_583 = arith.maximumf %mul3A_573, %mul3A_582 : vector<16xf32>
        %max3A_584 = arith.maximumf %max3A_564, %max3A_583 : vector<16xf32>
        %get3A_585 = arith.index_cast %scan3A_178 : i32 to index
        %get3A_586 = arith.constant 80 : index
        %get3A_587 = tpu.vector_load %arg16[%get3A_585, %get3A_586] {strides = array<i32>} : memref<32x384xf32, #tpu.memory_space<vmem>>, vector<1x16xf32>,
        %get3A_588 = vector.shape_cast %get3A_587 : vector<1x16xf32> to vector<16xf32>
        %sub3A_589 = arith.subf %get3A_588, %max3A_584 : vector<16xf32>
        %mul3A_590 = vector.broadcast %squeeze3A_205 : f32 to vector<16xf32>
        %mul3A_591 = arith.mulf %mul3A_590, %sub3A_589 : vector<16xf32>
        %add3A_592 = arith.addf %max3A_584, %mul3A_591 : vector<16xf32>
        %add3A_593 = arith.addf %scan3A_184, %add3A_592 : vector<16xf32>
        %mul3A_594 = arith.constant 4 : i32
        %mul3A_595 = arith.muli %scan3A_178, %mul3A_594 : i32
        %add3A_596 = arith.constant 0 : i32
        %add3A_597 = arith.addi %mul3A_595, %add3A_596 : i32
        %get3A_598 = arith.index_cast %add3A_597 : i32 to index
        %get3A_599 = arith.constant 96 : index
        %get3A_600 = tpu.vector_load %arg17[%get3A_598, %get3A_599] {strides = array<i32>} : memref<104x384xf32, #tpu.memory_space<vmem>>, vector<1x16xf32>,
        %get3A_601 = vector.shape_cast %get3A_600 : vector<1x16xf32> to vector<16xf32>
        %mul3A_602 = arith.mulf %get3A_601, %gather3A_229 : vector<16xf32>
        %mul3A_603 = arith.constant 4 : i32
        %mul3A_604 = arith.muli %scan3A_178, %mul3A_603 : i32
        %add3A_605 = arith.constant 1 : i32
        %add3A_606 = arith.addi %mul3A_604, %add3A_605 : i32
        %get3A_607 = arith.index_cast %add3A_606 : i32 to index
        %get3A_608 = arith.constant 96 : index
        %get3A_609 = tpu.vector_load %arg17[%get3A_607, %get3A_608] {strides = array<i32>} : memref<104x384xf32, #tpu.memory_space<vmem>>, vector<1x16xf32>,
        %get3A_610 = vector.shape_cast %get3A_609 : vector<1x16xf32> to vector<16xf32>
        %mul3A_611 = arith.mulf %get3A_610, %gather3A_255 : vector<16xf32>
        %max3A_612 = arith.maximumf %mul3A_602, %mul3A_611 : vector<16xf32>
        %mul3A_613 = arith.constant 4 : i32
        %mul3A_614 = arith.muli %scan3A_178, %mul3A_613 : i32
        %add3A_615 = arith.constant 2 : i32
        %add3A_616 = arith.addi %mul3A_614, %add3A_615 : i32
        %get3A_617 = arith.index_cast %add3A_616 : i32 to index
        %get3A_618 = arith.constant 96 : index
        %get3A_619 = tpu.vector_load %arg17[%get3A_617, %get3A_618] {strides = array<i32>} : memref<104x384xf32, #tpu.memory_space<vmem>>, vector<1x16xf32>,
        %get3A_620 = vector.shape_cast %get3A_619 : vector<1x16xf32> to vector<16xf32>
        %mul3A_621 = arith.mulf %get3A_620, %gather3A_281 : vector<16xf32>
        %mul3A_622 = arith.constant 4 : i32
        %mul3A_623 = arith.muli %scan3A_178, %mul3A_622 : i32
        %add3A_624 = arith.constant 3 : i32
        %add3A_625 = arith.addi %mul3A_623, %add3A_624 : i32
        %get3A_626 = arith.index_cast %add3A_625 : i32 to index
        %get3A_627 = arith.constant 96 : index
        %get3A_628 = tpu.vector_load %arg17[%get3A_626, %get3A_627] {strides = array<i32>} : memref<104x384xf32, #tpu.memory_space<vmem>>, vector<1x16xf32>,
        %get3A_629 = vector.shape_cast %get3A_628 : vector<1x16xf32> to vector<16xf32>
        %mul3A_630 = arith.mulf %get3A_629, %gather3A_307 : vector<16xf32>
        %max3A_631 = arith.maximumf %mul3A_621, %mul3A_630 : vector<16xf32>
        %max3A_632 = arith.maximumf %max3A_612, %max3A_631 : vector<16xf32>
        %get3A_633 = arith.index_cast %scan3A_178 : i32 to index
        %get3A_634 = arith.constant 96 : index
        %get3A_635 = tpu.vector_load %arg16[%get3A_633, %get3A_634] {strides = array<i32>} : memref<32x384xf32, #tpu.memory_space<vmem>>, vector<1x16xf32>,
        %get3A_636 = vector.shape_cast %get3A_635 : vector<1x16xf32> to vector<16xf32>
        %sub3A_637 = arith.subf %get3A_636, %max3A_632 : vector<16xf32>
        %mul3A_638 = vector.broadcast %squeeze3A_205 : f32 to vector<16xf32>
        %mul3A_639 = arith.mulf %mul3A_638, %sub3A_637 : vector<16xf32>
        %add3A_640 = arith.addf %max3A_632, %mul3A_639 : vector<16xf32>
        %add3A_641 = arith.addf %scan3A_185, %add3A_640 : vector<16xf32>
        %mul3A_642 = arith.constant 4 : i32
        %mul3A_643 = arith.muli %scan3A_178, %mul3A_642 : i32
        %add3A_644 = arith.constant 0 : i32
        %add3A_645 = arith.addi %mul3A_643, %add3A_644 : i32
        %get3A_646 = arith.index_cast %add3A_645 : i32 to index
        %get3A_647 = arith.constant 112 : index
        %get3A_648 = tpu.vector_load %arg17[%get3A_646, %get3A_647] {strides = array<i32>} : memref<104x384xf32, #tpu.memory_space<vmem>>, vector<1x16xf32>,
        %get3A_649 = vector.shape_cast %get3A_648 : vector<1x16xf32> to vector<16xf32>
        %mul3A_650 = arith.mulf %get3A_649, %gather3A_229 : vector<16xf32>
        %mul3A_651 = arith.constant 4 : i32
        %mul3A_652 = arith.muli %scan3A_178, %mul3A_651 : i32
        %add3A_653 = arith.constant 1 : i32
        %add3A_654 = arith.addi %mul3A_652, %add3A_653 : i32
        %get3A_655 = arith.index_cast %add3A_654 : i32 to index
        %get3A_656 = arith.constant 112 : index
        %get3A_657 = tpu.vector_load %arg17[%get3A_655, %get3A_656] {strides = array<i32>} : memref<104x384xf32, #tpu.memory_space<vmem>>, vector<1x16xf32>,
        %get3A_658 = vector.shape_cast %get3A_657 : vector<1x16xf32> to vector<16xf32>
        %mul3A_659 = arith.mulf %get3A_658, %gather3A_255 : vector<16xf32>
        %max3A_660 = arith.maximumf %mul3A_650, %mul3A_659 : vector<16xf32>
        %mul3A_661 = arith.constant 4 : i32
        %mul3A_662 = arith.muli %scan3A_178, %mul3A_661 : i32
        %add3A_663 = arith.constant 2 : i32
        %add3A_664 = arith.addi %mul3A_662, %add3A_663 : i32
        %get3A_665 = arith.index_cast %add3A_664 : i32 to index
        %get3A_666 = arith.constant 112 : index
        %get3A_667 = tpu.vector_load %arg17[%get3A_665, %get3A_666] {strides = array<i32>} : memref<104x384xf32, #tpu.memory_space<vmem>>, vector<1x16xf32>,
        %get3A_668 = vector.shape_cast %get3A_667 : vector<1x16xf32> to vector<16xf32>
        %mul3A_669 = arith.mulf %get3A_668, %gather3A_281 : vector<16xf32>
        %mul3A_670 = arith.constant 4 : i32
        %mul3A_671 = arith.muli %scan3A_178, %mul3A_670 : i32
        %add3A_672 = arith.constant 3 : i32
        %add3A_673 = arith.addi %mul3A_671, %add3A_672 : i32
        %get3A_674 = arith.index_cast %add3A_673 : i32 to index
        %get3A_675 = arith.constant 112 : index
        %get3A_676 = tpu.vector_load %arg17[%get3A_674, %get3A_675] {strides = array<i32>} : memref<104x384xf32, #tpu.memory_space<vmem>>, vector<1x16xf32>,
        %get3A_677 = vector.shape_cast %get3A_676 : vector<1x16xf32> to vector<16xf32>
        %mul3A_678 = arith.mulf %get3A_677, %gather3A_307 : vector<16xf32>
        %max3A_679 = arith.maximumf %mul3A_669, %mul3A_678 : vector<16xf32>
        %max3A_680 = arith.maximumf %max3A_660, %max3A_679 : vector<16xf32>
        %get3A_681 = arith.index_cast %scan3A_178 : i32 to index
        %get3A_682 = arith.constant 112 : index
        %get3A_683 = tpu.vector_load %arg16[%get3A_681, %get3A_682] {strides = array<i32>} : memref<32x384xf32, #tpu.memory_space<vmem>>, vector<1x16xf32>,
        %get3A_684 = vector.shape_cast %get3A_683 : vector<1x16xf32> to vector<16xf32>
        %sub3A_685 = arith.subf %get3A_684, %max3A_680 : vector<16xf32>
        %mul3A_686 = vector.broadcast %squeeze3A_205 : f32 to vector<16xf32>
        %mul3A_687 = arith.mulf %mul3A_686, %sub3A_685 : vector<16xf32>
        %add3A_688 = arith.addf %max3A_680, %mul3A_687 : vector<16xf32>
        %add3A_689 = arith.addf %scan3A_186, %add3A_688 : vector<16xf32>
        %mul3A_690 = arith.constant 4 : i32
        %mul3A_691 = arith.muli %scan3A_178, %mul3A_690 : i32
        %add3A_692 = arith.constant 0 : i32
        %add3A_693 = arith.addi %mul3A_691, %add3A_692 : i32
        %get3A_694 = arith.index_cast %add3A_693 : i32 to index
        %get3A_695 = arith.constant 128 : index
        %get3A_696 = tpu.vector_load %arg17[%get3A_694, %get3A_695] {strides = array<i32>} : memref<104x384xf32, #tpu.memory_space<vmem>>, vector<1x16xf32>,
        %get3A_697 = vector.shape_cast %get3A_696 : vector<1x16xf32> to vector<16xf32>
        %mul3A_698 = arith.mulf %get3A_697, %gather3A_229 : vector<16xf32>
        %mul3A_699 = arith.constant 4 : i32
        %mul3A_700 = arith.muli %scan3A_178, %mul3A_699 : i32
        %add3A_701 = arith.constant 1 : i32
        %add3A_702 = arith.addi %mul3A_700, %add3A_701 : i32
        %get3A_703 = arith.index_cast %add3A_702 : i32 to index
        %get3A_704 = arith.constant 128 : index
        %get3A_705 = tpu.vector_load %arg17[%get3A_703, %get3A_704] {strides = array<i32>} : memref<104x384xf32, #tpu.memory_space<vmem>>, vector<1x16xf32>,
        %get3A_706 = vector.shape_cast %get3A_705 : vector<1x16xf32> to vector<16xf32>
        %mul3A_707 = arith.mulf %get3A_706, %gather3A_255 : vector<16xf32>
        %max3A_708 = arith.maximumf %mul3A_698, %mul3A_707 : vector<16xf32>
        %mul3A_709 = arith.constant 4 : i32
        %mul3A_710 = arith.muli %scan3A_178, %mul3A_709 : i32
        %add3A_711 = arith.constant 2 : i32
        %add3A_712 = arith.addi %mul3A_710, %add3A_711 : i32
        %get3A_713 = arith.index_cast %add3A_712 : i32 to index
        %get3A_714 = arith.constant 128 : index
        %get3A_715 = tpu.vector_load %arg17[%get3A_713, %get3A_714] {strides = array<i32>} : memref<104x384xf32, #tpu.memory_space<vmem>>, vector<1x16xf32>,
        %get3A_716 = vector.shape_cast %get3A_715 : vector<1x16xf32> to vector<16xf32>
        %mul3A_717 = arith.mulf %get3A_716, %gather3A_281 : vector<16xf32>
        %mul3A_718 = arith.constant 4 : i32
        %mul3A_719 = arith.muli %scan3A_178, %mul3A_718 : i32
        %add3A_720 = arith.constant 3 : i32
        %add3A_721 = arith.addi %mul3A_719, %add3A_720 : i32
        %get3A_722 = arith.index_cast %add3A_721 : i32 to index
        %get3A_723 = arith.constant 128 : index
        %get3A_724 = tpu.vector_load %arg17[%get3A_722, %get3A_723] {strides = array<i32>} : memref<104x384xf32, #tpu.memory_space<vmem>>, vector<1x16xf32>,
        %get3A_725 = vector.shape_cast %get3A_724 : vector<1x16xf32> to vector<16xf32>
        %mul3A_726 = arith.mulf %get3A_725, %gather3A_307 : vector<16xf32>
        %max3A_727 = arith.maximumf %mul3A_717, %mul3A_726 : vector<16xf32>
        %max3A_728 = arith.maximumf %max3A_708, %max3A_727 : vector<16xf32>
        %get3A_729 = arith.index_cast %scan3A_178 : i32 to index
        %get3A_730 = arith.constant 128 : index
        %get3A_731 = tpu.vector_load %arg16[%get3A_729, %get3A_730] {strides = array<i32>} : memref<32x384xf32, #tpu.memory_space<vmem>>, vector<1x16xf32>,
        %get3A_732 = vector.shape_cast %get3A_731 : vector<1x16xf32> to vector<16xf32>
        %sub3A_733 = arith.subf %get3A_732, %max3A_728 : vector<16xf32>
        %mul3A_734 = vector.broadcast %squeeze3A_205 : f32 to vector<16xf32>
        %mul3A_735 = arith.mulf %mul3A_734, %sub3A_733 : vector<16xf32>
        %add3A_736 = arith.addf %max3A_728, %mul3A_735 : vector<16xf32>
        %add3A_737 = arith.addf %scan3A_187, %add3A_736 : vector<16xf32>
        %mul3A_738 = arith.constant 4 : i32
        %mul3A_739 = arith.muli %scan3A_178, %mul3A_738 : i32
        %add3A_740 = arith.constant 0 : i32
        %add3A_741 = arith.addi %mul3A_739, %add3A_740 : i32
        %get3A_742 = arith.index_cast %add3A_741 : i32 to index
        %get3A_743 = arith.constant 144 : index
        %get3A_744 = tpu.vector_load %arg17[%get3A_742, %get3A_743] {strides = array<i32>} : memref<104x384xf32, #tpu.memory_space<vmem>>, vector<1x16xf32>,
        %get3A_745 = vector.shape_cast %get3A_744 : vector<1x16xf32> to vector<16xf32>
        %mul3A_746 = arith.mulf %get3A_745, %gather3A_229 : vector<16xf32>
        %mul3A_747 = arith.constant 4 : i32
        %mul3A_748 = arith.muli %scan3A_178, %mul3A_747 : i32
        %add3A_749 = arith.constant 1 : i32
        %add3A_750 = arith.addi %mul3A_748, %add3A_749 : i32
        %get3A_751 = arith.index_cast %add3A_750 : i32 to index
        %get3A_752 = arith.constant 144 : index
        %get3A_753 = tpu.vector_load %arg17[%get3A_751, %get3A_752] {strides = array<i32>} : memref<104x384xf32, #tpu.memory_space<vmem>>, vector<1x16xf32>,
        %get3A_754 = vector.shape_cast %get3A_753 : vector<1x16xf32> to vector<16xf32>
        %mul3A_755 = arith.mulf %get3A_754, %gather3A_255 : vector<16xf32>
        %max3A_756 = arith.maximumf %mul3A_746, %mul3A_755 : vector<16xf32>
        %mul3A_757 = arith.constant 4 : i32
        %mul3A_758 = arith.muli %scan3A_178, %mul3A_757 : i32
        %add3A_759 = arith.constant 2 : i32
        %add3A_760 = arith.addi %mul3A_758, %add3A_759 : i32
        %get3A_761 = arith.index_cast %add3A_760 : i32 to index
        %get3A_762 = arith.constant 144 : index
        %get3A_763 = tpu.vector_load %arg17[%get3A_761, %get3A_762] {strides = array<i32>} : memref<104x384xf32, #tpu.memory_space<vmem>>, vector<1x16xf32>,
        %get3A_764 = vector.shape_cast %get3A_763 : vector<1x16xf32> to vector<16xf32>
        %mul3A_765 = arith.mulf %get3A_764, %gather3A_281 : vector<16xf32>
        %mul3A_766 = arith.constant 4 : i32
        %mul3A_767 = arith.muli %scan3A_178, %mul3A_766 : i32
        %add3A_768 = arith.constant 3 : i32
        %add3A_769 = arith.addi %mul3A_767, %add3A_768 : i32
        %get3A_770 = arith.index_cast %add3A_769 : i32 to index
        %get3A_771 = arith.constant 144 : index
        %get3A_772 = tpu.vector_load %arg17[%get3A_770, %get3A_771] {strides = array<i32>} : memref<104x384xf32, #tpu.memory_space<vmem>>, vector<1x16xf32>,
        %get3A_773 = vector.shape_cast %get3A_772 : vector<1x16xf32> to vector<16xf32>
        %mul3A_774 = arith.mulf %get3A_773, %gather3A_307 : vector<16xf32>
        %max3A_775 = arith.maximumf %mul3A_765, %mul3A_774 : vector<16xf32>
        %max3A_776 = arith.maximumf %max3A_756, %max3A_775 : vector<16xf32>
        %get3A_777 = arith.index_cast %scan3A_178 : i32 to index
        %get3A_778 = arith.constant 144 : index
        %get3A_779 = tpu.vector_load %arg16[%get3A_777, %get3A_778] {strides = array<i32>} : memref<32x384xf32, #tpu.memory_space<vmem>>, vector<1x16xf32>,
        %get3A_780 = vector.shape_cast %get3A_779 : vector<1x16xf32> to vector<16xf32>
        %sub3A_781 = arith.subf %get3A_780, %max3A_776 : vector<16xf32>
        %mul3A_782 = vector.broadcast %squeeze3A_205 : f32 to vector<16xf32>
        %mul3A_783 = arith.mulf %mul3A_782, %sub3A_781 : vector<16xf32>
        %add3A_784 = arith.addf %max3A_776, %mul3A_783 : vector<16xf32>
        %add3A_785 = arith.addf %scan3A_188, %add3A_784 : vector<16xf32>
        %mul3A_786 = arith.constant 4 : i32
        %mul3A_787 = arith.muli %scan3A_178, %mul3A_786 : i32
        %add3A_788 = arith.constant 0 : i32
        %add3A_789 = arith.addi %mul3A_787, %add3A_788 : i32
        %get3A_790 = arith.index_cast %add3A_789 : i32 to index
        %get3A_791 = arith.constant 160 : index
        %get3A_792 = tpu.vector_load %arg17[%get3A_790, %get3A_791] {strides = array<i32>} : memref<104x384xf32, #tpu.memory_space<vmem>>, vector<1x16xf32>,
        %get3A_793 = vector.shape_cast %get3A_792 : vector<1x16xf32> to vector<16xf32>
        %mul3A_794 = arith.mulf %get3A_793, %gather3A_229 : vector<16xf32>
        %mul3A_795 = arith.constant 4 : i32
        %mul3A_796 = arith.muli %scan3A_178, %mul3A_795 : i32
        %add3A_797 = arith.constant 1 : i32
        %add3A_798 = arith.addi %mul3A_796, %add3A_797 : i32
        %get3A_799 = arith.index_cast %add3A_798 : i32 to index
        %get3A_800 = arith.constant 160 : index
        %get3A_801 = tpu.vector_load %arg17[%get3A_799, %get3A_800] {strides = array<i32>} : memref<104x384xf32, #tpu.memory_space<vmem>>, vector<1x16xf32>,
        %get3A_802 = vector.shape_cast %get3A_801 : vector<1x16xf32> to vector<16xf32>
        %mul3A_803 = arith.mulf %get3A_802, %gather3A_255 : vector<16xf32>
        %max3A_804 = arith.maximumf %mul3A_794, %mul3A_803 : vector<16xf32>
        %mul3A_805 = arith.constant 4 : i32
        %mul3A_806 = arith.muli %scan3A_178, %mul3A_805 : i32
        %add3A_807 = arith.constant 2 : i32
        %add3A_808 = arith.addi %mul3A_806, %add3A_807 : i32
        %get3A_809 = arith.index_cast %add3A_808 : i32 to index
        %get3A_810 = arith.constant 160 : index
        %get3A_811 = tpu.vector_load %arg17[%get3A_809, %get3A_810] {strides = array<i32>} : memref<104x384xf32, #tpu.memory_space<vmem>>, vector<1x16xf32>,
        %get3A_812 = vector.shape_cast %get3A_811 : vector<1x16xf32> to vector<16xf32>
        %mul3A_813 = arith.mulf %get3A_812, %gather3A_281 : vector<16xf32>
        %mul3A_814 = arith.constant 4 : i32
        %mul3A_815 = arith.muli %scan3A_178, %mul3A_814 : i32
        %add3A_816 = arith.constant 3 : i32
        %add3A_817 = arith.addi %mul3A_815, %add3A_816 : i32
        %get3A_818 = arith.index_cast %add3A_817 : i32 to index
        %get3A_819 = arith.constant 160 : index
        %get3A_820 = tpu.vector_load %arg17[%get3A_818, %get3A_819] {strides = array<i32>} : memref<104x384xf32, #tpu.memory_space<vmem>>, vector<1x16xf32>,
        %get3A_821 = vector.shape_cast %get3A_820 : vector<1x16xf32> to vector<16xf32>
        %mul3A_822 = arith.mulf %get3A_821, %gather3A_307 : vector<16xf32>
        %max3A_823 = arith.maximumf %mul3A_813, %mul3A_822 : vector<16xf32>
        %max3A_824 = arith.maximumf %max3A_804, %max3A_823 : vector<16xf32>
        %get3A_825 = arith.index_cast %scan3A_178 : i32 to index
        %get3A_826 = arith.constant 160 : index
        %get3A_827 = tpu.vector_load %arg16[%get3A_825, %get3A_826] {strides = array<i32>} : memref<32x384xf32, #tpu.memory_space<vmem>>, vector<1x16xf32>,
        %get3A_828 = vector.shape_cast %get3A_827 : vector<1x16xf32> to vector<16xf32>
        %sub3A_829 = arith.subf %get3A_828, %max3A_824 : vector<16xf32>
        %mul3A_830 = vector.broadcast %squeeze3A_205 : f32 to vector<16xf32>
        %mul3A_831 = arith.mulf %mul3A_830, %sub3A_829 : vector<16xf32>
        %add3A_832 = arith.addf %max3A_824, %mul3A_831 : vector<16xf32>
        %add3A_833 = arith.addf %scan3A_189, %add3A_832 : vector<16xf32>
        %mul3A_834 = arith.constant 4 : i32
        %mul3A_835 = arith.muli %scan3A_178, %mul3A_834 : i32
        %add3A_836 = arith.constant 0 : i32
        %add3A_837 = arith.addi %mul3A_835, %add3A_836 : i32
        %get3A_838 = arith.index_cast %add3A_837 : i32 to index
        %get3A_839 = arith.constant 176 : index
        %get3A_840 = tpu.vector_load %arg17[%get3A_838, %get3A_839] {strides = array<i32>} : memref<104x384xf32, #tpu.memory_space<vmem>>, vector<1x16xf32>,
        %get3A_841 = vector.shape_cast %get3A_840 : vector<1x16xf32> to vector<16xf32>
        %mul3A_842 = arith.mulf %get3A_841, %gather3A_229 : vector<16xf32>
        %mul3A_843 = arith.constant 4 : i32
        %mul3A_844 = arith.muli %scan3A_178, %mul3A_843 : i32
        %add3A_845 = arith.constant 1 : i32
        %add3A_846 = arith.addi %mul3A_844, %add3A_845 : i32
        %get3A_847 = arith.index_cast %add3A_846 : i32 to index
        %get3A_848 = arith.constant 176 : index
        %get3A_849 = tpu.vector_load %arg17[%get3A_847, %get3A_848] {strides = array<i32>} : memref<104x384xf32, #tpu.memory_space<vmem>>, vector<1x16xf32>,
        %get3A_850 = vector.shape_cast %get3A_849 : vector<1x16xf32> to vector<16xf32>
        %mul3A_851 = arith.mulf %get3A_850, %gather3A_255 : vector<16xf32>
        %max3A_852 = arith.maximumf %mul3A_842, %mul3A_851 : vector<16xf32>
        %mul3A_853 = arith.constant 4 : i32
        %mul3A_854 = arith.muli %scan3A_178, %mul3A_853 : i32
        %add3A_855 = arith.constant 2 : i32
        %add3A_856 = arith.addi %mul3A_854, %add3A_855 : i32
        %get3A_857 = arith.index_cast %add3A_856 : i32 to index
        %get3A_858 = arith.constant 176 : index
        %get3A_859 = tpu.vector_load %arg17[%get3A_857, %get3A_858] {strides = array<i32>} : memref<104x384xf32, #tpu.memory_space<vmem>>, vector<1x16xf32>,
        %get3A_860 = vector.shape_cast %get3A_859 : vector<1x16xf32> to vector<16xf32>
        %mul3A_861 = arith.mulf %get3A_860, %gather3A_281 : vector<16xf32>
        %mul3A_862 = arith.constant 4 : i32
        %mul3A_863 = arith.muli %scan3A_178, %mul3A_862 : i32
        %add3A_864 = arith.constant 3 : i32
        %add3A_865 = arith.addi %mul3A_863, %add3A_864 : i32
        %get3A_866 = arith.index_cast %add3A_865 : i32 to index
        %get3A_867 = arith.constant 176 : index
        %get3A_868 = tpu.vector_load %arg17[%get3A_866, %get3A_867] {strides = array<i32>} : memref<104x384xf32, #tpu.memory_space<vmem>>, vector<1x16xf32>,
        %get3A_869 = vector.shape_cast %get3A_868 : vector<1x16xf32> to vector<16xf32>
        %mul3A_870 = arith.mulf %get3A_869, %gather3A_307 : vector<16xf32>
        %max3A_871 = arith.maximumf %mul3A_861, %mul3A_870 : vector<16xf32>
        %max3A_872 = arith.maximumf %max3A_852, %max3A_871 : vector<16xf32>
        %get3A_873 = arith.index_cast %scan3A_178 : i32 to index
        %get3A_874 = arith.constant 176 : index
        %get3A_875 = tpu.vector_load %arg16[%get3A_873, %get3A_874] {strides = array<i32>} : memref<32x384xf32, #tpu.memory_space<vmem>>, vector<1x16xf32>,
        %get3A_876 = vector.shape_cast %get3A_875 : vector<1x16xf32> to vector<16xf32>
        %sub3A_877 = arith.subf %get3A_876, %max3A_872 : vector<16xf32>
        %mul3A_878 = vector.broadcast %squeeze3A_205 : f32 to vector<16xf32>
        %mul3A_879 = arith.mulf %mul3A_878, %sub3A_877 : vector<16xf32>
        %add3A_880 = arith.addf %max3A_872, %mul3A_879 : vector<16xf32>
        %add3A_881 = arith.addf %scan3A_190, %add3A_880 : vector<16xf32>
        %mul3A_882 = arith.constant 4 : i32
        %mul3A_883 = arith.muli %scan3A_178, %mul3A_882 : i32
        %add3A_884 = arith.constant 0 : i32
        %add3A_885 = arith.addi %mul3A_883, %add3A_884 : i32
        %get3A_886 = arith.index_cast %add3A_885 : i32 to index
        %get3A_887 = arith.constant 192 : index
        %get3A_888 = tpu.vector_load %arg17[%get3A_886, %get3A_887] {strides = array<i32>} : memref<104x384xf32, #tpu.memory_space<vmem>>, vector<1x16xf32>,
        %get3A_889 = vector.shape_cast %get3A_888 : vector<1x16xf32> to vector<16xf32>
        %mul3A_890 = arith.mulf %get3A_889, %gather3A_229 : vector<16xf32>
        %mul3A_891 = arith.constant 4 : i32
        %mul3A_892 = arith.muli %scan3A_178, %mul3A_891 : i32
        %add3A_893 = arith.constant 1 : i32
        %add3A_894 = arith.addi %mul3A_892, %add3A_893 : i32
        %get3A_895 = arith.index_cast %add3A_894 : i32 to index
        %get3A_896 = arith.constant 192 : index
        %get3A_897 = tpu.vector_load %arg17[%get3A_895, %get3A_896] {strides = array<i32>} : memref<104x384xf32, #tpu.memory_space<vmem>>, vector<1x16xf32>,
        %get3A_898 = vector.shape_cast %get3A_897 : vector<1x16xf32> to vector<16xf32>
        %mul3A_899 = arith.mulf %get3A_898, %gather3A_255 : vector<16xf32>
        %max3A_900 = arith.maximumf %mul3A_890, %mul3A_899 : vector<16xf32>
        %mul3A_901 = arith.constant 4 : i32
        %mul3A_902 = arith.muli %scan3A_178, %mul3A_901 : i32
        %add3A_903 = arith.constant 2 : i32
        %add3A_904 = arith.addi %mul3A_902, %add3A_903 : i32
        %get3A_905 = arith.index_cast %add3A_904 : i32 to index
        %get3A_906 = arith.constant 192 : index
        %get3A_907 = tpu.vector_load %arg17[%get3A_905, %get3A_906] {strides = array<i32>} : memref<104x384xf32, #tpu.memory_space<vmem>>, vector<1x16xf32>,
        %get3A_908 = vector.shape_cast %get3A_907 : vector<1x16xf32> to vector<16xf32>
        %mul3A_909 = arith.mulf %get3A_908, %gather3A_281 : vector<16xf32>
        %mul3A_910 = arith.constant 4 : i32
        %mul3A_911 = arith.muli %scan3A_178, %mul3A_910 : i32
        %add3A_912 = arith.constant 3 : i32
        %add3A_913 = arith.addi %mul3A_911, %add3A_912 : i32
        %get3A_914 = arith.index_cast %add3A_913 : i32 to index
        %get3A_915 = arith.constant 192 : index
        %get3A_916 = tpu.vector_load %arg17[%get3A_914, %get3A_915] {strides = array<i32>} : memref<104x384xf32, #tpu.memory_space<vmem>>, vector<1x16xf32>,
        %get3A_917 = vector.shape_cast %get3A_916 : vector<1x16xf32> to vector<16xf32>
        %mul3A_918 = arith.mulf %get3A_917, %gather3A_307 : vector<16xf32>
        %max3A_919 = arith.maximumf %mul3A_909, %mul3A_918 : vector<16xf32>
        %max3A_920 = arith.maximumf %max3A_900, %max3A_919 : vector<16xf32>
        %get3A_921 = arith.index_cast %scan3A_178 : i32 to index
        %get3A_922 = arith.constant 192 : index
        %get3A_923 = tpu.vector_load %arg16[%get3A_921, %get3A_922] {strides = array<i32>} : memref<32x384xf32, #tpu.memory_space<vmem>>, vector<1x16xf32>,
        %get3A_924 = vector.shape_cast %get3A_923 : vector<1x16xf32> to vector<16xf32>
        %sub3A_925 = arith.subf %get3A_924, %max3A_920 : vector<16xf32>
        %mul3A_926 = vector.broadcast %squeeze3A_205 : f32 to vector<16xf32>
        %mul3A_927 = arith.mulf %mul3A_926, %sub3A_925 : vector<16xf32>
        %add3A_928 = arith.addf %max3A_920, %mul3A_927 : vector<16xf32>
        %add3A_929 = arith.addf %scan3A_191, %add3A_928 : vector<16xf32>
        %mul3A_930 = arith.constant 4 : i32
        %mul3A_931 = arith.muli %scan3A_178, %mul3A_930 : i32
        %add3A_932 = arith.constant 0 : i32
        %add3A_933 = arith.addi %mul3A_931, %add3A_932 : i32
        %get3A_934 = arith.index_cast %add3A_933 : i32 to index
        %get3A_935 = arith.constant 208 : index
        %get3A_936 = tpu.vector_load %arg17[%get3A_934, %get3A_935] {strides = array<i32>} : memref<104x384xf32, #tpu.memory_space<vmem>>, vector<1x16xf32>,
        %get3A_937 = vector.shape_cast %get3A_936 : vector<1x16xf32> to vector<16xf32>
        %mul3A_938 = arith.mulf %get3A_937, %gather3A_229 : vector<16xf32>
        %mul3A_939 = arith.constant 4 : i32
        %mul3A_940 = arith.muli %scan3A_178, %mul3A_939 : i32
        %add3A_941 = arith.constant 1 : i32
        %add3A_942 = arith.addi %mul3A_940, %add3A_941 : i32
        %get3A_943 = arith.index_cast %add3A_942 : i32 to index
        %get3A_944 = arith.constant 208 : index
        %get3A_945 = tpu.vector_load %arg17[%get3A_943, %get3A_944] {strides = array<i32>} : memref<104x384xf32, #tpu.memory_space<vmem>>, vector<1x16xf32>,
        %get3A_946 = vector.shape_cast %get3A_945 : vector<1x16xf32> to vector<16xf32>
        %mul3A_947 = arith.mulf %get3A_946, %gather3A_255 : vector<16xf32>
        %max3A_948 = arith.maximumf %mul3A_938, %mul3A_947 : vector<16xf32>
        %mul3A_949 = arith.constant 4 : i32
        %mul3A_950 = arith.muli %scan3A_178, %mul3A_949 : i32
        %add3A_951 = arith.constant 2 : i32
        %add3A_952 = arith.addi %mul3A_950, %add3A_951 : i32
        %get3A_953 = arith.index_cast %add3A_952 : i32 to index
        %get3A_954 = arith.constant 208 : index
        %get3A_955 = tpu.vector_load %arg17[%get3A_953, %get3A_954] {strides = array<i32>} : memref<104x384xf32, #tpu.memory_space<vmem>>, vector<1x16xf32>,
        %get3A_956 = vector.shape_cast %get3A_955 : vector<1x16xf32> to vector<16xf32>
        %mul3A_957 = arith.mulf %get3A_956, %gather3A_281 : vector<16xf32>
        %mul3A_958 = arith.constant 4 : i32
        %mul3A_959 = arith.muli %scan3A_178, %mul3A_958 : i32
        %add3A_960 = arith.constant 3 : i32
        %add3A_961 = arith.addi %mul3A_959, %add3A_960 : i32
        %get3A_962 = arith.index_cast %add3A_961 : i32 to index
        %get3A_963 = arith.constant 208 : index
        %get3A_964 = tpu.vector_load %arg17[%get3A_962, %get3A_963] {strides = array<i32>} : memref<104x384xf32, #tpu.memory_space<vmem>>, vector<1x16xf32>,
        %get3A_965 = vector.shape_cast %get3A_964 : vector<1x16xf32> to vector<16xf32>
        %mul3A_966 = arith.mulf %get3A_965, %gather3A_307 : vector<16xf32>
        %max3A_967 = arith.maximumf %mul3A_957, %mul3A_966 : vector<16xf32>
        %max3A_968 = arith.maximumf %max3A_948, %max3A_967 : vector<16xf32>
        %get3A_969 = arith.index_cast %scan3A_178 : i32 to index
        %get3A_970 = arith.constant 208 : index
        %get3A_971 = tpu.vector_load %arg16[%get3A_969, %get3A_970] {strides = array<i32>} : memref<32x384xf32, #tpu.memory_space<vmem>>, vector<1x16xf32>,
        %get3A_972 = vector.shape_cast %get3A_971 : vector<1x16xf32> to vector<16xf32>
        %sub3A_973 = arith.subf %get3A_972, %max3A_968 : vector<16xf32>
        %mul3A_974 = vector.broadcast %squeeze3A_205 : f32 to vector<16xf32>
        %mul3A_975 = arith.mulf %mul3A_974, %sub3A_973 : vector<16xf32>
        %add3A_976 = arith.addf %max3A_968, %mul3A_975 : vector<16xf32>
        %add3A_977 = arith.addf %scan3A_192, %add3A_976 : vector<16xf32>
        %mul3A_978 = arith.constant 4 : i32
        %mul3A_979 = arith.muli %scan3A_178, %mul3A_978 : i32
        %add3A_980 = arith.constant 0 : i32
        %add3A_981 = arith.addi %mul3A_979, %add3A_980 : i32
        %get3A_982 = arith.index_cast %add3A_981 : i32 to index
        %get3A_983 = arith.constant 224 : index
        %get3A_984 = tpu.vector_load %arg17[%get3A_982, %get3A_983] {strides = array<i32>} : memref<104x384xf32, #tpu.memory_space<vmem>>, vector<1x16xf32>,
        %get3A_985 = vector.shape_cast %get3A_984 : vector<1x16xf32> to vector<16xf32>
        %mul3A_986 = arith.mulf %get3A_985, %gather3A_229 : vector<16xf32>
        %mul3A_987 = arith.constant 4 : i32
        %mul3A_988 = arith.muli %scan3A_178, %mul3A_987 : i32
        %add3A_989 = arith.constant 1 : i32
        %add3A_990 = arith.addi %mul3A_988, %add3A_989 : i32
        %get3A_991 = arith.index_cast %add3A_990 : i32 to index
        %get3A_992 = arith.constant 224 : index
        %get3A_993 = tpu.vector_load %arg17[%get3A_991, %get3A_992] {strides = array<i32>} : memref<104x384xf32, #tpu.memory_space<vmem>>, vector<1x16xf32>,
        %get3A_994 = vector.shape_cast %get3A_993 : vector<1x16xf32> to vector<16xf32>
        %mul3A_995 = arith.mulf %get3A_994, %gather3A_255 : vector<16xf32>
        %max3A_996 = arith.maximumf %mul3A_986, %mul3A_995 : vector<16xf32>
        %mul3A_997 = arith.constant 4 : i32
        %mul3A_998 = arith.muli %scan3A_178, %mul3A_997 : i32
        %add3A_999 = arith.constant 2 : i32
        %add3A_1000 = arith.addi %mul3A_998, %add3A_999 : i32
        %get3A_1001 = arith.index_cast %add3A_1000 : i32 to index
        %get3A_1002 = arith.constant 224 : index
        %get3A_1003 = tpu.vector_load %arg17[%get3A_1001, %get3A_1002] {strides = array<i32>} : memref<104x384xf32, #tpu.memory_space<vmem>>, vector<1x16xf32>,
        %get3A_1004 = vector.shape_cast %get3A_1003 : vector<1x16xf32> to vector<16xf32>
        %mul3A_1005 = arith.mulf %get3A_1004, %gather3A_281 : vector<16xf32>
        %mul3A_1006 = arith.constant 4 : i32
        %mul3A_1007 = arith.muli %scan3A_178, %mul3A_1006 : i32
        %add3A_1008 = arith.constant 3 : i32
        %add3A_1009 = arith.addi %mul3A_1007, %add3A_1008 : i32
        %get3A_1010 = arith.index_cast %add3A_1009 : i32 to index
        %get3A_1011 = arith.constant 224 : index
        %get3A_1012 = tpu.vector_load %arg17[%get3A_1010, %get3A_1011] {strides = array<i32>} : memref<104x384xf32, #tpu.memory_space<vmem>>, vector<1x16xf32>,
        %get3A_1013 = vector.shape_cast %get3A_1012 : vector<1x16xf32> to vector<16xf32>
        %mul3A_1014 = arith.mulf %get3A_1013, %gather3A_307 : vector<16xf32>
        %max3A_1015 = arith.maximumf %mul3A_1005, %mul3A_1014 : vector<16xf32>
        %max3A_1016 = arith.maximumf %max3A_996, %max3A_1015 : vector<16xf32>
        %get3A_1017 = arith.index_cast %scan3A_178 : i32 to index
        %get3A_1018 = arith.constant 224 : index
        %get3A_1019 = tpu.vector_load %arg16[%get3A_1017, %get3A_1018] {strides = array<i32>} : memref<32x384xf32, #tpu.memory_space<vmem>>, vector<1x16xf32>,
        %get3A_1020 = vector.shape_cast %get3A_1019 : vector<1x16xf32> to vector<16xf32>
        %sub3A_1021 = arith.subf %get3A_1020, %max3A_1016 : vector<16xf32>
        %mul3A_1022 = vector.broadcast %squeeze3A_205 : f32 to vector<16xf32>
        %mul3A_1023 = arith.mulf %mul3A_1022, %sub3A_1021 : vector<16xf32>
        %add3A_1024 = arith.addf %max3A_1016, %mul3A_1023 : vector<16xf32>
        %add3A_1025 = arith.addf %scan3A_193, %add3A_1024 : vector<16xf32>
        %mul3A_1026 = arith.constant 4 : i32
        %mul3A_1027 = arith.muli %scan3A_178, %mul3A_1026 : i32
        %add3A_1028 = arith.constant 0 : i32
        %add3A_1029 = arith.addi %mul3A_1027, %add3A_1028 : i32
        %get3A_1030 = arith.index_cast %add3A_1029 : i32 to index
        %get3A_1031 = arith.constant 240 : index
        %get3A_1032 = tpu.vector_load %arg17[%get3A_1030, %get3A_1031] {strides = array<i32>} : memref<104x384xf32, #tpu.memory_space<vmem>>, vector<1x16xf32>,
        %get3A_1033 = vector.shape_cast %get3A_1032 : vector<1x16xf32> to vector<16xf32>
        %mul3A_1034 = arith.mulf %get3A_1033, %gather3A_229 : vector<16xf32>
        %mul3A_1035 = arith.constant 4 : i32
        %mul3A_1036 = arith.muli %scan3A_178, %mul3A_1035 : i32
        %add3A_1037 = arith.constant 1 : i32
        %add3A_1038 = arith.addi %mul3A_1036, %add3A_1037 : i32
        %get3A_1039 = arith.index_cast %add3A_1038 : i32 to index
        %get3A_1040 = arith.constant 240 : index
        %get3A_1041 = tpu.vector_load %arg17[%get3A_1039, %get3A_1040] {strides = array<i32>} : memref<104x384xf32, #tpu.memory_space<vmem>>, vector<1x16xf32>,
        %get3A_1042 = vector.shape_cast %get3A_1041 : vector<1x16xf32> to vector<16xf32>
        %mul3A_1043 = arith.mulf %get3A_1042, %gather3A_255 : vector<16xf32>
        %max3A_1044 = arith.maximumf %mul3A_1034, %mul3A_1043 : vector<16xf32>
        %mul3A_1045 = arith.constant 4 : i32
        %mul3A_1046 = arith.muli %scan3A_178, %mul3A_1045 : i32
        %add3A_1047 = arith.constant 2 : i32
        %add3A_1048 = arith.addi %mul3A_1046, %add3A_1047 : i32
        %get3A_1049 = arith.index_cast %add3A_1048 : i32 to index
        %get3A_1050 = arith.constant 240 : index
        %get3A_1051 = tpu.vector_load %arg17[%get3A_1049, %get3A_1050] {strides = array<i32>} : memref<104x384xf32, #tpu.memory_space<vmem>>, vector<1x16xf32>,
        %get3A_1052 = vector.shape_cast %get3A_1051 : vector<1x16xf32> to vector<16xf32>
        %mul3A_1053 = arith.mulf %get3A_1052, %gather3A_281 : vector<16xf32>
        %mul3A_1054 = arith.constant 4 : i32
        %mul3A_1055 = arith.muli %scan3A_178, %mul3A_1054 : i32
        %add3A_1056 = arith.constant 3 : i32
        %add3A_1057 = arith.addi %mul3A_1055, %add3A_1056 : i32
        %get3A_1058 = arith.index_cast %add3A_1057 : i32 to index
        %get3A_1059 = arith.constant 240 : index
        %get3A_1060 = tpu.vector_load %arg17[%get3A_1058, %get3A_1059] {strides = array<i32>} : memref<104x384xf32, #tpu.memory_space<vmem>>, vector<1x16xf32>,
        %get3A_1061 = vector.shape_cast %get3A_1060 : vector<1x16xf32> to vector<16xf32>
        %mul3A_1062 = arith.mulf %get3A_1061, %gather3A_307 : vector<16xf32>
        %max3A_1063 = arith.maximumf %mul3A_1053, %mul3A_1062 : vector<16xf32>
        %max3A_1064 = arith.maximumf %max3A_1044, %max3A_1063 : vector<16xf32>
        %get3A_1065 = arith.index_cast %scan3A_178 : i32 to index
        %get3A_1066 = arith.constant 240 : index
        %get3A_1067 = tpu.vector_load %arg16[%get3A_1065, %get3A_1066] {strides = array<i32>} : memref<32x384xf32, #tpu.memory_space<vmem>>, vector<1x16xf32>,
        %get3A_1068 = vector.shape_cast %get3A_1067 : vector<1x16xf32> to vector<16xf32>
        %sub3A_1069 = arith.subf %get3A_1068, %max3A_1064 : vector<16xf32>
        %mul3A_1070 = vector.broadcast %squeeze3A_205 : f32 to vector<16xf32>
        %mul3A_1071 = arith.mulf %mul3A_1070, %sub3A_1069 : vector<16xf32>
        %add3A_1072 = arith.addf %max3A_1064, %mul3A_1071 : vector<16xf32>
        %add3A_1073 = arith.addf %scan3A_194, %add3A_1072 : vector<16xf32>
        %mul3A_1074 = arith.constant 4 : i32
        %mul3A_1075 = arith.muli %scan3A_178, %mul3A_1074 : i32
        %add3A_1076 = arith.constant 0 : i32
        %add3A_1077 = arith.addi %mul3A_1075, %add3A_1076 : i32
        %get3A_1078 = arith.index_cast %add3A_1077 : i32 to index
        %get3A_1079 = arith.constant 256 : index
        %get3A_1080 = tpu.vector_load %arg17[%get3A_1078, %get3A_1079] {strides = array<i32>} : memref<104x384xf32, #tpu.memory_space<vmem>>, vector<1x16xf32>,
        %get3A_1081 = vector.shape_cast %get3A_1080 : vector<1x16xf32> to vector<16xf32>
        %mul3A_1082 = arith.mulf %get3A_1081, %gather3A_229 : vector<16xf32>
        %mul3A_1083 = arith.constant 4 : i32
        %mul3A_1084 = arith.muli %scan3A_178, %mul3A_1083 : i32
        %add3A_1085 = arith.constant 1 : i32
        %add3A_1086 = arith.addi %mul3A_1084, %add3A_1085 : i32
        %get3A_1087 = arith.index_cast %add3A_1086 : i32 to index
        %get3A_1088 = arith.constant 256 : index
        %get3A_1089 = tpu.vector_load %arg17[%get3A_1087, %get3A_1088] {strides = array<i32>} : memref<104x384xf32, #tpu.memory_space<vmem>>, vector<1x16xf32>,
        %get3A_1090 = vector.shape_cast %get3A_1089 : vector<1x16xf32> to vector<16xf32>
        %mul3A_1091 = arith.mulf %get3A_1090, %gather3A_255 : vector<16xf32>
        %max3A_1092 = arith.maximumf %mul3A_1082, %mul3A_1091 : vector<16xf32>
        %mul3A_1093 = arith.constant 4 : i32
        %mul3A_1094 = arith.muli %scan3A_178, %mul3A_1093 : i32
        %add3A_1095 = arith.constant 2 : i32
        %add3A_1096 = arith.addi %mul3A_1094, %add3A_1095 : i32
        %get3A_1097 = arith.index_cast %add3A_1096 : i32 to index
        %get3A_1098 = arith.constant 256 : index
        %get3A_1099 = tpu.vector_load %arg17[%get3A_1097, %get3A_1098] {strides = array<i32>} : memref<104x384xf32, #tpu.memory_space<vmem>>, vector<1x16xf32>,
        %get3A_1100 = vector.shape_cast %get3A_1099 : vector<1x16xf32> to vector<16xf32>
        %mul3A_1101 = arith.mulf %get3A_1100, %gather3A_281 : vector<16xf32>
        %mul3A_1102 = arith.constant 4 : i32
        %mul3A_1103 = arith.muli %scan3A_178, %mul3A_1102 : i32
        %add3A_1104 = arith.constant 3 : i32
        %add3A_1105 = arith.addi %mul3A_1103, %add3A_1104 : i32
        %get3A_1106 = arith.index_cast %add3A_1105 : i32 to index
        %get3A_1107 = arith.constant 256 : index
        %get3A_1108 = tpu.vector_load %arg17[%get3A_1106, %get3A_1107] {strides = array<i32>} : memref<104x384xf32, #tpu.memory_space<vmem>>, vector<1x16xf32>,
        %get3A_1109 = vector.shape_cast %get3A_1108 : vector<1x16xf32> to vector<16xf32>
        %mul3A_1110 = arith.mulf %get3A_1109, %gather3A_307 : vector<16xf32>
        %max3A_1111 = arith.maximumf %mul3A_1101, %mul3A_1110 : vector<16xf32>
        %max3A_1112 = arith.maximumf %max3A_1092, %max3A_1111 : vector<16xf32>
        %get3A_1113 = arith.index_cast %scan3A_178 : i32 to index
        %get3A_1114 = arith.constant 256 : index
        %get3A_1115 = tpu.vector_load %arg16[%get3A_1113, %get3A_1114] {strides = array<i32>} : memref<32x384xf32, #tpu.memory_space<vmem>>, vector<1x16xf32>,
        %get3A_1116 = vector.shape_cast %get3A_1115 : vector<1x16xf32> to vector<16xf32>
        %sub3A_1117 = arith.subf %get3A_1116, %max3A_1112 : vector<16xf32>
        %mul3A_1118 = vector.broadcast %squeeze3A_205 : f32 to vector<16xf32>
        %mul3A_1119 = arith.mulf %mul3A_1118, %sub3A_1117 : vector<16xf32>
        %add3A_1120 = arith.addf %max3A_1112, %mul3A_1119 : vector<16xf32>
        %add3A_1121 = arith.addf %scan3A_195, %add3A_1120 : vector<16xf32>
        %mul3A_1122 = arith.constant 4 : i32
        %mul3A_1123 = arith.muli %scan3A_178, %mul3A_1122 : i32
        %add3A_1124 = arith.constant 0 : i32
        %add3A_1125 = arith.addi %mul3A_1123, %add3A_1124 : i32
        %get3A_1126 = arith.index_cast %add3A_1125 : i32 to index
        %get3A_1127 = arith.constant 272 : index
        %get3A_1128 = tpu.vector_load %arg17[%get3A_1126, %get3A_1127] {strides = array<i32>} : memref<104x384xf32, #tpu.memory_space<vmem>>, vector<1x16xf32>,
        %get3A_1129 = vector.shape_cast %get3A_1128 : vector<1x16xf32> to vector<16xf32>
        %mul3A_1130 = arith.mulf %get3A_1129, %gather3A_229 : vector<16xf32>
        %mul3A_1131 = arith.constant 4 : i32
        %mul3A_1132 = arith.muli %scan3A_178, %mul3A_1131 : i32
        %add3A_1133 = arith.constant 1 : i32
        %add3A_1134 = arith.addi %mul3A_1132, %add3A_1133 : i32
        %get3A_1135 = arith.index_cast %add3A_1134 : i32 to index
        %get3A_1136 = arith.constant 272 : index
        %get3A_1137 = tpu.vector_load %arg17[%get3A_1135, %get3A_1136] {strides = array<i32>} : memref<104x384xf32, #tpu.memory_space<vmem>>, vector<1x16xf32>,
        %get3A_1138 = vector.shape_cast %get3A_1137 : vector<1x16xf32> to vector<16xf32>
        %mul3A_1139 = arith.mulf %get3A_1138, %gather3A_255 : vector<16xf32>
        %max3A_1140 = arith.maximumf %mul3A_1130, %mul3A_1139 : vector<16xf32>
        %mul3A_1141 = arith.constant 4 : i32
        %mul3A_1142 = arith.muli %scan3A_178, %mul3A_1141 : i32
        %add3A_1143 = arith.constant 2 : i32
        %add3A_1144 = arith.addi %mul3A_1142, %add3A_1143 : i32
        %get3A_1145 = arith.index_cast %add3A_1144 : i32 to index
        %get3A_1146 = arith.constant 272 : index
        %get3A_1147 = tpu.vector_load %arg17[%get3A_1145, %get3A_1146] {strides = array<i32>} : memref<104x384xf32, #tpu.memory_space<vmem>>, vector<1x16xf32>,
        %get3A_1148 = vector.shape_cast %get3A_1147 : vector<1x16xf32> to vector<16xf32>
        %mul3A_1149 = arith.mulf %get3A_1148, %gather3A_281 : vector<16xf32>
        %mul3A_1150 = arith.constant 4 : i32
        %mul3A_1151 = arith.muli %scan3A_178, %mul3A_1150 : i32
        %add3A_1152 = arith.constant 3 : i32
        %add3A_1153 = arith.addi %mul3A_1151, %add3A_1152 : i32
        %get3A_1154 = arith.index_cast %add3A_1153 : i32 to index
        %get3A_1155 = arith.constant 272 : index
        %get3A_1156 = tpu.vector_load %arg17[%get3A_1154, %get3A_1155] {strides = array<i32>} : memref<104x384xf32, #tpu.memory_space<vmem>>, vector<1x16xf32>,
        %get3A_1157 = vector.shape_cast %get3A_1156 : vector<1x16xf32> to vector<16xf32>
        %mul3A_1158 = arith.mulf %get3A_1157, %gather3A_307 : vector<16xf32>
        %max3A_1159 = arith.maximumf %mul3A_1149, %mul3A_1158 : vector<16xf32>
        %max3A_1160 = arith.maximumf %max3A_1140, %max3A_1159 : vector<16xf32>
        %get3A_1161 = arith.index_cast %scan3A_178 : i32 to index
        %get3A_1162 = arith.constant 272 : index
        %get3A_1163 = tpu.vector_load %arg16[%get3A_1161, %get3A_1162] {strides = array<i32>} : memref<32x384xf32, #tpu.memory_space<vmem>>, vector<1x16xf32>,
        %get3A_1164 = vector.shape_cast %get3A_1163 : vector<1x16xf32> to vector<16xf32>
        %sub3A_1165 = arith.subf %get3A_1164, %max3A_1160 : vector<16xf32>
        %mul3A_1166 = vector.broadcast %squeeze3A_205 : f32 to vector<16xf32>
        %mul3A_1167 = arith.mulf %mul3A_1166, %sub3A_1165 : vector<16xf32>
        %add3A_1168 = arith.addf %max3A_1160, %mul3A_1167 : vector<16xf32>
        %add3A_1169 = arith.addf %scan3A_196, %add3A_1168 : vector<16xf32>
        %mul3A_1170 = arith.constant 4 : i32
        %mul3A_1171 = arith.muli %scan3A_178, %mul3A_1170 : i32
        %add3A_1172 = arith.constant 0 : i32
        %add3A_1173 = arith.addi %mul3A_1171, %add3A_1172 : i32
        %get3A_1174 = arith.index_cast %add3A_1173 : i32 to index
        %get3A_1175 = arith.constant 288 : index
        %get3A_1176 = tpu.vector_load %arg17[%get3A_1174, %get3A_1175] {strides = array<i32>} : memref<104x384xf32, #tpu.memory_space<vmem>>, vector<1x16xf32>,
        %get3A_1177 = vector.shape_cast %get3A_1176 : vector<1x16xf32> to vector<16xf32>
        %mul3A_1178 = arith.mulf %get3A_1177, %gather3A_229 : vector<16xf32>
        %mul3A_1179 = arith.constant 4 : i32
        %mul3A_1180 = arith.muli %scan3A_178, %mul3A_1179 : i32
        %add3A_1181 = arith.constant 1 : i32
        %add3A_1182 = arith.addi %mul3A_1180, %add3A_1181 : i32
        %get3A_1183 = arith.index_cast %add3A_1182 : i32 to index
        %get3A_1184 = arith.constant 288 : index
        %get3A_1185 = tpu.vector_load %arg17[%get3A_1183, %get3A_1184] {strides = array<i32>} : memref<104x384xf32, #tpu.memory_space<vmem>>, vector<1x16xf32>,
        %get3A_1186 = vector.shape_cast %get3A_1185 : vector<1x16xf32> to vector<16xf32>
        %mul3A_1187 = arith.mulf %get3A_1186, %gather3A_255 : vector<16xf32>
        %max3A_1188 = arith.maximumf %mul3A_1178, %mul3A_1187 : vector<16xf32>
        %mul3A_1189 = arith.constant 4 : i32
        %mul3A_1190 = arith.muli %scan3A_178, %mul3A_1189 : i32
        %add3A_1191 = arith.constant 2 : i32
        %add3A_1192 = arith.addi %mul3A_1190, %add3A_1191 : i32
        %get3A_1193 = arith.index_cast %add3A_1192 : i32 to index
        %get3A_1194 = arith.constant 288 : index
        %get3A_1195 = tpu.vector_load %arg17[%get3A_1193, %get3A_1194] {strides = array<i32>} : memref<104x384xf32, #tpu.memory_space<vmem>>, vector<1x16xf32>,
        %get3A_1196 = vector.shape_cast %get3A_1195 : vector<1x16xf32> to vector<16xf32>
        %mul3A_1197 = arith.mulf %get3A_1196, %gather3A_281 : vector<16xf32>
        %mul3A_1198 = arith.constant 4 : i32
        %mul3A_1199 = arith.muli %scan3A_178, %mul3A_1198 : i32
        %add3A_1200 = arith.constant 3 : i32
        %add3A_1201 = arith.addi %mul3A_1199, %add3A_1200 : i32
        %get3A_1202 = arith.index_cast %add3A_1201 : i32 to index
        %get3A_1203 = arith.constant 288 : index
        %get3A_1204 = tpu.vector_load %arg17[%get3A_1202, %get3A_1203] {strides = array<i32>} : memref<104x384xf32, #tpu.memory_space<vmem>>, vector<1x16xf32>,
        %get3A_1205 = vector.shape_cast %get3A_1204 : vector<1x16xf32> to vector<16xf32>
        %mul3A_1206 = arith.mulf %get3A_1205, %gather3A_307 : vector<16xf32>
        %max3A_1207 = arith.maximumf %mul3A_1197, %mul3A_1206 : vector<16xf32>
        %max3A_1208 = arith.maximumf %max3A_1188, %max3A_1207 : vector<16xf32>
        %get3A_1209 = arith.index_cast %scan3A_178 : i32 to index
        %get3A_1210 = arith.constant 288 : index
        %get3A_1211 = tpu.vector_load %arg16[%get3A_1209, %get3A_1210] {strides = array<i32>} : memref<32x384xf32, #tpu.memory_space<vmem>>, vector<1x16xf32>,
        %get3A_1212 = vector.shape_cast %get3A_1211 : vector<1x16xf32> to vector<16xf32>
        %sub3A_1213 = arith.subf %get3A_1212, %max3A_1208 : vector<16xf32>
        %mul3A_1214 = vector.broadcast %squeeze3A_205 : f32 to vector<16xf32>
        %mul3A_1215 = arith.mulf %mul3A_1214, %sub3A_1213 : vector<16xf32>
        %add3A_1216 = arith.addf %max3A_1208, %mul3A_1215 : vector<16xf32>
        %add3A_1217 = arith.addf %scan3A_197, %add3A_1216 : vector<16xf32>
        scf.yield %add3A_353, %add3A_401, %add3A_449, %add3A_497, %add3A_545, %add3A_593, %add3A_641, %add3A_689, %add3A_737, %add3A_785, %add3A_833, %add3A_881, %add3A_929, %add3A_977, %add3A_1025, %add3A_1073, %add3A_1121, %add3A_1169, %add3A_1217 : vector<16xf32>, vector<16xf32>, vector<16xf32>, vector<16xf32>, vector<16xf32>, vector<16xf32>, vector<16xf32>, vector<16xf32>, vector<16xf32>, vector<16xf32>, vector<16xf32>, vector<16xf32>, vector<16xf32>, vector<16xf32>, vector<16xf32>, vector<16xf32>, vector<16xf32>, vector<16xf32>, vector<16xf32>
      }
      %scan3A_53 = arith.constant 25 : i32
      %mul3A_54 = arith.constant 2 : i32
      %mul3A_55 = arith.muli %scan3A_8, %mul3A_54 : i32
      %add3A_56 = arith.constant 1 : i32
      %add3A_57 = arith.addi %mul3A_55, %add3A_56 : i32
      %dma_start3A_58 = arith.constant 0 : i32
      %dma_start3A_59 = tpu.memref_slice %arg12[%add3A_57, %dma_start3A_58] : memref<64x32xi32, #tpu.memory_space<vmem>> -> memref<1x32xi32, #tpu.memory_space<vmem>>
      %dma_start3A_60 = tpu.memref_squeeze %dma_start3A_59 : memref<1x32xi32, #tpu.memory_space<vmem>> -> memref<32xi32, #tpu.memory_space<vmem>>
      %dma_start3A_61 = arith.constant 0 : i32
      %dma_start3A_62 = arith.constant 0 : i32
      %dma_start3A_63 = tpu.memref_slice %arg7[%dma_start3A_61, %dma_start3A_62] : memref<4905x384xf32, #tpu.memory_space<hbm>> -> memref<4905x384xf32, #tpu.memory_space<hbm>>
      tpu.enqueue_indirect_dma source(%dma_start3A_63 : memref<4905x384xf32, #tpu.memory_space<hbm>>) target(%arg16 : memref<32x384xf32, #tpu.memory_space<vmem>>) offsets(%dma_start3A_60 : memref<32xi32, #tpu.memory_space<vmem>>) semaphore(%arg21 : memref<!tpu.dma_semaphore, #tpu.memory_space<semaphore_mem>>)
      %dma_start3A_64 = arith.constant 0 : i32
      %dma_start3A_65 = tpu.memref_slice %arg13[%add3A_57, %dma_start3A_64] : memref<64x104xi32, #tpu.memory_space<vmem>> -> memref<1x104xi32, #tpu.memory_space<vmem>>
      %dma_start3A_66 = tpu.memref_squeeze %dma_start3A_65 : memref<1x104xi32, #tpu.memory_space<vmem>> -> memref<104xi32, #tpu.memory_space<vmem>>
      %dma_start3A_67 = arith.constant 0 : i32
      %dma_start3A_68 = arith.constant 0 : i32
      %dma_start3A_69 = tpu.memref_slice %arg7[%dma_start3A_67, %dma_start3A_68] : memref<4905x384xf32, #tpu.memory_space<hbm>> -> memref<4905x384xf32, #tpu.memory_space<hbm>>
      tpu.enqueue_indirect_dma source(%dma_start3A_69 : memref<4905x384xf32, #tpu.memory_space<hbm>>) target(%arg17 : memref<104x384xf32, #tpu.memory_space<vmem>>) offsets(%dma_start3A_66 : memref<104xi32, #tpu.memory_space<vmem>>) semaphore(%arg21 : memref<!tpu.dma_semaphore, #tpu.memory_space<semaphore_mem>>)
      %dma_start3A_70 = arith.constant 0 : i32
      %dma_start3A_71 = tpu.memref_slice %arg14[%add3A_57, %dma_start3A_70] : memref<64x104xi32, #tpu.memory_space<vmem>> -> memref<1x104xi32, #tpu.memory_space<vmem>>
      %dma_start3A_72 = tpu.memref_squeeze %dma_start3A_71 : memref<1x104xi32, #tpu.memory_space<vmem>> -> memref<104xi32, #tpu.memory_space<vmem>>
      %dma_start3A_73 = arith.constant 0 : i32
      %dma_start3A_74 = arith.constant 0 : i32
      %dma_start3A_75 = tpu.memref_slice %arg8[%dma_start3A_73, %dma_start3A_74] : memref<187885x128xf32, #tpu.memory_space<hbm>> -> memref<187885x128xf32, #tpu.memory_space<hbm>>
      tpu.enqueue_indirect_dma source(%dma_start3A_75 : memref<187885x128xf32, #tpu.memory_space<hbm>>) target(%arg18 : memref<104x128xf32, #tpu.memory_space<vmem>>) offsets(%dma_start3A_72 : memref<104xi32, #tpu.memory_space<vmem>>) semaphore(%arg21 : memref<!tpu.dma_semaphore, #tpu.memory_space<semaphore_mem>>)
      %dma_wait3A_76 = arith.constant 0 : i32
      %dma_wait3A_77 = tpu.memref_slice %arg12[%add3A_57, %dma_wait3A_76] : memref<64x32xi32, #tpu.memory_space<vmem>> -> memref<1x32xi32, #tpu.memory_space<vmem>>
      %dma_wait3A_78 = tpu.memref_squeeze %dma_wait3A_77 : memref<1x32xi32, #tpu.memory_space<vmem>> -> memref<32xi32, #tpu.memory_space<vmem>>
      %dma_wait3A_79 = arith.constant 0 : i32
      %dma_wait3A_80 = arith.constant 0 : i32
      %dma_wait3A_81 = tpu.memref_slice %arg7[%dma_wait3A_79, %dma_wait3A_80] : memref<4905x384xf32, #tpu.memory_space<hbm>> -> memref<4905x384xf32, #tpu.memory_space<hbm>>
      tpu.wait_indirect_dma semaphore(%arg21 : memref<!tpu.dma_semaphore, #tpu.memory_space<semaphore_mem>>) src(%dma_wait3A_81 : memref<4905x384xf32, #tpu.memory_space<hbm>>) dst(%arg16 : memref<32x384xf32, #tpu.memory_space<vmem>>)
      %dma_wait3A_82 = arith.constant 0 : i32
      %dma_wait3A_83 = tpu.memref_slice %arg13[%add3A_57, %dma_wait3A_82] : memref<64x104xi32, #tpu.memory_space<vmem>> -> memref<1x104xi32, #tpu.memory_space<vmem>>
      %dma_wait3A_84 = tpu.memref_squeeze %dma_wait3A_83 : memref<1x104xi32, #tpu.memory_space<vmem>> -> memref<104xi32, #tpu.memory_space<vmem>>
      %dma_wait3A_85 = arith.constant 0 : i32
      %dma_wait3A_86 = arith.constant 0 : i32
      %dma_wait3A_87 = tpu.memref_slice %arg7[%dma_wait3A_85, %dma_wait3A_86] : memref<4905x384xf32, #tpu.memory_space<hbm>> -> memref<4905x384xf32, #tpu.memory_space<hbm>>
      tpu.wait_indirect_dma semaphore(%arg21 : memref<!tpu.dma_semaphore, #tpu.memory_space<semaphore_mem>>) src(%dma_wait3A_87 : memref<4905x384xf32, #tpu.memory_space<hbm>>) dst(%arg17 : memref<104x384xf32, #tpu.memory_space<vmem>>)
      %dma_wait3A_88 = arith.constant 0 : i32
      %dma_wait3A_89 = tpu.memref_slice %arg14[%add3A_57, %dma_wait3A_88] : memref<64x104xi32, #tpu.memory_space<vmem>> -> memref<1x104xi32, #tpu.memory_space<vmem>>
      %dma_wait3A_90 = tpu.memref_squeeze %dma_wait3A_89 : memref<1x104xi32, #tpu.memory_space<vmem>> -> memref<104xi32, #tpu.memory_space<vmem>>
      %dma_wait3A_91 = arith.constant 0 : i32
      %dma_wait3A_92 = arith.constant 0 : i32
      %dma_wait3A_93 = tpu.memref_slice %arg8[%dma_wait3A_91, %dma_wait3A_92] : memref<187885x128xf32, #tpu.memory_space<hbm>> -> memref<187885x128xf32, #tpu.memory_space<hbm>>
      tpu.wait_indirect_dma semaphore(%arg21 : memref<!tpu.dma_semaphore, #tpu.memory_space<semaphore_mem>>) src(%dma_wait3A_93 : memref<187885x128xf32, #tpu.memory_space<hbm>>) dst(%arg18 : memref<104x128xf32, #tpu.memory_space<vmem>>)
      %scan3A_94 = arith.constant 0 : i32
      %scan3A_95 = arith.constant 25 : i32
      %scan3A_96 = arith.addi %scan3A_94, %scan3A_95 : i32
      %scan3A_97 = arith.constant 1 : i32
      %scan3A_98:19 = scf.for %scan3A_178 = %scan3A_94 to %scan3A_96 step %scan3A_97 iter_args(%scan3A_179 = %scan3A_52#0, %scan3A_180 = %scan3A_52#1, %scan3A_181 = %scan3A_52#2, %scan3A_182 = %scan3A_52#3, %scan3A_183 = %scan3A_52#4, %scan3A_184 = %scan3A_52#5, %scan3A_185 = %scan3A_52#6, %scan3A_186 = %scan3A_52#7, %scan3A_187 = %scan3A_52#8, %scan3A_188 = %scan3A_52#9, %scan3A_189 = %scan3A_52#10, %scan3A_190 = %scan3A_52#11, %scan3A_191 = %scan3A_52#12, %scan3A_192 = %scan3A_52#13, %scan3A_193 = %scan3A_52#14, %scan3A_194 = %scan3A_52#15, %scan3A_195 = %scan3A_52#16, %scan3A_196 = %scan3A_52#17, %scan3A_197 = %scan3A_52#18) -> (vector<16xf32>, vector<16xf32>, vector<16xf32>, vector<16xf32>, vector<16xf32>, vector<16xf32>, vector<16xf32>, vector<16xf32>, vector<16xf32>, vector<16xf32>, vector<16xf32>, vector<16xf32>, vector<16xf32>, vector<16xf32>, vector<16xf32>, vector<16xf32>, vector<16xf32>, vector<16xf32>, vector<16xf32>)  : i32 {
        %get3A = arith.index_cast %add3A_57 : i32 to index
        %get3A_198 = arith.index_cast %scan3A_178 : i32 to index
        %get3A_199 = tpu.vector_load %arg11[%get3A, %get3A_198] {strides = array<i32>} : memref<64x40xi32, #tpu.memory_space<vmem>>, vector<1x16xi32>,
        %get3A_200 = vector.shape_cast %get3A_199 : vector<1x16xi32> to vector<16xi32>
        %slice3A = vector.extract_strided_slice %get3A_200 {offsets = [0], sizes = [1], strides = [1]} : vector<16xi32> to vector<1xi32>
        %squeeze3A = vector.extract %slice3A[0] : i32 from vector<1xi32>
        %get3A_201 = arith.index_cast %squeeze3A : i32 to index
        %get3A_202 = tpu.vector_load %arg19[%get3A_201] {strides = array<i32>} : memref<4928xf32, #tpu.memory_space<vmem>>, vector<16xf32>,
        %get3A_203 = vector.shape_cast %get3A_202 : vector<16xf32> to vector<16xf32>
        %slice3A_204 = vector.extract_strided_slice %get3A_203 {offsets = [0], sizes = [1], strides = [1]} : vector<16xf32> to vector<1xf32>
        %squeeze3A_205 = vector.extract %slice3A_204[0] : f32 from vector<1xf32>
        %mul3A_206 = arith.constant 4 : i32
        %mul3A_207 = arith.muli %scan3A_178, %mul3A_206 : i32
        %add3A_208 = arith.constant 0 : i32
        %add3A_209 = arith.addi %mul3A_207, %add3A_208 : i32
        %get3A_210 = arith.index_cast %add3A_57 : i32 to index
        %get3A_211 = arith.index_cast %add3A_209 : i32 to index
        %get3A_212 = tpu.vector_load %arg15[%get3A_210, %get3A_211] {strides = array<i32>} : memref<64x120xi32, #tpu.memory_space<vmem>>, vector<1x16xi32>,
        %get3A_213 = vector.shape_cast %get3A_212 : vector<1x16xi32> to vector<16xi32>
        %slice3A_214 = vector.extract_strided_slice %get3A_213 {offsets = [0], sizes = [1], strides = [1]} : vector<16xi32> to vector<1xi32>
        %squeeze3A_215 = vector.extract %slice3A_214[0] : i32 from vector<1xi32>
        %and3A = arith.constant -16 : i32
        %and3A_216 = arith.andi %squeeze3A_215, %and3A : i32
        %mul3A_217 = arith.constant 4 : i32
        %mul3A_218 = arith.muli %scan3A_178, %mul3A_217 : i32
        %add3A_219 = arith.constant 0 : i32
        %add3A_220 = arith.addi %mul3A_218, %add3A_219 : i32
        %get3A_221 = arith.index_cast %add3A_220 : i32 to index
        %get3A_222 = arith.index_cast %and3A_216 : i32 to index
        %get3A_223 = tpu.vector_load %arg18[%get3A_221, %get3A_222] {strides = array<i32>} : memref<104x128xf32, #tpu.memory_space<vmem>>, vector<1x16xf32>,
        %get3A_224 = vector.shape_cast %get3A_223 : vector<1x16xf32> to vector<16xf32>
        %and3A_225 = arith.constant 15 : i32
        %and3A_226 = arith.andi %squeeze3A_215, %and3A_225 : i32
        %broadcast_in_dim3A_227 = vector.broadcast %and3A_226 : i32 to vector<16xi32>
        %broadcast_in_dim3A_228 = vector.shape_cast %broadcast_in_dim3A_227 : vector<16xi32> to vector<16x1xi32>
        %gather3A = vector.shape_cast %broadcast_in_dim3A_228 : vector<16x1xi32> to vector<16xi32>
        %gather3A_229 = tpu.dynamic_gather %get3A_224[%gather3A] in [0] : vector<16xf32>, vector<16xi32> -> vector<16xf32>
        %mul3A_230 = arith.constant 4 : i32
        %mul3A_231 = arith.muli %scan3A_178, %mul3A_230 : i32
        %add3A_232 = arith.constant 1 : i32
        %add3A_233 = arith.addi %mul3A_231, %add3A_232 : i32
        %get3A_234 = arith.index_cast %add3A_57 : i32 to index
        %get3A_235 = arith.index_cast %add3A_233 : i32 to index
        %get3A_236 = tpu.vector_load %arg15[%get3A_234, %get3A_235] {strides = array<i32>} : memref<64x120xi32, #tpu.memory_space<vmem>>, vector<1x16xi32>,
        %get3A_237 = vector.shape_cast %get3A_236 : vector<1x16xi32> to vector<16xi32>
        %slice3A_238 = vector.extract_strided_slice %get3A_237 {offsets = [0], sizes = [1], strides = [1]} : vector<16xi32> to vector<1xi32>
        %squeeze3A_239 = vector.extract %slice3A_238[0] : i32 from vector<1xi32>
        %and3A_240 = arith.constant -16 : i32
        %and3A_241 = arith.andi %squeeze3A_239, %and3A_240 : i32
        %mul3A_242 = arith.constant 4 : i32
        %mul3A_243 = arith.muli %scan3A_178, %mul3A_242 : i32
        %add3A_244 = arith.constant 1 : i32
        %add3A_245 = arith.addi %mul3A_243, %add3A_244 : i32
        %get3A_246 = arith.index_cast %add3A_245 : i32 to index
        %get3A_247 = arith.index_cast %and3A_241 : i32 to index
        %get3A_248 = tpu.vector_load %arg18[%get3A_246, %get3A_247] {strides = array<i32>} : memref<104x128xf32, #tpu.memory_space<vmem>>, vector<1x16xf32>,
        %get3A_249 = vector.shape_cast %get3A_248 : vector<1x16xf32> to vector<16xf32>
        %and3A_250 = arith.constant 15 : i32
        %and3A_251 = arith.andi %squeeze3A_239, %and3A_250 : i32
        %broadcast_in_dim3A_252 = vector.broadcast %and3A_251 : i32 to vector<16xi32>
        %broadcast_in_dim3A_253 = vector.shape_cast %broadcast_in_dim3A_252 : vector<16xi32> to vector<16x1xi32>
        %gather3A_254 = vector.shape_cast %broadcast_in_dim3A_253 : vector<16x1xi32> to vector<16xi32>
        %gather3A_255 = tpu.dynamic_gather %get3A_249[%gather3A_254] in [0] : vector<16xf32>, vector<16xi32> -> vector<16xf32>
        %mul3A_256 = arith.constant 4 : i32
        %mul3A_257 = arith.muli %scan3A_178, %mul3A_256 : i32
        %add3A_258 = arith.constant 2 : i32
        %add3A_259 = arith.addi %mul3A_257, %add3A_258 : i32
        %get3A_260 = arith.index_cast %add3A_57 : i32 to index
        %get3A_261 = arith.index_cast %add3A_259 : i32 to index
        %get3A_262 = tpu.vector_load %arg15[%get3A_260, %get3A_261] {strides = array<i32>} : memref<64x120xi32, #tpu.memory_space<vmem>>, vector<1x16xi32>,
        %get3A_263 = vector.shape_cast %get3A_262 : vector<1x16xi32> to vector<16xi32>
        %slice3A_264 = vector.extract_strided_slice %get3A_263 {offsets = [0], sizes = [1], strides = [1]} : vector<16xi32> to vector<1xi32>
        %squeeze3A_265 = vector.extract %slice3A_264[0] : i32 from vector<1xi32>
        %and3A_266 = arith.constant -16 : i32
        %and3A_267 = arith.andi %squeeze3A_265, %and3A_266 : i32
        %mul3A_268 = arith.constant 4 : i32
        %mul3A_269 = arith.muli %scan3A_178, %mul3A_268 : i32
        %add3A_270 = arith.constant 2 : i32
        %add3A_271 = arith.addi %mul3A_269, %add3A_270 : i32
        %get3A_272 = arith.index_cast %add3A_271 : i32 to index
        %get3A_273 = arith.index_cast %and3A_267 : i32 to index
        %get3A_274 = tpu.vector_load %arg18[%get3A_272, %get3A_273] {strides = array<i32>} : memref<104x128xf32, #tpu.memory_space<vmem>>, vector<1x16xf32>,
        %get3A_275 = vector.shape_cast %get3A_274 : vector<1x16xf32> to vector<16xf32>
        %and3A_276 = arith.constant 15 : i32
        %and3A_277 = arith.andi %squeeze3A_265, %and3A_276 : i32
        %broadcast_in_dim3A_278 = vector.broadcast %and3A_277 : i32 to vector<16xi32>
        %broadcast_in_dim3A_279 = vector.shape_cast %broadcast_in_dim3A_278 : vector<16xi32> to vector<16x1xi32>
        %gather3A_280 = vector.shape_cast %broadcast_in_dim3A_279 : vector<16x1xi32> to vector<16xi32>
        %gather3A_281 = tpu.dynamic_gather %get3A_275[%gather3A_280] in [0] : vector<16xf32>, vector<16xi32> -> vector<16xf32>
        %mul3A_282 = arith.constant 4 : i32
        %mul3A_283 = arith.muli %scan3A_178, %mul3A_282 : i32
        %add3A_284 = arith.constant 3 : i32
        %add3A_285 = arith.addi %mul3A_283, %add3A_284 : i32
        %get3A_286 = arith.index_cast %add3A_57 : i32 to index
        %get3A_287 = arith.index_cast %add3A_285 : i32 to index
        %get3A_288 = tpu.vector_load %arg15[%get3A_286, %get3A_287] {strides = array<i32>} : memref<64x120xi32, #tpu.memory_space<vmem>>, vector<1x16xi32>,
        %get3A_289 = vector.shape_cast %get3A_288 : vector<1x16xi32> to vector<16xi32>
        %slice3A_290 = vector.extract_strided_slice %get3A_289 {offsets = [0], sizes = [1], strides = [1]} : vector<16xi32> to vector<1xi32>
        %squeeze3A_291 = vector.extract %slice3A_290[0] : i32 from vector<1xi32>
        %and3A_292 = arith.constant -16 : i32
        %and3A_293 = arith.andi %squeeze3A_291, %and3A_292 : i32
        %mul3A_294 = arith.constant 4 : i32
        %mul3A_295 = arith.muli %scan3A_178, %mul3A_294 : i32
        %add3A_296 = arith.constant 3 : i32
        %add3A_297 = arith.addi %mul3A_295, %add3A_296 : i32
        %get3A_298 = arith.index_cast %add3A_297 : i32 to index
        %get3A_299 = arith.index_cast %and3A_293 : i32 to index
        %get3A_300 = tpu.vector_load %arg18[%get3A_298, %get3A_299] {strides = array<i32>} : memref<104x128xf32, #tpu.memory_space<vmem>>, vector<1x16xf32>,
        %get3A_301 = vector.shape_cast %get3A_300 : vector<1x16xf32> to vector<16xf32>
        %and3A_302 = arith.constant 15 : i32
        %and3A_303 = arith.andi %squeeze3A_291, %and3A_302 : i32
        %broadcast_in_dim3A_304 = vector.broadcast %and3A_303 : i32 to vector<16xi32>
        %broadcast_in_dim3A_305 = vector.shape_cast %broadcast_in_dim3A_304 : vector<16xi32> to vector<16x1xi32>
        %gather3A_306 = vector.shape_cast %broadcast_in_dim3A_305 : vector<16x1xi32> to vector<16xi32>
        %gather3A_307 = tpu.dynamic_gather %get3A_301[%gather3A_306] in [0] : vector<16xf32>, vector<16xi32> -> vector<16xf32>
        %mul3A_308 = arith.constant 4 : i32
        %mul3A_309 = arith.muli %scan3A_178, %mul3A_308 : i32
        %add3A_310 = arith.constant 0 : i32
        %add3A_311 = arith.addi %mul3A_309, %add3A_310 : i32
        %get3A_312 = arith.index_cast %add3A_311 : i32 to index
        %get3A_313 = arith.constant 0 : index
        %get3A_314 = tpu.vector_load %arg17[%get3A_312, %get3A_313] {strides = array<i32>} : memref<104x384xf32, #tpu.memory_space<vmem>>, vector<1x16xf32>,
        %get3A_315 = vector.shape_cast %get3A_314 : vector<1x16xf32> to vector<16xf32>
        %mul3A_316 = arith.mulf %get3A_315, %gather3A_229 : vector<16xf32>
        %mul3A_317 = arith.constant 4 : i32
        %mul3A_318 = arith.muli %scan3A_178, %mul3A_317 : i32
        %add3A_319 = arith.constant 1 : i32
        %add3A_320 = arith.addi %mul3A_318, %add3A_319 : i32
        %get3A_321 = arith.index_cast %add3A_320 : i32 to index
        %get3A_322 = arith.constant 0 : index
        %get3A_323 = tpu.vector_load %arg17[%get3A_321, %get3A_322] {strides = array<i32>} : memref<104x384xf32, #tpu.memory_space<vmem>>, vector<1x16xf32>,
        %get3A_324 = vector.shape_cast %get3A_323 : vector<1x16xf32> to vector<16xf32>
        %mul3A_325 = arith.mulf %get3A_324, %gather3A_255 : vector<16xf32>
        %max3A = arith.maximumf %mul3A_316, %mul3A_325 : vector<16xf32>
        %mul3A_326 = arith.constant 4 : i32
        %mul3A_327 = arith.muli %scan3A_178, %mul3A_326 : i32
        %add3A_328 = arith.constant 2 : i32
        %add3A_329 = arith.addi %mul3A_327, %add3A_328 : i32
        %get3A_330 = arith.index_cast %add3A_329 : i32 to index
        %get3A_331 = arith.constant 0 : index
        %get3A_332 = tpu.vector_load %arg17[%get3A_330, %get3A_331] {strides = array<i32>} : memref<104x384xf32, #tpu.memory_space<vmem>>, vector<1x16xf32>,
        %get3A_333 = vector.shape_cast %get3A_332 : vector<1x16xf32> to vector<16xf32>
        %mul3A_334 = arith.mulf %get3A_333, %gather3A_281 : vector<16xf32>
        %mul3A_335 = arith.constant 4 : i32
        %mul3A_336 = arith.muli %scan3A_178, %mul3A_335 : i32
        %add3A_337 = arith.constant 3 : i32
        %add3A_338 = arith.addi %mul3A_336, %add3A_337 : i32
        %get3A_339 = arith.index_cast %add3A_338 : i32 to index
        %get3A_340 = arith.constant 0 : index
        %get3A_341 = tpu.vector_load %arg17[%get3A_339, %get3A_340] {strides = array<i32>} : memref<104x384xf32, #tpu.memory_space<vmem>>, vector<1x16xf32>,
        %get3A_342 = vector.shape_cast %get3A_341 : vector<1x16xf32> to vector<16xf32>
        %mul3A_343 = arith.mulf %get3A_342, %gather3A_307 : vector<16xf32>
        %max3A_344 = arith.maximumf %mul3A_334, %mul3A_343 : vector<16xf32>
        %max3A_345 = arith.maximumf %max3A, %max3A_344 : vector<16xf32>
        %get3A_346 = arith.index_cast %scan3A_178 : i32 to index
        %get3A_347 = arith.constant 0 : index
        %get3A_348 = tpu.vector_load %arg16[%get3A_346, %get3A_347] {strides = array<i32>} : memref<32x384xf32, #tpu.memory_space<vmem>>, vector<1x16xf32>,
        %get3A_349 = vector.shape_cast %get3A_348 : vector<1x16xf32> to vector<16xf32>
        %sub3A = arith.subf %get3A_349, %max3A_345 : vector<16xf32>
        %mul3A_350 = vector.broadcast %squeeze3A_205 : f32 to vector<16xf32>
        %mul3A_351 = arith.mulf %mul3A_350, %sub3A : vector<16xf32>
        %add3A_352 = arith.addf %max3A_345, %mul3A_351 : vector<16xf32>
        %add3A_353 = arith.addf %scan3A_179, %add3A_352 : vector<16xf32>
        %mul3A_354 = arith.constant 4 : i32
        %mul3A_355 = arith.muli %scan3A_178, %mul3A_354 : i32
        %add3A_356 = arith.constant 0 : i32
        %add3A_357 = arith.addi %mul3A_355, %add3A_356 : i32
        %get3A_358 = arith.index_cast %add3A_357 : i32 to index
        %get3A_359 = arith.constant 16 : index
        %get3A_360 = tpu.vector_load %arg17[%get3A_358, %get3A_359] {strides = array<i32>} : memref<104x384xf32, #tpu.memory_space<vmem>>, vector<1x16xf32>,
        %get3A_361 = vector.shape_cast %get3A_360 : vector<1x16xf32> to vector<16xf32>
        %mul3A_362 = arith.mulf %get3A_361, %gather3A_229 : vector<16xf32>
        %mul3A_363 = arith.constant 4 : i32
        %mul3A_364 = arith.muli %scan3A_178, %mul3A_363 : i32
        %add3A_365 = arith.constant 1 : i32
        %add3A_366 = arith.addi %mul3A_364, %add3A_365 : i32
        %get3A_367 = arith.index_cast %add3A_366 : i32 to index
        %get3A_368 = arith.constant 16 : index
        %get3A_369 = tpu.vector_load %arg17[%get3A_367, %get3A_368] {strides = array<i32>} : memref<104x384xf32, #tpu.memory_space<vmem>>, vector<1x16xf32>,
        %get3A_370 = vector.shape_cast %get3A_369 : vector<1x16xf32> to vector<16xf32>
        %mul3A_371 = arith.mulf %get3A_370, %gather3A_255 : vector<16xf32>
        %max3A_372 = arith.maximumf %mul3A_362, %mul3A_371 : vector<16xf32>
        %mul3A_373 = arith.constant 4 : i32
        %mul3A_374 = arith.muli %scan3A_178, %mul3A_373 : i32
        %add3A_375 = arith.constant 2 : i32
        %add3A_376 = arith.addi %mul3A_374, %add3A_375 : i32
        %get3A_377 = arith.index_cast %add3A_376 : i32 to index
        %get3A_378 = arith.constant 16 : index
        %get3A_379 = tpu.vector_load %arg17[%get3A_377, %get3A_378] {strides = array<i32>} : memref<104x384xf32, #tpu.memory_space<vmem>>, vector<1x16xf32>,
        %get3A_380 = vector.shape_cast %get3A_379 : vector<1x16xf32> to vector<16xf32>
        %mul3A_381 = arith.mulf %get3A_380, %gather3A_281 : vector<16xf32>
        %mul3A_382 = arith.constant 4 : i32
        %mul3A_383 = arith.muli %scan3A_178, %mul3A_382 : i32
        %add3A_384 = arith.constant 3 : i32
        %add3A_385 = arith.addi %mul3A_383, %add3A_384 : i32
        %get3A_386 = arith.index_cast %add3A_385 : i32 to index
        %get3A_387 = arith.constant 16 : index
        %get3A_388 = tpu.vector_load %arg17[%get3A_386, %get3A_387] {strides = array<i32>} : memref<104x384xf32, #tpu.memory_space<vmem>>, vector<1x16xf32>,
        %get3A_389 = vector.shape_cast %get3A_388 : vector<1x16xf32> to vector<16xf32>
        %mul3A_390 = arith.mulf %get3A_389, %gather3A_307 : vector<16xf32>
        %max3A_391 = arith.maximumf %mul3A_381, %mul3A_390 : vector<16xf32>
        %max3A_392 = arith.maximumf %max3A_372, %max3A_391 : vector<16xf32>
        %get3A_393 = arith.index_cast %scan3A_178 : i32 to index
        %get3A_394 = arith.constant 16 : index
        %get3A_395 = tpu.vector_load %arg16[%get3A_393, %get3A_394] {strides = array<i32>} : memref<32x384xf32, #tpu.memory_space<vmem>>, vector<1x16xf32>,
        %get3A_396 = vector.shape_cast %get3A_395 : vector<1x16xf32> to vector<16xf32>
        %sub3A_397 = arith.subf %get3A_396, %max3A_392 : vector<16xf32>
        %mul3A_398 = vector.broadcast %squeeze3A_205 : f32 to vector<16xf32>
        %mul3A_399 = arith.mulf %mul3A_398, %sub3A_397 : vector<16xf32>
        %add3A_400 = arith.addf %max3A_392, %mul3A_399 : vector<16xf32>
        %add3A_401 = arith.addf %scan3A_180, %add3A_400 : vector<16xf32>
        %mul3A_402 = arith.constant 4 : i32
        %mul3A_403 = arith.muli %scan3A_178, %mul3A_402 : i32
        %add3A_404 = arith.constant 0 : i32
        %add3A_405 = arith.addi %mul3A_403, %add3A_404 : i32
        %get3A_406 = arith.index_cast %add3A_405 : i32 to index
        %get3A_407 = arith.constant 32 : index
        %get3A_408 = tpu.vector_load %arg17[%get3A_406, %get3A_407] {strides = array<i32>} : memref<104x384xf32, #tpu.memory_space<vmem>>, vector<1x16xf32>,
        %get3A_409 = vector.shape_cast %get3A_408 : vector<1x16xf32> to vector<16xf32>
        %mul3A_410 = arith.mulf %get3A_409, %gather3A_229 : vector<16xf32>
        %mul3A_411 = arith.constant 4 : i32
        %mul3A_412 = arith.muli %scan3A_178, %mul3A_411 : i32
        %add3A_413 = arith.constant 1 : i32
        %add3A_414 = arith.addi %mul3A_412, %add3A_413 : i32
        %get3A_415 = arith.index_cast %add3A_414 : i32 to index
        %get3A_416 = arith.constant 32 : index
        %get3A_417 = tpu.vector_load %arg17[%get3A_415, %get3A_416] {strides = array<i32>} : memref<104x384xf32, #tpu.memory_space<vmem>>, vector<1x16xf32>,
        %get3A_418 = vector.shape_cast %get3A_417 : vector<1x16xf32> to vector<16xf32>
        %mul3A_419 = arith.mulf %get3A_418, %gather3A_255 : vector<16xf32>
        %max3A_420 = arith.maximumf %mul3A_410, %mul3A_419 : vector<16xf32>
        %mul3A_421 = arith.constant 4 : i32
        %mul3A_422 = arith.muli %scan3A_178, %mul3A_421 : i32
        %add3A_423 = arith.constant 2 : i32
        %add3A_424 = arith.addi %mul3A_422, %add3A_423 : i32
        %get3A_425 = arith.index_cast %add3A_424 : i32 to index
        %get3A_426 = arith.constant 32 : index
        %get3A_427 = tpu.vector_load %arg17[%get3A_425, %get3A_426] {strides = array<i32>} : memref<104x384xf32, #tpu.memory_space<vmem>>, vector<1x16xf32>,
        %get3A_428 = vector.shape_cast %get3A_427 : vector<1x16xf32> to vector<16xf32>
        %mul3A_429 = arith.mulf %get3A_428, %gather3A_281 : vector<16xf32>
        %mul3A_430 = arith.constant 4 : i32
        %mul3A_431 = arith.muli %scan3A_178, %mul3A_430 : i32
        %add3A_432 = arith.constant 3 : i32
        %add3A_433 = arith.addi %mul3A_431, %add3A_432 : i32
        %get3A_434 = arith.index_cast %add3A_433 : i32 to index
        %get3A_435 = arith.constant 32 : index
        %get3A_436 = tpu.vector_load %arg17[%get3A_434, %get3A_435] {strides = array<i32>} : memref<104x384xf32, #tpu.memory_space<vmem>>, vector<1x16xf32>,
        %get3A_437 = vector.shape_cast %get3A_436 : vector<1x16xf32> to vector<16xf32>
        %mul3A_438 = arith.mulf %get3A_437, %gather3A_307 : vector<16xf32>
        %max3A_439 = arith.maximumf %mul3A_429, %mul3A_438 : vector<16xf32>
        %max3A_440 = arith.maximumf %max3A_420, %max3A_439 : vector<16xf32>
        %get3A_441 = arith.index_cast %scan3A_178 : i32 to index
        %get3A_442 = arith.constant 32 : index
        %get3A_443 = tpu.vector_load %arg16[%get3A_441, %get3A_442] {strides = array<i32>} : memref<32x384xf32, #tpu.memory_space<vmem>>, vector<1x16xf32>,
        %get3A_444 = vector.shape_cast %get3A_443 : vector<1x16xf32> to vector<16xf32>
        %sub3A_445 = arith.subf %get3A_444, %max3A_440 : vector<16xf32>
        %mul3A_446 = vector.broadcast %squeeze3A_205 : f32 to vector<16xf32>
        %mul3A_447 = arith.mulf %mul3A_446, %sub3A_445 : vector<16xf32>
        %add3A_448 = arith.addf %max3A_440, %mul3A_447 : vector<16xf32>
        %add3A_449 = arith.addf %scan3A_181, %add3A_448 : vector<16xf32>
        %mul3A_450 = arith.constant 4 : i32
        %mul3A_451 = arith.muli %scan3A_178, %mul3A_450 : i32
        %add3A_452 = arith.constant 0 : i32
        %add3A_453 = arith.addi %mul3A_451, %add3A_452 : i32
        %get3A_454 = arith.index_cast %add3A_453 : i32 to index
        %get3A_455 = arith.constant 48 : index
        %get3A_456 = tpu.vector_load %arg17[%get3A_454, %get3A_455] {strides = array<i32>} : memref<104x384xf32, #tpu.memory_space<vmem>>, vector<1x16xf32>,
        %get3A_457 = vector.shape_cast %get3A_456 : vector<1x16xf32> to vector<16xf32>
        %mul3A_458 = arith.mulf %get3A_457, %gather3A_229 : vector<16xf32>
        %mul3A_459 = arith.constant 4 : i32
        %mul3A_460 = arith.muli %scan3A_178, %mul3A_459 : i32
        %add3A_461 = arith.constant 1 : i32
        %add3A_462 = arith.addi %mul3A_460, %add3A_461 : i32
        %get3A_463 = arith.index_cast %add3A_462 : i32 to index
        %get3A_464 = arith.constant 48 : index
        %get3A_465 = tpu.vector_load %arg17[%get3A_463, %get3A_464] {strides = array<i32>} : memref<104x384xf32, #tpu.memory_space<vmem>>, vector<1x16xf32>,
        %get3A_466 = vector.shape_cast %get3A_465 : vector<1x16xf32> to vector<16xf32>
        %mul3A_467 = arith.mulf %get3A_466, %gather3A_255 : vector<16xf32>
        %max3A_468 = arith.maximumf %mul3A_458, %mul3A_467 : vector<16xf32>
        %mul3A_469 = arith.constant 4 : i32
        %mul3A_470 = arith.muli %scan3A_178, %mul3A_469 : i32
        %add3A_471 = arith.constant 2 : i32
        %add3A_472 = arith.addi %mul3A_470, %add3A_471 : i32
        %get3A_473 = arith.index_cast %add3A_472 : i32 to index
        %get3A_474 = arith.constant 48 : index
        %get3A_475 = tpu.vector_load %arg17[%get3A_473, %get3A_474] {strides = array<i32>} : memref<104x384xf32, #tpu.memory_space<vmem>>, vector<1x16xf32>,
        %get3A_476 = vector.shape_cast %get3A_475 : vector<1x16xf32> to vector<16xf32>
        %mul3A_477 = arith.mulf %get3A_476, %gather3A_281 : vector<16xf32>
        %mul3A_478 = arith.constant 4 : i32
        %mul3A_479 = arith.muli %scan3A_178, %mul3A_478 : i32
        %add3A_480 = arith.constant 3 : i32
        %add3A_481 = arith.addi %mul3A_479, %add3A_480 : i32
        %get3A_482 = arith.index_cast %add3A_481 : i32 to index
        %get3A_483 = arith.constant 48 : index
        %get3A_484 = tpu.vector_load %arg17[%get3A_482, %get3A_483] {strides = array<i32>} : memref<104x384xf32, #tpu.memory_space<vmem>>, vector<1x16xf32>,
        %get3A_485 = vector.shape_cast %get3A_484 : vector<1x16xf32> to vector<16xf32>
        %mul3A_486 = arith.mulf %get3A_485, %gather3A_307 : vector<16xf32>
        %max3A_487 = arith.maximumf %mul3A_477, %mul3A_486 : vector<16xf32>
        %max3A_488 = arith.maximumf %max3A_468, %max3A_487 : vector<16xf32>
        %get3A_489 = arith.index_cast %scan3A_178 : i32 to index
        %get3A_490 = arith.constant 48 : index
        %get3A_491 = tpu.vector_load %arg16[%get3A_489, %get3A_490] {strides = array<i32>} : memref<32x384xf32, #tpu.memory_space<vmem>>, vector<1x16xf32>,
        %get3A_492 = vector.shape_cast %get3A_491 : vector<1x16xf32> to vector<16xf32>
        %sub3A_493 = arith.subf %get3A_492, %max3A_488 : vector<16xf32>
        %mul3A_494 = vector.broadcast %squeeze3A_205 : f32 to vector<16xf32>
        %mul3A_495 = arith.mulf %mul3A_494, %sub3A_493 : vector<16xf32>
        %add3A_496 = arith.addf %max3A_488, %mul3A_495 : vector<16xf32>
        %add3A_497 = arith.addf %scan3A_182, %add3A_496 : vector<16xf32>
        %mul3A_498 = arith.constant 4 : i32
        %mul3A_499 = arith.muli %scan3A_178, %mul3A_498 : i32
        %add3A_500 = arith.constant 0 : i32
        %add3A_501 = arith.addi %mul3A_499, %add3A_500 : i32
        %get3A_502 = arith.index_cast %add3A_501 : i32 to index
        %get3A_503 = arith.constant 64 : index
        %get3A_504 = tpu.vector_load %arg17[%get3A_502, %get3A_503] {strides = array<i32>} : memref<104x384xf32, #tpu.memory_space<vmem>>, vector<1x16xf32>,
        %get3A_505 = vector.shape_cast %get3A_504 : vector<1x16xf32> to vector<16xf32>
        %mul3A_506 = arith.mulf %get3A_505, %gather3A_229 : vector<16xf32>
        %mul3A_507 = arith.constant 4 : i32
        %mul3A_508 = arith.muli %scan3A_178, %mul3A_507 : i32
        %add3A_509 = arith.constant 1 : i32
        %add3A_510 = arith.addi %mul3A_508, %add3A_509 : i32
        %get3A_511 = arith.index_cast %add3A_510 : i32 to index
        %get3A_512 = arith.constant 64 : index
        %get3A_513 = tpu.vector_load %arg17[%get3A_511, %get3A_512] {strides = array<i32>} : memref<104x384xf32, #tpu.memory_space<vmem>>, vector<1x16xf32>,
        %get3A_514 = vector.shape_cast %get3A_513 : vector<1x16xf32> to vector<16xf32>
        %mul3A_515 = arith.mulf %get3A_514, %gather3A_255 : vector<16xf32>
        %max3A_516 = arith.maximumf %mul3A_506, %mul3A_515 : vector<16xf32>
        %mul3A_517 = arith.constant 4 : i32
        %mul3A_518 = arith.muli %scan3A_178, %mul3A_517 : i32
        %add3A_519 = arith.constant 2 : i32
        %add3A_520 = arith.addi %mul3A_518, %add3A_519 : i32
        %get3A_521 = arith.index_cast %add3A_520 : i32 to index
        %get3A_522 = arith.constant 64 : index
        %get3A_523 = tpu.vector_load %arg17[%get3A_521, %get3A_522] {strides = array<i32>} : memref<104x384xf32, #tpu.memory_space<vmem>>, vector<1x16xf32>,
        %get3A_524 = vector.shape_cast %get3A_523 : vector<1x16xf32> to vector<16xf32>
        %mul3A_525 = arith.mulf %get3A_524, %gather3A_281 : vector<16xf32>
        %mul3A_526 = arith.constant 4 : i32
        %mul3A_527 = arith.muli %scan3A_178, %mul3A_526 : i32
        %add3A_528 = arith.constant 3 : i32
        %add3A_529 = arith.addi %mul3A_527, %add3A_528 : i32
        %get3A_530 = arith.index_cast %add3A_529 : i32 to index
        %get3A_531 = arith.constant 64 : index
        %get3A_532 = tpu.vector_load %arg17[%get3A_530, %get3A_531] {strides = array<i32>} : memref<104x384xf32, #tpu.memory_space<vmem>>, vector<1x16xf32>,
        %get3A_533 = vector.shape_cast %get3A_532 : vector<1x16xf32> to vector<16xf32>
        %mul3A_534 = arith.mulf %get3A_533, %gather3A_307 : vector<16xf32>
        %max3A_535 = arith.maximumf %mul3A_525, %mul3A_534 : vector<16xf32>
        %max3A_536 = arith.maximumf %max3A_516, %max3A_535 : vector<16xf32>
        %get3A_537 = arith.index_cast %scan3A_178 : i32 to index
        %get3A_538 = arith.constant 64 : index
        %get3A_539 = tpu.vector_load %arg16[%get3A_537, %get3A_538] {strides = array<i32>} : memref<32x384xf32, #tpu.memory_space<vmem>>, vector<1x16xf32>,
        %get3A_540 = vector.shape_cast %get3A_539 : vector<1x16xf32> to vector<16xf32>
        %sub3A_541 = arith.subf %get3A_540, %max3A_536 : vector<16xf32>
        %mul3A_542 = vector.broadcast %squeeze3A_205 : f32 to vector<16xf32>
        %mul3A_543 = arith.mulf %mul3A_542, %sub3A_541 : vector<16xf32>
        %add3A_544 = arith.addf %max3A_536, %mul3A_543 : vector<16xf32>
        %add3A_545 = arith.addf %scan3A_183, %add3A_544 : vector<16xf32>
        %mul3A_546 = arith.constant 4 : i32
        %mul3A_547 = arith.muli %scan3A_178, %mul3A_546 : i32
        %add3A_548 = arith.constant 0 : i32
        %add3A_549 = arith.addi %mul3A_547, %add3A_548 : i32
        %get3A_550 = arith.index_cast %add3A_549 : i32 to index
        %get3A_551 = arith.constant 80 : index
        %get3A_552 = tpu.vector_load %arg17[%get3A_550, %get3A_551] {strides = array<i32>} : memref<104x384xf32, #tpu.memory_space<vmem>>, vector<1x16xf32>,
        %get3A_553 = vector.shape_cast %get3A_552 : vector<1x16xf32> to vector<16xf32>
        %mul3A_554 = arith.mulf %get3A_553, %gather3A_229 : vector<16xf32>
        %mul3A_555 = arith.constant 4 : i32
        %mul3A_556 = arith.muli %scan3A_178, %mul3A_555 : i32
        %add3A_557 = arith.constant 1 : i32
        %add3A_558 = arith.addi %mul3A_556, %add3A_557 : i32
        %get3A_559 = arith.index_cast %add3A_558 : i32 to index
        %get3A_560 = arith.constant 80 : index
        %get3A_561 = tpu.vector_load %arg17[%get3A_559, %get3A_560] {strides = array<i32>} : memref<104x384xf32, #tpu.memory_space<vmem>>, vector<1x16xf32>,
        %get3A_562 = vector.shape_cast %get3A_561 : vector<1x16xf32> to vector<16xf32>
        %mul3A_563 = arith.mulf %get3A_562, %gather3A_255 : vector<16xf32>
        %max3A_564 = arith.maximumf %mul3A_554, %mul3A_563 : vector<16xf32>
        %mul3A_565 = arith.constant 4 : i32
        %mul3A_566 = arith.muli %scan3A_178, %mul3A_565 : i32
        %add3A_567 = arith.constant 2 : i32
        %add3A_568 = arith.addi %mul3A_566, %add3A_567 : i32
        %get3A_569 = arith.index_cast %add3A_568 : i32 to index
        %get3A_570 = arith.constant 80 : index
        %get3A_571 = tpu.vector_load %arg17[%get3A_569, %get3A_570] {strides = array<i32>} : memref<104x384xf32, #tpu.memory_space<vmem>>, vector<1x16xf32>,
        %get3A_572 = vector.shape_cast %get3A_571 : vector<1x16xf32> to vector<16xf32>
        %mul3A_573 = arith.mulf %get3A_572, %gather3A_281 : vector<16xf32>
        %mul3A_574 = arith.constant 4 : i32
        %mul3A_575 = arith.muli %scan3A_178, %mul3A_574 : i32
        %add3A_576 = arith.constant 3 : i32
        %add3A_577 = arith.addi %mul3A_575, %add3A_576 : i32
        %get3A_578 = arith.index_cast %add3A_577 : i32 to index
        %get3A_579 = arith.constant 80 : index
        %get3A_580 = tpu.vector_load %arg17[%get3A_578, %get3A_579] {strides = array<i32>} : memref<104x384xf32, #tpu.memory_space<vmem>>, vector<1x16xf32>,
        %get3A_581 = vector.shape_cast %get3A_580 : vector<1x16xf32> to vector<16xf32>
        %mul3A_582 = arith.mulf %get3A_581, %gather3A_307 : vector<16xf32>
        %max3A_583 = arith.maximumf %mul3A_573, %mul3A_582 : vector<16xf32>
        %max3A_584 = arith.maximumf %max3A_564, %max3A_583 : vector<16xf32>
        %get3A_585 = arith.index_cast %scan3A_178 : i32 to index
        %get3A_586 = arith.constant 80 : index
        %get3A_587 = tpu.vector_load %arg16[%get3A_585, %get3A_586] {strides = array<i32>} : memref<32x384xf32, #tpu.memory_space<vmem>>, vector<1x16xf32>,
        %get3A_588 = vector.shape_cast %get3A_587 : vector<1x16xf32> to vector<16xf32>
        %sub3A_589 = arith.subf %get3A_588, %max3A_584 : vector<16xf32>
        %mul3A_590 = vector.broadcast %squeeze3A_205 : f32 to vector<16xf32>
        %mul3A_591 = arith.mulf %mul3A_590, %sub3A_589 : vector<16xf32>
        %add3A_592 = arith.addf %max3A_584, %mul3A_591 : vector<16xf32>
        %add3A_593 = arith.addf %scan3A_184, %add3A_592 : vector<16xf32>
        %mul3A_594 = arith.constant 4 : i32
        %mul3A_595 = arith.muli %scan3A_178, %mul3A_594 : i32
        %add3A_596 = arith.constant 0 : i32
        %add3A_597 = arith.addi %mul3A_595, %add3A_596 : i32
        %get3A_598 = arith.index_cast %add3A_597 : i32 to index
        %get3A_599 = arith.constant 96 : index
        %get3A_600 = tpu.vector_load %arg17[%get3A_598, %get3A_599] {strides = array<i32>} : memref<104x384xf32, #tpu.memory_space<vmem>>, vector<1x16xf32>,
        %get3A_601 = vector.shape_cast %get3A_600 : vector<1x16xf32> to vector<16xf32>
        %mul3A_602 = arith.mulf %get3A_601, %gather3A_229 : vector<16xf32>
        %mul3A_603 = arith.constant 4 : i32
        %mul3A_604 = arith.muli %scan3A_178, %mul3A_603 : i32
        %add3A_605 = arith.constant 1 : i32
        %add3A_606 = arith.addi %mul3A_604, %add3A_605 : i32
        %get3A_607 = arith.index_cast %add3A_606 : i32 to index
        %get3A_608 = arith.constant 96 : index
        %get3A_609 = tpu.vector_load %arg17[%get3A_607, %get3A_608] {strides = array<i32>} : memref<104x384xf32, #tpu.memory_space<vmem>>, vector<1x16xf32>,
        %get3A_610 = vector.shape_cast %get3A_609 : vector<1x16xf32> to vector<16xf32>
        %mul3A_611 = arith.mulf %get3A_610, %gather3A_255 : vector<16xf32>
        %max3A_612 = arith.maximumf %mul3A_602, %mul3A_611 : vector<16xf32>
        %mul3A_613 = arith.constant 4 : i32
        %mul3A_614 = arith.muli %scan3A_178, %mul3A_613 : i32
        %add3A_615 = arith.constant 2 : i32
        %add3A_616 = arith.addi %mul3A_614, %add3A_615 : i32
        %get3A_617 = arith.index_cast %add3A_616 : i32 to index
        %get3A_618 = arith.constant 96 : index
        %get3A_619 = tpu.vector_load %arg17[%get3A_617, %get3A_618] {strides = array<i32>} : memref<104x384xf32, #tpu.memory_space<vmem>>, vector<1x16xf32>,
        %get3A_620 = vector.shape_cast %get3A_619 : vector<1x16xf32> to vector<16xf32>
        %mul3A_621 = arith.mulf %get3A_620, %gather3A_281 : vector<16xf32>
        %mul3A_622 = arith.constant 4 : i32
        %mul3A_623 = arith.muli %scan3A_178, %mul3A_622 : i32
        %add3A_624 = arith.constant 3 : i32
        %add3A_625 = arith.addi %mul3A_623, %add3A_624 : i32
        %get3A_626 = arith.index_cast %add3A_625 : i32 to index
        %get3A_627 = arith.constant 96 : index
        %get3A_628 = tpu.vector_load %arg17[%get3A_626, %get3A_627] {strides = array<i32>} : memref<104x384xf32, #tpu.memory_space<vmem>>, vector<1x16xf32>,
        %get3A_629 = vector.shape_cast %get3A_628 : vector<1x16xf32> to vector<16xf32>
        %mul3A_630 = arith.mulf %get3A_629, %gather3A_307 : vector<16xf32>
        %max3A_631 = arith.maximumf %mul3A_621, %mul3A_630 : vector<16xf32>
        %max3A_632 = arith.maximumf %max3A_612, %max3A_631 : vector<16xf32>
        %get3A_633 = arith.index_cast %scan3A_178 : i32 to index
        %get3A_634 = arith.constant 96 : index
        %get3A_635 = tpu.vector_load %arg16[%get3A_633, %get3A_634] {strides = array<i32>} : memref<32x384xf32, #tpu.memory_space<vmem>>, vector<1x16xf32>,
        %get3A_636 = vector.shape_cast %get3A_635 : vector<1x16xf32> to vector<16xf32>
        %sub3A_637 = arith.subf %get3A_636, %max3A_632 : vector<16xf32>
        %mul3A_638 = vector.broadcast %squeeze3A_205 : f32 to vector<16xf32>
        %mul3A_639 = arith.mulf %mul3A_638, %sub3A_637 : vector<16xf32>
        %add3A_640 = arith.addf %max3A_632, %mul3A_639 : vector<16xf32>
        %add3A_641 = arith.addf %scan3A_185, %add3A_640 : vector<16xf32>
        %mul3A_642 = arith.constant 4 : i32
        %mul3A_643 = arith.muli %scan3A_178, %mul3A_642 : i32
        %add3A_644 = arith.constant 0 : i32
        %add3A_645 = arith.addi %mul3A_643, %add3A_644 : i32
        %get3A_646 = arith.index_cast %add3A_645 : i32 to index
        %get3A_647 = arith.constant 112 : index
        %get3A_648 = tpu.vector_load %arg17[%get3A_646, %get3A_647] {strides = array<i32>} : memref<104x384xf32, #tpu.memory_space<vmem>>, vector<1x16xf32>,
        %get3A_649 = vector.shape_cast %get3A_648 : vector<1x16xf32> to vector<16xf32>
        %mul3A_650 = arith.mulf %get3A_649, %gather3A_229 : vector<16xf32>
        %mul3A_651 = arith.constant 4 : i32
        %mul3A_652 = arith.muli %scan3A_178, %mul3A_651 : i32
        %add3A_653 = arith.constant 1 : i32
        %add3A_654 = arith.addi %mul3A_652, %add3A_653 : i32
        %get3A_655 = arith.index_cast %add3A_654 : i32 to index
        %get3A_656 = arith.constant 112 : index
        %get3A_657 = tpu.vector_load %arg17[%get3A_655, %get3A_656] {strides = array<i32>} : memref<104x384xf32, #tpu.memory_space<vmem>>, vector<1x16xf32>,
        %get3A_658 = vector.shape_cast %get3A_657 : vector<1x16xf32> to vector<16xf32>
        %mul3A_659 = arith.mulf %get3A_658, %gather3A_255 : vector<16xf32>
        %max3A_660 = arith.maximumf %mul3A_650, %mul3A_659 : vector<16xf32>
        %mul3A_661 = arith.constant 4 : i32
        %mul3A_662 = arith.muli %scan3A_178, %mul3A_661 : i32
        %add3A_663 = arith.constant 2 : i32
        %add3A_664 = arith.addi %mul3A_662, %add3A_663 : i32
        %get3A_665 = arith.index_cast %add3A_664 : i32 to index
        %get3A_666 = arith.constant 112 : index
        %get3A_667 = tpu.vector_load %arg17[%get3A_665, %get3A_666] {strides = array<i32>} : memref<104x384xf32, #tpu.memory_space<vmem>>, vector<1x16xf32>,
        %get3A_668 = vector.shape_cast %get3A_667 : vector<1x16xf32> to vector<16xf32>
        %mul3A_669 = arith.mulf %get3A_668, %gather3A_281 : vector<16xf32>
        %mul3A_670 = arith.constant 4 : i32
        %mul3A_671 = arith.muli %scan3A_178, %mul3A_670 : i32
        %add3A_672 = arith.constant 3 : i32
        %add3A_673 = arith.addi %mul3A_671, %add3A_672 : i32
        %get3A_674 = arith.index_cast %add3A_673 : i32 to index
        %get3A_675 = arith.constant 112 : index
        %get3A_676 = tpu.vector_load %arg17[%get3A_674, %get3A_675] {strides = array<i32>} : memref<104x384xf32, #tpu.memory_space<vmem>>, vector<1x16xf32>,
        %get3A_677 = vector.shape_cast %get3A_676 : vector<1x16xf32> to vector<16xf32>
        %mul3A_678 = arith.mulf %get3A_677, %gather3A_307 : vector<16xf32>
        %max3A_679 = arith.maximumf %mul3A_669, %mul3A_678 : vector<16xf32>
        %max3A_680 = arith.maximumf %max3A_660, %max3A_679 : vector<16xf32>
        %get3A_681 = arith.index_cast %scan3A_178 : i32 to index
        %get3A_682 = arith.constant 112 : index
        %get3A_683 = tpu.vector_load %arg16[%get3A_681, %get3A_682] {strides = array<i32>} : memref<32x384xf32, #tpu.memory_space<vmem>>, vector<1x16xf32>,
        %get3A_684 = vector.shape_cast %get3A_683 : vector<1x16xf32> to vector<16xf32>
        %sub3A_685 = arith.subf %get3A_684, %max3A_680 : vector<16xf32>
        %mul3A_686 = vector.broadcast %squeeze3A_205 : f32 to vector<16xf32>
        %mul3A_687 = arith.mulf %mul3A_686, %sub3A_685 : vector<16xf32>
        %add3A_688 = arith.addf %max3A_680, %mul3A_687 : vector<16xf32>
        %add3A_689 = arith.addf %scan3A_186, %add3A_688 : vector<16xf32>
        %mul3A_690 = arith.constant 4 : i32
        %mul3A_691 = arith.muli %scan3A_178, %mul3A_690 : i32
        %add3A_692 = arith.constant 0 : i32
        %add3A_693 = arith.addi %mul3A_691, %add3A_692 : i32
        %get3A_694 = arith.index_cast %add3A_693 : i32 to index
        %get3A_695 = arith.constant 128 : index
        %get3A_696 = tpu.vector_load %arg17[%get3A_694, %get3A_695] {strides = array<i32>} : memref<104x384xf32, #tpu.memory_space<vmem>>, vector<1x16xf32>,
        %get3A_697 = vector.shape_cast %get3A_696 : vector<1x16xf32> to vector<16xf32>
        %mul3A_698 = arith.mulf %get3A_697, %gather3A_229 : vector<16xf32>
        %mul3A_699 = arith.constant 4 : i32
        %mul3A_700 = arith.muli %scan3A_178, %mul3A_699 : i32
        %add3A_701 = arith.constant 1 : i32
        %add3A_702 = arith.addi %mul3A_700, %add3A_701 : i32
        %get3A_703 = arith.index_cast %add3A_702 : i32 to index
        %get3A_704 = arith.constant 128 : index
        %get3A_705 = tpu.vector_load %arg17[%get3A_703, %get3A_704] {strides = array<i32>} : memref<104x384xf32, #tpu.memory_space<vmem>>, vector<1x16xf32>,
        %get3A_706 = vector.shape_cast %get3A_705 : vector<1x16xf32> to vector<16xf32>
        %mul3A_707 = arith.mulf %get3A_706, %gather3A_255 : vector<16xf32>
        %max3A_708 = arith.maximumf %mul3A_698, %mul3A_707 : vector<16xf32>
        %mul3A_709 = arith.constant 4 : i32
        %mul3A_710 = arith.muli %scan3A_178, %mul3A_709 : i32
        %add3A_711 = arith.constant 2 : i32
        %add3A_712 = arith.addi %mul3A_710, %add3A_711 : i32
        %get3A_713 = arith.index_cast %add3A_712 : i32 to index
        %get3A_714 = arith.constant 128 : index
        %get3A_715 = tpu.vector_load %arg17[%get3A_713, %get3A_714] {strides = array<i32>} : memref<104x384xf32, #tpu.memory_space<vmem>>, vector<1x16xf32>,
        %get3A_716 = vector.shape_cast %get3A_715 : vector<1x16xf32> to vector<16xf32>
        %mul3A_717 = arith.mulf %get3A_716, %gather3A_281 : vector<16xf32>
        %mul3A_718 = arith.constant 4 : i32
        %mul3A_719 = arith.muli %scan3A_178, %mul3A_718 : i32
        %add3A_720 = arith.constant 3 : i32
        %add3A_721 = arith.addi %mul3A_719, %add3A_720 : i32
        %get3A_722 = arith.index_cast %add3A_721 : i32 to index
        %get3A_723 = arith.constant 128 : index
        %get3A_724 = tpu.vector_load %arg17[%get3A_722, %get3A_723] {strides = array<i32>} : memref<104x384xf32, #tpu.memory_space<vmem>>, vector<1x16xf32>,
        %get3A_725 = vector.shape_cast %get3A_724 : vector<1x16xf32> to vector<16xf32>
        %mul3A_726 = arith.mulf %get3A_725, %gather3A_307 : vector<16xf32>
        %max3A_727 = arith.maximumf %mul3A_717, %mul3A_726 : vector<16xf32>
        %max3A_728 = arith.maximumf %max3A_708, %max3A_727 : vector<16xf32>
        %get3A_729 = arith.index_cast %scan3A_178 : i32 to index
        %get3A_730 = arith.constant 128 : index
        %get3A_731 = tpu.vector_load %arg16[%get3A_729, %get3A_730] {strides = array<i32>} : memref<32x384xf32, #tpu.memory_space<vmem>>, vector<1x16xf32>,
        %get3A_732 = vector.shape_cast %get3A_731 : vector<1x16xf32> to vector<16xf32>
        %sub3A_733 = arith.subf %get3A_732, %max3A_728 : vector<16xf32>
        %mul3A_734 = vector.broadcast %squeeze3A_205 : f32 to vector<16xf32>
        %mul3A_735 = arith.mulf %mul3A_734, %sub3A_733 : vector<16xf32>
        %add3A_736 = arith.addf %max3A_728, %mul3A_735 : vector<16xf32>
        %add3A_737 = arith.addf %scan3A_187, %add3A_736 : vector<16xf32>
        %mul3A_738 = arith.constant 4 : i32
        %mul3A_739 = arith.muli %scan3A_178, %mul3A_738 : i32
        %add3A_740 = arith.constant 0 : i32
        %add3A_741 = arith.addi %mul3A_739, %add3A_740 : i32
        %get3A_742 = arith.index_cast %add3A_741 : i32 to index
        %get3A_743 = arith.constant 144 : index
        %get3A_744 = tpu.vector_load %arg17[%get3A_742, %get3A_743] {strides = array<i32>} : memref<104x384xf32, #tpu.memory_space<vmem>>, vector<1x16xf32>,
        %get3A_745 = vector.shape_cast %get3A_744 : vector<1x16xf32> to vector<16xf32>
        %mul3A_746 = arith.mulf %get3A_745, %gather3A_229 : vector<16xf32>
        %mul3A_747 = arith.constant 4 : i32
        %mul3A_748 = arith.muli %scan3A_178, %mul3A_747 : i32
        %add3A_749 = arith.constant 1 : i32
        %add3A_750 = arith.addi %mul3A_748, %add3A_749 : i32
        %get3A_751 = arith.index_cast %add3A_750 : i32 to index
        %get3A_752 = arith.constant 144 : index
        %get3A_753 = tpu.vector_load %arg17[%get3A_751, %get3A_752] {strides = array<i32>} : memref<104x384xf32, #tpu.memory_space<vmem>>, vector<1x16xf32>,
        %get3A_754 = vector.shape_cast %get3A_753 : vector<1x16xf32> to vector<16xf32>
        %mul3A_755 = arith.mulf %get3A_754, %gather3A_255 : vector<16xf32>
        %max3A_756 = arith.maximumf %mul3A_746, %mul3A_755 : vector<16xf32>
        %mul3A_757 = arith.constant 4 : i32
        %mul3A_758 = arith.muli %scan3A_178, %mul3A_757 : i32
        %add3A_759 = arith.constant 2 : i32
        %add3A_760 = arith.addi %mul3A_758, %add3A_759 : i32
        %get3A_761 = arith.index_cast %add3A_760 : i32 to index
        %get3A_762 = arith.constant 144 : index
        %get3A_763 = tpu.vector_load %arg17[%get3A_761, %get3A_762] {strides = array<i32>} : memref<104x384xf32, #tpu.memory_space<vmem>>, vector<1x16xf32>,
        %get3A_764 = vector.shape_cast %get3A_763 : vector<1x16xf32> to vector<16xf32>
        %mul3A_765 = arith.mulf %get3A_764, %gather3A_281 : vector<16xf32>
        %mul3A_766 = arith.constant 4 : i32
        %mul3A_767 = arith.muli %scan3A_178, %mul3A_766 : i32
        %add3A_768 = arith.constant 3 : i32
        %add3A_769 = arith.addi %mul3A_767, %add3A_768 : i32
        %get3A_770 = arith.index_cast %add3A_769 : i32 to index
        %get3A_771 = arith.constant 144 : index
        %get3A_772 = tpu.vector_load %arg17[%get3A_770, %get3A_771] {strides = array<i32>} : memref<104x384xf32, #tpu.memory_space<vmem>>, vector<1x16xf32>,
        %get3A_773 = vector.shape_cast %get3A_772 : vector<1x16xf32> to vector<16xf32>
        %mul3A_774 = arith.mulf %get3A_773, %gather3A_307 : vector<16xf32>
        %max3A_775 = arith.maximumf %mul3A_765, %mul3A_774 : vector<16xf32>
        %max3A_776 = arith.maximumf %max3A_756, %max3A_775 : vector<16xf32>
        %get3A_777 = arith.index_cast %scan3A_178 : i32 to index
        %get3A_778 = arith.constant 144 : index
        %get3A_779 = tpu.vector_load %arg16[%get3A_777, %get3A_778] {strides = array<i32>} : memref<32x384xf32, #tpu.memory_space<vmem>>, vector<1x16xf32>,
        %get3A_780 = vector.shape_cast %get3A_779 : vector<1x16xf32> to vector<16xf32>
        %sub3A_781 = arith.subf %get3A_780, %max3A_776 : vector<16xf32>
        %mul3A_782 = vector.broadcast %squeeze3A_205 : f32 to vector<16xf32>
        %mul3A_783 = arith.mulf %mul3A_782, %sub3A_781 : vector<16xf32>
        %add3A_784 = arith.addf %max3A_776, %mul3A_783 : vector<16xf32>
        %add3A_785 = arith.addf %scan3A_188, %add3A_784 : vector<16xf32>
        %mul3A_786 = arith.constant 4 : i32
        %mul3A_787 = arith.muli %scan3A_178, %mul3A_786 : i32
        %add3A_788 = arith.constant 0 : i32
        %add3A_789 = arith.addi %mul3A_787, %add3A_788 : i32
        %get3A_790 = arith.index_cast %add3A_789 : i32 to index
        %get3A_791 = arith.constant 160 : index
        %get3A_792 = tpu.vector_load %arg17[%get3A_790, %get3A_791] {strides = array<i32>} : memref<104x384xf32, #tpu.memory_space<vmem>>, vector<1x16xf32>,
        %get3A_793 = vector.shape_cast %get3A_792 : vector<1x16xf32> to vector<16xf32>
        %mul3A_794 = arith.mulf %get3A_793, %gather3A_229 : vector<16xf32>
        %mul3A_795 = arith.constant 4 : i32
        %mul3A_796 = arith.muli %scan3A_178, %mul3A_795 : i32
        %add3A_797 = arith.constant 1 : i32
        %add3A_798 = arith.addi %mul3A_796, %add3A_797 : i32
        %get3A_799 = arith.index_cast %add3A_798 : i32 to index
        %get3A_800 = arith.constant 160 : index
        %get3A_801 = tpu.vector_load %arg17[%get3A_799, %get3A_800] {strides = array<i32>} : memref<104x384xf32, #tpu.memory_space<vmem>>, vector<1x16xf32>,
        %get3A_802 = vector.shape_cast %get3A_801 : vector<1x16xf32> to vector<16xf32>
        %mul3A_803 = arith.mulf %get3A_802, %gather3A_255 : vector<16xf32>
        %max3A_804 = arith.maximumf %mul3A_794, %mul3A_803 : vector<16xf32>
        %mul3A_805 = arith.constant 4 : i32
        %mul3A_806 = arith.muli %scan3A_178, %mul3A_805 : i32
        %add3A_807 = arith.constant 2 : i32
        %add3A_808 = arith.addi %mul3A_806, %add3A_807 : i32
        %get3A_809 = arith.index_cast %add3A_808 : i32 to index
        %get3A_810 = arith.constant 160 : index
        %get3A_811 = tpu.vector_load %arg17[%get3A_809, %get3A_810] {strides = array<i32>} : memref<104x384xf32, #tpu.memory_space<vmem>>, vector<1x16xf32>,
        %get3A_812 = vector.shape_cast %get3A_811 : vector<1x16xf32> to vector<16xf32>
        %mul3A_813 = arith.mulf %get3A_812, %gather3A_281 : vector<16xf32>
        %mul3A_814 = arith.constant 4 : i32
        %mul3A_815 = arith.muli %scan3A_178, %mul3A_814 : i32
        %add3A_816 = arith.constant 3 : i32
        %add3A_817 = arith.addi %mul3A_815, %add3A_816 : i32
        %get3A_818 = arith.index_cast %add3A_817 : i32 to index
        %get3A_819 = arith.constant 160 : index
        %get3A_820 = tpu.vector_load %arg17[%get3A_818, %get3A_819] {strides = array<i32>} : memref<104x384xf32, #tpu.memory_space<vmem>>, vector<1x16xf32>,
        %get3A_821 = vector.shape_cast %get3A_820 : vector<1x16xf32> to vector<16xf32>
        %mul3A_822 = arith.mulf %get3A_821, %gather3A_307 : vector<16xf32>
        %max3A_823 = arith.maximumf %mul3A_813, %mul3A_822 : vector<16xf32>
        %max3A_824 = arith.maximumf %max3A_804, %max3A_823 : vector<16xf32>
        %get3A_825 = arith.index_cast %scan3A_178 : i32 to index
        %get3A_826 = arith.constant 160 : index
        %get3A_827 = tpu.vector_load %arg16[%get3A_825, %get3A_826] {strides = array<i32>} : memref<32x384xf32, #tpu.memory_space<vmem>>, vector<1x16xf32>,
        %get3A_828 = vector.shape_cast %get3A_827 : vector<1x16xf32> to vector<16xf32>
        %sub3A_829 = arith.subf %get3A_828, %max3A_824 : vector<16xf32>
        %mul3A_830 = vector.broadcast %squeeze3A_205 : f32 to vector<16xf32>
        %mul3A_831 = arith.mulf %mul3A_830, %sub3A_829 : vector<16xf32>
        %add3A_832 = arith.addf %max3A_824, %mul3A_831 : vector<16xf32>
        %add3A_833 = arith.addf %scan3A_189, %add3A_832 : vector<16xf32>
        %mul3A_834 = arith.constant 4 : i32
        %mul3A_835 = arith.muli %scan3A_178, %mul3A_834 : i32
        %add3A_836 = arith.constant 0 : i32
        %add3A_837 = arith.addi %mul3A_835, %add3A_836 : i32
        %get3A_838 = arith.index_cast %add3A_837 : i32 to index
        %get3A_839 = arith.constant 176 : index
        %get3A_840 = tpu.vector_load %arg17[%get3A_838, %get3A_839] {strides = array<i32>} : memref<104x384xf32, #tpu.memory_space<vmem>>, vector<1x16xf32>,
        %get3A_841 = vector.shape_cast %get3A_840 : vector<1x16xf32> to vector<16xf32>
        %mul3A_842 = arith.mulf %get3A_841, %gather3A_229 : vector<16xf32>
        %mul3A_843 = arith.constant 4 : i32
        %mul3A_844 = arith.muli %scan3A_178, %mul3A_843 : i32
        %add3A_845 = arith.constant 1 : i32
        %add3A_846 = arith.addi %mul3A_844, %add3A_845 : i32
        %get3A_847 = arith.index_cast %add3A_846 : i32 to index
        %get3A_848 = arith.constant 176 : index
        %get3A_849 = tpu.vector_load %arg17[%get3A_847, %get3A_848] {strides = array<i32>} : memref<104x384xf32, #tpu.memory_space<vmem>>, vector<1x16xf32>,
        %get3A_850 = vector.shape_cast %get3A_849 : vector<1x16xf32> to vector<16xf32>
        %mul3A_851 = arith.mulf %get3A_850, %gather3A_255 : vector<16xf32>
        %max3A_852 = arith.maximumf %mul3A_842, %mul3A_851 : vector<16xf32>
        %mul3A_853 = arith.constant 4 : i32
        %mul3A_854 = arith.muli %scan3A_178, %mul3A_853 : i32
        %add3A_855 = arith.constant 2 : i32
        %add3A_856 = arith.addi %mul3A_854, %add3A_855 : i32
        %get3A_857 = arith.index_cast %add3A_856 : i32 to index
        %get3A_858 = arith.constant 176 : index
        %get3A_859 = tpu.vector_load %arg17[%get3A_857, %get3A_858] {strides = array<i32>} : memref<104x384xf32, #tpu.memory_space<vmem>>, vector<1x16xf32>,
        %get3A_860 = vector.shape_cast %get3A_859 : vector<1x16xf32> to vector<16xf32>
        %mul3A_861 = arith.mulf %get3A_860, %gather3A_281 : vector<16xf32>
        %mul3A_862 = arith.constant 4 : i32
        %mul3A_863 = arith.muli %scan3A_178, %mul3A_862 : i32
        %add3A_864 = arith.constant 3 : i32
        %add3A_865 = arith.addi %mul3A_863, %add3A_864 : i32
        %get3A_866 = arith.index_cast %add3A_865 : i32 to index
        %get3A_867 = arith.constant 176 : index
        %get3A_868 = tpu.vector_load %arg17[%get3A_866, %get3A_867] {strides = array<i32>} : memref<104x384xf32, #tpu.memory_space<vmem>>, vector<1x16xf32>,
        %get3A_869 = vector.shape_cast %get3A_868 : vector<1x16xf32> to vector<16xf32>
        %mul3A_870 = arith.mulf %get3A_869, %gather3A_307 : vector<16xf32>
        %max3A_871 = arith.maximumf %mul3A_861, %mul3A_870 : vector<16xf32>
        %max3A_872 = arith.maximumf %max3A_852, %max3A_871 : vector<16xf32>
        %get3A_873 = arith.index_cast %scan3A_178 : i32 to index
        %get3A_874 = arith.constant 176 : index
        %get3A_875 = tpu.vector_load %arg16[%get3A_873, %get3A_874] {strides = array<i32>} : memref<32x384xf32, #tpu.memory_space<vmem>>, vector<1x16xf32>,
        %get3A_876 = vector.shape_cast %get3A_875 : vector<1x16xf32> to vector<16xf32>
        %sub3A_877 = arith.subf %get3A_876, %max3A_872 : vector<16xf32>
        %mul3A_878 = vector.broadcast %squeeze3A_205 : f32 to vector<16xf32>
        %mul3A_879 = arith.mulf %mul3A_878, %sub3A_877 : vector<16xf32>
        %add3A_880 = arith.addf %max3A_872, %mul3A_879 : vector<16xf32>
        %add3A_881 = arith.addf %scan3A_190, %add3A_880 : vector<16xf32>
        %mul3A_882 = arith.constant 4 : i32
        %mul3A_883 = arith.muli %scan3A_178, %mul3A_882 : i32
        %add3A_884 = arith.constant 0 : i32
        %add3A_885 = arith.addi %mul3A_883, %add3A_884 : i32
        %get3A_886 = arith.index_cast %add3A_885 : i32 to index
        %get3A_887 = arith.constant 192 : index
        %get3A_888 = tpu.vector_load %arg17[%get3A_886, %get3A_887] {strides = array<i32>} : memref<104x384xf32, #tpu.memory_space<vmem>>, vector<1x16xf32>,
        %get3A_889 = vector.shape_cast %get3A_888 : vector<1x16xf32> to vector<16xf32>
        %mul3A_890 = arith.mulf %get3A_889, %gather3A_229 : vector<16xf32>
        %mul3A_891 = arith.constant 4 : i32
        %mul3A_892 = arith.muli %scan3A_178, %mul3A_891 : i32
        %add3A_893 = arith.constant 1 : i32
        %add3A_894 = arith.addi %mul3A_892, %add3A_893 : i32
        %get3A_895 = arith.index_cast %add3A_894 : i32 to index
        %get3A_896 = arith.constant 192 : index
        %get3A_897 = tpu.vector_load %arg17[%get3A_895, %get3A_896] {strides = array<i32>} : memref<104x384xf32, #tpu.memory_space<vmem>>, vector<1x16xf32>,
        %get3A_898 = vector.shape_cast %get3A_897 : vector<1x16xf32> to vector<16xf32>
        %mul3A_899 = arith.mulf %get3A_898, %gather3A_255 : vector<16xf32>
        %max3A_900 = arith.maximumf %mul3A_890, %mul3A_899 : vector<16xf32>
        %mul3A_901 = arith.constant 4 : i32
        %mul3A_902 = arith.muli %scan3A_178, %mul3A_901 : i32
        %add3A_903 = arith.constant 2 : i32
        %add3A_904 = arith.addi %mul3A_902, %add3A_903 : i32
        %get3A_905 = arith.index_cast %add3A_904 : i32 to index
        %get3A_906 = arith.constant 192 : index
        %get3A_907 = tpu.vector_load %arg17[%get3A_905, %get3A_906] {strides = array<i32>} : memref<104x384xf32, #tpu.memory_space<vmem>>, vector<1x16xf32>,
        %get3A_908 = vector.shape_cast %get3A_907 : vector<1x16xf32> to vector<16xf32>
        %mul3A_909 = arith.mulf %get3A_908, %gather3A_281 : vector<16xf32>
        %mul3A_910 = arith.constant 4 : i32
        %mul3A_911 = arith.muli %scan3A_178, %mul3A_910 : i32
        %add3A_912 = arith.constant 3 : i32
        %add3A_913 = arith.addi %mul3A_911, %add3A_912 : i32
        %get3A_914 = arith.index_cast %add3A_913 : i32 to index
        %get3A_915 = arith.constant 192 : index
        %get3A_916 = tpu.vector_load %arg17[%get3A_914, %get3A_915] {strides = array<i32>} : memref<104x384xf32, #tpu.memory_space<vmem>>, vector<1x16xf32>,
        %get3A_917 = vector.shape_cast %get3A_916 : vector<1x16xf32> to vector<16xf32>
        %mul3A_918 = arith.mulf %get3A_917, %gather3A_307 : vector<16xf32>
        %max3A_919 = arith.maximumf %mul3A_909, %mul3A_918 : vector<16xf32>
        %max3A_920 = arith.maximumf %max3A_900, %max3A_919 : vector<16xf32>
        %get3A_921 = arith.index_cast %scan3A_178 : i32 to index
        %get3A_922 = arith.constant 192 : index
        %get3A_923 = tpu.vector_load %arg16[%get3A_921, %get3A_922] {strides = array<i32>} : memref<32x384xf32, #tpu.memory_space<vmem>>, vector<1x16xf32>,
        %get3A_924 = vector.shape_cast %get3A_923 : vector<1x16xf32> to vector<16xf32>
        %sub3A_925 = arith.subf %get3A_924, %max3A_920 : vector<16xf32>
        %mul3A_926 = vector.broadcast %squeeze3A_205 : f32 to vector<16xf32>
        %mul3A_927 = arith.mulf %mul3A_926, %sub3A_925 : vector<16xf32>
        %add3A_928 = arith.addf %max3A_920, %mul3A_927 : vector<16xf32>
        %add3A_929 = arith.addf %scan3A_191, %add3A_928 : vector<16xf32>
        %mul3A_930 = arith.constant 4 : i32
        %mul3A_931 = arith.muli %scan3A_178, %mul3A_930 : i32
        %add3A_932 = arith.constant 0 : i32
        %add3A_933 = arith.addi %mul3A_931, %add3A_932 : i32
        %get3A_934 = arith.index_cast %add3A_933 : i32 to index
        %get3A_935 = arith.constant 208 : index
        %get3A_936 = tpu.vector_load %arg17[%get3A_934, %get3A_935] {strides = array<i32>} : memref<104x384xf32, #tpu.memory_space<vmem>>, vector<1x16xf32>,
        %get3A_937 = vector.shape_cast %get3A_936 : vector<1x16xf32> to vector<16xf32>
        %mul3A_938 = arith.mulf %get3A_937, %gather3A_229 : vector<16xf32>
        %mul3A_939 = arith.constant 4 : i32
        %mul3A_940 = arith.muli %scan3A_178, %mul3A_939 : i32
        %add3A_941 = arith.constant 1 : i32
        %add3A_942 = arith.addi %mul3A_940, %add3A_941 : i32
        %get3A_943 = arith.index_cast %add3A_942 : i32 to index
        %get3A_944 = arith.constant 208 : index
        %get3A_945 = tpu.vector_load %arg17[%get3A_943, %get3A_944] {strides = array<i32>} : memref<104x384xf32, #tpu.memory_space<vmem>>, vector<1x16xf32>,
        %get3A_946 = vector.shape_cast %get3A_945 : vector<1x16xf32> to vector<16xf32>
        %mul3A_947 = arith.mulf %get3A_946, %gather3A_255 : vector<16xf32>
        %max3A_948 = arith.maximumf %mul3A_938, %mul3A_947 : vector<16xf32>
        %mul3A_949 = arith.constant 4 : i32
        %mul3A_950 = arith.muli %scan3A_178, %mul3A_949 : i32
        %add3A_951 = arith.constant 2 : i32
        %add3A_952 = arith.addi %mul3A_950, %add3A_951 : i32
        %get3A_953 = arith.index_cast %add3A_952 : i32 to index
        %get3A_954 = arith.constant 208 : index
        %get3A_955 = tpu.vector_load %arg17[%get3A_953, %get3A_954] {strides = array<i32>} : memref<104x384xf32, #tpu.memory_space<vmem>>, vector<1x16xf32>,
        %get3A_956 = vector.shape_cast %get3A_955 : vector<1x16xf32> to vector<16xf32>
        %mul3A_957 = arith.mulf %get3A_956, %gather3A_281 : vector<16xf32>
        %mul3A_958 = arith.constant 4 : i32
        %mul3A_959 = arith.muli %scan3A_178, %mul3A_958 : i32
        %add3A_960 = arith.constant 3 : i32
        %add3A_961 = arith.addi %mul3A_959, %add3A_960 : i32
        %get3A_962 = arith.index_cast %add3A_961 : i32 to index
        %get3A_963 = arith.constant 208 : index
        %get3A_964 = tpu.vector_load %arg17[%get3A_962, %get3A_963] {strides = array<i32>} : memref<104x384xf32, #tpu.memory_space<vmem>>, vector<1x16xf32>,
        %get3A_965 = vector.shape_cast %get3A_964 : vector<1x16xf32> to vector<16xf32>
        %mul3A_966 = arith.mulf %get3A_965, %gather3A_307 : vector<16xf32>
        %max3A_967 = arith.maximumf %mul3A_957, %mul3A_966 : vector<16xf32>
        %max3A_968 = arith.maximumf %max3A_948, %max3A_967 : vector<16xf32>
        %get3A_969 = arith.index_cast %scan3A_178 : i32 to index
        %get3A_970 = arith.constant 208 : index
        %get3A_971 = tpu.vector_load %arg16[%get3A_969, %get3A_970] {strides = array<i32>} : memref<32x384xf32, #tpu.memory_space<vmem>>, vector<1x16xf32>,
        %get3A_972 = vector.shape_cast %get3A_971 : vector<1x16xf32> to vector<16xf32>
        %sub3A_973 = arith.subf %get3A_972, %max3A_968 : vector<16xf32>
        %mul3A_974 = vector.broadcast %squeeze3A_205 : f32 to vector<16xf32>
        %mul3A_975 = arith.mulf %mul3A_974, %sub3A_973 : vector<16xf32>
        %add3A_976 = arith.addf %max3A_968, %mul3A_975 : vector<16xf32>
        %add3A_977 = arith.addf %scan3A_192, %add3A_976 : vector<16xf32>
        %mul3A_978 = arith.constant 4 : i32
        %mul3A_979 = arith.muli %scan3A_178, %mul3A_978 : i32
        %add3A_980 = arith.constant 0 : i32
        %add3A_981 = arith.addi %mul3A_979, %add3A_980 : i32
        %get3A_982 = arith.index_cast %add3A_981 : i32 to index
        %get3A_983 = arith.constant 224 : index
        %get3A_984 = tpu.vector_load %arg17[%get3A_982, %get3A_983] {strides = array<i32>} : memref<104x384xf32, #tpu.memory_space<vmem>>, vector<1x16xf32>,
        %get3A_985 = vector.shape_cast %get3A_984 : vector<1x16xf32> to vector<16xf32>
        %mul3A_986 = arith.mulf %get3A_985, %gather3A_229 : vector<16xf32>
        %mul3A_987 = arith.constant 4 : i32
        %mul3A_988 = arith.muli %scan3A_178, %mul3A_987 : i32
        %add3A_989 = arith.constant 1 : i32
        %add3A_990 = arith.addi %mul3A_988, %add3A_989 : i32
        %get3A_991 = arith.index_cast %add3A_990 : i32 to index
        %get3A_992 = arith.constant 224 : index
        %get3A_993 = tpu.vector_load %arg17[%get3A_991, %get3A_992] {strides = array<i32>} : memref<104x384xf32, #tpu.memory_space<vmem>>, vector<1x16xf32>,
        %get3A_994 = vector.shape_cast %get3A_993 : vector<1x16xf32> to vector<16xf32>
        %mul3A_995 = arith.mulf %get3A_994, %gather3A_255 : vector<16xf32>
        %max3A_996 = arith.maximumf %mul3A_986, %mul3A_995 : vector<16xf32>
        %mul3A_997 = arith.constant 4 : i32
        %mul3A_998 = arith.muli %scan3A_178, %mul3A_997 : i32
        %add3A_999 = arith.constant 2 : i32
        %add3A_1000 = arith.addi %mul3A_998, %add3A_999 : i32
        %get3A_1001 = arith.index_cast %add3A_1000 : i32 to index
        %get3A_1002 = arith.constant 224 : index
        %get3A_1003 = tpu.vector_load %arg17[%get3A_1001, %get3A_1002] {strides = array<i32>} : memref<104x384xf32, #tpu.memory_space<vmem>>, vector<1x16xf32>,
        %get3A_1004 = vector.shape_cast %get3A_1003 : vector<1x16xf32> to vector<16xf32>
        %mul3A_1005 = arith.mulf %get3A_1004, %gather3A_281 : vector<16xf32>
        %mul3A_1006 = arith.constant 4 : i32
        %mul3A_1007 = arith.muli %scan3A_178, %mul3A_1006 : i32
        %add3A_1008 = arith.constant 3 : i32
        %add3A_1009 = arith.addi %mul3A_1007, %add3A_1008 : i32
        %get3A_1010 = arith.index_cast %add3A_1009 : i32 to index
        %get3A_1011 = arith.constant 224 : index
        %get3A_1012 = tpu.vector_load %arg17[%get3A_1010, %get3A_1011] {strides = array<i32>} : memref<104x384xf32, #tpu.memory_space<vmem>>, vector<1x16xf32>,
        %get3A_1013 = vector.shape_cast %get3A_1012 : vector<1x16xf32> to vector<16xf32>
        %mul3A_1014 = arith.mulf %get3A_1013, %gather3A_307 : vector<16xf32>
        %max3A_1015 = arith.maximumf %mul3A_1005, %mul3A_1014 : vector<16xf32>
        %max3A_1016 = arith.maximumf %max3A_996, %max3A_1015 : vector<16xf32>
        %get3A_1017 = arith.index_cast %scan3A_178 : i32 to index
        %get3A_1018 = arith.constant 224 : index
        %get3A_1019 = tpu.vector_load %arg16[%get3A_1017, %get3A_1018] {strides = array<i32>} : memref<32x384xf32, #tpu.memory_space<vmem>>, vector<1x16xf32>,
        %get3A_1020 = vector.shape_cast %get3A_1019 : vector<1x16xf32> to vector<16xf32>
        %sub3A_1021 = arith.subf %get3A_1020, %max3A_1016 : vector<16xf32>
        %mul3A_1022 = vector.broadcast %squeeze3A_205 : f32 to vector<16xf32>
        %mul3A_1023 = arith.mulf %mul3A_1022, %sub3A_1021 : vector<16xf32>
        %add3A_1024 = arith.addf %max3A_1016, %mul3A_1023 : vector<16xf32>
        %add3A_1025 = arith.addf %scan3A_193, %add3A_1024 : vector<16xf32>
        %mul3A_1026 = arith.constant 4 : i32
        %mul3A_1027 = arith.muli %scan3A_178, %mul3A_1026 : i32
        %add3A_1028 = arith.constant 0 : i32
        %add3A_1029 = arith.addi %mul3A_1027, %add3A_1028 : i32
        %get3A_1030 = arith.index_cast %add3A_1029 : i32 to index
        %get3A_1031 = arith.constant 240 : index
        %get3A_1032 = tpu.vector_load %arg17[%get3A_1030, %get3A_1031] {strides = array<i32>} : memref<104x384xf32, #tpu.memory_space<vmem>>, vector<1x16xf32>,
        %get3A_1033 = vector.shape_cast %get3A_1032 : vector<1x16xf32> to vector<16xf32>
        %mul3A_1034 = arith.mulf %get3A_1033, %gather3A_229 : vector<16xf32>
        %mul3A_1035 = arith.constant 4 : i32
        %mul3A_1036 = arith.muli %scan3A_178, %mul3A_1035 : i32
        %add3A_1037 = arith.constant 1 : i32
        %add3A_1038 = arith.addi %mul3A_1036, %add3A_1037 : i32
        %get3A_1039 = arith.index_cast %add3A_1038 : i32 to index
        %get3A_1040 = arith.constant 240 : index
        %get3A_1041 = tpu.vector_load %arg17[%get3A_1039, %get3A_1040] {strides = array<i32>} : memref<104x384xf32, #tpu.memory_space<vmem>>, vector<1x16xf32>,
        %get3A_1042 = vector.shape_cast %get3A_1041 : vector<1x16xf32> to vector<16xf32>
        %mul3A_1043 = arith.mulf %get3A_1042, %gather3A_255 : vector<16xf32>
        %max3A_1044 = arith.maximumf %mul3A_1034, %mul3A_1043 : vector<16xf32>
        %mul3A_1045 = arith.constant 4 : i32
        %mul3A_1046 = arith.muli %scan3A_178, %mul3A_1045 : i32
        %add3A_1047 = arith.constant 2 : i32
        %add3A_1048 = arith.addi %mul3A_1046, %add3A_1047 : i32
        %get3A_1049 = arith.index_cast %add3A_1048 : i32 to index
        %get3A_1050 = arith.constant 240 : index
        %get3A_1051 = tpu.vector_load %arg17[%get3A_1049, %get3A_1050] {strides = array<i32>} : memref<104x384xf32, #tpu.memory_space<vmem>>, vector<1x16xf32>,
        %get3A_1052 = vector.shape_cast %get3A_1051 : vector<1x16xf32> to vector<16xf32>
        %mul3A_1053 = arith.mulf %get3A_1052, %gather3A_281 : vector<16xf32>
        %mul3A_1054 = arith.constant 4 : i32
        %mul3A_1055 = arith.muli %scan3A_178, %mul3A_1054 : i32
        %add3A_1056 = arith.constant 3 : i32
        %add3A_1057 = arith.addi %mul3A_1055, %add3A_1056 : i32
        %get3A_1058 = arith.index_cast %add3A_1057 : i32 to index
        %get3A_1059 = arith.constant 240 : index
        %get3A_1060 = tpu.vector_load %arg17[%get3A_1058, %get3A_1059] {strides = array<i32>} : memref<104x384xf32, #tpu.memory_space<vmem>>, vector<1x16xf32>,
        %get3A_1061 = vector.shape_cast %get3A_1060 : vector<1x16xf32> to vector<16xf32>
        %mul3A_1062 = arith.mulf %get3A_1061, %gather3A_307 : vector<16xf32>
        %max3A_1063 = arith.maximumf %mul3A_1053, %mul3A_1062 : vector<16xf32>
        %max3A_1064 = arith.maximumf %max3A_1044, %max3A_1063 : vector<16xf32>
        %get3A_1065 = arith.index_cast %scan3A_178 : i32 to index
        %get3A_1066 = arith.constant 240 : index
        %get3A_1067 = tpu.vector_load %arg16[%get3A_1065, %get3A_1066] {strides = array<i32>} : memref<32x384xf32, #tpu.memory_space<vmem>>, vector<1x16xf32>,
        %get3A_1068 = vector.shape_cast %get3A_1067 : vector<1x16xf32> to vector<16xf32>
        %sub3A_1069 = arith.subf %get3A_1068, %max3A_1064 : vector<16xf32>
        %mul3A_1070 = vector.broadcast %squeeze3A_205 : f32 to vector<16xf32>
        %mul3A_1071 = arith.mulf %mul3A_1070, %sub3A_1069 : vector<16xf32>
        %add3A_1072 = arith.addf %max3A_1064, %mul3A_1071 : vector<16xf32>
        %add3A_1073 = arith.addf %scan3A_194, %add3A_1072 : vector<16xf32>
        %mul3A_1074 = arith.constant 4 : i32
        %mul3A_1075 = arith.muli %scan3A_178, %mul3A_1074 : i32
        %add3A_1076 = arith.constant 0 : i32
        %add3A_1077 = arith.addi %mul3A_1075, %add3A_1076 : i32
        %get3A_1078 = arith.index_cast %add3A_1077 : i32 to index
        %get3A_1079 = arith.constant 256 : index
        %get3A_1080 = tpu.vector_load %arg17[%get3A_1078, %get3A_1079] {strides = array<i32>} : memref<104x384xf32, #tpu.memory_space<vmem>>, vector<1x16xf32>,
        %get3A_1081 = vector.shape_cast %get3A_1080 : vector<1x16xf32> to vector<16xf32>
        %mul3A_1082 = arith.mulf %get3A_1081, %gather3A_229 : vector<16xf32>
        %mul3A_1083 = arith.constant 4 : i32
        %mul3A_1084 = arith.muli %scan3A_178, %mul3A_1083 : i32
        %add3A_1085 = arith.constant 1 : i32
        %add3A_1086 = arith.addi %mul3A_1084, %add3A_1085 : i32
        %get3A_1087 = arith.index_cast %add3A_1086 : i32 to index
        %get3A_1088 = arith.constant 256 : index
        %get3A_1089 = tpu.vector_load %arg17[%get3A_1087, %get3A_1088] {strides = array<i32>} : memref<104x384xf32, #tpu.memory_space<vmem>>, vector<1x16xf32>,
        %get3A_1090 = vector.shape_cast %get3A_1089 : vector<1x16xf32> to vector<16xf32>
        %mul3A_1091 = arith.mulf %get3A_1090, %gather3A_255 : vector<16xf32>
        %max3A_1092 = arith.maximumf %mul3A_1082, %mul3A_1091 : vector<16xf32>
        %mul3A_1093 = arith.constant 4 : i32
        %mul3A_1094 = arith.muli %scan3A_178, %mul3A_1093 : i32
        %add3A_1095 = arith.constant 2 : i32
        %add3A_1096 = arith.addi %mul3A_1094, %add3A_1095 : i32
        %get3A_1097 = arith.index_cast %add3A_1096 : i32 to index
        %get3A_1098 = arith.constant 256 : index
        %get3A_1099 = tpu.vector_load %arg17[%get3A_1097, %get3A_1098] {strides = array<i32>} : memref<104x384xf32, #tpu.memory_space<vmem>>, vector<1x16xf32>,
        %get3A_1100 = vector.shape_cast %get3A_1099 : vector<1x16xf32> to vector<16xf32>
        %mul3A_1101 = arith.mulf %get3A_1100, %gather3A_281 : vector<16xf32>
        %mul3A_1102 = arith.constant 4 : i32
        %mul3A_1103 = arith.muli %scan3A_178, %mul3A_1102 : i32
        %add3A_1104 = arith.constant 3 : i32
        %add3A_1105 = arith.addi %mul3A_1103, %add3A_1104 : i32
        %get3A_1106 = arith.index_cast %add3A_1105 : i32 to index
        %get3A_1107 = arith.constant 256 : index
        %get3A_1108 = tpu.vector_load %arg17[%get3A_1106, %get3A_1107] {strides = array<i32>} : memref<104x384xf32, #tpu.memory_space<vmem>>, vector<1x16xf32>,
        %get3A_1109 = vector.shape_cast %get3A_1108 : vector<1x16xf32> to vector<16xf32>
        %mul3A_1110 = arith.mulf %get3A_1109, %gather3A_307 : vector<16xf32>
        %max3A_1111 = arith.maximumf %mul3A_1101, %mul3A_1110 : vector<16xf32>
        %max3A_1112 = arith.maximumf %max3A_1092, %max3A_1111 : vector<16xf32>
        %get3A_1113 = arith.index_cast %scan3A_178 : i32 to index
        %get3A_1114 = arith.constant 256 : index
        %get3A_1115 = tpu.vector_load %arg16[%get3A_1113, %get3A_1114] {strides = array<i32>} : memref<32x384xf32, #tpu.memory_space<vmem>>, vector<1x16xf32>,
        %get3A_1116 = vector.shape_cast %get3A_1115 : vector<1x16xf32> to vector<16xf32>
        %sub3A_1117 = arith.subf %get3A_1116, %max3A_1112 : vector<16xf32>
        %mul3A_1118 = vector.broadcast %squeeze3A_205 : f32 to vector<16xf32>
        %mul3A_1119 = arith.mulf %mul3A_1118, %sub3A_1117 : vector<16xf32>
        %add3A_1120 = arith.addf %max3A_1112, %mul3A_1119 : vector<16xf32>
        %add3A_1121 = arith.addf %scan3A_195, %add3A_1120 : vector<16xf32>
        %mul3A_1122 = arith.constant 4 : i32
        %mul3A_1123 = arith.muli %scan3A_178, %mul3A_1122 : i32
        %add3A_1124 = arith.constant 0 : i32
        %add3A_1125 = arith.addi %mul3A_1123, %add3A_1124 : i32
        %get3A_1126 = arith.index_cast %add3A_1125 : i32 to index
        %get3A_1127 = arith.constant 272 : index
        %get3A_1128 = tpu.vector_load %arg17[%get3A_1126, %get3A_1127] {strides = array<i32>} : memref<104x384xf32, #tpu.memory_space<vmem>>, vector<1x16xf32>,
        %get3A_1129 = vector.shape_cast %get3A_1128 : vector<1x16xf32> to vector<16xf32>
        %mul3A_1130 = arith.mulf %get3A_1129, %gather3A_229 : vector<16xf32>
        %mul3A_1131 = arith.constant 4 : i32
        %mul3A_1132 = arith.muli %scan3A_178, %mul3A_1131 : i32
        %add3A_1133 = arith.constant 1 : i32
        %add3A_1134 = arith.addi %mul3A_1132, %add3A_1133 : i32
        %get3A_1135 = arith.index_cast %add3A_1134 : i32 to index
        %get3A_1136 = arith.constant 272 : index
        %get3A_1137 = tpu.vector_load %arg17[%get3A_1135, %get3A_1136] {strides = array<i32>} : memref<104x384xf32, #tpu.memory_space<vmem>>, vector<1x16xf32>,
        %get3A_1138 = vector.shape_cast %get3A_1137 : vector<1x16xf32> to vector<16xf32>
        %mul3A_1139 = arith.mulf %get3A_1138, %gather3A_255 : vector<16xf32>
        %max3A_1140 = arith.maximumf %mul3A_1130, %mul3A_1139 : vector<16xf32>
        %mul3A_1141 = arith.constant 4 : i32
        %mul3A_1142 = arith.muli %scan3A_178, %mul3A_1141 : i32
        %add3A_1143 = arith.constant 2 : i32
        %add3A_1144 = arith.addi %mul3A_1142, %add3A_1143 : i32
        %get3A_1145 = arith.index_cast %add3A_1144 : i32 to index
        %get3A_1146 = arith.constant 272 : index
        %get3A_1147 = tpu.vector_load %arg17[%get3A_1145, %get3A_1146] {strides = array<i32>} : memref<104x384xf32, #tpu.memory_space<vmem>>, vector<1x16xf32>,
        %get3A_1148 = vector.shape_cast %get3A_1147 : vector<1x16xf32> to vector<16xf32>
        %mul3A_1149 = arith.mulf %get3A_1148, %gather3A_281 : vector<16xf32>
        %mul3A_1150 = arith.constant 4 : i32
        %mul3A_1151 = arith.muli %scan3A_178, %mul3A_1150 : i32
        %add3A_1152 = arith.constant 3 : i32
        %add3A_1153 = arith.addi %mul3A_1151, %add3A_1152 : i32
        %get3A_1154 = arith.index_cast %add3A_1153 : i32 to index
        %get3A_1155 = arith.constant 272 : index
        %get3A_1156 = tpu.vector_load %arg17[%get3A_1154, %get3A_1155] {strides = array<i32>} : memref<104x384xf32, #tpu.memory_space<vmem>>, vector<1x16xf32>,
        %get3A_1157 = vector.shape_cast %get3A_1156 : vector<1x16xf32> to vector<16xf32>
        %mul3A_1158 = arith.mulf %get3A_1157, %gather3A_307 : vector<16xf32>
        %max3A_1159 = arith.maximumf %mul3A_1149, %mul3A_1158 : vector<16xf32>
        %max3A_1160 = arith.maximumf %max3A_1140, %max3A_1159 : vector<16xf32>
        %get3A_1161 = arith.index_cast %scan3A_178 : i32 to index
        %get3A_1162 = arith.constant 272 : index
        %get3A_1163 = tpu.vector_load %arg16[%get3A_1161, %get3A_1162] {strides = array<i32>} : memref<32x384xf32, #tpu.memory_space<vmem>>, vector<1x16xf32>,
        %get3A_1164 = vector.shape_cast %get3A_1163 : vector<1x16xf32> to vector<16xf32>
        %sub3A_1165 = arith.subf %get3A_1164, %max3A_1160 : vector<16xf32>
        %mul3A_1166 = vector.broadcast %squeeze3A_205 : f32 to vector<16xf32>
        %mul3A_1167 = arith.mulf %mul3A_1166, %sub3A_1165 : vector<16xf32>
        %add3A_1168 = arith.addf %max3A_1160, %mul3A_1167 : vector<16xf32>
        %add3A_1169 = arith.addf %scan3A_196, %add3A_1168 : vector<16xf32>
        %mul3A_1170 = arith.constant 4 : i32
        %mul3A_1171 = arith.muli %scan3A_178, %mul3A_1170 : i32
        %add3A_1172 = arith.constant 0 : i32
        %add3A_1173 = arith.addi %mul3A_1171, %add3A_1172 : i32
        %get3A_1174 = arith.index_cast %add3A_1173 : i32 to index
        %get3A_1175 = arith.constant 288 : index
        %get3A_1176 = tpu.vector_load %arg17[%get3A_1174, %get3A_1175] {strides = array<i32>} : memref<104x384xf32, #tpu.memory_space<vmem>>, vector<1x16xf32>,
        %get3A_1177 = vector.shape_cast %get3A_1176 : vector<1x16xf32> to vector<16xf32>
        %mul3A_1178 = arith.mulf %get3A_1177, %gather3A_229 : vector<16xf32>
        %mul3A_1179 = arith.constant 4 : i32
        %mul3A_1180 = arith.muli %scan3A_178, %mul3A_1179 : i32
        %add3A_1181 = arith.constant 1 : i32
        %add3A_1182 = arith.addi %mul3A_1180, %add3A_1181 : i32
        %get3A_1183 = arith.index_cast %add3A_1182 : i32 to index
        %get3A_1184 = arith.constant 288 : index
        %get3A_1185 = tpu.vector_load %arg17[%get3A_1183, %get3A_1184] {strides = array<i32>} : memref<104x384xf32, #tpu.memory_space<vmem>>, vector<1x16xf32>,
        %get3A_1186 = vector.shape_cast %get3A_1185 : vector<1x16xf32> to vector<16xf32>
        %mul3A_1187 = arith.mulf %get3A_1186, %gather3A_255 : vector<16xf32>
        %max3A_1188 = arith.maximumf %mul3A_1178, %mul3A_1187 : vector<16xf32>
        %mul3A_1189 = arith.constant 4 : i32
        %mul3A_1190 = arith.muli %scan3A_178, %mul3A_1189 : i32
        %add3A_1191 = arith.constant 2 : i32
        %add3A_1192 = arith.addi %mul3A_1190, %add3A_1191 : i32
        %get3A_1193 = arith.index_cast %add3A_1192 : i32 to index
        %get3A_1194 = arith.constant 288 : index
        %get3A_1195 = tpu.vector_load %arg17[%get3A_1193, %get3A_1194] {strides = array<i32>} : memref<104x384xf32, #tpu.memory_space<vmem>>, vector<1x16xf32>,
        %get3A_1196 = vector.shape_cast %get3A_1195 : vector<1x16xf32> to vector<16xf32>
        %mul3A_1197 = arith.mulf %get3A_1196, %gather3A_281 : vector<16xf32>
        %mul3A_1198 = arith.constant 4 : i32
        %mul3A_1199 = arith.muli %scan3A_178, %mul3A_1198 : i32
        %add3A_1200 = arith.constant 3 : i32
        %add3A_1201 = arith.addi %mul3A_1199, %add3A_1200 : i32
        %get3A_1202 = arith.index_cast %add3A_1201 : i32 to index
        %get3A_1203 = arith.constant 288 : index
        %get3A_1204 = tpu.vector_load %arg17[%get3A_1202, %get3A_1203] {strides = array<i32>} : memref<104x384xf32, #tpu.memory_space<vmem>>, vector<1x16xf32>,
        %get3A_1205 = vector.shape_cast %get3A_1204 : vector<1x16xf32> to vector<16xf32>
        %mul3A_1206 = arith.mulf %get3A_1205, %gather3A_307 : vector<16xf32>
        %max3A_1207 = arith.maximumf %mul3A_1197, %mul3A_1206 : vector<16xf32>
        %max3A_1208 = arith.maximumf %max3A_1188, %max3A_1207 : vector<16xf32>
        %get3A_1209 = arith.index_cast %scan3A_178 : i32 to index
        %get3A_1210 = arith.constant 288 : index
        %get3A_1211 = tpu.vector_load %arg16[%get3A_1209, %get3A_1210] {strides = array<i32>} : memref<32x384xf32, #tpu.memory_space<vmem>>, vector<1x16xf32>,
        %get3A_1212 = vector.shape_cast %get3A_1211 : vector<1x16xf32> to vector<16xf32>
        %sub3A_1213 = arith.subf %get3A_1212, %max3A_1208 : vector<16xf32>
        %mul3A_1214 = vector.broadcast %squeeze3A_205 : f32 to vector<16xf32>
        %mul3A_1215 = arith.mulf %mul3A_1214, %sub3A_1213 : vector<16xf32>
        %add3A_1216 = arith.addf %max3A_1208, %mul3A_1215 : vector<16xf32>
        %add3A_1217 = arith.addf %scan3A_197, %add3A_1216 : vector<16xf32>
        scf.yield %add3A_353, %add3A_401, %add3A_449, %add3A_497, %add3A_545, %add3A_593, %add3A_641, %add3A_689, %add3A_737, %add3A_785, %add3A_833, %add3A_881, %add3A_929, %add3A_977, %add3A_1025, %add3A_1073, %add3A_1121, %add3A_1169, %add3A_1217 : vector<16xf32>, vector<16xf32>, vector<16xf32>, vector<16xf32>, vector<16xf32>, vector<16xf32>, vector<16xf32>, vector<16xf32>, vector<16xf32>, vector<16xf32>, vector<16xf32>, vector<16xf32>, vector<16xf32>, vector<16xf32>, vector<16xf32>, vector<16xf32>, vector<16xf32>, vector<16xf32>, vector<16xf32>
      }
      %scan3A_99 = arith.constant 25 : i32
      %swap3A = arith.constant 0 : index
      %swap3A_100 = tpu.vector_load %arg20[%swap3A] {strides = array<i32>} : memref<304xf32, #tpu.memory_space<vmem>>, vector<16xf32>,
      %swap3A_101 = vector.shape_cast %swap3A_100 : vector<16xf32> to vector<16xf32>
      %swap3A_102 = vector.shape_cast %scan3A_98#0 : vector<16xf32> to vector<16xf32>
      tpu.vector_store %arg20[%swap3A], %swap3A_102 {strides = array<i32>} : memref<304xf32, #tpu.memory_space<vmem>>, vector<16xf32>,
      %swap3A_103 = arith.constant 16 : index
      %swap3A_104 = tpu.vector_load %arg20[%swap3A_103] {strides = array<i32>} : memref<304xf32, #tpu.memory_space<vmem>>, vector<16xf32>,
      %swap3A_105 = vector.shape_cast %swap3A_104 : vector<16xf32> to vector<16xf32>
      %swap3A_106 = vector.shape_cast %scan3A_98#1 : vector<16xf32> to vector<16xf32>
      tpu.vector_store %arg20[%swap3A_103], %swap3A_106 {strides = array<i32>} : memref<304xf32, #tpu.memory_space<vmem>>, vector<16xf32>,
      %swap3A_107 = arith.constant 32 : index
      %swap3A_108 = tpu.vector_load %arg20[%swap3A_107] {strides = array<i32>} : memref<304xf32, #tpu.memory_space<vmem>>, vector<16xf32>,
      %swap3A_109 = vector.shape_cast %swap3A_108 : vector<16xf32> to vector<16xf32>
      %swap3A_110 = vector.shape_cast %scan3A_98#2 : vector<16xf32> to vector<16xf32>
      tpu.vector_store %arg20[%swap3A_107], %swap3A_110 {strides = array<i32>} : memref<304xf32, #tpu.memory_space<vmem>>, vector<16xf32>,
      %swap3A_111 = arith.constant 48 : index
      %swap3A_112 = tpu.vector_load %arg20[%swap3A_111] {strides = array<i32>} : memref<304xf32, #tpu.memory_space<vmem>>, vector<16xf32>,
      %swap3A_113 = vector.shape_cast %swap3A_112 : vector<16xf32> to vector<16xf32>
      %swap3A_114 = vector.shape_cast %scan3A_98#3 : vector<16xf32> to vector<16xf32>
      tpu.vector_store %arg20[%swap3A_111], %swap3A_114 {strides = array<i32>} : memref<304xf32, #tpu.memory_space<vmem>>, vector<16xf32>,
      %swap3A_115 = arith.constant 64 : index
      %swap3A_116 = tpu.vector_load %arg20[%swap3A_115] {strides = array<i32>} : memref<304xf32, #tpu.memory_space<vmem>>, vector<16xf32>,
      %swap3A_117 = vector.shape_cast %swap3A_116 : vector<16xf32> to vector<16xf32>
      %swap3A_118 = vector.shape_cast %scan3A_98#4 : vector<16xf32> to vector<16xf32>
      tpu.vector_store %arg20[%swap3A_115], %swap3A_118 {strides = array<i32>} : memref<304xf32, #tpu.memory_space<vmem>>, vector<16xf32>,
      %swap3A_119 = arith.constant 80 : index
      %swap3A_120 = tpu.vector_load %arg20[%swap3A_119] {strides = array<i32>} : memref<304xf32, #tpu.memory_space<vmem>>, vector<16xf32>,
      %swap3A_121 = vector.shape_cast %swap3A_120 : vector<16xf32> to vector<16xf32>
      %swap3A_122 = vector.shape_cast %scan3A_98#5 : vector<16xf32> to vector<16xf32>
      tpu.vector_store %arg20[%swap3A_119], %swap3A_122 {strides = array<i32>} : memref<304xf32, #tpu.memory_space<vmem>>, vector<16xf32>,
      %swap3A_123 = arith.constant 96 : index
      %swap3A_124 = tpu.vector_load %arg20[%swap3A_123] {strides = array<i32>} : memref<304xf32, #tpu.memory_space<vmem>>, vector<16xf32>,
      %swap3A_125 = vector.shape_cast %swap3A_124 : vector<16xf32> to vector<16xf32>
      %swap3A_126 = vector.shape_cast %scan3A_98#6 : vector<16xf32> to vector<16xf32>
      tpu.vector_store %arg20[%swap3A_123], %swap3A_126 {strides = array<i32>} : memref<304xf32, #tpu.memory_space<vmem>>, vector<16xf32>,
      %swap3A_127 = arith.constant 112 : index
      %swap3A_128 = tpu.vector_load %arg20[%swap3A_127] {strides = array<i32>} : memref<304xf32, #tpu.memory_space<vmem>>, vector<16xf32>,
      %swap3A_129 = vector.shape_cast %swap3A_128 : vector<16xf32> to vector<16xf32>
      %swap3A_130 = vector.shape_cast %scan3A_98#7 : vector<16xf32> to vector<16xf32>
      tpu.vector_store %arg20[%swap3A_127], %swap3A_130 {strides = array<i32>} : memref<304xf32, #tpu.memory_space<vmem>>, vector<16xf32>,
      %swap3A_131 = arith.constant 128 : index
      %swap3A_132 = tpu.vector_load %arg20[%swap3A_131] {strides = array<i32>} : memref<304xf32, #tpu.memory_space<vmem>>, vector<16xf32>,
      %swap3A_133 = vector.shape_cast %swap3A_132 : vector<16xf32> to vector<16xf32>
      %swap3A_134 = vector.shape_cast %scan3A_98#8 : vector<16xf32> to vector<16xf32>
      tpu.vector_store %arg20[%swap3A_131], %swap3A_134 {strides = array<i32>} : memref<304xf32, #tpu.memory_space<vmem>>, vector<16xf32>,
      %swap3A_135 = arith.constant 144 : index
      %swap3A_136 = tpu.vector_load %arg20[%swap3A_135] {strides = array<i32>} : memref<304xf32, #tpu.memory_space<vmem>>, vector<16xf32>,
      %swap3A_137 = vector.shape_cast %swap3A_136 : vector<16xf32> to vector<16xf32>
      %swap3A_138 = vector.shape_cast %scan3A_98#9 : vector<16xf32> to vector<16xf32>
      tpu.vector_store %arg20[%swap3A_135], %swap3A_138 {strides = array<i32>} : memref<304xf32, #tpu.memory_space<vmem>>, vector<16xf32>,
      %swap3A_139 = arith.constant 160 : index
      %swap3A_140 = tpu.vector_load %arg20[%swap3A_139] {strides = array<i32>} : memref<304xf32, #tpu.memory_space<vmem>>, vector<16xf32>,
      %swap3A_141 = vector.shape_cast %swap3A_140 : vector<16xf32> to vector<16xf32>
      %swap3A_142 = vector.shape_cast %scan3A_98#10 : vector<16xf32> to vector<16xf32>
      tpu.vector_store %arg20[%swap3A_139], %swap3A_142 {strides = array<i32>} : memref<304xf32, #tpu.memory_space<vmem>>, vector<16xf32>,
      %swap3A_143 = arith.constant 176 : index
      %swap3A_144 = tpu.vector_load %arg20[%swap3A_143] {strides = array<i32>} : memref<304xf32, #tpu.memory_space<vmem>>, vector<16xf32>,
      %swap3A_145 = vector.shape_cast %swap3A_144 : vector<16xf32> to vector<16xf32>
      %swap3A_146 = vector.shape_cast %scan3A_98#11 : vector<16xf32> to vector<16xf32>
      tpu.vector_store %arg20[%swap3A_143], %swap3A_146 {strides = array<i32>} : memref<304xf32, #tpu.memory_space<vmem>>, vector<16xf32>,
      %swap3A_147 = arith.constant 192 : index
      %swap3A_148 = tpu.vector_load %arg20[%swap3A_147] {strides = array<i32>} : memref<304xf32, #tpu.memory_space<vmem>>, vector<16xf32>,
      %swap3A_149 = vector.shape_cast %swap3A_148 : vector<16xf32> to vector<16xf32>
      %swap3A_150 = vector.shape_cast %scan3A_98#12 : vector<16xf32> to vector<16xf32>
      tpu.vector_store %arg20[%swap3A_147], %swap3A_150 {strides = array<i32>} : memref<304xf32, #tpu.memory_space<vmem>>, vector<16xf32>,
      %swap3A_151 = arith.constant 208 : index
      %swap3A_152 = tpu.vector_load %arg20[%swap3A_151] {strides = array<i32>} : memref<304xf32, #tpu.memory_space<vmem>>, vector<16xf32>,
      %swap3A_153 = vector.shape_cast %swap3A_152 : vector<16xf32> to vector<16xf32>
      %swap3A_154 = vector.shape_cast %scan3A_98#13 : vector<16xf32> to vector<16xf32>
      tpu.vector_store %arg20[%swap3A_151], %swap3A_154 {strides = array<i32>} : memref<304xf32, #tpu.memory_space<vmem>>, vector<16xf32>,
      %swap3A_155 = arith.constant 224 : index
      %swap3A_156 = tpu.vector_load %arg20[%swap3A_155] {strides = array<i32>} : memref<304xf32, #tpu.memory_space<vmem>>, vector<16xf32>,
      %swap3A_157 = vector.shape_cast %swap3A_156 : vector<16xf32> to vector<16xf32>
      %swap3A_158 = vector.shape_cast %scan3A_98#14 : vector<16xf32> to vector<16xf32>
      tpu.vector_store %arg20[%swap3A_155], %swap3A_158 {strides = array<i32>} : memref<304xf32, #tpu.memory_space<vmem>>, vector<16xf32>,
      %swap3A_159 = arith.constant 240 : index
      %swap3A_160 = tpu.vector_load %arg20[%swap3A_159] {strides = array<i32>} : memref<304xf32, #tpu.memory_space<vmem>>, vector<16xf32>,
      %swap3A_161 = vector.shape_cast %swap3A_160 : vector<16xf32> to vector<16xf32>
      %swap3A_162 = vector.shape_cast %scan3A_98#15 : vector<16xf32> to vector<16xf32>
      tpu.vector_store %arg20[%swap3A_159], %swap3A_162 {strides = array<i32>} : memref<304xf32, #tpu.memory_space<vmem>>, vector<16xf32>,
      %swap3A_163 = arith.constant 256 : index
      %swap3A_164 = tpu.vector_load %arg20[%swap3A_163] {strides = array<i32>} : memref<304xf32, #tpu.memory_space<vmem>>, vector<16xf32>,
      %swap3A_165 = vector.shape_cast %swap3A_164 : vector<16xf32> to vector<16xf32>
      %swap3A_166 = vector.shape_cast %scan3A_98#16 : vector<16xf32> to vector<16xf32>
      tpu.vector_store %arg20[%swap3A_163], %swap3A_166 {strides = array<i32>} : memref<304xf32, #tpu.memory_space<vmem>>, vector<16xf32>,
      %swap3A_167 = arith.constant 272 : index
      %swap3A_168 = tpu.vector_load %arg20[%swap3A_167] {strides = array<i32>} : memref<304xf32, #tpu.memory_space<vmem>>, vector<16xf32>,
      %swap3A_169 = vector.shape_cast %swap3A_168 : vector<16xf32> to vector<16xf32>
      %swap3A_170 = vector.shape_cast %scan3A_98#17 : vector<16xf32> to vector<16xf32>
      tpu.vector_store %arg20[%swap3A_167], %swap3A_170 {strides = array<i32>} : memref<304xf32, #tpu.memory_space<vmem>>, vector<16xf32>,
      %swap3A_171 = arith.constant 288 : index
      %swap3A_172 = tpu.vector_load %arg20[%swap3A_171] {strides = array<i32>} : memref<304xf32, #tpu.memory_space<vmem>>, vector<16xf32>,
      %swap3A_173 = vector.shape_cast %swap3A_172 : vector<16xf32> to vector<16xf32>
      %swap3A_174 = vector.shape_cast %scan3A_98#18 : vector<16xf32> to vector<16xf32>
      tpu.vector_store %arg20[%swap3A_171], %swap3A_174 {strides = array<i32>} : memref<304xf32, #tpu.memory_space<vmem>>, vector<16xf32>,
      %mul3A_175 = arith.constant 32 : i32
      %mul3A_176 = arith.muli %add3A, %mul3A_175 : i32
      %add3A_177 = arith.addi %mul3A_176, %scan3A_8 : i32
      "tpu.region"() ({
        %run_scoped3A = tpu.sem_alloc : memref<!tpu.dma_semaphore, #tpu.memory_space<semaphore_mem>>
        %dma_start3A_178 = arith.constant 0 : i32
        %dma_start3A_179 = tpu.memref_slice %arg10[%add3A_177, %dma_start3A_178] : memref<1024x304xf32, #tpu.memory_space<hbm>> -> memref<1x304xf32, #tpu.memory_space<hbm>>
        %dma_start3A_180 = tpu.memref_squeeze %dma_start3A_179 : memref<1x304xf32, #tpu.memory_space<hbm>> -> memref<304xf32, #tpu.memory_space<hbm>>
        %dma_start3A_181 = arith.constant 0 : i32
        %dma_start3A_182 = tpu.memref_slice %arg10[%add3A_177, %dma_start3A_181] : memref<1024x304xf32, #tpu.memory_space<hbm>> -> memref<1x304xf32, #tpu.memory_space<hbm>>
        %dma_start3A_183 = tpu.memref_squeeze %dma_start3A_182 : memref<1x304xf32, #tpu.memory_space<hbm>> -> memref<304xf32, #tpu.memory_space<hbm>>
        tpu.enqueue_dma source(%arg20 : memref<304xf32, #tpu.memory_space<vmem>>) target(%dma_start3A_183 : memref<304xf32, #tpu.memory_space<hbm>>) target_semaphore(%run_scoped3A : memref<!tpu.dma_semaphore, #tpu.memory_space<semaphore_mem>>)
        %dma_wait3A_184 = arith.constant 0 : i32
        %dma_wait3A_185 = tpu.memref_slice %arg10[%add3A_177, %dma_wait3A_184] : memref<1024x304xf32, #tpu.memory_space<hbm>> -> memref<1x304xf32, #tpu.memory_space<hbm>>
        %dma_wait3A_186 = tpu.memref_squeeze %dma_wait3A_185 : memref<1x304xf32, #tpu.memory_space<hbm>> -> memref<304xf32, #tpu.memory_space<hbm>>
        %dma_wait3A_187 = arith.constant 0 : i32
        %dma_wait3A_188 = tpu.memref_slice %arg10[%add3A_177, %dma_wait3A_187] : memref<1024x304xf32, #tpu.memory_space<hbm>> -> memref<1x304xf32, #tpu.memory_space<hbm>>
        %dma_wait3A_189 = tpu.memref_squeeze %dma_wait3A_188 : memref<1x304xf32, #tpu.memory_space<hbm>> -> memref<304xf32, #tpu.memory_space<hbm>>
        tpu.wait_dma2 semaphore(%run_scoped3A : memref<!tpu.dma_semaphore, #tpu.memory_space<semaphore_mem>>) src(%arg20 : memref<304xf32, #tpu.memory_space<vmem>>) dst(%dma_wait3A_189 : memref<304xf32, #tpu.memory_space<hbm>>)
        tpu.yield
      }) : () -> ()
    }
    %scan3A_7 = arith.constant 32 : i32
    return
  }
}

module attributes {stable_mosaic.version = 14 : i64} {
  func.func @_tc_head(%arg0: memref<1024x304xf32, #tpu.memory_space<vmem>>, %arg1: memref<14x304xf32, #tpu.memory_space<vmem>>, %arg2: memref<1x14xf32, #tpu.memory_space<vmem>>, %arg3: memref<1024x14xf32, #tpu.memory_space<vmem>>) attributes {dimension_semantics = [], scalar_prefetch = 0 : i64, scratch_operands = 0 : i64, tpu.core_type = #tpu.core_type<tc>} {
    %get3A = arith.constant 0 : index
    %get3A_0 = arith.constant 0 : index
    %get3A_1 = vector.load %arg0[%get3A, %get3A_0] : memref<1024x304xf32, #tpu.memory_space<vmem>>, vector<1024x304xf32>
    %get3A_2 = arith.constant 0 : index
    %get3A_3 = arith.constant 0 : index
    %get3A_4 = vector.load %arg1[%get3A_2, %get3A_3] : memref<14x304xf32, #tpu.memory_space<vmem>>, vector<14x304xf32>
    %dot_general3A = arith.constant dense<0.000000e+00> : vector<1024x14xf32>
    %dot_general3A_5 = tpu.matmul %get3A_1, %get3A_4, %dot_general3A {dimension_numbers = #tpu.dot_dimension_numbers<[1], [1], [0], [0], [0, 0, 1, 0], [], []>, transpose_lhs_hint = false} : vector<1024x304xf32>, vector<14x304xf32>, vector<1024x14xf32> -> vector<1024x14xf32>
    %get3A_6 = arith.constant 0 : index
    %get3A_7 = arith.constant 0 : index
    %get3A_8 = vector.load %arg2[%get3A_6, %get3A_7] : memref<1x14xf32, #tpu.memory_space<vmem>>, vector<1x14xf32>
    %add3A = vector.broadcast %get3A_8 : vector<1x14xf32> to vector<1024x14xf32>
    %add3A_9 = arith.addf %dot_general3A_5, %add3A : vector<1024x14xf32>
    %max3A = arith.constant 0.000000e+00 : f32
    %max3A_10 = vector.broadcast %max3A : f32 to vector<1024x14xf32>
    %max3A_11 = arith.maximumf %add3A_9, %max3A_10 : vector<1024x14xf32>
    %reduce_max3A = arith.constant dense<0xFF800000> : vector<1024xf32>
    %reduce_max3A_12 = vector.multi_reduction <maximumf>, %max3A_11, %reduce_max3A [1] : vector<1024x14xf32> to vector<1024xf32>
    %broadcast_in_dim3A = vector.shape_cast %reduce_max3A_12 : vector<1024xf32> to vector<1024x1xf32>
    %sub3A = vector.broadcast %broadcast_in_dim3A : vector<1024x1xf32> to vector<1024x14xf32>
    %sub3A_13 = arith.subf %max3A_11, %sub3A : vector<1024x14xf32>
    %exp3A = math.exp %sub3A_13 : vector<1024x14xf32>
    %reduce_sum3A = arith.constant dense<0.000000e+00> : vector<1024xf32>
    %reduce_sum3A_14 = vector.multi_reduction <add>, %exp3A, %reduce_sum3A [1] : vector<1024x14xf32> to vector<1024xf32>
    %broadcast_in_dim3A_15 = vector.shape_cast %reduce_sum3A_14 : vector<1024xf32> to vector<1024x1xf32>
    %div3A = vector.broadcast %broadcast_in_dim3A_15 : vector<1024x1xf32> to vector<1024x14xf32>
    %div3A_16 = arith.divf %exp3A, %div3A : vector<1024x14xf32>
    %swap3A = arith.constant 0 : index
    %swap3A_17 = arith.constant 0 : index
    %swap3A_18 = vector.load %arg3[%swap3A, %swap3A_17] : memref<1024x14xf32, #tpu.memory_space<vmem>>, vector<1024x14xf32>
    tpu.vector_store %arg3[%swap3A, %swap3A_17], %div3A_16 {strides = array<i32>} : memref<1024x14xf32, #tpu.memory_space<vmem>>, vector<1024x14xf32>,
    return
  }
}

</mosaic_0001>

<sc_bundles>
// kernel: kernel.4.cloned.1.call-start
scs
__scs_entry_jumppad:
0x0: {  	(pc) =	sbr.rel $0x88, $3  }
0x1: {  	(tag) =	ssettag $0x0;
	lr =	simm.s32 $0x1  }
0x2: {  	[smem:$0x3F99] =	sst lr;
	_ =	strace $0xD0000000  }
0x3: {  	_ = 	snop  }
0x4: {  	_ = 	snop  }
0x5: {  	_ = 	snop  }
0x6: {  	_ = 	snop  }
0x7: {  	_ = 	snop  }
__scs_overlays_trampoline_lowered:
0x8: {  	[smem:$0x3FA8] =	sst s0  }
0x9: {  	[smem:$0x3FA9] =	sst s1  }
0xa: {  	[smem:$0x3FAA] =	sst s2  }
0xb: {  	[smem:$0x3FAB] =	sst s3  }
0xc: {  	[smem:$0x3FAC] =	sst s4  }
0xd: {  	[smem:$0x3FAD] =	sst s5  }
0xe: {  	[smem:$0x3FAE] =	sst s6  }
0xf: {  	[smem:$0x3FAF] =	sst s7  }
0x10: {  	[smem:$0x3FB0] =	sst s8  }
0x11: {  	[smem:$0x3FB1] =	sst s9;
	s0 =	simm.s32 @!p0 $0x0  }
0x12: {  	s1 =	sld [smem:$0x3F97];
	s0 =	simm.s32 @p0 $0x1  }
0x13: {  	[smem:$0x3FB2] =	sst s0;
	s0 =	simm.s32 @!p1 $0x0  }
0x14: {  	s2 =	sld [smem:$0x3F96];
	s0 =	simm.s32 @p1 $0x1  }
0x15: {  	[smem:$0x3FB3] =	sst s0;
	s0 =	simm.s32 @!p2 $0x0  }
0x16: {  	s3 =	sld [smem:$0x3FDB];
	s0 =	simm.s32 @p2 $0x1  }
0x17: {  	s4 =	simm.s32 $0x1BF5;
	[smem:$0x3FB5] =	sst s0  }
0x18: {  	s0 =	sld [smem:$0x3F98];
	_ =	swait.ge [sflag:s4], $0x0  }
0x19: {  	s7 =	sld [smem:$0x3F99]  }
0x1a: {  	s8 =	sadd.s32 $0xFFFFE003, lr  }
0x1b: {  	s9 =	sadd.s32 $0xFFFFFEF7, lr;
	s5 =	simm.s32 $0xFFFFFFFF;
	p2 =	slt.u32 s8, $0xFFFFF086  }
0x1c: {  	p1 =	slt.u32 s9, $0xF7A;
	s5 =	simm.s32 @!p2 $0x0  }
0x1d: {  	s5 =	simm.s32 @p1 $0x1;
	p0 =	seq.s32 s7, s2  }
0x1e: {  	s7 =	smul.u32 @!p0 $0xF7A, s2;
	p2 =	seq.s32 @!p0 s5, $0x0  }
0x1f: {  	s9 =	smul.u32 $0xF7A, s1;
	s8 =	simm.s32 @!p0 $0x1BF5;
	p2 =	por !p2, p0  }
0x20: {  	[sflag:s8] =	ssyncset.s32 @!p0 $0xFFFFF086;
	s6 =	sadd.s32 @!p0 s3, s7;
	s7 =	simm.s32 @!p0 $0x108  }
0x21: {  	s3 =	sadd.s32 s3, s9;
	s6 =	sadd.s32 @!p0 $0x88, s6;
	s7 =	simm.s32 @p2 $0x1082  }
0x22: {  	[simem:s7], [sflag:s8] =	dma.local @!p0 [hbm:s6], $0xF7A  }
0x23: {  	s9 =	sor.u32 $0xD0000000, s2;
	s6 =	simm.s32 $0x108;
	_ =	swait.ge @!p0 [sflag:s8], $0x0  }
0x24: {  	s3 =	sadd.s32 $0x88, s3;
	s6 =	simm.s32 @!p1 $0x1082;
	[sflag:s4] =	ssyncset.s32 $0xFFFFF086  }
0x25: {  	[simem:s6], [sflag:s4] =	dma.local [hbm:s3], $0xF7A  }
0x26: {  	[smem:$0x3F99] =	sst s1;
	(tag) =	ssettag s2;
	_ =	strace s9  }
0x27: {  	s1 =	sld [smem:$0x3FA9]  }
0x28: {  	s2 =	sld [smem:$0x3FAA]  }
0x29: {  	s4 =	sld [smem:$0x3FAC]  }
0x2a: {  	p0 =	seq.s32 s5, $0x0;
	s5 =	sld [smem:$0x3FAD]  }
0x2b: {  	s6 =	sld [smem:$0x3FAE]  }
0x2c: {  	s7 =	sld [smem:$0x3FAF]  }
0x2d: {  	s3 =	simm.s32 $0x108;
	s8 =	sld [smem:$0x3FB0]  }
0x2e: {  	s3 =	simm.s32 @!p0 $0x1082;
	s9 =	sld [smem:$0x3FB1]  }
0x2f: {  	lr =	sadd.s32 s0, s3;
	s0 =	sld [smem:$0x3FA8]  }
0x30: {  	s3 =	sld [smem:$0x3FAB]  }
0x31: {  	[smem:$0x3FB4] =	sst s10  }
0x32: {  	s10 =	sld [smem:$0x3FB2];
	_ =	sdelay $0x3  }
0x33: {  	p0 =	seq.s32 s10, $0x1;
	s10 =	sld [smem:$0x3FB4];
	_ =	sdelay $0x3  }
0x34: {  	[smem:$0x3FB4] =	sst s10  }
0x35: {  	s10 =	sld [smem:$0x3FB3];
	_ =	sdelay $0x3  }
0x36: {  	p1 =	seq.s32 s10, $0x1;
	s10 =	sld [smem:$0x3FB4];
	_ =	sdelay $0x3  }
0x37: {  	[smem:$0x3FB4] =	sst s10  }
0x38: {  	s10 =	sld [smem:$0x3FB5]  }
0x39: {  	_ = 	snop;
	(pc) =	sbr.ind lr, $3  }
0x3a: {  	_ = 	snop  }
0x3b: {  	_ = 	snop  }
0x3c: {  	p2 =	seq.s32 s10, $0x1;
	s10 =	sld [smem:$0x3FB4]  }
0x3d: {  	_ =	shalt  }
0x3e: {  	_ =	shalt  }
0x3f: {  	_ =	shalt  }
0x40: {  	_ =	shalt  }
0x41: {  	_ =	shalt  }
0x42: {  	_ =	shalt  }
0x43: {  	_ =	shalt  }
0x44: {  	_ =	shalt  }
0x45: {  	_ =	shalt  }
0x46: {  	_ =	shalt  }
0x47: {  	_ =	shalt  }
0x48: {  	_ =	shalt  }
0x49: {  	_ =	shalt  }
0x4a: {  	_ =	shalt  }
0x4b: {  	_ =	shalt  }
0x4c: {  	_ =	shalt  }
0x4d: {  	_ =	shalt  }
0x4e: {  	_ =	shalt  }
0x4f: {  	_ =	shalt  }
0x50: {  	_ =	shalt  }
0x51: {  	_ =	shalt  }
0x52: {  	_ =	shalt  }
0x53: {  	_ =	shalt  }
0x54: {  	_ =	shalt  }
0x55: {  	_ =	shalt  }
0x56: {  	_ =	shalt  }
0x57: {  	_ =	shalt  }
0x58: {  	_ =	shalt  }
0x59: {  	_ =	shalt  }
0x5a: {  	_ =	shalt  }
0x5b: {  	_ =	shalt  }
0x5c: {  	_ =	shalt  }
0x5d: {  	_ =	shalt  }
0x5e: {  	_ =	shalt  }
0x5f: {  	_ =	shalt  }
0x60: {  	_ =	shalt  }
0x61: {  	_ =	shalt  }
0x62: {  	_ =	shalt  }
0x63: {  	_ =	shalt  }
0x64: {  	_ =	shalt  }
0x65: {  	_ =	shalt  }
0x66: {  	_ =	shalt  }
0x67: {  	_ =	shalt  }
0x68: {  	_ =	shalt  }
0x69: {  	_ =	shalt  }
0x6a: {  	_ =	shalt  }
0x6b: {  	_ =	shalt  }
0x6c: {  	_ =	shalt  }
0x6d: {  	_ =	shalt  }
0x6e: {  	_ =	shalt  }
0x6f: {  	_ =	shalt  }
0x70: {  	_ =	shalt  }
0x71: {  	_ =	shalt  }
0x72: {  	_ =	shalt  }
0x73: {  	_ =	shalt  }
0x74: {  	_ =	shalt  }
0x75: {  	_ =	shalt  }
0x76: {  	_ =	shalt  }
0x77: {  	_ =	shalt  }
0x78: {  	_ =	shalt  }
0x79: {  	_ =	shalt  }
0x7a: {  	_ =	shalt  }
0x7b: {  	_ =	shalt  }
0x7c: {  	_ =	shalt  }
0x7d: {  	_ =	shalt  }
0x7e: {  	_ =	shalt  }
0x7f: {  	_ =	shalt  }
0x80: {  	_ =	shalt  }
0x81: {  	_ =	shalt  }
0x82: {  	_ =	shalt  }
0x83: {  	_ =	shalt  }
0x84: {  	_ =	shalt  }
0x85: {  	_ =	shalt  }
0x86: {  	_ =	shalt  }
0x87: {  	_ =	shalt  }
.Lfunc_end0:
.L_simem_size_0:
called_computation_lowered:
.L_overlay_start_0:
0x88: {  	s2 =	sld [smem:$0x3FD9]  }
0x89: {  	s3 =	sld [smem:$0x3FFE];
	_ =	sdelay $0x1  }
0x8a: {  	s1 =	srdreg.scid  }
0x8b: {  	s0 =	sand.u32 $0x1, s1  }
0x8c: {  	s17 =	sshll.u32 s0, $0xA;
	s2 =	sadd.s32 s3, s2  }
0x8d: {  	s2 =	sadd.s32 s2, s17  }
0x8e: {  	[smem:$0x3FC0] =	sst s2  }
0x8f: {  	_ = 	snop  }
0x90: {  	s2 =	sld [smem:$0x3FD0];
	(tm) =	ssettm $0x1  }
0x91: {  	s18 =	sld [smem:$0x3FFB];
	_ =	sdelay $0x3  }
0x92: {  	_ =	strace s18  }
0x93: {  	s3 =	sld [smem:$0x3FFC];
	_ =	sdelay $0x3  }
0x94: {  	_ =	strace s3  }
0x95: {  	s3 =	sld [smem:$0x3FFD];
	_ =	sdelay $0x3  }
0x96: {  	_ =	strace s3  }
0x97: {  	_ =	strace $0x8FFFFFFF  }
0x98: {  	s19 =	sld [smem:$0x3FDB];
	_ =	sdelay $0x1  }
0x99: {  	s4 =	simm.s32 $_scs_section_size  }
0x9a: {  	s5 =	simm.s32 $_size__tile_overlayer_lowered;
	s6 =	simm.s32 $_tile_overlayer_lowered  }
0x9b: {  	s22 =	simm.s32 $0x1BFF;
	s21 =	sshll.u32 s6, $0x1;
	s3 =	sadd.s32 s4, s19  }
0x9c: {  	s7 =	simm.s32 $0x0;
	s20 =	sshll.u32 s5, $0x1;
	s5 =	sadd.s32 s21, s3  }
0x9d: {  	[timem:s7], [sflag:s22] =	dma.local [hbm:s5], s20  }
0x9e: {  	_ =	swait.ge [sflag:s22], s20  }
0x9f: {  	s4 =	ssub.s32 $0x0, s20;
	[sflag:s22] =	ssyncset.done $0x0  }
0xa0: {  	[sflag:s22] =	ssyncadd.s32 s4;
	_ =	sdelay $0x1  }
0xa1: {  	s23 =	simm.s32 $0x1B8B  }
0xa2: {  	_ =	swait.ge [sflag:s23], $0x1  }
0xa3: {  	[sflag:s23] =	ssyncset.done $0x0  }
0xa4: {  	s25 =	simm.s32 $0x1B8E;
	s24 =	sld [smem:$0x3FFE];
	[sflag:s23] =	ssyncadd.s32 $0xFFFFFFFF  }
0xa5: {  	s26 =	simm.s32 $execute0_lowered;
	[smem:$0x3FD2] =	sst s25  }
0xa6: {  	s5 =	sshll.u32 s26, $0x1;
	_ =	strace $0x80000046;
	[dreg:$0x1] =	wrdreg $0xFFFFFFFF  }
0xa7: {  	s28 =	simm.s32 $_size_execute0_lowered;
	s3 =	sadd.s32 s3, s5;
	[dreg:$0x0] =	wrdreg $0x0  }
0xa8: {  	s5 =	sshll.u32 s28, $0x1;
	[dreg:$0x2] =	wrdreg s3  }
0xa9: {  	[dreg:$0x3] =	wrdreg s5  }
0xaa: {  	[dreg:$0x4] =	wrdreg $0xC0  }
0xab: {  	_ =	task [dreg:s7], $0x5FFFF  }
0xac: {  	[dreg:$0x1] =	wrdreg $0xFFFFFFFF  }
0xad: {  	[dreg:$0x0] =	wrdreg $0x60  }
0xae: {  	[dreg:$0x2] =	wrdreg s24  }
0xaf: {  	[dreg:$0x3] =	wrdreg s2  }
0xb0: {  	[dreg:$0x4] =	wrdreg $0x9  }
0xb1: {  	_ =	task.clear_ibuf [dreg:s7], $0x5FFFF;
	_ =	strace $0x90000046  }
0xb2: {  	s29 =	simm.s32 $0x9;
	_ =	strace $0x80000048  }
0xb3: {  	_ =	swait.ge [sflag:s29], $0x1  }
0xb4: {  	[sflag:s29] =	ssyncadd.s32 $0xFFFFFFFF  }
0xb5: {  	_ =	strace $0x90000048  }
0xb6: {  	_ =	sfence  }
0xb7: {  	s30 =	sld [smem:$0x0];
	_ =	sdelay $0x2  }
0xb8: {  	s31 =	sshll.u32 s1, $0xD;
	s1 =	sshrl.u32 s1, $0x2  }
0xb9: {  	s3 =	sand.u32 $0x4000, s31;
	s1 =	sadd.s32 s1, s30  }
0xba: {  	s0 =	sor.u32 s3, s0;
	s1 =	sshll.u32 s1, $0x11  }
0xbb: {  	s0 =	sor.u32 s1, s0  }
0xbc: {  	s0 =	sadd.s32 $0x8F2B, s0  }
0xbd: {  	[sflag:s0] =	ssyncadd.remote.s32 $0x1  }
0xbe: {  	_ =	sfence.sel $0xFFFF  }
0xbf: {  	[dreg:$0x0] =	wrdreg $0xFFFFFFFF;
	(pc) =	sbr.abs _section_cstart, $3  }
0xc0: {  	[dreg:$0x1] =	wrdreg $0xFFFFFFFF  }
0xc1: {  	_ =	task.clear_ibuf [dreg:s7], $0x2FFFF;
	_ =	strace $0x9FFFFFFF  }
0xc2: {  	(tm) =	ssettm $0x7FFFFFFF  }
0xc3: {  	_ =	shalt  }
tec
execute0_lowered:
.L_overlay_start_1:
0x0: {  	(tag) =	ssettag $0x1  }
0x1: {  	s0 =	rddreg [dreg:$0x0]  }
0x2: {  	s1 =	srdreg.scid;
	s2 =	stileid.u32;
	s3 =	simm.s32 $0x0  }
0x3: {  	s1 =	sand.u32 $0x1, s1;
	s2 =	sshll.u32 s2, $0x1;
	[smem:$0x7FF] =	sst s3  }
0x4: {  	s5 =	sadd.s32 $0x307800, s0;
	s23 =	sadd.s32 $0x63200, s0;
	s2 =	sor.u32 s1, s2  }
0x5: {  	_ =	strace $0x80000047;
	[dreg:$0x3] =	wrdreg s5;
	s22 =	sshll.u32 s2, $0xA  }
0x6: {  	[dreg:$0x4] =	wrdreg s23;
	s29 =	sshll.u32 s2, $0x5;
	s3 =	sadd.s32 s22, s0  }
0x7: {  	[dreg:$0xa] =	wrdreg s29;
	s24 =	sadd.s32 $0x19800, s3  }
0x8: {  	s30 =	simm.s32 $0x1;
	s25 =	sadd.s32 $0x21800, s3;
	[dreg:$0x5] =	wrdreg s24  }
0x9: {  	v0 =	vlaneseq.u32;
	s1 =	ssub.s32 $0x2, s1;
	s26 =	sadd.s32 $0x1800, s3;
	[dreg:$0x6] =	wrdreg s25  }
0xa: {  	v1 =	vshrl.u32 v0, $0x3;
	v2 =	vand.u32 $0x7, v0;
	s6 =	sshrl.u32 s1, $0x1;
	s28 =	sadd.s32 $0x9800, s3;
	[dreg:$0x7] =	wrdreg s26  }
0xb: {  	v0 =	vor.u32 $0x8, v0;
	[tilespmem:$0x1FFD0] =	vst v2;
	v1 =	vmul.u32 $0x8, v1;
	s1 =	ssub.s32 s1, s6;
	s3 =	sadd.s32 $0x11800, s3;
	[dreg:$0x8] =	wrdreg s28  }
0xc: {  	s4 =	sadd.s32 $0x29800, s0;
	[tilespmem:$0x1FFF0] =	vst v0;
	s31 =	smax.u32 s1, $0x1;
	[dreg:$0x9] =	wrdreg s3  }
0xd: {  	vm0 =	vmmov $0xffff;
	vm1 =	vmmov $0xff;
	s12 =	sadd.s32 $0x29900, s0;
	[tilespmem:$0x1FFE0] =	vst v1;
	s1 =	simm.s32 $0x0;
	[dreg:$0xb] =	wrdreg s31  }
.LBB2_1:
0xe: {  	[dreg:$0xc] =	wrdreg s1  }
0xf: {  	s19 =	simm.s32 $0x0;
	s0 =	rddreg [dreg:$0x5];
	s2 =	simm.s32 $0x2  }
0x10: {  	[tilespmem:s19], [sflag:$0x2] =	stream.linear.gather [hbm4b:s0+s19], $0x2000, $0x38;
	[tilespmem:$0x1B500] =	vst v63  }
0x11: {  	_ =	swait.ge [sflag:s2], $0x2000  }
0x12: {  	[sflag:s2] =	ssyncset.done $0x0  }
0x13: {  	s3 =	simm.s32 $0x2000;
	s20 =	rddreg [dreg:$0x6];
	[sflag:s2] =	ssyncadd.s32 $0xFFFFE000  }
0x14: {  	[tilespmem:s3], [sflag:$0x2] =	stream.linear.gather [hbm4b:s20+s19], $0x2000, $0x38;
	[tilespmem:$0x1B500] =	vst v63  }
0x15: {  	_ =	swait.ge [sflag:s2], $0x2000  }
0x16: {  	[sflag:s2] =	ssyncset.done $0x0  }
0x17: {  	s22 =	simm.s32 $0x4000;
	s21 =	rddreg [dreg:$0x7];
	[sflag:s2] =	ssyncadd.s32 $0xFFFFE000  }
0x18: {  	[tilespmem:s22], [sflag:$0x2] =	stream.linear.gather [hbm4b:s21+s19], $0x2000, $0x38;
	[tilespmem:$0x1B500] =	vst v63  }
0x19: {  	_ =	swait.ge [sflag:s2], $0x2000  }
0x1a: {  	[sflag:s2] =	ssyncset.done $0x0  }
0x1b: {  	s24 =	simm.s32 $0x6000;
	s23 =	rddreg [dreg:$0x8];
	[sflag:s2] =	ssyncadd.s32 $0xFFFFE000  }
0x1c: {  	[tilespmem:s24], [sflag:$0x2] =	stream.linear.gather [hbm4b:s23+s19], $0x2000, $0x38;
	[tilespmem:$0x1B500] =	vst v63  }
0x1d: {  	_ =	swait.ge [sflag:s2], $0x2000  }
0x1e: {  	[sflag:s2] =	ssyncset.done $0x0  }
0x1f: {  	s26 =	simm.s32 $0x8000;
	s25 =	rddreg [dreg:$0x9];
	[sflag:s2] =	ssyncadd.s32 $0xFFFFE000  }
0x20: {  	[tilespmem:s26], [sflag:$0x2] =	stream.linear.gather [hbm4b:s25+s19], $0x2000, $0x38;
	[tilespmem:$0x1B500] =	vst v63  }
0x21: {  	_ =	swait.ge [sflag:s2], $0x2000  }
0x22: {  	[sflag:s2] =	ssyncset.done $0x0  }
0x23: {  	[sflag:s2] =	ssyncadd.s32 $0xFFFFE000  }
0x24: {  	s29 =	simm.s32 $0x1A000;
	s28 =	rddreg [dreg:$0x1]  }
0x25: {  	[tilespmem:s29], [sflag:$0x2] =	stream.linear.gather [hbm4b:s28+s19], $0x1380, $0x38;
	[tilespmem:$0x1B500] =	vst v63  }
0x26: {  	s31 =	simm.s32 $0x8002;
	_ =	swait.ge [sflag:s2], $0x1380  }
0x27: {  	s1 =	simm.s32 $0x80;
	s9 =	simm.s32 $0x0;
	[sflag:s2] =	ssyncset.done $0x0  }
0x28: {  	s16 =	simm.s32 $0x0;
	s0 =	simm.s32 $0x8083;
	[sflag:s2] =	ssyncadd.s32 $0xFFFFEC80  }
.LBB2_2:
0x29: {  	s17 =	sshll.u32 s16, $0x8  }
0x2a: {  	v0 =	vld [tilespmem:s17+$0x2000];
	_ =	sdelay $0x3  }
0x2b: {  	v1 =	vld [tilespmem:$0x1FFD0]  }
0x2c: {  	v2 =	vshrl.u32 v0, $0x3  }
0x2d: {  	v3 =	vld [tilespmem:$0x1FFE0];
	v2 =	vmul.u32 $0x18, v2  }
0x2e: {  	v0 =	vand.u32 $0x7, v0  }
0x2f: {  	v4 =	vld [tilespmem:$0x1FFF0];
	v0 =	vor.u32 v0, v2  }
0x30: {  	v2 =	vperm.xlane v0, v1;
	_ =	sdelay $0x1  }
0x31: {  	v2 =	vadd.s32 v3, v2;
	_ =	sdelay $0x1  }
0x32: {  	v0 =	vperm.xlane v0, v4;
	_ =	sdelay $0x1  }
0x33: {  	s18 =	simm.s32 $0x0;
	s2 =	simm.s32 $0xA000;
	v0 =	vadd.s32 v3, v0  }
0x34: {  	[tilespmem:s2], [sflag:$0x1] =	stream.indirect_vreg.gather [hbm4b:s4+s18], $0x80, v2, vm0, $0xb8;
	[tilespmem:$0x1B500] =	vst v63  }
0x35: {  	s23 =	simm.s32 $0xA800  }
0x36: {  	[tilespmem:s23], [sflag:$0x1] =	stream.indirect_vreg.gather [hbm4b:s12+s18], $0x80, v2, vm1, $0xb8;
	[tilespmem:$0x1B500] =	vst v63  }
0x37: {  	s24 =	simm.s32 $0xAC00  }
0x38: {  	[tilespmem:s24], [sflag:$0x1] =	stream.indirect_vreg.gather [hbm4b:s4+s18], $0x80, v0, vm0, $0xb8;
	[tilespmem:$0x1B500] =	vst v63  }
0x39: {  	s25 =	simm.s32 $0xB400  }
0x3a: {  	[tilespmem:s25], [sflag:$0x1] =	stream.indirect_vreg.gather [hbm4b:s12+s18], $0x80, v0, vm1, $0xb8;
	[tilespmem:$0x1B500] =	vst v63  }
0x3b: {  	v0 =	vld [tilespmem:s17+$0x2010];
	_ =	sdelay $0x4  }
0x3c: {  	v2 =	vshrl.u32 v0, $0x3  }
0x3d: {  	v2 =	vmul.u32 $0x18, v2  }
0x3e: {  	v0 =	vand.u32 $0x7, v0  }
0x3f: {  	v0 =	vor.u32 v0, v2  }
0x40: {  	v2 =	vperm.xlane v0, v1;
	_ =	sdelay $0x1  }
0x41: {  	v2 =	vadd.s32 v3, v2;
	_ =	sdelay $0x1  }
0x42: {  	v0 =	vperm.xlane v0, v4;
	_ =	sdelay $0x1  }
0x43: {  	s26 =	simm.s32 $0xB800;
	v0 =	vadd.s32 v3, v0  }
0x44: {  	[tilespmem:s26], [sflag:$0x1] =	stream.indirect_vreg.gather [hbm4b:s4+s18], $0x80, v2, vm0, $0xb8;
	[tilespmem:$0x1B500] =	vst v63  }
0x45: {  	s28 =	simm.s32 $0xC000  }
0x46: {  	[tilespmem:s28], [sflag:$0x1] =	stream.indirect_vreg.gather [hbm4b:s12+s18], $0x80, v2, vm1, $0xb8;
	[tilespmem:$0x1B500] =	vst v63  }
0x47: {  	s29 =	simm.s32 $0xC400  }
0x48: {  	[tilespmem:s29], [sflag:$0x1] =	stream.indirect_vreg.gather [hbm4b:s4+s18], $0x80, v0, vm0, $0xb8;
	[tilespmem:$0x1B500] =	vst v63  }
0x49: {  	s3 =	simm.s32 $0xCC00  }
0x4a: {  	[tilespmem:s3], [sflag:$0x1] =	stream.indirect_vreg.gather [hbm4b:s12+s18], $0x80, v0, vm1, $0xb8;
	[tilespmem:$0x1B500] =	vst v63  }
0x4b: {  	v0 =	vld [tilespmem:s17+$0x4000];
	_ =	sdelay $0x4  }
0x4c: {  	v2 =	vshrl.u32 v0, $0x3  }
0x4d: {  	v2 =	vmul.u32 $0x18, v2  }
0x4e: {  	v0 =	vand.u32 $0x7, v0  }
0x4f: {  	v0 =	vor.u32 v0, v2  }
0x50: {  	v2 =	vperm.xlane v0, v1;
	_ =	sdelay $0x1  }
0x51: {  	v2 =	vadd.s32 v3, v2;
	_ =	sdelay $0x1  }
0x52: {  	v0 =	vperm.xlane v0, v4;
	_ =	sdelay $0x1  }
0x53: {  	s5 =	simm.s32 $0xD000;
	v0 =	vadd.s32 v3, v0  }
0x54: {  	[tilespmem:s5], [sflag:$0x1] =	stream.indirect_vreg.gather [hbm4b:s4+s18], $0x80, v2, vm0, $0xb8;
	[tilespmem:$0x1B500] =	vst v63  }
0x55: {  	s6 =	simm.s32 $0xD800  }
0x56: {  	[tilespmem:s6], [sflag:$0x1] =	stream.indirect_vreg.gather [hbm4b:s12+s18], $0x80, v2, vm1, $0xb8;
	[tilespmem:$0x1B500] =	vst v63  }
0x57: {  	s7 =	simm.s32 $0xDC00  }
0x58: {  	[tilespmem:s7], [sflag:$0x1] =	stream.indirect_vreg.gather [hbm4b:s4+s18], $0x80, v0, vm0, $0xb8;
	[tilespmem:$0x1B500] =	vst v63  }
0x59: {  	s8 =	simm.s32 $0xE400  }
0x5a: {  	[tilespmem:s8], [sflag:$0x1] =	stream.indirect_vreg.gather [hbm4b:s12+s18], $0x80, v0, vm1, $0xb8;
	[tilespmem:$0x1B500] =	vst v63  }
0x5b: {  	v0 =	vld [tilespmem:s17+$0x4010];
	_ =	sdelay $0x4  }
0x5c: {  	v2 =	vshrl.u32 v0, $0x3  }
0x5d: {  	v2 =	vmul.u32 $0x18, v2  }
0x5e: {  	v0 =	vand.u32 $0x7, v0  }
0x5f: {  	v0 =	vor.u32 v0, v2  }
0x60: {  	v2 =	vperm.xlane v0, v1;
	_ =	sdelay $0x1  }
0x61: {  	v2 =	vadd.s32 v3, v2;
	_ =	sdelay $0x1  }
0x62: {  	v0 =	vperm.xlane v0, v4;
	_ =	sdelay $0x1  }
0x63: {  	s10 =	simm.s32 $0xE800;
	v0 =	vadd.s32 v3, v0  }
0x64: {  	[tilespmem:s10], [sflag:$0x1] =	stream.indirect_vreg.gather [hbm4b:s4+s18], $0x80, v2, vm0, $0xb8;
	[tilespmem:$0x1B500] =	vst v63  }
0x65: {  	s11 =	simm.s32 $0xF000  }
0x66: {  	[tilespmem:s11], [sflag:$0x1] =	stream.indirect_vreg.gather [hbm4b:s12+s18], $0x80, v2, vm1, $0xb8;
	[tilespmem:$0x1B500] =	vst v63  }
0x67: {  	s13 =	simm.s32 $0xF400  }
0x68: {  	[tilespmem:s13], [sflag:$0x1] =	stream.indirect_vreg.gather [hbm4b:s4+s18], $0x80, v0, vm0, $0xb8;
	[tilespmem:$0x1B500] =	vst v63  }
0x69: {  	s14 =	simm.s32 $0xFC00  }
0x6a: {  	[tilespmem:s14], [sflag:$0x1] =	stream.indirect_vreg.gather [hbm4b:s12+s18], $0x80, v0, vm1, $0xb8;
	[tilespmem:$0x1B500] =	vst v63  }
0x6b: {  	v0 =	vld [tilespmem:s17+$0x4020];
	_ =	sdelay $0x4  }
0x6c: {  	v2 =	vshrl.u32 v0, $0x3  }
0x6d: {  	v2 =	vmul.u32 $0x18, v2  }
0x6e: {  	v0 =	vand.u32 $0x7, v0  }
0x6f: {  	v0 =	vor.u32 v0, v2  }
0x70: {  	v2 =	vperm.xlane v0, v1;
	_ =	sdelay $0x1  }
0x71: {  	v2 =	vadd.s32 v3, v2;
	_ =	sdelay $0x1  }
0x72: {  	v0 =	vperm.xlane v0, v4;
	_ =	sdelay $0x1  }
0x73: {  	s15 =	simm.s32 $0x10000;
	v0 =	vadd.s32 v3, v0  }
0x74: {  	[tilespmem:s15], [sflag:$0x1] =	stream.indirect_vreg.gather [hbm4b:s4+s18], $0x80, v2, vm0, $0xb8;
	[tilespmem:$0x1B500] =	vst v63  }
0x75: {  	s19 =	simm.s32 $0x10800  }
0x76: {  	[tilespmem:s19], [sflag:$0x1] =	stream.indirect_vreg.gather [hbm4b:s12+s18], $0x80, v2, vm1, $0xb8;
	[tilespmem:$0x1B500] =	vst v63  }
0x77: {  	s20 =	simm.s32 $0x10C00  }
0x78: {  	[tilespmem:s20], [sflag:$0x1] =	stream.indirect_vreg.gather [hbm4b:s4+s18], $0x80, v0, vm0, $0xb8;
	[tilespmem:$0x1B500] =	vst v63  }
0x79: {  	s21 =	simm.s32 $0x11400  }
0x7a: {  	[tilespmem:s21], [sflag:$0x1] =	stream.indirect_vreg.gather [hbm4b:s12+s18], $0x80, v0, vm1, $0xb8;
	[tilespmem:$0x1B500] =	vst v63  }
0x7b: {  	v0 =	vld [tilespmem:s17+$0x4030];
	_ =	sdelay $0x4  }
0x7c: {  	v2 =	vshrl.u32 v0, $0x3  }
0x7d: {  	v2 =	vmul.u32 $0x18, v2  }
0x7e: {  	v0 =	vand.u32 $0x7, v0  }
0x7f: {  	v0 =	vor.u32 v0, v2  }
0x80: {  	v2 =	vperm.xlane v0, v1;
	_ =	sdelay $0x1  }
0x81: {  	v2 =	vadd.s32 v3, v2;
	_ =	sdelay $0x1  }
0x82: {  	v0 =	vperm.xlane v0, v4;
	_ =	sdelay $0x1  }
0x83: {  	s22 =	simm.s32 $0x11800;
	v0 =	vadd.s32 v3, v0  }
0x84: {  	[tilespmem:s22], [sflag:$0x1] =	stream.indirect_vreg.gather [hbm4b:s4+s18], $0x80, v2, vm0, $0xb8;
	[tilespmem:$0x1B500] =	vst v63  }
0x85: {  	s23 =	simm.s32 $0x12000  }
0x86: {  	[tilespmem:s23], [sflag:$0x1] =	stream.indirect_vreg.gather [hbm4b:s12+s18], $0x80, v2, vm1, $0xb8;
	[tilespmem:$0x1B500] =	vst v63  }
0x87: {  	s24 =	simm.s32 $0x12400  }
0x88: {  	[tilespmem:s24], [sflag:$0x1] =	stream.indirect_vreg.gather [hbm4b:s4+s18], $0x80, v0, vm0, $0xb8;
	[tilespmem:$0x1B500] =	vst v63  }
0x89: {  	s25 =	simm.s32 $0x12C00  }
0x8a: {  	[tilespmem:s25], [sflag:$0x1] =	stream.indirect_vreg.gather [hbm4b:s12+s18], $0x80, v0, vm1, $0xb8;
	[tilespmem:$0x1B500] =	vst v63  }
0x8b: {  	v0 =	vld [tilespmem:s17+$0x4040];
	_ =	sdelay $0x4  }
0x8c: {  	v2 =	vshrl.u32 v0, $0x3  }
0x8d: {  	v2 =	vmul.u32 $0x18, v2  }
0x8e: {  	v0 =	vand.u32 $0x7, v0  }
0x8f: {  	v0 =	vor.u32 v0, v2  }
0x90: {  	v2 =	vperm.xlane v0, v1;
	_ =	sdelay $0x1  }
0x91: {  	v2 =	vadd.s32 v3, v2;
	_ =	sdelay $0x1  }
0x92: {  	v0 =	vperm.xlane v0, v4;
	_ =	sdelay $0x1  }
0x93: {  	s26 =	simm.s32 $0x13000;
	v0 =	vadd.s32 v3, v0  }
0x94: {  	[tilespmem:s26], [sflag:$0x1] =	stream.indirect_vreg.gather [hbm4b:s4+s18], $0x80, v2, vm0, $0xb8;
	[tilespmem:$0x1B500] =	vst v63  }
0x95: {  	s28 =	simm.s32 $0x13800  }
0x96: {  	[tilespmem:s28], [sflag:$0x1] =	stream.indirect_vreg.gather [hbm4b:s12+s18], $0x80, v2, vm1, $0xb8;
	[tilespmem:$0x1B500] =	vst v63  }
0x97: {  	s29 =	simm.s32 $0x13C00  }
0x98: {  	[tilespmem:s29], [sflag:$0x1] =	stream.indirect_vreg.gather [hbm4b:s4+s18], $0x80, v0, vm0, $0xb8;
	[tilespmem:$0x1B500] =	vst v63  }
0x99: {  	s3 =	simm.s32 $0x14400  }
0x9a: {  	[tilespmem:s3], [sflag:$0x1] =	stream.indirect_vreg.gather [hbm4b:s12+s18], $0x80, v0, vm1, $0xb8;
	[tilespmem:$0x1B500] =	vst v63  }
0x9b: {  	v0 =	vld [tilespmem:s17+$0x4050];
	_ =	sdelay $0x4  }
0x9c: {  	v2 =	vshrl.u32 v0, $0x3  }
0x9d: {  	v2 =	vmul.u32 $0x18, v2  }
0x9e: {  	v0 =	vand.u32 $0x7, v0  }
0x9f: {  	v0 =	vor.u32 v0, v2  }
0xa0: {  	v2 =	vperm.xlane v0, v1;
	_ =	sdelay $0x1  }
0xa1: {  	v2 =	vadd.s32 v3, v2;
	_ =	sdelay $0x1  }
0xa2: {  	v0 =	vperm.xlane v0, v4;
	_ =	sdelay $0x1  }
0xa3: {  	s5 =	simm.s32 $0x14800;
	v0 =	vadd.s32 v3, v0  }
0xa4: {  	[tilespmem:s5], [sflag:$0x1] =	stream.indirect_vreg.gather [hbm4b:s4+s18], $0x80, v2, vm0, $0xb8;
	[tilespmem:$0x1B500] =	vst v63  }
0xa5: {  	s6 =	simm.s32 $0x15000  }
0xa6: {  	[tilespmem:s6], [sflag:$0x1] =	stream.indirect_vreg.gather [hbm4b:s12+s18], $0x80, v2, vm1, $0xb8;
	[tilespmem:$0x1B500] =	vst v63  }
0xa7: {  	s7 =	simm.s32 $0x15400  }
0xa8: {  	[tilespmem:s7], [sflag:$0x1] =	stream.indirect_vreg.gather [hbm4b:s4+s18], $0x80, v0, vm0, $0xb8;
	[tilespmem:$0x1B500] =	vst v63  }
0xa9: {  	s8 =	simm.s32 $0x15C00  }
0xaa: {  	[tilespmem:s8], [sflag:$0x1] =	stream.indirect_vreg.gather [hbm4b:s12+s18], $0x80, v0, vm1, $0xb8;
	[tilespmem:$0x1B500] =	vst v63  }
0xab: {  	v0 =	vld.msk [tilespmem:s17+$0x4060], $0xff;
	_ =	sdelay $0x4  }
0xac: {  	v2 =	vshrl.u32 v0, $0x3  }
0xad: {  	v2 =	vmul.u32 $0x18, v2  }
0xae: {  	v0 =	vand.u32 $0x7, v0  }
0xaf: {  	v0 =	vor.u32 v0, v2  }
0xb0: {  	v0 =	vperm.xlane v0, v1;
	_ =	sdelay $0x1  }
0xb1: {  	v0 =	vadd.s32 v3, v0;
	_ =	sdelay $0x3  }
0xb2: {  	s10 =	simm.s32 $0x16000  }
0xb3: {  	[tilespmem:s10], [sflag:$0x1] =	stream.indirect_vreg.gather [hbm4b:s4+s18], $0x80, v0, vm0, $0xb8;
	[tilespmem:$0x1B500] =	vst v63  }
0xb4: {  	s11 =	simm.s32 $0x16800;
	s13 =	sadd.s32 $0x6000, s17  }
0xb5: {  	[tilespmem:s11], [sflag:$0x1] =	stream.indirect_vreg.gather [hbm4b:s12+s18], $0x80, v0, vm1, $0xb8;
	[tilespmem:$0x1B500] =	vst v63  }
0xb6: {  	s19 =	simm.s32 $0x16C00;
	s3 =	rddreg [dreg:$0x3];
	s5 =	simm.s32 $0x68  }
0xb7: {  	[tilespmem:s19], [sflag:$0x1] =	stream.indirect.gather [hbm4b:s3+s5], $0x80, s13, s5, $0xb8;
	[tilespmem:$0x1B500] =	vst v63  }
0xb8: {  	_ =	swait.ge [sflag:s30], $0x3000  }
0xb9: {  	[sflag:s30] =	ssyncset.done $0x0  }
0xba: {  	[sflag:s30] =	ssyncadd.s32 $0xFFFFD000  }
0xbb: {  	_ =	swait.ge [sflag:s30], $0x9C00  }
0xbc: {  	[sflag:s30] =	ssyncset.done $0x0  }
0xbd: {  	[sflag:s30] =	ssyncadd.s32 $0xFFFF6400  }
0xbe: {  	_ =	swait.ge [sflag:s30], $0x3400  }
0xbf: {  	[sflag:s30] =	ssyncset.done $0x0  }
0xc0: {  	[sflag:s30] =	ssyncadd.s32 $0xFFFFCC00  }
0xc1: {  	v0 =	vld [tilespmem:s31+$0xFFFFFFFE]  }
0xc2: {  	v2 =	vld [tilespmem:s31+$0xFFFFFFFF]  }
0xc3: {  	v3 =	vld [tilespmem:s31+$0x0]  }
0xc4: {  	v5 =	vld [tilespmem:s31+$0x1];
	_ =	sdelay $0x1  }
0xc5: {  	v4 =	vld [tilespmem:s9+$0x0];
	(v2sf) =	vpush v0, $0x0  }
0xc6: {  	(v2sf) =	vpush v2, $0x0  }
0xc7: {  	(v2sf) =	vpush v3, $0x0  }
0xc8: {  	(v2sf) =	vpush v5, $0x0;
	_ =	sdelay $0x1  }
0xc9: {  	(v2sf) =	vpush v4, $0x0;
	_ =	sdelay $0x4  }
0xca: {  	s14 =	simm.s32 $0x0  }
0xcb: {  	s2 =	smul.u32 $0x3000, s14;
	_ =	sdelay $0x1  }
0xcc: {  	s13 =	sshra.s32 s2, $0x2  }
0xcd: {  	s20 =	simm.s32 $0x80;
	s11 =	sand.u32 $0x200, s18;
	s7 =	sadd.s32 $0xD800, s13  }
0xce: {  	s8 =	sand.u32 $0x280, s20;
	s2 =	sor.u32 s11, s7;
	s15 =	spop (v2sf)  }
0xcf: {  	s3 =	sor.u32 s8, s7;
	v8 =	vld [tilespmem:s2+$0x0];
	s6 =	spop (v2sf);
	s14 =	sshll.u32 s15, $0x2  }
0xd0: {  	v9 =	vld [tilespmem:s3+$0x0];
	s10 =	spop (v2sf);
	s14 =	sshra.s32 s14, $0x2;
	s6 =	sshll.u32 s6, $0x2  }
0xd1: {  	v10 =	vld [tilespmem:s2+$0x20];
	s20 =	spop (v2sf);
	s10 =	sshll.u32 s10, $0x2;
	s14 =	sand.u32 $0xFFFFFFF0, s14  }
0xd2: {  	v11 =	vld [tilespmem:s3+$0x20];
	s6 =	sshra.s32 s6, $0x2;
	s20 =	sshll.u32 s20, $0x2;
	s14 =	sadd.s32 $0x16C00, s14  }
0xd3: {  	s6 =	sand.u32 $0xFFFFFFF0, s6;
	s10 =	sshra.s32 s10, $0x2;
	s28 =	spop (v2sf);
	v6 =	vld [tilespmem:s14+$0x0]  }
0xd4: {  	s6 =	sadd.s32 $0x16C00, s6;
	s10 =	sand.u32 $0xFFFFFFF0, s10;
	s21 =	sshra.s32 s20, $0x2;
	v4 =	vld.msk [tilespmem:s28+$0x1A000 ss:$0x0], $0xffff  }
0xd5: {  	s24 =	simm.s32 $0x100;
	v12 =	vld [tilespmem:s6+$0x80];
	s22 =	sadd.s32 $0x16C00, s10;
	s23 =	sand.u32 $0xFFFFFFF0, s21  }
0xd6: {  	s10 =	sand.u32 $0x300, s24;
	v13 =	vld [tilespmem:s22+$0x100];
	s25 =	sadd.s32 $0x16C00, s23  }
0xd7: {  	s21 =	sadd.s32 $0xD000, s13;
	s6 =	sor.u32 s10, s7;
	v14 =	vld [tilespmem:s25+$0x180]  }
0xd8: {  	s26 =	sor.u32 s11, s21;
	v15 =	vld [tilespmem:s6+$0x20]  }
0xd9: {  	s22 =	sor.u32 s8, s21;
	v16 =	vld [tilespmem:s26+$0x0]  }
0xda: {  	s29 =	sor.u32 s10, s21;
	v17 =	vld [tilespmem:s22+$0x0]  }
0xdb: {  	v18 =	vld [tilespmem:s29+$0x0]  }
0xdc: {  	v19 =	vld [tilespmem:s26+$0x10]  }
0xdd: {  	v20 =	vld [tilespmem:s22+$0x10]  }
0xde: {  	v21 =	vld [tilespmem:s29+$0x10]  }
0xdf: {  	v22 =	vld [tilespmem:s26+$0x20]  }
0xe0: {  	v24 =	vld [tilespmem:s22+$0x20]  }
0xe1: {  	v25 =	vld [tilespmem:s29+$0x20]  }
0xe2: {  	v26 =	vld [tilespmem:s26+$0x30]  }
0xe3: {  	v27 =	vld [tilespmem:s22+$0x30]  }
0xe4: {  	v28 =	vld [tilespmem:s29+$0x30]  }
0xe5: {  	v29 =	vld [tilespmem:s26+$0x40]  }
0xe6: {  	v30 =	vld [tilespmem:s22+$0x40]  }
0xe7: {  	v31 =	vld [tilespmem:s29+$0x40]  }
0xe8: {  	v32 =	vld [tilespmem:s26+$0x50]  }
0xe9: {  	v33 =	vld [tilespmem:s22+$0x50]  }
0xea: {  	v34 =	vld [tilespmem:s26+$0x60]  }
0xeb: {  	v35 =	vld [tilespmem:s22+$0x60]  }
0xec: {  	v36 =	vld [tilespmem:s26+$0x70]  }
0xed: {  	v37 =	vld [tilespmem:s22+$0x70]  }
0xee: {  	s15 =	simm.s32 $0x180;
	v38 =	vld [tilespmem:s29+$0x50]  }
0xef: {  	s24 =	sand.u32 $0x380, s15;
	v39 =	vld [tilespmem:s29+$0x60]  }
0xf0: {  	s7 =	sor.u32 s24, s7;
	v40 =	vld [tilespmem:s29+$0x70]  }
0xf1: {  	s21 =	sor.u32 s24, s21;
	v23 =	vld [tilespmem:s7+$0x20]  }
0xf2: {  	s13 =	sadd.s32 $0xD400, s13;
	v42 =	vld [tilespmem:s21+$0x0]  }
0xf3: {  	s5 =	simm.s32 $0x0;
	s11 =	sor.u32 s11, s13;
	v43 =	vld [tilespmem:s21+$0x50]  }
0xf4: {  	v0 =	vbroadcast v0, $0x0;
	v2 =	vbroadcast v2, $0x0;
	s23 =	smul.u32 $0x3000, s5;
	v51 =	vld [tilespmem:s11+$0x0]  }
0xf5: {  	v3 =	vbroadcast v3, $0x0;
	v5 =	vbroadcast v5, $0x0;
	v44 =	vld [tilespmem:s11+$0x10]  }
0xf6: {  	s25 =	sand.u32 $0x380, s18;
	v45 =	vld [tilespmem:s11+$0x20];
	s26 =	sshra.s32 s23, $0x2;
	v7 =	vperm.xlane v6, v0;
	v6 =	vperm.xlane v12, v2  }
0xf7: {  	v52 =	vld [tilespmem:s11+$0x70];
	s20 =	sor.u32 s25, s26;
	v2 =	vperm.xlane v13, v3;
	v0 =	vperm.xlane v14, v5  }
0xf8: {  	s28 =	sor.u32 s8, s13;
	v41 =	vld [tilespmem:s20+$0xA820];
	v5 =	vmul.f32 v10, v7;
	v10 =	vmul.f32 v11, v6  }
0xf9: {  	v46 =	vld [tilespmem:s28+$0x20];
	v13 =	vmul.f32 v15, v2;
	v14 =	vmul.f32 v23, v0  }
0xfa: {  	v53 =	vld [tilespmem:s28+$0x30];
	v8 =	vmul.f32 v8, v7  }
0xfb: {  	v12 =	vld [tilespmem:s21+$0x10];
	v16 =	vmul.f32 v16, v7;
	v5 =	vmax.f32 v5, v10;
	v10 =	vmax.f32 v13, v14  }
0xfc: {  	v54 =	vld [tilespmem:s28+$0x40];
	v17 =	vmul.f32 v17, v6;
	v9 =	vmul.f32 v9, v6;
	v10 =	vmax.f32 v5, v10  }
0xfd: {  	v55 =	vld [tilespmem:s28+$0x60];
	v18 =	vmul.f32 v18, v2;
	v42 =	vmul.f32 v42, v0;
	v23 =	vsub.f32 v41, v10  }
0xfe: {  	v3 =	vld [tilespmem:s21+$0x20];
	v8 =	vmax.f32 v8, v9;
	v9 =	vmul.f32 v19, v7;
	v19 =	vmul.f32 v20, v6  }
0xff: {  	v11 =	vld [tilespmem:s21+$0x30];
	v16 =	vmax.f32 v16, v17;
	v23 =	vmul.f32 v23, v4  }
0x100: {  	v56 =	vld [tilespmem:s28+$0x70];
	v12 =	vmul.f32 v12, v0;
	v18 =	vmax.f32 v18, v42;
	v9 =	vmax.f32 v9, v19  }
0x101: {  	s10 =	sor.u32 s10, s13;
	v15 =	vld [tilespmem:s21+$0x40];
	v10 =	vadd.f32 v23, v10;
	v23 =	vmax.f32 v16, v18;
	v16 =	vmul.f32 v21, v2  }
0x102: {  	v57 =	vld [tilespmem:s10+$0x10];
	v19 =	vmul.f32 v22, v7;
	v5 =	vimm.f32 $0.0e+00;
	v21 =	vmul.f32 v24, v6  }
0x103: {  	v59 =	vld [tilespmem:s10+$0x20];
	v12 =	vmax.f32 v16, v12;
	v16 =	vmul.f32 v25, v2;
	v25 =	vmul.f32 v3, v0  }
0x104: {  	v61 =	vld [tilespmem:s10+$0x50];
	v11 =	vmul.f32 v11, v0;
	v24 =	vmax.f32 v9, v12;
	v9 =	vmax.f32 v19, v21  }
0x105: {  	s29 =	sor.u32 s24, s13;
	v63 =	vld [tilespmem:s10+$0x70];
	v12 =	vmul.f32 v26, v7;
	v19 =	vmul.f32 v27, v6;
	v16 =	vmax.f32 v16, v25  }
0x106: {  	v58 =	vld [tilespmem:s29+$0x10];
	v15 =	vmul.f32 v15, v0;
	v25 =	vmax.f32 v9, v16;
	v9 =	vmul.f32 v28, v2  }
0x107: {  	v60 =	vld [tilespmem:s29+$0x40];
	v26 =	vmul.f32 v30, v6;
	v12 =	vmax.f32 v12, v19;
	v19 =	vmul.f32 v29, v7  }
0x108: {  	v13 =	vld [tilespmem:s21+$0x60];
	v3 =	vadd.f32 v10, v5;
	v9 =	vmax.f32 v9, v11;
	v11 =	vmul.f32 v31, v2  }
0x109: {  	v14 =	vld [tilespmem:s21+$0x70];
	v28 =	vmul.f32 v32, v7;
	v29 =	vmul.f32 v33, v6;
	v19 =	vmax.f32 v19, v26  }
0x10a: {  	v10 =	vld [tilespmem:s28+$0x0];
	v31 =	vmul.f32 v43, v0;
	v11 =	vmax.f32 v11, v15;
	v15 =	vmul.f32 v38, v2  }
0x10b: {  	v21 =	vld [tilespmem:s10+$0x0];
	v26 =	vmax.f32 v12, v9;
	v9 =	vmax.f32 v28, v29;
	v12 =	vmul.f32 v34, v7  }
0x10c: {  	v16 =	vld [tilespmem:s29+$0x0];
	v27 =	vmax.f32 v19, v11;
	v19 =	vmul.f32 v35, v6;
	v15 =	vmax.f32 v15, v31  }
0x10d: {  	v62 =	vld [tilespmem:s29+$0x50];
	v13 =	vmul.f32 v13, v0;
	v28 =	vmax.f32 v9, v15;
	v9 =	vmul.f32 v39, v2  }
0x10e: {  	v30 =	vld [tilespmem:s28+$0x10];
	v12 =	vmax.f32 v12, v19;
	v15 =	vmul.f32 v36, v7;
	v19 =	vmul.f32 v37, v6  }
0x10f: {  	v17 =	vld [tilespmem:s11+$0x30];
	v14 =	vmul.f32 v14, v0;
	v9 =	vmax.f32 v9, v13;
	v13 =	vmul.f32 v40, v2  }
0x110: {  	v20 =	vld [tilespmem:s11+$0x40];
	v10 =	vmul.f32 v10, v6;
	v15 =	vmax.f32 v15, v19;
	v19 =	vmul.f32 v51, v7  }
0x111: {  	v16 =	vmul.f32 v16, v0;
	v13 =	vmax.f32 v13, v14;
	v14 =	vmul.f32 v21, v2;
	v21 =	vld [tilespmem:s29+$0x20]  }
0x112: {  	v29 =	vmax.f32 v12, v9;
	v12 =	vmul.f32 v44, v7;
	v9 =	vmax.f32 v19, v10;
	v10 =	vld [tilespmem:s10+$0x30]  }
0x113: {  	v31 =	vmax.f32 v15, v13;
	v15 =	vld [tilespmem:s29+$0x30];
	v13 =	vmax.f32 v14, v16;
	v14 =	vmul.f32 v30, v6  }
0x114: {  	v22 =	vld [tilespmem:s11+$0x60];
	v30 =	vmax.f32 v9, v13;
	v9 =	vmul.f32 v57, v2;
	v13 =	vmul.f32 v58, v0  }
0x115: {  	v11 =	vld [tilespmem:s28+$0x50];
	v19 =	vmul.f32 v46, v6;
	v12 =	vmax.f32 v12, v14;
	v14 =	vmul.f32 v45, v7  }
0x116: {  	s8 =	sadd.s32 $0x4, s31;
	v16 =	vld [tilespmem:s10+$0x40];
	v9 =	vmax.f32 v9, v13;
	v13 =	vmul.f32 v59, v2;
	v21 =	vmul.f32 v21, v0  }
0x117: {  	v17 =	vmul.f32 v17, v7;
	v36 =	vld [tilespmem:s8+$0xFFFFFFFE];
	v10 =	vmul.f32 v10, v2;
	v14 =	vmax.f32 v14, v19  }
0x118: {  	v18 =	vld [tilespmem:s11+$0x50];
	v19 =	vmul.f32 v53, v6;
	v15 =	vmul.f32 v15, v0;
	v13 =	vmax.f32 v13, v21  }
0x119: {  	v32 =	vmax.f32 v12, v9;
	v12 =	vmul.f32 v20, v7;
	v20 =	vld [tilespmem:s3+$0x10];
	v33 =	vmax.f32 v14, v13  }
0x11a: {  	v21 =	vld [tilespmem:s10+$0x60];
	v9 =	vmax.f32 v17, v19;
	v10 =	vmax.f32 v10, v15;
	v13 =	vmul.f32 v54, v6  }
0x11b: {  	v14 =	vld [tilespmem:s29+$0x60];
	v35 =	vmax.f32 v9, v10;
	v9 =	vmul.f32 v16, v2;
	v10 =	vmul.f32 v60, v0  }
0x11c: {  	v11 =	vmul.f32 v11, v6;
	(v2sf) =	vpush v36, $0x0;
	v15 =	vld [tilespmem:s29+$0x70];
	v17 =	vmul.f32 v62, v0  }
0x11d: {  	v19 =	vld [tilespmem:s2+$0x10];
	v12 =	vmax.f32 v12, v13;
	v13 =	vmul.f32 v18, v7;
	v9 =	vmax.f32 v9, v10  }
0x11e: {  	v16 =	vld [tilespmem:s6+$0x0];
	v10 =	vmul.f32 v61, v2;
	v37 =	vmax.f32 v12, v9;
	v9 =	vmul.f32 v22, v7  }
0x11f: {  	v18 =	vld [tilespmem:s7+$0x0];
	v12 =	vmul.f32 v55, v6;
	v11 =	vmax.f32 v13, v11;
	v13 =	vmul.f32 v21, v2  }
0x120: {  	v21 =	vmul.f32 v56, v6;
	v6 =	vmul.f32 v20, v6;
	v20 =	vimm.f32 $0.0e+00  }
0x121: {  	v14 =	vmul.f32 v14, v0;
	v10 =	vmax.f32 v10, v17;
	v17 =	vmul.f32 v52, v7  }
0x122: {  	v7 =	vmul.f32 v19, v7;
	v19 =	vimm.f32 $0.0e+00;
	v41 =	vmax.f32 v11, v10  }
0x123: {  	v10 =	vmul.f32 v63, v2;
	v11 =	vmul.f32 v15, v0;
	v9 =	vmax.f32 v9, v12  }
0x124: {  	v22 =	vld [tilespmem:s6+$0x10];
	v12 =	vmul.f32 v16, v2;
	v16 =	vmul.f32 v18, v0;
	v13 =	vmax.f32 v13, v14  }
0x125: {  	v14 =	vmax.f32 v17, v21;
	v63 =	vmax.f32 v7, v6;
	v21 =	vimm.f32 $0.0e+00  }
0x126: {  	v15 =	vld [tilespmem:s7+$0x10];
	v18 =	vimm.f32 $0.0e+00;
	v17 =	vimm.f32 $0.0e+00;
	v6 =	vimm.f32 $0.0e+00  }
0x127: {  	v7 =	vimm.f32 $0.0e+00;
	v10 =	vmax.f32 v10, v11;
	v42 =	vmax.f32 v9, v13  }
0x128: {  	v38 =	vld [tilespmem:s8+$0xFFFFFFFF];
	v13 =	vimm.f32 $0.0e+00;
	v9 =	vimm.f32 $0.0e+00;
	v11 =	vmax.f32 v12, v16  }
0x129: {  	v39 =	vld [tilespmem:s8+$0x0];
	v44 =	vmax.f32 v14, v10;
	v62 =	vmul.f32 v22, v2;
	v22 =	vimm.f32 $0.0e+00  }
0x12a: {  	v40 =	vld [tilespmem:s8+$0x1];
	v16 =	vimm.f32 $0.0e+00;
	v14 =	vimm.f32 $0.0e+00;
	v12 =	vimm.f32 $0.0e+00  }
0x12b: {  	s11 =	simm.s32 $0x400;
	v46 =	vld [tilespmem:s20+$0xA000];
	v10 =	vimm.f32 $0.0e+00;
	v43 =	vmax.f32 v8, v11;
	v61 =	vmul.f32 v15, v0  }
0x12c: {  	s10 =	simm.s32 $0x200;
	s2 =	smov.u32 s9;
	v60 =	vld [tilespmem:s20+$0xA010];
	s7 =	simm.s32 $0x0;
	v11 =	vimm.f32 $0.0e+00;
	v8 =	vimm.f32 $0.0e+00;
	v15 =	vimm.f32 $0.0e+00  }
.LBB2_3:
0x12d: {  	p0 =	sne.s32 s11, $0x3000;
	(v2sf) =	vpush v38, $0x0;
	v2 =	vld [tilespmem:s20+$0xA020];
	v0 =	vmax.f32 v62, v61  }
0x12e: {  	(v2sf) =	vpush v39, $0x0;
	v34 =	vld [tilespmem:s20+$0xA030];
	v0 =	vmax.f32 v63, v0  }
0x12f: {  	(v2sf) =	vpush v40, $0x0;
	v45 =	vld [tilespmem:s20+$0xA040]  }
0x130: {  	v46 =	vsub.f32 v46, v23;
	v47 =	vld [tilespmem:s20+$0xA050]  }
0x131: {  	v48 =	vsub.f32 v60, v24;
	v49 =	vld [tilespmem:s20+$0xA060]  }
0x132: {  	v46 =	vmul.f32 v46, v4;
	v2 =	vsub.f32 v2, v25;
	v50 =	vld [tilespmem:s20+$0xA070]  }
0x133: {  	v48 =	vmul.f32 v48, v4;
	v34 =	vsub.f32 v34, v26;
	v51 =	vld [tilespmem:s20+$0xA400]  }
0x134: {  	v23 =	vadd.f32 v46, v23;
	v2 =	vmul.f32 v2, v4;
	v45 =	vsub.f32 v45, v27;
	v46 =	vld [tilespmem:s20+$0xA410]  }
0x135: {  	v24 =	vadd.f32 v48, v24;
	v34 =	vmul.f32 v34, v4;
	v47 =	vsub.f32 v47, v28;
	v48 =	vld [tilespmem:s20+$0xA420]  }
0x136: {  	s2 =	sadd.s32 $0x1, s2;
	v2 =	vadd.f32 v2, v25;
	v25 =	vmul.f32 v45, v4;
	v45 =	vsub.f32 v49, v29;
	v49 =	vld [tilespmem:s20+$0xA430]  }
0x137: {  	s18 =	sadd.s32 $0x1, s18;
	v52 =	vld [tilespmem:s2+$0x0];
	v26 =	vadd.f32 v34, v26;
	v34 =	vmul.f32 v47, v4;
	v47 =	vsub.f32 v50, v31  }
0x138: {  	s3 =	sshrl.u32 s18, $0x1;
	v25 =	vadd.f32 v25, v27;
	v27 =	vmul.f32 v45, v4;
	v45 =	vsub.f32 v51, v30;
	v50 =	vld [tilespmem:s20+$0xA440]  }
0x139: {  	s3 =	smul.u32 $0x3000, s3;
	v28 =	vadd.f32 v34, v28;
	v34 =	vmul.f32 v47, v4;
	v46 =	vsub.f32 v46, v32;
	v47 =	vld [tilespmem:s20+$0xA450]  }
0x13a: {  	s19 =	sadd.s32 $0x200, s19;
	v27 =	vadd.f32 v27, v29;
	v29 =	vmul.f32 v45, v4;
	v45 =	vsub.f32 v48, v33;
	v48 =	vld [tilespmem:s20+$0xA460]  }
0x13b: {  	s21 =	sand.u32 $0x200, s10;
	s13 =	sshra.s32 s3, $0x2;
	s3 =	spop (v2sf);
	v31 =	vadd.f32 v34, v31;
	v34 =	vmul.f32 v46, v4;
	v46 =	vsub.f32 v49, v35;
	v49 =	vld [tilespmem:s20+$0xA470]  }
0x13c: {  	s6 =	sadd.s32 $0x80, s10;
	s23 =	sadd.s32 $0xD800, s13;
	(v2sf) =	vpush v52, $0x0;
	s24 =	spop (v2sf);
	v29 =	vadd.f32 v29, v30;
	v30 =	vmul.f32 v45, v4;
	v45 =	vld [tilespmem:s20+$0xA800]  }
0x13d: {  	s22 =	sand.u32 $0x280, s6;
	s14 =	sor.u32 s21, s23;
	s6 =	spop (v2sf);
	v32 =	vadd.f32 v34, v32;
	v34 =	vmul.f32 v46, v4;
	v46 =	vsub.f32 v50, v37;
	v50 =	vld [tilespmem:s20+$0xA810]  }
0x13e: {  	s20 =	sshll.u32 s3, $0x2;
	s3 =	sor.u32 s22, s23;
	v51 =	vld [tilespmem:s14+$0x0];
	s25 =	spop (v2sf);
	v30 =	vadd.f32 v30, v33;
	v33 =	vsub.f32 v47, v41  }
0x13f: {  	s24 =	sshll.u32 s24, $0x2;
	s20 =	sshra.s32 s20, $0x2;
	s6 =	sshll.u32 s6, $0x2;
	v47 =	vld [tilespmem:s3+$0x0];
	v35 =	vadd.f32 v34, v35;
	v34 =	vmul.f32 v46, v4;
	v46 =	vsub.f32 v48, v42  }
0x140: {  	v5 =	vadd.f32 v23, v5;
	s24 =	sshra.s32 s24, $0x2;
	s20 =	sand.u32 $0xFFFFFFF0, s20;
	s25 =	sshll.u32 s25, $0x2;
	v48 =	vld [tilespmem:s14+$0x20];
	v23 =	vmul.f32 v33, v4;
	v33 =	vsub.f32 v49, v44  }
0x141: {  	s24 =	sand.u32 $0xFFFFFFF0, s24;
	s6 =	sshra.s32 s6, $0x2;
	s20 =	sadd.s32 s20, s19;
	v49 =	vld [tilespmem:s3+$0x20];
	v37 =	vadd.f32 v34, v37;
	v34 =	vmul.f32 v46, v4;
	v45 =	vsub.f32 v45, v43  }
0x142: {  	s6 =	sand.u32 $0xFFFFFFF0, s6;
	v46 =	vld [tilespmem:s20+$0x0];
	s20 =	sadd.s32 s24, s19;
	s24 =	sshra.s32 s25, $0x2;
	v23 =	vadd.f32 v23, v41;
	v33 =	vmul.f32 v33, v4;
	v41 =	vsub.f32 v50, v0  }
0x143: {  	v22 =	vadd.f32 v24, v22;
	s6 =	sadd.s32 s6, s19;
	v50 =	vld [tilespmem:s20+$0x80];
	s20 =	sand.u32 $0xFFFFFFF0, s24;
	s24 =	sadd.s32 $0x100, s10;
	v24 =	vadd.f32 v34, v42;
	v34 =	vmul.f32 v45, v4  }
0x144: {  	v21 =	vadd.f32 v2, v21;
	s10 =	sadd.s32 $0x180, s10;
	v42 =	vld [tilespmem:s6+$0x100];
	s6 =	sadd.s32 s20, s19;
	s15 =	sand.u32 $0x300, s24;
	v33 =	vadd.f32 v33, v44;
	v2 =	vmul.f32 v41, v4  }
0x145: {  	v20 =	vadd.f32 v26, v20;
	s20 =	sadd.s32 $0xD000, s13;
	s10 =	sand.u32 $0x380, s10;
	v4 =	vld [tilespmem:s6+$0x180];
	s6 =	sor.u32 s15, s23;
	v26 =	vadd.f32 v34, v43  }
0x146: {  	s5 =	sadd.s32 $0xD400, s13;
	v19 =	vadd.f32 v25, v19;
	s24 =	sshrl.u32 s18, $0x3;
	s13 =	sor.u32 s10, s23;
	v41 =	vld [tilespmem:s6+$0x20];
	v25 =	vadd.f32 v2, v0  }
0x147: {  	v18 =	vadd.f32 v28, v18;
	s28 =	sor.u32 s21, s20;
	s25 =	sor.u32 s22, s20;
	s23 =	smul.u32 $0x3000, s24;
	v0 =	vbroadcast v36, $0x0;
	v2 =	vbroadcast v38, $0x0;
	v36 =	vld [tilespmem:s13+$0x20]  }
0x148: {  	s7 =	sadd.s32 $0x80, s7;
	v28 =	vbroadcast v39, $0x0;
	v17 =	vadd.f32 v27, v17;
	v34 =	vbroadcast v40, $0x0;
	s29 =	sor.u32 s15, s20;
	s26 =	sor.u32 s10, s20;
	v38 =	vld [tilespmem:s28+$0x0]  }
0x149: {  	v16 =	vadd.f32 v31, v16;
	s20 =	sand.u32 $0x380, s7;
	s21 =	sor.u32 s21, s5;
	s23 =	sshra.s32 s23, $0x2;
	v39 =	vperm.xlane v46, v0;
	v2 =	vperm.xlane v50, v2;
	v0 =	vld [tilespmem:s25+$0x0]  }
0x14a: {  	v14 =	vadd.f32 v29, v14;
	s24 =	sor.u32 s22, s5;
	s20 =	sor.u32 s20, s23;
	s23 =	sor.u32 s15, s5;
	v45 =	vperm.xlane v42, v28;
	v34 =	vperm.xlane v4, v34;
	v27 =	vld [tilespmem:s29+$0x0]  }
0x14b: {  	v15 =	vadd.f32 v32, v15;
	s22 =	sor.u32 s10, s5;
	s10 =	smov.u32 s11;
	v28 =	vmul.f32 v48, v39;
	v29 =	vmul.f32 v49, v2;
	v31 =	vld [tilespmem:s20+$0xA820];
	s5 =	spop (v2sf)  }
0x14c: {  	v12 =	vadd.f32 v30, v12;
	v32 =	vmul.f32 v41, v45;
	v4 =	vld.msk [tilespmem:s5+$0x1A000 ss:$0x0], $0xffff;
	v36 =	vmul.f32 v36, v34  }
0x14d: {  	v13 =	vadd.f32 v35, v13;
	v40 =	vmul.f32 v51, v39;
	v30 =	vmul.f32 v38, v39;
	v38 =	vld [tilespmem:s26+$0x0]  }
0x14e: {  	v28 =	vmax.f32 v28, v29;
	v0 =	vmul.f32 v0, v2;
	v35 =	vld [tilespmem:s28+$0x10];
	v29 =	vmax.f32 v32, v36  }
0x14f: {  	v36 =	vmul.f32 v47, v2;
	v27 =	vmul.f32 v27, v45;
	v32 =	vld [tilespmem:s25+$0x10];
	v28 =	vmax.f32 v28, v29  }
0x150: {  	v9 =	vadd.f32 v37, v9;
	v29 =	vmax.f32 v30, v0;
	v30 =	vld [tilespmem:s29+$0x10];
	v31 =	vsub.f32 v31, v28  }
0x151: {  	v6 =	vadd.f32 v23, v6;
	v7 =	vadd.f32 v24, v7;
	v0 =	vmax.f32 v40, v36;
	v37 =	vld [tilespmem:s26+$0x10]  }
0x152: {  	v10 =	vadd.f32 v33, v10;
	v23 =	vmul.f32 v38, v34;
	v24 =	vld [tilespmem:s28+$0x20];
	v31 =	vmul.f32 v31, v4  }
0x153: {  	v11 =	vadd.f32 v26, v11;
	v8 =	vadd.f32 v25, v8;
	v33 =	vmul.f32 v35, v39;
	v35 =	vld [tilespmem:s25+$0x20]  }
0x154: {  	v23 =	vmax.f32 v27, v23;
	v25 =	vmul.f32 v32, v2;
	v26 =	vld [tilespmem:s29+$0x20];
	v27 =	vadd.f32 v31, v28  }
0x155: {  	v23 =	vmax.f32 v29, v23;
	v28 =	vmul.f32 v30, v45;
	v29 =	vld [tilespmem:s26+$0x20]  }
0x156: {  	v25 =	vmax.f32 v33, v25;
	v30 =	vmul.f32 v37, v34;
	v31 =	vld [tilespmem:s28+$0x30];
	v3 =	vadd.f32 v27, v3  }
0x157: {  	v27 =	vmul.f32 v24, v39;
	v32 =	vld [tilespmem:s25+$0x30]  }
0x158: {  	v24 =	vmax.f32 v28, v30;
	v28 =	vmul.f32 v35, v2;
	v30 =	vld [tilespmem:s29+$0x30]  }
0x159: {  	v24 =	vmax.f32 v25, v24;
	v25 =	vmul.f32 v26, v45;
	v26 =	vld [tilespmem:s26+$0x30]  }
0x15a: {  	v27 =	vmax.f32 v27, v28;
	v28 =	vmul.f32 v29, v34;
	v29 =	vld [tilespmem:s28+$0x40]  }
0x15b: {  	v31 =	vmul.f32 v31, v39;
	v33 =	vld [tilespmem:s25+$0x40]  }
0x15c: {  	v25 =	vmax.f32 v25, v28;
	v28 =	vmul.f32 v32, v2;
	v32 =	vld [tilespmem:s29+$0x40]  }
0x15d: {  	v25 =	vmax.f32 v27, v25;
	v27 =	vmul.f32 v30, v45;
	v30 =	vld [tilespmem:s26+$0x40]  }
0x15e: {  	v28 =	vmax.f32 v31, v28;
	v26 =	vmul.f32 v26, v34;
	v31 =	vld [tilespmem:s28+$0x50]  }
0x15f: {  	v29 =	vmul.f32 v29, v39;
	v35 =	vld [tilespmem:s25+$0x50]  }
0x160: {  	v26 =	vmax.f32 v27, v26;
	v27 =	vmul.f32 v33, v2;
	v33 =	vld [tilespmem:s29+$0x50]  }
0x161: {  	v26 =	vmax.f32 v28, v26;
	v28 =	vmul.f32 v32, v45;
	v32 =	vld [tilespmem:s26+$0x50]  }
0x162: {  	v27 =	vmax.f32 v29, v27;
	v29 =	vmul.f32 v30, v34;
	v30 =	vld [tilespmem:s28+$0x60]  }
0x163: {  	v31 =	vmul.f32 v31, v39;
	v36 =	vld [tilespmem:s25+$0x60]  }
0x164: {  	v28 =	vmax.f32 v28, v29;
	v29 =	vmul.f32 v35, v2;
	v35 =	vld [tilespmem:s29+$0x60]  }
0x165: {  	v27 =	vmax.f32 v27, v28;
	v28 =	vmul.f32 v33, v45;
	v33 =	vld [tilespmem:s26+$0x60]  }
0x166: {  	v29 =	vmax.f32 v31, v29;
	v31 =	vmul.f32 v32, v34;
	v32 =	vld [tilespmem:s28+$0x70]  }
0x167: {  	v30 =	vmul.f32 v30, v39;
	v37 =	vld [tilespmem:s25+$0x70]  }
0x168: {  	v28 =	vmax.f32 v28, v31;
	v31 =	vmul.f32 v36, v2;
	v36 =	vld [tilespmem:s29+$0x70]  }
0x169: {  	v28 =	vmax.f32 v29, v28;
	v29 =	vmul.f32 v35, v45;
	v35 =	vld [tilespmem:s26+$0x70]  }
0x16a: {  	v30 =	vmax.f32 v30, v31;
	v31 =	vmul.f32 v33, v34;
	v33 =	vld [tilespmem:s21+$0x0]  }
0x16b: {  	v32 =	vmul.f32 v32, v39;
	v38 =	vld [tilespmem:s24+$0x0]  }
0x16c: {  	v29 =	vmax.f32 v29, v31;
	v31 =	vmul.f32 v37, v2;
	v37 =	vld [tilespmem:s23+$0x0]  }
0x16d: {  	v29 =	vmax.f32 v30, v29;
	v30 =	vmul.f32 v36, v45;
	v36 =	vld [tilespmem:s22+$0x0]  }
0x16e: {  	v31 =	vmax.f32 v32, v31;
	v32 =	vmul.f32 v35, v34;
	v35 =	vld [tilespmem:s21+$0x10]  }
0x16f: {  	v33 =	vmul.f32 v33, v39;
	v40 =	vld [tilespmem:s24+$0x10]  }
0x170: {  	v30 =	vmax.f32 v30, v32;
	v32 =	vmul.f32 v38, v2;
	v38 =	vld [tilespmem:s23+$0x10]  }
0x171: {  	v31 =	vmax.f32 v31, v30;
	v30 =	vmul.f32 v37, v45;
	v37 =	vld [tilespmem:s22+$0x10]  }
0x172: {  	v32 =	vmax.f32 v33, v32;
	v33 =	vmul.f32 v36, v34;
	v36 =	vld [tilespmem:s21+$0x20]  }
0x173: {  	v35 =	vmul.f32 v35, v39;
	v41 =	vld [tilespmem:s24+$0x20]  }
0x174: {  	v30 =	vmax.f32 v30, v33;
	v33 =	vmul.f32 v40, v2;
	v40 =	vld [tilespmem:s23+$0x20]  }
0x175: {  	v30 =	vmax.f32 v32, v30;
	v32 =	vmul.f32 v38, v45;
	v38 =	vld [tilespmem:s22+$0x20]  }
0x176: {  	v33 =	vmax.f32 v35, v33;
	v35 =	vmul.f32 v37, v34;
	v37 =	vld [tilespmem:s21+$0x30]  }
0x177: {  	v36 =	vmul.f32 v36, v39;
	v42 =	vld [tilespmem:s24+$0x30]  }
0x178: {  	v32 =	vmax.f32 v32, v35;
	v35 =	vmul.f32 v41, v2;
	v41 =	vld [tilespmem:s23+$0x30]  }
0x179: {  	v32 =	vmax.f32 v33, v32;
	v33 =	vmul.f32 v40, v45;
	v40 =	vld [tilespmem:s22+$0x30]  }
0x17a: {  	v35 =	vmax.f32 v36, v35;
	v36 =	vmul.f32 v38, v34;
	v38 =	vld [tilespmem:s21+$0x40]  }
0x17b: {  	v37 =	vmul.f32 v37, v39;
	v43 =	vld [tilespmem:s24+$0x40]  }
0x17c: {  	v33 =	vmax.f32 v33, v36;
	v36 =	vmul.f32 v42, v2;
	v42 =	vld [tilespmem:s23+$0x40]  }
0x17d: {  	v33 =	vmax.f32 v35, v33;
	v35 =	vmul.f32 v41, v45;
	v41 =	vld [tilespmem:s22+$0x40]  }
0x17e: {  	v36 =	vmax.f32 v37, v36;
	v37 =	vmul.f32 v40, v34;
	v40 =	vld [tilespmem:s21+$0x50]  }
0x17f: {  	v38 =	vmul.f32 v38, v39;
	v44 =	vld [tilespmem:s24+$0x50]  }
0x180: {  	v35 =	vmax.f32 v35, v37;
	v37 =	vmul.f32 v43, v2;
	v43 =	vld [tilespmem:s23+$0x50]  }
0x181: {  	v35 =	vmax.f32 v36, v35;
	v36 =	vmul.f32 v42, v45;
	v42 =	vld [tilespmem:s22+$0x50]  }
0x182: {  	v37 =	vmax.f32 v38, v37;
	v38 =	vmul.f32 v41, v34;
	v41 =	vld [tilespmem:s21+$0x60]  }
0x183: {  	v40 =	vmul.f32 v40, v39;
	v46 =	vld [tilespmem:s24+$0x60]  }
0x184: {  	v36 =	vmax.f32 v36, v38;
	v38 =	vmul.f32 v44, v2;
	v44 =	vld [tilespmem:s23+$0x60]  }
0x185: {  	v37 =	vmax.f32 v37, v36;
	v36 =	vmul.f32 v43, v45;
	v43 =	vld [tilespmem:s22+$0x60]  }
0x186: {  	v38 =	vmax.f32 v40, v38;
	v40 =	vmul.f32 v42, v34;
	v42 =	vld [tilespmem:s21+$0x70]  }
0x187: {  	v47 =	vmul.f32 v41, v39;
	v48 =	vld [tilespmem:s24+$0x70]  }
0x188: {  	v36 =	vmax.f32 v36, v40;
	v40 =	vmul.f32 v46, v2;
	v46 =	vld [tilespmem:s23+$0x70]  }
0x189: {  	v41 =	vmax.f32 v38, v36;
	v36 =	vmul.f32 v44, v45;
	v38 =	vld [tilespmem:s22+$0x70]  }
0x18a: {  	v40 =	vmax.f32 v47, v40;
	v43 =	vmul.f32 v43, v34;
	v44 =	vld [tilespmem:s6+$0x0]  }
0x18b: {  	v47 =	vmul.f32 v42, v39;
	v49 =	vld [tilespmem:s13+$0x0]  }
0x18c: {  	v36 =	vmax.f32 v36, v43;
	v43 =	vmul.f32 v48, v2;
	v48 =	vld [tilespmem:s14+$0x10]  }
0x18d: {  	v42 =	vmax.f32 v40, v36;
	v40 =	vmul.f32 v46, v45;
	v46 =	vld [tilespmem:s3+$0x10]  }
0x18e: {  	v43 =	vmax.f32 v47, v43;
	v38 =	vmul.f32 v38, v34;
	v47 =	vld [tilespmem:s6+$0x10]  }
0x18f: {  	s8 =	sadd.s32 $0x4, s8;
	v50 =	vmul.f32 v44, v45;
	v51 =	vld [tilespmem:s13+$0x10]  }
0x190: {  	v36 =	vld [tilespmem:s8+$0xFFFFFFFE];
	v40 =	vmax.f32 v40, v38;
	v49 =	vmul.f32 v49, v34  }
.Ltmp0:
0x191: {  	v38 =	vld [tilespmem:s8+$0xFFFFFFFF];
	v44 =	vmax.f32 v43, v40;
	v48 =	vmul.f32 v48, v39;
	(pc) =	sbr.rel @p0 .LBB2_3-.Ltmp0, $4  }
0x192: {  	v39 =	vld [tilespmem:s8+$0x0];
	v43 =	vmax.f32 v50, v49;
	v2 =	vmul.f32 v46, v2  }
0x193: {  	v40 =	vld [tilespmem:s8+$0x1];
	v43 =	vmax.f32 v0, v43;
	v62 =	vmul.f32 v47, v45  }
0x194: {  	v46 =	vld [tilespmem:s20+$0xA000];
	v63 =	vmax.f32 v48, v2;
	v61 =	vmul.f32 v51, v34  }
0x195: {  	s11 =	sadd.s32 $0x200, s11;
	(v2sf) =	vpush v36, $0x0;
	v60 =	vld [tilespmem:s20+$0xA010]  }
0x196: {  	v0 =	vld [tilespmem:s20+$0xA400];
	_ =	sdelay $0x4  }
0x197: {  	[tilespmem:$0x1F830] =	vst v0;
	v0 =	vld [tilespmem:s20+$0xA430];
	_ =	sdelay $0x4  }
0x198: {  	[tilespmem:$0x1F840] =	vst v0;
	v0 =	vld [tilespmem:s20+$0xA440];
	_ =	sdelay $0x4  }
0x199: {  	[tilespmem:$0x1F850] =	vst v0;
	v0 =	vld [tilespmem:s20+$0xA450];
	_ =	sdelay $0x4  }
0x19a: {  	(v2sf) =	vpush v38, $0x0;
	[tilespmem:$0x1F860] =	vst v0;
	v0 =	vld [tilespmem:s20+$0xA460];
	_ =	sdelay $0x4  }
0x19b: {  	[tilespmem:$0x1F870] =	vst v0;
	v0 =	vld [tilespmem:s20+$0xA470]  }
0x19c: {  	v45 =	vld [tilespmem:s20+$0xA020]  }
0x19d: {  	v47 =	vld [tilespmem:s20+$0xA030]  }
0x19e: {  	v48 =	vld [tilespmem:s20+$0xA040];
	s2 =	sadd.s32 $0x1, s2  }
0x19f: {  	v34 =	vld [tilespmem:s2+$0x0]  }
0x1a0: {  	[tilespmem:$0x1F880] =	vst v0;
	v0 =	vld [tilespmem:s20+$0xA800]  }
0x1a1: {  	v49 =	vld [tilespmem:s20+$0xA050]  }
0x1a2: {  	v51 =	vld [tilespmem:s20+$0xA060]  }
0x1a3: {  	v50 =	vld [tilespmem:s20+$0xA070];
	(v2sf) =	vpush v39, $0x0  }
0x1a4: {  	v53 =	vld [tilespmem:s20+$0xA410];
	s6 =	sadd.s32 $0x1, s18;
	(v2sf) =	vpush v40, $0x0;
	s3 =	spop (v2sf)  }
0x1a5: {  	v59 =	vld [tilespmem:s20+$0xA420];
	s21 =	sshrl.u32 s6, $0x1;
	(v2sf) =	vpush v34, $0x0;
	s15 =	spop (v2sf);
	[tilespmem:$0x1F890] =	vst v0  }
0x1a6: {  	s2 =	smul.u32 $0x3000, s21;
	v0 =	vld [tilespmem:s20+$0xA810];
	_ =	sdelay $0x1  }
0x1a7: {  	s13 =	sshra.s32 s2, $0x2  }
0x1a8: {  	s8 =	sand.u32 $0x200, s10;
	s11 =	sadd.s32 $0xD800, s13  }
0x1a9: {  	s2 =	sor.u32 s8, s11  }
0x1aa: {  	[tilespmem:$0x1F8A0] =	vst v0;
	v0 =	vld [tilespmem:s2+$0x0];
	_ =	sdelay $0x1  }
0x1ab: {  	s22 =	sadd.s32 $0x80, s10  }
0x1ac: {  	s14 =	sand.u32 $0x280, s22  }
0x1ad: {  	s24 =	sshll.u32 s3, $0x2;
	s3 =	sor.u32 s14, s11  }
0x1ae: {  	[tilespmem:$0x1F930] =	vst v0;
	v0 =	vld [tilespmem:s3+$0x0];
	_ =	sdelay $0x4  }
0x1af: {  	[tilespmem:$0x1F940] =	vst v0;
	v0 =	vld [tilespmem:s2+$0x20];
	_ =	sdelay $0x4  }
0x1b0: {  	[tilespmem:$0x1F8E0] =	vst v0;
	v0 =	vld [tilespmem:s3+$0x20];
	_ =	sdelay $0x1  }
0x1b1: {  	s5 =	sadd.s32 $0x200, s19;
	s19 =	sshra.s32 s24, $0x2  }
0x1b2: {  	s19 =	sand.u32 $0xFFFFFFF0, s19  }
0x1b3: {  	s19 =	sadd.s32 s19, s5  }
0x1b4: {  	[tilespmem:$0x1F8F0] =	vst v0;
	v0 =	vld [tilespmem:s19+$0x0]  }
0x1b5: {  	s15 =	sshll.u32 s15, $0x2  }
0x1b6: {  	s15 =	sshra.s32 s15, $0x2  }
0x1b7: {  	s15 =	sand.u32 $0xFFFFFFF0, s15  }
0x1b8: {  	s15 =	sadd.s32 s15, s5  }
0x1b9: {  	s23 =	spop (v2sf);
	[tilespmem:$0x1F8B0] =	vst v0;
	v0 =	vld [tilespmem:s15+$0x80]  }
0x1ba: {  	s18 =	sshll.u32 s23, $0x2  }
0x1bb: {  	s18 =	sshra.s32 s18, $0x2  }
0x1bc: {  	s18 =	sand.u32 $0xFFFFFFF0, s18  }
0x1bd: {  	s18 =	sadd.s32 s18, s5  }
0x1be: {  	[tilespmem:$0x1F8C0] =	vst v0;
	v0 =	vld [tilespmem:s18+$0x100];
	_ =	sdelay $0x1  }
0x1bf: {  	s28 =	sadd.s32 $0x100, s10  }
0x1c0: {  	s15 =	sand.u32 $0x300, s28  }
0x1c1: {  	s21 =	sor.u32 s15, s11  }
0x1c2: {  	[tilespmem:$0x1F8D0] =	vst v0;
	v0 =	vld [tilespmem:s21+$0x20];
	_ =	sdelay $0x1  }
0x1c3: {  	s29 =	sadd.s32 $0x180, s10  }
0x1c4: {  	s10 =	sand.u32 $0x380, s29  }
0x1c5: {  	s11 =	sor.u32 s10, s11  }
0x1c6: {  	[tilespmem:$0x1F900] =	vst v0;
	v0 =	vld [tilespmem:s11+$0x20];
	_ =	sdelay $0x2  }
0x1c7: {  	s22 =	sadd.s32 $0xD000, s13  }
0x1c8: {  	s23 =	sor.u32 s8, s22  }
0x1c9: {  	[tilespmem:$0x1F910] =	vst v0;
	v0 =	vld [tilespmem:s23+$0x0];
	_ =	sdelay $0x4  }
0x1ca: {  	[tilespmem:$0x1F920] =	vst v0;
	v0 =	vld [tilespmem:s23+$0x10];
	_ =	sdelay $0x4  }
0x1cb: {  	[tilespmem:$0x1F970] =	vst v0;
	v0 =	vld [tilespmem:s23+$0x20];
	_ =	sdelay $0x4  }
0x1cc: {  	[tilespmem:$0x1F9B0] =	vst v0;
	v0 =	vld [tilespmem:s23+$0x30];
	_ =	sdelay $0x4  }
0x1cd: {  	[tilespmem:$0x1F9F0] =	vst v0;
	v0 =	vld [tilespmem:s23+$0x40];
	_ =	sdelay $0x4  }
0x1ce: {  	[tilespmem:$0x1FA30] =	vst v0;
	v0 =	vld [tilespmem:s23+$0x50];
	_ =	sdelay $0x4  }
0x1cf: {  	[tilespmem:$0x1FA70] =	vst v0;
	v0 =	vld [tilespmem:s23+$0x60];
	_ =	sdelay $0x4  }
0x1d0: {  	s25 =	spop (v2sf);
	[tilespmem:$0x1FAB0] =	vst v0;
	v0 =	vld [tilespmem:s23+$0x70]  }
0x1d1: {  	s20 =	sshll.u32 s25, $0x2  }
0x1d2: {  	s20 =	sshra.s32 s20, $0x2  }
0x1d3: {  	s26 =	sand.u32 $0xFFFFFFF0, s20  }
0x1d4: {  	s5 =	sadd.s32 s26, s5;
	s26 =	sor.u32 s15, s22  }
0x1d5: {  	[tilespmem:$0x1FAF0] =	vst v0;
	v0 =	vld [tilespmem:s26+$0x0];
	_ =	sdelay $0x3  }
0x1d6: {  	v56 =	vld [tilespmem:s5+$0x180];
	s5 =	sor.u32 s10, s22  }
0x1d7: {  	[tilespmem:$0x1F950] =	vst v0;
	v0 =	vld [tilespmem:s5+$0x0];
	_ =	sdelay $0x3  }
0x1d8: {  	s25 =	sor.u32 s14, s22  }
0x1d9: {  	[tilespmem:$0x1F960] =	vst v0;
	v0 =	vld [tilespmem:s25+$0x10];
	_ =	sdelay $0x4  }
0x1da: {  	[tilespmem:$0x1F980] =	vst v0;
	v0 =	vld [tilespmem:s26+$0x10];
	_ =	sdelay $0x4  }
0x1db: {  	[tilespmem:$0x1F990] =	vst v0;
	v0 =	vld [tilespmem:s5+$0x10];
	_ =	sdelay $0x4  }
0x1dc: {  	[tilespmem:$0x1F9A0] =	vst v0;
	v0 =	vld [tilespmem:s25+$0x20];
	_ =	sdelay $0x4  }
0x1dd: {  	[tilespmem:$0x1F9C0] =	vst v0;
	v0 =	vld [tilespmem:s26+$0x20];
	_ =	sdelay $0x4  }
0x1de: {  	[tilespmem:$0x1F9D0] =	vst v0;
	v0 =	vld [tilespmem:s5+$0x20];
	_ =	sdelay $0x4  }
0x1df: {  	[tilespmem:$0x1F9E0] =	vst v0;
	v0 =	vld [tilespmem:s25+$0x30];
	_ =	sdelay $0x4  }
0x1e0: {  	[tilespmem:$0x1FA00] =	vst v0;
	v0 =	vld [tilespmem:s26+$0x30];
	_ =	sdelay $0x4  }
0x1e1: {  	[tilespmem:$0x1FA10] =	vst v0;
	v0 =	vld [tilespmem:s5+$0x30];
	_ =	sdelay $0x4  }
0x1e2: {  	[tilespmem:$0x1FA20] =	vst v0;
	v0 =	vld [tilespmem:s25+$0x40];
	_ =	sdelay $0x4  }
0x1e3: {  	[tilespmem:$0x1FA40] =	vst v0;
	v0 =	vld [tilespmem:s26+$0x40];
	_ =	sdelay $0x4  }
0x1e4: {  	[tilespmem:$0x1FA50] =	vst v0;
	v0 =	vld [tilespmem:s5+$0x40];
	_ =	sdelay $0x4  }
0x1e5: {  	[tilespmem:$0x1FA60] =	vst v0;
	v0 =	vld [tilespmem:s25+$0x50];
	_ =	sdelay $0x4  }
0x1e6: {  	[tilespmem:$0x1FA80] =	vst v0;
	v0 =	vld [tilespmem:s26+$0x50];
	_ =	sdelay $0x4  }
0x1e7: {  	[tilespmem:$0x1FA90] =	vst v0;
	v0 =	vld [tilespmem:s5+$0x50];
	_ =	sdelay $0x4  }
0x1e8: {  	[tilespmem:$0x1FAA0] =	vst v0;
	v0 =	vld [tilespmem:s25+$0x60];
	_ =	sdelay $0x4  }
0x1e9: {  	[tilespmem:$0x1FAC0] =	vst v0;
	v0 =	vld [tilespmem:s26+$0x60];
	_ =	sdelay $0x4  }
0x1ea: {  	[tilespmem:$0x1FAD0] =	vst v0;
	v0 =	vld [tilespmem:s5+$0x60];
	_ =	sdelay $0x4  }
0x1eb: {  	[tilespmem:$0x1FAE0] =	vst v0;
	v0 =	vld [tilespmem:s25+$0x70];
	_ =	sdelay $0x4  }
0x1ec: {  	[tilespmem:$0x1FB00] =	vst v0;
	v0 =	vld [tilespmem:s26+$0x70];
	_ =	sdelay $0x4  }
0x1ed: {  	[tilespmem:$0x1FB10] =	vst v0;
	v0 =	vld [tilespmem:s5+$0x70];
	_ =	sdelay $0x2  }
0x1ee: {  	s28 =	sadd.s32 $0xD400, s13  }
0x1ef: {  	s8 =	sor.u32 s8, s28  }
0x1f0: {  	[tilespmem:$0x1FB20] =	vst v0;
	v0 =	vld [tilespmem:s8+$0x0];
	_ =	sdelay $0x3  }
0x1f1: {  	s29 =	sor.u32 s14, s28  }
0x1f2: {  	[tilespmem:$0x1FB30] =	vst v0;
	v0 =	vld [tilespmem:s29+$0x0];
	_ =	sdelay $0x3  }
0x1f3: {  	s13 =	sor.u32 s15, s28  }
0x1f4: {  	s6 =	sshrl.u32 s6, $0x3;
	[tilespmem:$0x1FB40] =	vst v0;
	v0 =	vld [tilespmem:s13+$0x0]  }
0x1f5: {  	s6 =	smul.u32 $0x3000, s6  }
0x1f6: {  	s7 =	sadd.s32 $0x80, s7  }
0x1f7: {  	s7 =	sand.u32 $0x380, s7;
	s6 =	sshra.s32 s6, $0x2  }
0x1f8: {  	s6 =	sor.u32 s7, s6;
	s7 =	sor.u32 s10, s28  }
0x1f9: {  	[tilespmem:$0x1FB50] =	vst v0;
	v0 =	vld [tilespmem:s7+$0x0];
	_ =	sdelay $0x4  }
0x1fa: {  	[tilespmem:$0x1FB60] =	vst v0;
	v0 =	vld [tilespmem:s8+$0x10];
	_ =	sdelay $0x4  }
0x1fb: {  	[tilespmem:$0x1FB70] =	vst v0;
	v0 =	vld [tilespmem:s29+$0x10];
	_ =	sdelay $0x4  }
0x1fc: {  	[tilespmem:$0x1FB80] =	vst v0;
	v0 =	vld [tilespmem:s13+$0x10];
	_ =	sdelay $0x4  }
0x1fd: {  	[tilespmem:$0x1FB90] =	vst v0;
	v0 =	vld [tilespmem:s7+$0x10];
	_ =	sdelay $0x4  }
0x1fe: {  	[tilespmem:$0x1FBA0] =	vst v0;
	v0 =	vld [tilespmem:s8+$0x20];
	_ =	sdelay $0x4  }
0x1ff: {  	[tilespmem:$0x1FBB0] =	vst v0;
	v0 =	vld [tilespmem:s29+$0x20];
	_ =	sdelay $0x4  }
0x200: {  	[tilespmem:$0x1FBC0] =	vst v0;
	v0 =	vld [tilespmem:s13+$0x20];
	_ =	sdelay $0x4  }
0x201: {  	[tilespmem:$0x1FBD0] =	vst v0;
	v0 =	vld [tilespmem:s7+$0x20];
	_ =	sdelay $0x4  }
0x202: {  	[tilespmem:$0x1FBE0] =	vst v0;
	v0 =	vld [tilespmem:s8+$0x30];
	_ =	sdelay $0x4  }
0x203: {  	[tilespmem:$0x1FBF0] =	vst v0;
	v0 =	vld [tilespmem:s29+$0x30];
	_ =	sdelay $0x4  }
0x204: {  	[tilespmem:$0x1FC00] =	vst v0;
	v0 =	vld [tilespmem:s13+$0x30];
	_ =	sdelay $0x4  }
0x205: {  	[tilespmem:$0x1FC10] =	vst v0;
	v0 =	vld [tilespmem:s7+$0x30];
	_ =	sdelay $0x4  }
0x206: {  	[tilespmem:$0x1FC20] =	vst v0;
	v0 =	vld [tilespmem:s8+$0x40];
	_ =	sdelay $0x4  }
0x207: {  	[tilespmem:$0x1FC30] =	vst v0;
	v0 =	vld [tilespmem:s29+$0x40];
	_ =	sdelay $0x4  }
0x208: {  	[tilespmem:$0x1FC40] =	vst v0;
	v0 =	vld [tilespmem:s13+$0x40];
	_ =	sdelay $0x4  }
0x209: {  	[tilespmem:$0x1FC50] =	vst v0;
	v0 =	vld [tilespmem:s7+$0x40];
	_ =	sdelay $0x4  }
0x20a: {  	[tilespmem:$0x1FC60] =	vst v0;
	v0 =	vld [tilespmem:s8+$0x50];
	_ =	sdelay $0x4  }
0x20b: {  	[tilespmem:$0x1FC70] =	vst v0;
	v0 =	vld [tilespmem:s29+$0x50];
	_ =	sdelay $0x4  }
0x20c: {  	[tilespmem:$0x1FC80] =	vst v0;
	v0 =	vld [tilespmem:s13+$0x50];
	_ =	sdelay $0x4  }
0x20d: {  	[tilespmem:$0x1FC90] =	vst v0;
	v0 =	vld [tilespmem:s7+$0x50];
	_ =	sdelay $0x4  }
0x20e: {  	[tilespmem:$0x1FCA0] =	vst v0;
	v0 =	vld [tilespmem:s8+$0x60];
	_ =	sdelay $0x4  }
0x20f: {  	[tilespmem:$0x1FCB0] =	vst v0;
	v0 =	vld [tilespmem:s29+$0x60];
	_ =	sdelay $0x4  }
0x210: {  	[tilespmem:$0x1FCC0] =	vst v0;
	v0 =	vld [tilespmem:s13+$0x60];
	_ =	sdelay $0x4  }
0x211: {  	[tilespmem:$0x1FCD0] =	vst v0;
	v0 =	vld [tilespmem:s7+$0x60];
	_ =	sdelay $0x4  }
0x212: {  	[tilespmem:$0x1FCE0] =	vst v0;
	v0 =	vld [tilespmem:s8+$0x70];
	_ =	sdelay $0x4  }
0x213: {  	[tilespmem:$0x1FCF0] =	vst v0;
	v0 =	vld [tilespmem:s29+$0x70];
	_ =	sdelay $0x4  }
0x214: {  	[tilespmem:$0x1FD00] =	vst v0;
	v0 =	vld [tilespmem:s13+$0x70];
	_ =	sdelay $0x4  }
0x215: {  	[tilespmem:$0x1FD10] =	vst v0;
	v0 =	vld [tilespmem:s7+$0x70];
	_ =	sdelay $0x4  }
0x216: {  	[tilespmem:$0x1FD20] =	vst v0;
	v0 =	vld [tilespmem:s21+$0x0]  }
0x217: {  	v1 =	vld [tilespmem:s6+$0xA030];
	_ =	sdelay $0x3  }
0x218: {  	[tilespmem:$0x1FD30] =	vst v0;
	v0 =	vld [tilespmem:s11+$0x0]  }
0x219: {  	[tilespmem:$0x1FDB0] =	vst v1;
	v1 =	vld [tilespmem:s6+$0xA040];
	_ =	sdelay $0x3  }
0x21a: {  	[tilespmem:$0x1FD40] =	vst v0;
	v0 =	vld [tilespmem:s2+$0x10]  }
0x21b: {  	[tilespmem:$0x1FDC0] =	vst v1;
	v1 =	vld [tilespmem:s6+$0xA050];
	_ =	sdelay $0x3  }
0x21c: {  	[tilespmem:$0x1FD50] =	vst v0;
	v0 =	vld [tilespmem:s3+$0x10]  }
0x21d: {  	[tilespmem:$0x1FDD0] =	vst v1;
	v1 =	vld [tilespmem:s6+$0xA060];
	_ =	sdelay $0x3  }
0x21e: {  	[tilespmem:$0x1FD60] =	vst v0;
	v0 =	vld [tilespmem:s21+$0x10]  }
0x21f: {  	[tilespmem:$0x1FDF0] =	vst v1;
	v1 =	vld [tilespmem:s6+$0xA070];
	_ =	sdelay $0x3  }
0x220: {  	[tilespmem:$0x1FD80] =	vst v0;
	v0 =	vld [tilespmem:s11+$0x10]  }
0x221: {  	[tilespmem:$0x1FE00] =	vst v1;
	v1 =	vld [tilespmem:s6+$0xA400];
	_ =	sdelay $0x3  }
0x222: {  	[tilespmem:$0x1FDE0] =	vst v0;
	v0 =	vld [tilespmem:s6+$0xA000]  }
0x223: {  	[tilespmem:$0x1FE10] =	vst v1;
	v1 =	vld [tilespmem:s6+$0xA410];
	_ =	sdelay $0x3  }
0x224: {  	[tilespmem:$0x1FD70] =	vst v0;
	v0 =	vld [tilespmem:s6+$0xA010]  }
0x225: {  	[tilespmem:$0x1FE20] =	vst v1;
	v1 =	vld [tilespmem:s6+$0xA420];
	_ =	sdelay $0x3  }
0x226: {  	[tilespmem:$0x1FD90] =	vst v0;
	v0 =	vld [tilespmem:s6+$0xA020]  }
0x227: {  	[tilespmem:$0x1FE30] =	vst v1;
	v1 =	vld [tilespmem:s6+$0xA430];
	_ =	sdelay $0x1  }
0x228: {  	v2 =	vld [tilespmem:s6+$0xA450];
	_ =	sdelay $0x1  }
0x229: {  	[tilespmem:$0x1FDA0] =	vst v0;
	v0 =	vld [tilespmem:s17+$0x2080]  }
0x22a: {  	[tilespmem:$0x1FE40] =	vst v1;
	v1 =	vld [tilespmem:s6+$0xA440];
	_ =	sdelay $0x1  }
0x22b: {  	[tilespmem:$0x1FE60] =	vst v2;
	v2 =	vld [tilespmem:s6+$0xA460]  }
0x22c: {  	v34 =	vld [tilespmem:$0x1FFD0]  }
0x22d: {  	v58 =	vld [tilespmem:s6+$0xA470];
	v57 =	vshrl.u32 v0, $0x3  }
0x22e: {  	[tilespmem:$0x1FE50] =	vst v1;
	v1 =	vld [tilespmem:$0x1FFE0];
	v57 =	vmul.u32 $0x18, v57  }
0x22f: {  	v0 =	vand.u32 $0x7, v0  }
0x230: {  	[tilespmem:$0x1FE70] =	vst v2;
	v2 =	vld [tilespmem:$0x1FFF0];
	v0 =	vor.u32 v0, v57  }
0x231: {  	v57 =	vperm.xlane v0, v34;
	_ =	sdelay $0x1  }
0x232: {  	[tilespmem:$0x1FE80] =	vst v58;
	v58 =	vld [tilespmem:s6+$0xA800];
	v57 =	vadd.s32 v1, v57;
	_ =	sdelay $0x1  }
0x233: {  	v55 =	vld [tilespmem:s6+$0xA820];
	s24 =	spop (v2sf);
	v0 =	vperm.xlane v0, v2  }
0x234: {  	v52 =	vld.msk [tilespmem:s24+$0x1A000 ss:$0x0], $0xffff  }
0x235: {  	v54 =	vld [tilespmem:s25+$0x0];
	s18 =	simm.s32 $0x0;
	s11 =	simm.s32 $0xA000;
	v0 =	vadd.s32 v1, v0  }
0x236: {  	[tilespmem:$0x1FE90] =	vst v58;
	v58 =	vld [tilespmem:s6+$0xA810];
	[tilespmem:s11], [sflag:$0x1] =	stream.indirect_vreg.gather [hbm4b:s4+s18], $0x80, v57, vm0, $0xb8  }
0x237: {  	s13 =	simm.s32 $0xA800  }
0x238: {  	[tilespmem:s13], [sflag:$0x1] =	stream.indirect_vreg.gather [hbm4b:s12+s18], $0x80, v57, vm1, $0xb8;
	[tilespmem:$0x1B500] =	vst v63  }
0x239: {  	s14 =	simm.s32 $0xAC00  }
0x23a: {  	[tilespmem:s14], [sflag:$0x1] =	stream.indirect_vreg.gather [hbm4b:s4+s18], $0x80, v0, vm0, $0xb8;
	[tilespmem:$0x1B500] =	vst v63  }
0x23b: {  	s15 =	simm.s32 $0xB400  }
0x23c: {  	[tilespmem:s15], [sflag:$0x1] =	stream.indirect_vreg.gather [hbm4b:s12+s18], $0x80, v0, vm1, $0xb8;
	[tilespmem:$0x1B500] =	vst v63  }
0x23d: {  	v0 =	vld [tilespmem:s17+$0x2090];
	_ =	sdelay $0x4  }
0x23e: {  	v57 =	vshrl.u32 v0, $0x3  }
0x23f: {  	v57 =	vmul.u32 $0x18, v57  }
0x240: {  	v0 =	vand.u32 $0x7, v0  }
0x241: {  	v0 =	vor.u32 v0, v57  }
0x242: {  	v57 =	vperm.xlane v0, v34;
	_ =	sdelay $0x1  }
0x243: {  	v57 =	vadd.s32 v1, v57;
	_ =	sdelay $0x1  }
0x244: {  	v0 =	vperm.xlane v0, v2;
	_ =	sdelay $0x1  }
0x245: {  	s19 =	simm.s32 $0xB800;
	v0 =	vadd.s32 v1, v0  }
0x246: {  	[tilespmem:s19], [sflag:$0x1] =	stream.indirect_vreg.gather [hbm4b:s4+s18], $0x80, v57, vm0, $0xb8;
	[tilespmem:$0x1B500] =	vst v63  }
0x247: {  	s20 =	simm.s32 $0xC000  }
0x248: {  	[tilespmem:s20], [sflag:$0x1] =	stream.indirect_vreg.gather [hbm4b:s12+s18], $0x80, v57, vm1, $0xb8;
	[tilespmem:$0x1B500] =	vst v63  }
0x249: {  	s21 =	simm.s32 $0xC400  }
0x24a: {  	[tilespmem:s21], [sflag:$0x1] =	stream.indirect_vreg.gather [hbm4b:s4+s18], $0x80, v0, vm0, $0xb8;
	[tilespmem:$0x1B500] =	vst v63  }
0x24b: {  	s22 =	simm.s32 $0xCC00  }
0x24c: {  	[tilespmem:s22], [sflag:$0x1] =	stream.indirect_vreg.gather [hbm4b:s12+s18], $0x80, v0, vm1, $0xb8;
	[tilespmem:$0x1B500] =	vst v63  }
0x24d: {  	v0 =	vld [tilespmem:s17+$0x4080];
	_ =	sdelay $0x4  }
0x24e: {  	v57 =	vshrl.u32 v0, $0x3  }
0x24f: {  	v57 =	vmul.u32 $0x18, v57  }
0x250: {  	v0 =	vand.u32 $0x7, v0  }
0x251: {  	v0 =	vor.u32 v0, v57  }
0x252: {  	v57 =	vperm.xlane v0, v34;
	_ =	sdelay $0x1  }
0x253: {  	v57 =	vadd.s32 v1, v57;
	_ =	sdelay $0x1  }
0x254: {  	v0 =	vperm.xlane v0, v2;
	_ =	sdelay $0x1  }
0x255: {  	s23 =	simm.s32 $0xD000;
	v0 =	vadd.s32 v1, v0  }
0x256: {  	[tilespmem:s23], [sflag:$0x1] =	stream.indirect_vreg.gather [hbm4b:s4+s18], $0x80, v57, vm0, $0xb8;
	[tilespmem:$0x1B500] =	vst v63  }
0x257: {  	s24 =	simm.s32 $0xD800  }
0x258: {  	[tilespmem:s24], [sflag:$0x1] =	stream.indirect_vreg.gather [hbm4b:s12+s18], $0x80, v57, vm1, $0xb8;
	[tilespmem:$0x1B500] =	vst v63  }
0x259: {  	s25 =	simm.s32 $0xDC00  }
0x25a: {  	[tilespmem:s25], [sflag:$0x1] =	stream.indirect_vreg.gather [hbm4b:s4+s18], $0x80, v0, vm0, $0xb8;
	[tilespmem:$0x1B500] =	vst v63  }
0x25b: {  	s26 =	simm.s32 $0xE400  }
0x25c: {  	[tilespmem:s26], [sflag:$0x1] =	stream.indirect_vreg.gather [hbm4b:s12+s18], $0x80, v0, vm1, $0xb8;
	[tilespmem:$0x1B500] =	vst v63  }
0x25d: {  	v0 =	vld [tilespmem:s17+$0x4090];
	_ =	sdelay $0x4  }
0x25e: {  	v57 =	vshrl.u32 v0, $0x3  }
0x25f: {  	v57 =	vmul.u32 $0x18, v57  }
0x260: {  	v0 =	vand.u32 $0x7, v0  }
0x261: {  	v0 =	vor.u32 v0, v57  }
0x262: {  	v57 =	vperm.xlane v0, v34;
	_ =	sdelay $0x1  }
0x263: {  	v57 =	vadd.s32 v1, v57;
	_ =	sdelay $0x1  }
0x264: {  	v0 =	vperm.xlane v0, v2;
	_ =	sdelay $0x1  }
0x265: {  	s28 =	simm.s32 $0xE800;
	v0 =	vadd.s32 v1, v0  }
0x266: {  	[tilespmem:s28], [sflag:$0x1] =	stream.indirect_vreg.gather [hbm4b:s4+s18], $0x80, v57, vm0, $0xb8;
	[tilespmem:$0x1B500] =	vst v63  }
0x267: {  	s29 =	simm.s32 $0xF000  }
0x268: {  	[tilespmem:s29], [sflag:$0x1] =	stream.indirect_vreg.gather [hbm4b:s12+s18], $0x80, v57, vm1, $0xb8;
	[tilespmem:$0x1B500] =	vst v63  }
0x269: {  	s3 =	simm.s32 $0xF400  }
0x26a: {  	[tilespmem:s3], [sflag:$0x1] =	stream.indirect_vreg.gather [hbm4b:s4+s18], $0x80, v0, vm0, $0xb8;
	[tilespmem:$0x1B500] =	vst v63  }
0x26b: {  	s5 =	simm.s32 $0xFC00  }
0x26c: {  	[tilespmem:s5], [sflag:$0x1] =	stream.indirect_vreg.gather [hbm4b:s12+s18], $0x80, v0, vm1, $0xb8;
	[tilespmem:$0x1B500] =	vst v63  }
0x26d: {  	v0 =	vld [tilespmem:s17+$0x40A0];
	_ =	sdelay $0x4  }
0x26e: {  	v57 =	vshrl.u32 v0, $0x3  }
0x26f: {  	v57 =	vmul.u32 $0x18, v57  }
0x270: {  	v0 =	vand.u32 $0x7, v0  }
0x271: {  	v0 =	vor.u32 v0, v57  }
0x272: {  	v57 =	vperm.xlane v0, v34;
	_ =	sdelay $0x1  }
0x273: {  	v57 =	vadd.s32 v1, v57;
	_ =	sdelay $0x1  }
0x274: {  	v0 =	vperm.xlane v0, v2;
	_ =	sdelay $0x1  }
0x275: {  	s6 =	simm.s32 $0x10000;
	v0 =	vadd.s32 v1, v0  }
0x276: {  	[tilespmem:s6], [sflag:$0x1] =	stream.indirect_vreg.gather [hbm4b:s4+s18], $0x80, v57, vm0, $0xb8;
	[tilespmem:$0x1B500] =	vst v63  }
0x277: {  	s7 =	simm.s32 $0x10800  }
0x278: {  	[tilespmem:s7], [sflag:$0x1] =	stream.indirect_vreg.gather [hbm4b:s12+s18], $0x80, v57, vm1, $0xb8;
	[tilespmem:$0x1B500] =	vst v63  }
0x279: {  	s8 =	simm.s32 $0x10C00  }
0x27a: {  	[tilespmem:s8], [sflag:$0x1] =	stream.indirect_vreg.gather [hbm4b:s4+s18], $0x80, v0, vm0, $0xb8;
	[tilespmem:$0x1B500] =	vst v63  }
0x27b: {  	s10 =	simm.s32 $0x11400  }
0x27c: {  	[tilespmem:s10], [sflag:$0x1] =	stream.indirect_vreg.gather [hbm4b:s12+s18], $0x80, v0, vm1, $0xb8;
	[tilespmem:$0x1B500] =	vst v63  }
0x27d: {  	v0 =	vld [tilespmem:s17+$0x40B0];
	_ =	sdelay $0x4  }
0x27e: {  	v57 =	vshrl.u32 v0, $0x3  }
0x27f: {  	v57 =	vmul.u32 $0x18, v57  }
0x280: {  	v0 =	vand.u32 $0x7, v0  }
0x281: {  	v0 =	vor.u32 v0, v57  }
0x282: {  	v57 =	vperm.xlane v0, v34;
	_ =	sdelay $0x1  }
0x283: {  	v57 =	vadd.s32 v1, v57;
	_ =	sdelay $0x1  }
0x284: {  	v0 =	vperm.xlane v0, v2;
	_ =	sdelay $0x1  }
0x285: {  	s11 =	simm.s32 $0x11800;
	v0 =	vadd.s32 v1, v0  }
0x286: {  	[tilespmem:s11], [sflag:$0x1] =	stream.indirect_vreg.gather [hbm4b:s4+s18], $0x80, v57, vm0, $0xb8;
	[tilespmem:$0x1B500] =	vst v63  }
0x287: {  	s13 =	simm.s32 $0x12000  }
0x288: {  	[tilespmem:s13], [sflag:$0x1] =	stream.indirect_vreg.gather [hbm4b:s12+s18], $0x80, v57, vm1, $0xb8;
	[tilespmem:$0x1B500] =	vst v63  }
0x289: {  	s14 =	simm.s32 $0x12400  }
0x28a: {  	[tilespmem:s14], [sflag:$0x1] =	stream.indirect_vreg.gather [hbm4b:s4+s18], $0x80, v0, vm0, $0xb8;
	[tilespmem:$0x1B500] =	vst v63  }
0x28b: {  	s15 =	simm.s32 $0x12C00  }
0x28c: {  	[tilespmem:s15], [sflag:$0x1] =	stream.indirect_vreg.gather [hbm4b:s12+s18], $0x80, v0, vm1, $0xb8;
	[tilespmem:$0x1B500] =	vst v63  }
0x28d: {  	v0 =	vld [tilespmem:s17+$0x40C0];
	_ =	sdelay $0x4  }
0x28e: {  	v57 =	vshrl.u32 v0, $0x3  }
0x28f: {  	v57 =	vmul.u32 $0x18, v57  }
0x290: {  	v0 =	vand.u32 $0x7, v0  }
0x291: {  	v0 =	vor.u32 v0, v57  }
0x292: {  	v57 =	vperm.xlane v0, v34;
	_ =	sdelay $0x1  }
0x293: {  	v57 =	vadd.s32 v1, v57;
	_ =	sdelay $0x1  }
0x294: {  	v0 =	vperm.xlane v0, v2;
	_ =	sdelay $0x1  }
0x295: {  	s19 =	simm.s32 $0x13000;
	v0 =	vadd.s32 v1, v0  }
0x296: {  	[tilespmem:s19], [sflag:$0x1] =	stream.indirect_vreg.gather [hbm4b:s4+s18], $0x80, v57, vm0, $0xb8;
	[tilespmem:$0x1B500] =	vst v63  }
0x297: {  	s20 =	simm.s32 $0x13800  }
0x298: {  	[tilespmem:s20], [sflag:$0x1] =	stream.indirect_vreg.gather [hbm4b:s12+s18], $0x80, v57, vm1, $0xb8;
	[tilespmem:$0x1B500] =	vst v63  }
0x299: {  	s21 =	simm.s32 $0x13C00  }
0x29a: {  	[tilespmem:s21], [sflag:$0x1] =	stream.indirect_vreg.gather [hbm4b:s4+s18], $0x80, v0, vm0, $0xb8;
	[tilespmem:$0x1B500] =	vst v63  }
0x29b: {  	s22 =	simm.s32 $0x14400  }
0x29c: {  	[tilespmem:s22], [sflag:$0x1] =	stream.indirect_vreg.gather [hbm4b:s12+s18], $0x80, v0, vm1, $0xb8;
	[tilespmem:$0x1B500] =	vst v63  }
0x29d: {  	v0 =	vld [tilespmem:s17+$0x40D0];
	_ =	sdelay $0x4  }
0x29e: {  	v57 =	vshrl.u32 v0, $0x3  }
0x29f: {  	v57 =	vmul.u32 $0x18, v57  }
0x2a0: {  	v0 =	vand.u32 $0x7, v0  }
0x2a1: {  	v46 =	vsub.f32 v46, v23;
	v0 =	vor.u32 v0, v57  }
0x2a2: {  	v57 =	vsub.f32 v60, v24;
	v60 =	vperm.xlane v0, v34  }
0x2a3: {  	v46 =	vmul.f32 v46, v4;
	v45 =	vsub.f32 v45, v25  }
0x2a4: {  	[tilespmem:$0x1FEA0] =	vst v58;
	v58 =	vsub.f32 v47, v26;
	v60 =	vadd.s32 v1, v60  }
0x2a5: {  	v23 =	vadd.f32 v46, v23;
	v46 =	vmul.f32 v45, v4  }
0x2a6: {  	v45 =	vmul.f32 v58, v4;
	v58 =	vsub.f32 v50, v31  }
0x2a7: {  	v0 =	vperm.xlane v0, v2;
	v2 =	vadd.f32 v46, v25;
	v57 =	vmul.f32 v57, v4  }
0x2a8: {  	s23 =	simm.s32 $0x14800;
	v25 =	vsub.f32 v48, v27;
	v46 =	vsub.f32 v49, v28  }
0x2a9: {  	v24 =	vadd.f32 v57, v24;
	v57 =	vsub.f32 v51, v29;
	[tilespmem:s23], [sflag:$0x1] =	stream.indirect_vreg.gather [hbm4b:s4+s18], $0x80, v60, vm0, $0xb8;
	[tilespmem:$0x1B500] =	vst v63  }
0x2aa: {  	v45 =	vadd.f32 v45, v26;
	s24 =	simm.s32 $0x15000;
	v25 =	vmul.f32 v25, v4;
	v26 =	vmul.f32 v46, v4  }
0x2ab: {  	v49 =	vmul.f32 v58, v4;
	[tilespmem:s24], [sflag:$0x1] =	stream.indirect_vreg.gather [hbm4b:s12+s18], $0x80, v60, vm1, $0xb8;
	v60 =	vmul.f32 v57, v4;
	[tilespmem:$0x1B500] =	vst v63  }
0x2ac: {  	v25 =	vadd.f32 v25, v27;
	v27 =	vadd.f32 v26, v28  }
0x2ad: {  	v0 =	vadd.s32 v1, v0;
	v28 =	vadd.f32 v60, v29;
	v29 =	vadd.f32 v49, v31;
	v31 =	vld [tilespmem:$0x1F830];
	_ =	sdelay $0x1  }
0x2ae: {  	v22 =	vadd.f32 v24, v22;
	_ =	sdelay $0x1  }
0x2af: {  	s25 =	simm.s32 $0x15400;
	[tilespmem:$0x1FEB0] =	vst v22  }
0x2b0: {  	v22 =	vld [tilespmem:$0x1F880];
	[tilespmem:s25], [sflag:$0x1] =	stream.indirect_vreg.gather [hbm4b:s4+s18], $0x80, v0, vm0, $0xb8;
	v31 =	vsub.f32 v31, v30  }
0x2b1: {  	s26 =	simm.s32 $0x15C00;
	v51 =	vld [tilespmem:$0x1F840]  }
0x2b2: {  	v50 =	vsub.f32 v53, v32;
	v53 =	vld [tilespmem:$0x1F850];
	[tilespmem:s26], [sflag:$0x1] =	stream.indirect_vreg.gather [hbm4b:s12+s18], $0x80, v0, vm1, $0xb8;
	v31 =	vmul.f32 v31, v4  }
0x2b3: {  	v0 =	vsub.f32 v59, v33;
	v57 =	vld.msk [tilespmem:s17+$0x40E0], $0xff  }
0x2b4: {  	v59 =	vadd.f32 v31, v30;
	v30 =	vadd.f32 v23, v5;
	v5 =	vld [tilespmem:$0x1F870]  }
0x2b5: {  	v24 =	vsub.f32 v22, v44;
	v22 =	vld [tilespmem:$0x1F890]  }
0x2b6: {  	v47 =	vsub.f32 v51, v35  }
0x2b7: {  	v48 =	vsub.f32 v53, v37;
	v26 =	vmax.f32 v62, v61  }
0x2b8: {  	v63 =	vmax.f32 v63, v26;
	v47 =	vmul.f32 v47, v4  }
0x2b9: {  	v31 =	vmul.f32 v48, v4;
	v23 =	vshrl.u32 v57, $0x3;
	v5 =	vsub.f32 v5, v42  }
0x2ba: {  	v61 =	vadd.f32 v47, v35;
	v26 =	vsub.f32 v22, v43;
	v23 =	vmul.u32 $0x18, v23  }
0x2bb: {  	v47 =	vadd.f32 v31, v37;
	v31 =	vand.u32 $0x7, v57;
	v5 =	vmul.f32 v5, v4  }
0x2bc: {  	v23 =	vor.u32 v31, v23  }
0x2bd: {  	v23 =	vperm.xlane v23, v34;
	v48 =	vadd.f32 v5, v42;
	v5 =	vmul.f32 v26, v4  }
0x2be: {  	v58 =	vld [tilespmem:$0x1F860]  }
0x2bf: {  	v22 =	vld [tilespmem:$0x1F8A0];
	v49 =	vadd.f32 v5, v43;
	v5 =	vadd.s32 v1, v23;
	v1 =	vadd.f32 v25, v19;
	_ =	sdelay $0x1  }
0x2c0: {  	[tilespmem:$0x1FEC0] =	vst v1;
	v1 =	vadd.f32 v27, v18;
	_ =	sdelay $0x1  }
0x2c1: {  	v46 =	vmul.f32 v50, v4;
	v50 =	vsub.f32 v58, v41;
	[tilespmem:$0x1FED0] =	vst v1;
	v1 =	vadd.f32 v28, v17  }
0x2c2: {  	v31 =	vsub.f32 v22, v63  }
0x2c3: {  	v62 =	vmul.f32 v50, v4;
	v24 =	vmul.f32 v24, v4;
	[tilespmem:$0x1FEE0] =	vst v1;
	v1 =	vld [tilespmem:$0x1F8B0]  }
0x2c4: {  	v0 =	vmul.f32 v0, v4;
	v4 =	vmul.f32 v31, v4;
	_ =	sdelay $0x1  }
0x2c5: {  	v50 =	vadd.f32 v4, v63;
	v4 =	vbroadcast v36, $0x0;
	_ =	sdelay $0x1  }
0x2c6: {  	v4 =	vperm.xlane v1, v4;
	v1 =	vld [tilespmem:$0x1F8C0];
	_ =	sdelay $0x2  }
0x2c7: {  	v19 =	vbroadcast v38, $0x0;
	_ =	sdelay $0x1  }
0x2c8: {  	v31 =	vperm.xlane v1, v19;
	v1 =	vadd.f32 v29, v16;
	_ =	sdelay $0x1  }
0x2c9: {  	[tilespmem:$0x1FEF0] =	vst v1;
	v1 =	vld [tilespmem:$0x1F8D0];
	_ =	sdelay $0x2  }
0x2ca: {  	v23 =	vbroadcast v39, $0x0;
	_ =	sdelay $0x1  }
0x2cb: {  	v60 =	vadd.f32 v46, v32;
	v19 =	vperm.xlane v1, v23;
	v1 =	vadd.f32 v59, v14;
	_ =	sdelay $0x1  }
0x2cc: {  	[tilespmem:$0x1FF10] =	vst v1;
	v1 =	vadd.f32 v60, v15;
	_ =	sdelay $0x1  }
0x2cd: {  	[tilespmem:$0x1FF30] =	vst v1;
	v1 =	vld [tilespmem:$0x1F8E0];
	_ =	sdelay $0x4  }
0x2ce: {  	v15 =	vmul.f32 v1, v4;
	v1 =	vld [tilespmem:$0x1F8F0];
	_ =	sdelay $0x4  }
0x2cf: {  	v27 =	vmul.f32 v1, v31;
	v1 =	vld [tilespmem:$0x1F900];
	_ =	sdelay $0x4  }
0x2d0: {  	v28 =	vmul.f32 v1, v19;
	v1 =	vld [tilespmem:$0x1F910]  }
0x2d1: {  	v22 =	vadd.f32 v2, v21;
	v2 =	vadd.f32 v24, v44;
	v24 =	vbroadcast v40, $0x0;
	_ =	sdelay $0x1  }
0x2d2: {  	v16 =	vperm.xlane v56, v24;
	_ =	sdelay $0x1  }
0x2d3: {  	v29 =	vmul.f32 v1, v16;
	v1 =	vld [tilespmem:$0x1F920]  }
0x2d4: {  	v0 =	vadd.f32 v0, v33;
	_ =	sdelay $0x1  }
0x2d5: {  	v0 =	vadd.f32 v0, v12;
	_ =	sdelay $0x1  }
0x2d6: {  	[tilespmem:$0x1FF40] =	vst v0;
	v0 =	vadd.f32 v61, v13;
	v13 =	vmul.f32 v1, v4;
	v1 =	vld [tilespmem:$0x1F930];
	_ =	sdelay $0x3  }
0x2d7: {  	[tilespmem:$0x1FF50] =	vst v0;
	v0 =	vmax.f32 v15, v27;
	v12 =	vmax.f32 v28, v29  }
0x2d8: {  	s28 =	simm.s32 $0x16000;
	v0 =	vmax.f32 v0, v12;
	v12 =	vmul.f32 v1, v4;
	v1 =	vld [tilespmem:$0x1F940]  }
0x2d9: {  	[tilespmem:s28], [sflag:$0x1] =	stream.indirect_vreg.gather [hbm4b:s4+s18], $0x80, v5, vm0, $0xb8;
	[tilespmem:$0x1B500] =	vst v63  }
0x2da: {  	s29 =	simm.s32 $0x16800;
	s3 =	sadd.s32 $0x6080, s17  }
0x2db: {  	[tilespmem:s29], [sflag:$0x1] =	stream.indirect_vreg.gather [hbm4b:s12+s18], $0x80, v5, vm1, $0xb8;
	[tilespmem:$0x1B500] =	vst v63  }
0x2dc: {  	s5 =	rddreg [dreg:$0x3];
	s6 =	simm.s32 $0x68;
	s17 =	simm.s32 $0x16C00  }
0x2dd: {  	v35 =	vadd.f32 v62, v41;
	[tilespmem:s17], [sflag:$0x1] =	stream.indirect.gather [hbm4b:s5+s6], $0x80, s3, s6, $0xb8;
	v27 =	vmul.f32 v1, v31;
	v1 =	vadd.f32 v47, v9;
	[tilespmem:$0x1B500] =	vst v63  }
0x2de: {  	_ =	swait.ge [sflag:s30], $0x3000  }
0x2df: {  	[tilespmem:$0x1FF60] =	vst v1;
	v1 =	vadd.f32 v35, v6;
	_ =	sdelay $0x1  }
0x2e0: {  	[tilespmem:$0x1FF70] =	vst v1;
	v1 =	vadd.f32 v48, v7;
	_ =	sdelay $0x1  }
0x2e1: {  	[tilespmem:$0x1FF80] =	vst v1;
	v1 =	vadd.f32 v2, v10;
	_ =	sdelay $0x1  }
0x2e2: {  	[tilespmem:$0x1FF90] =	vst v1;
	v1 =	vadd.f32 v49, v11  }
0x2e3: {  	[sflag:s30] =	ssyncset.done $0x0  }
0x2e4: {  	[sflag:s30] =	ssyncadd.s32 $0xFFFFD000;
	[tilespmem:$0x1FFA0] =	vst v1;
	v1 =	vadd.f32 v50, v8  }
0x2e5: {  	_ =	swait.ge [sflag:s30], $0x9C00  }
0x2e6: {  	[tilespmem:$0x1FFB0] =	vst v1;
	v1 =	vld [tilespmem:$0x1F950];
	_ =	sdelay $0x4  }
0x2e7: {  	v7 =	vmul.f32 v1, v19;
	v1 =	vld [tilespmem:$0x1F960];
	_ =	sdelay $0x3  }
0x2e8: {  	v15 =	vmul.f32 v54, v31  }
0x2e9: {  	v8 =	vmul.f32 v1, v16;
	v1 =	vld [tilespmem:$0x1F970]  }
0x2ea: {  	v13 =	vmax.f32 v13, v15;
	v15 =	vsub.f32 v55, v0;
	_ =	sdelay $0x1  }
0x2eb: {  	v2 =	vmul.f32 v15, v52;
	_ =	sdelay $0x1  }
0x2ec: {  	v0 =	vadd.f32 v2, v0;
	v2 =	vmul.f32 v1, v4;
	v1 =	vld [tilespmem:$0x1F980];
	_ =	sdelay $0x4  }
0x2ed: {  	v11 =	vmul.f32 v1, v31;
	v1 =	vld [tilespmem:$0x1F990];
	_ =	sdelay $0x4  }
0x2ee: {  	v7 =	vmax.f32 v7, v8;
	v8 =	vmul.f32 v1, v19;
	v1 =	vld [tilespmem:$0x1F9A0];
	_ =	sdelay $0x3  }
0x2ef: {  	[sflag:s30] =	ssyncset.done $0x0  }
0x2f0: {  	v0 =	vadd.f32 v0, v3;
	[sflag:s30] =	ssyncadd.s32 $0xFFFF6400;
	v51 =	vmul.f32 v1, v16  }
0x2f1: {  	_ =	swait.ge [sflag:s30], $0x3400  }
0x2f2: {  	v2 =	vmax.f32 v2, v11;
	[tilespmem:$0x1FFC0] =	vst v0;
	v0 =	vmax.f32 v8, v51  }
0x2f3: {  	v59 =	vmax.f32 v2, v0;
	v0 =	vld [tilespmem:$0x1F9D0];
	_ =	sdelay $0x2  }
0x2f4: {  	v1 =	vld [tilespmem:$0x1F9B0];
	_ =	sdelay $0x1  }
0x2f5: {  	v55 =	vmax.f32 v13, v7;
	v13 =	vmul.f32 v0, v19;
	v0 =	vld [tilespmem:$0x1F9E0];
	_ =	sdelay $0x2  }
0x2f6: {  	v7 =	vmul.f32 v1, v4;
	v1 =	vld [tilespmem:$0x1F9C0];
	_ =	sdelay $0x1  }
0x2f7: {  	v53 =	vmul.f32 v0, v16;
	v0 =	vld [tilespmem:$0x1F9F0];
	_ =	sdelay $0x2  }
0x2f8: {  	v8 =	vmul.f32 v1, v31;
	_ =	sdelay $0x1  }
0x2f9: {  	v54 =	vmax.f32 v7, v8;
	v8 =	vmul.f32 v0, v4;
	v0 =	vld [tilespmem:$0x1FA00];
	_ =	sdelay $0x4  }
0x2fa: {  	v56 =	vmul.f32 v0, v31;
	v0 =	vld [tilespmem:$0x1FA10];
	_ =	sdelay $0x4  }
0x2fb: {  	v57 =	vmul.f32 v0, v19;
	v0 =	vld [tilespmem:$0x1FA20];
	_ =	sdelay $0x4  }
0x2fc: {  	v58 =	vmul.f32 v0, v16;
	v0 =	vld [tilespmem:$0x1FA30];
	_ =	sdelay $0x4  }
0x2fd: {  	v60 =	vmul.f32 v0, v4;
	v0 =	vld [tilespmem:$0x1FA40];
	_ =	sdelay $0x4  }
0x2fe: {  	v61 =	vmul.f32 v0, v31;
	v0 =	vld [tilespmem:$0x1FA50];
	_ =	sdelay $0x4  }
0x2ff: {  	v62 =	vmul.f32 v0, v19;
	v0 =	vld [tilespmem:$0x1FA60];
	_ =	sdelay $0x4  }
0x300: {  	v63 =	vmul.f32 v0, v16;
	v0 =	vld [tilespmem:$0x1FA70];
	_ =	sdelay $0x4  }
0x301: {  	v46 =	vmul.f32 v0, v4;
	v0 =	vld [tilespmem:$0x1FA80];
	_ =	sdelay $0x4  }
0x302: {  	v47 =	vmul.f32 v0, v31;
	v0 =	vld [tilespmem:$0x1FA90];
	_ =	sdelay $0x4  }
0x303: {  	v48 =	vmul.f32 v0, v19;
	v0 =	vld [tilespmem:$0x1FAA0];
	_ =	sdelay $0x4  }
0x304: {  	v49 =	vmul.f32 v0, v16;
	v0 =	vld [tilespmem:$0x1FAB0];
	_ =	sdelay $0x4  }
0x305: {  	v50 =	vmul.f32 v0, v4;
	v0 =	vld [tilespmem:$0x1FAC0];
	_ =	sdelay $0x4  }
0x306: {  	v51 =	vmul.f32 v0, v31;
	v0 =	vld [tilespmem:$0x1FAD0];
	_ =	sdelay $0x4  }
0x307: {  	v13 =	vmax.f32 v13, v53;
	v53 =	vmul.f32 v0, v19;
	v0 =	vld [tilespmem:$0x1FAE0];
	_ =	sdelay $0x4  }
0x308: {  	v13 =	vmax.f32 v54, v13;
	v54 =	vmul.f32 v0, v16;
	v0 =	vld [tilespmem:$0x1FAF0];
	_ =	sdelay $0x4  }
0x309: {  	v35 =	vmax.f32 v8, v56;
	v56 =	vmul.f32 v0, v4;
	v0 =	vld [tilespmem:$0x1FB00];
	_ =	sdelay $0x4  }
0x30a: {  	v32 =	vmax.f32 v57, v58;
	v57 =	vmul.f32 v0, v31;
	v0 =	vld [tilespmem:$0x1FB10];
	_ =	sdelay $0x4  }
0x30b: {  	v58 =	vmul.f32 v0, v19;
	v0 =	vld [tilespmem:$0x1FB20];
	_ =	sdelay $0x4  }
0x30c: {  	v44 =	vmax.f32 v60, v61;
	v60 =	vmul.f32 v0, v16;
	v0 =	vld [tilespmem:$0x1FB30];
	_ =	sdelay $0x4  }
0x30d: {  	v61 =	vmul.f32 v0, v4;
	v0 =	vld [tilespmem:$0x1FB40];
	_ =	sdelay $0x4  }
0x30e: {  	v20 =	vadd.f32 v45, v20;
	v45 =	vmax.f32 v62, v63;
	v62 =	vmul.f32 v0, v31;
	v0 =	vld [tilespmem:$0x1FB50];
	_ =	sdelay $0x4  }
0x30f: {  	v39 =	vmax.f32 v48, v49;
	v48 =	vmul.f32 v0, v19;
	v0 =	vld [tilespmem:$0x1FB60];
	_ =	sdelay $0x4  }
0x310: {  	v49 =	vmul.f32 v0, v16;
	v0 =	vld [tilespmem:$0x1FB70];
	_ =	sdelay $0x4  }
0x311: {  	v36 =	vmax.f32 v53, v54;
	v54 =	vmul.f32 v0, v4;
	v0 =	vld [tilespmem:$0x1FB80];
	_ =	sdelay $0x3  }
0x312: {  	v37 =	vmax.f32 v35, v32  }
0x313: {  	v32 =	vmax.f32 v50, v51;
	v50 =	vmax.f32 v56, v57;
	v56 =	vmul.f32 v0, v31;
	v0 =	vld [tilespmem:$0x1FB90];
	_ =	sdelay $0x4  }
0x314: {  	v57 =	vmul.f32 v0, v19;
	v0 =	vld [tilespmem:$0x1FBA0];
	_ =	sdelay $0x3  }
0x315: {  	v35 =	vmax.f32 v46, v47  }
0x316: {  	v39 =	vmax.f32 v35, v39;
	v35 =	vmax.f32 v58, v60;
	v58 =	vmul.f32 v0, v16;
	v0 =	vld [tilespmem:$0x1FBB0];
	_ =	sdelay $0x4  }
0x317: {  	v60 =	vmul.f32 v0, v4;
	v0 =	vld [tilespmem:$0x1FBC0];
	_ =	sdelay $0x1  }
0x318: {  	[sflag:s30] =	ssyncset.done $0x0  }
0x319: {  	[sflag:s30] =	ssyncadd.s32 $0xFFFFCC00  }
0x31a: {  	v23 =	vld [tilespmem:s0+$0xFFFFFFFD]  }
0x31b: {  	v51 =	vmax.f32 v61, v62;
	v61 =	vmul.f32 v0, v31;
	v0 =	vld [tilespmem:$0x1FBD0]  }
0x31c: {  	v29 =	vld [tilespmem:s0+$0x0]  }
0x31d: {  	v1 =	vld [tilespmem:s0+$0xFFFFFFFE]  }
0x31e: {  	v2 =	vld [tilespmem:s0+$0xFFFFFFFF]  }
0x31f: {  	v63 =	vld [tilespmem:s1+$0x0]  }
0x320: {  	v62 =	vmul.f32 v0, v19;
	v0 =	vld [tilespmem:$0x1FBE0]  }
0x321: {  	(v2sf) =	vpush v23, $0x0  }
0x322: {  	(v2sf) =	vpush v1, $0x0  }
0x323: {  	(v2sf) =	vpush v2, $0x0  }
0x324: {  	(v2sf) =	vpush v29, $0x0  }
0x325: {  	(v2sf) =	vpush v63, $0x0;
	v63 =	vmul.f32 v0, v16;
	v0 =	vld [tilespmem:$0x1FBF0];
	_ =	sdelay $0x4  }
0x326: {  	v34 =	vmul.f32 v0, v4;
	v0 =	vld [tilespmem:$0x1FC00];
	_ =	sdelay $0x4  }
0x327: {  	v53 =	vmax.f32 v48, v49;
	v48 =	vmul.f32 v0, v31;
	v0 =	vld [tilespmem:$0x1FC10];
	_ =	sdelay $0x4  }
0x328: {  	v49 =	vmul.f32 v0, v19;
	v0 =	vld [tilespmem:$0x1FC20];
	_ =	sdelay $0x4  }
0x329: {  	v40 =	vmax.f32 v50, v35;
	v50 =	vmul.f32 v0, v16;
	v0 =	vld [tilespmem:$0x1FC30];
	_ =	sdelay $0x4  }
0x32a: {  	v41 =	vmax.f32 v32, v36;
	v32 =	vmax.f32 v54, v56;
	v54 =	vmul.f32 v0, v4;
	v0 =	vld [tilespmem:$0x1FC40];
	_ =	sdelay $0x4  }
0x32b: {  	v56 =	vmul.f32 v0, v31;
	v0 =	vld [tilespmem:$0x1FC50];
	_ =	sdelay $0x4  }
0x32c: {  	v36 =	vmax.f32 v62, v63;
	v62 =	vmul.f32 v0, v19;
	v0 =	vld [tilespmem:$0x1FC60];
	_ =	sdelay $0x4  }
0x32d: {  	v63 =	vmul.f32 v0, v16;
	v0 =	vld [tilespmem:$0x1FC70];
	_ =	sdelay $0x3  }
0x32e: {  	v43 =	vmax.f32 v51, v53;
	v51 =	vmax.f32 v34, v48;
	v53 =	vmax.f32 v49, v50  }
0x32f: {  	v33 =	vmax.f32 v60, v61;
	v61 =	vmax.f32 v51, v53;
	v53 =	vmul.f32 v0, v4;
	v0 =	vld [tilespmem:$0x1FC80];
	_ =	sdelay $0x4  }
0x330: {  	v42 =	vmax.f32 v54, v56;
	v54 =	vmul.f32 v0, v31;
	v0 =	vld [tilespmem:$0x1FC90];
	_ =	sdelay $0x4  }
0x331: {  	v46 =	vmul.f32 v0, v19;
	v0 =	vld [tilespmem:$0x1FCA0];
	_ =	sdelay $0x4  }
0x332: {  	v49 =	vmul.f32 v0, v16;
	v0 =	vld [tilespmem:$0x1FCB0];
	_ =	sdelay $0x3  }
0x333: {  	v38 =	vmax.f32 v44, v45;
	v45 =	vmax.f32 v62, v63  }
0x334: {  	v62 =	vmax.f32 v42, v45;
	v45 =	vmul.f32 v0, v4;
	v0 =	vld [tilespmem:$0x1FCC0];
	_ =	sdelay $0x4  }
0x335: {  	v50 =	vmul.f32 v0, v31;
	v0 =	vld [tilespmem:$0x1FCD0];
	_ =	sdelay $0x4  }
0x336: {  	v47 =	vmul.f32 v0, v19;
	v0 =	vld [tilespmem:$0x1FCE0];
	_ =	sdelay $0x4  }
0x337: {  	v48 =	vmul.f32 v0, v16;
	v0 =	vld [tilespmem:$0x1FCF0];
	_ =	sdelay $0x4  }
0x338: {  	v46 =	vmax.f32 v46, v49;
	v49 =	vmul.f32 v0, v4;
	v0 =	vld [tilespmem:$0x1FD00];
	_ =	sdelay $0x4  }
0x339: {  	v51 =	vmul.f32 v0, v31;
	v0 =	vld [tilespmem:$0x1FD10];
	_ =	sdelay $0x4  }
0x33a: {  	v56 =	vmul.f32 v0, v19;
	v0 =	vld [tilespmem:$0x1FD20];
	_ =	sdelay $0x4  }
0x33b: {  	v63 =	vmul.f32 v0, v16;
	v0 =	vld [tilespmem:$0x1FD30];
	_ =	sdelay $0x4  }
0x33c: {  	v47 =	vmax.f32 v47, v48;
	v48 =	vmax.f32 v49, v51;
	v51 =	vmul.f32 v0, v19;
	v0 =	vld [tilespmem:$0x1FD40];
	_ =	sdelay $0x4  }
0x33d: {  	v49 =	vmax.f32 v56, v63;
	v56 =	vmul.f32 v0, v16;
	v0 =	vld [tilespmem:$0x1FD50];
	_ =	sdelay $0x4  }
0x33e: {  	v5 =	vmax.f32 v48, v49;
	v49 =	vmul.f32 v0, v4;
	v0 =	vld [tilespmem:$0x1FD60];
	_ =	sdelay $0x4  }
0x33f: {  	v31 =	vmul.f32 v0, v31;
	v0 =	vld [tilespmem:$0x1FD70];
	_ =	sdelay $0x4  }
0x340: {  	v48 =	vmax.f32 v51, v56;
	v56 =	vsub.f32 v0, v55;
	v0 =	vld [tilespmem:$0x1FD80];
	_ =	sdelay $0x3  }
0x341: {  	v12 =	vmax.f32 v12, v27  }
0x342: {  	v10 =	vmax.f32 v12, v48;
	v12 =	vmul.f32 v0, v19;
	v0 =	vld [tilespmem:$0x1FD90];
	_ =	sdelay $0x4  }
0x343: {  	v19 =	vsub.f32 v0, v59;
	v0 =	vld [tilespmem:$0x1FDA0];
	_ =	sdelay $0x4  }
0x344: {  	v42 =	vmax.f32 v53, v54;
	v53 =	vsub.f32 v0, v13;
	v0 =	vld [tilespmem:$0x1FDB0];
	_ =	sdelay $0x4  }
0x345: {  	v51 =	vmul.f32 v56, v52;
	v56 =	vsub.f32 v0, v37;
	v0 =	vld [tilespmem:$0x1FDC0];
	_ =	sdelay $0x4  }
0x346: {  	v0 =	vsub.f32 v0, v38;
	_ =	sdelay $0x1  }
0x347: {  	[tilespmem:$0x1FF00] =	vst v1;
	v1 =	vld [tilespmem:$0x1FDD0];
	v0 =	vmul.f32 v0, v52;
	_ =	sdelay $0x1  }
0x348: {  	v21 =	vadd.f32 v0, v38;
	v0 =	vld [tilespmem:$0x1FDF0];
	_ =	sdelay $0x2  }
0x349: {  	v3 =	vadd.f32 v51, v55;
	v55 =	vmul.f32 v56, v52;
	v56 =	vsub.f32 v1, v39;
	v1 =	vld [tilespmem:$0x1FDE0];
	_ =	sdelay $0x1  }
0x34a: {  	v38 =	vsub.f32 v0, v41;
	v0 =	vld [tilespmem:$0x1FE00];
	_ =	sdelay $0x2  }
0x34b: {  	v16 =	vmul.f32 v1, v16;
	_ =	sdelay $0x1  }
0x34c: {  	v12 =	vmax.f32 v12, v16;
	v16 =	vsub.f32 v0, v40;
	v0 =	vld [tilespmem:$0x1FE10];
	_ =	sdelay $0x2  }
0x34d: {  	v19 =	vmul.f32 v19, v52;
	_ =	sdelay $0x1  }
0x34e: {  	v19 =	vadd.f32 v19, v59;
	v59 =	vsub.f32 v0, v43;
	v0 =	vld [tilespmem:$0x1FE20];
	_ =	sdelay $0x2  }
0x34f: {  	s7 =	simm.s32 $0x0;
	s8 =	spop (v2sf);
	v35 =	vmax.f32 v57, v58;
	v1 =	vld [tilespmem:$0x1FE30]  }
0x350: {  	s2 =	smul.u32 $0x3000, s7;
	s14 =	spop (v2sf);
	v58 =	vmax.f32 v32, v35  }
0x351: {  	s15 =	spop (v2sf);
	v0 =	vsub.f32 v0, v58  }
0x352: {  	s7 =	sand.u32 $0x200, s18;
	s10 =	sshra.s32 s2, $0x2;
	s20 =	spop (v2sf)  }
0x353: {  	s11 =	simm.s32 $0x80;
	s5 =	sshll.u32 s14, $0x2;
	s14 =	sshll.u32 s20, $0x2;
	v57 =	vmax.f32 v33, v36;
	v0 =	vmul.f32 v0, v52  }
0x354: {  	s6 =	sand.u32 $0x280, s11;
	s19 =	sshll.u32 s8, $0x2;
	s14 =	sshra.s32 s14, $0x2;
	v27 =	vsub.f32 v1, v57;
	v1 =	vld [tilespmem:$0x1FE40]  }
0x355: {  	s11 =	sshra.s32 s19, $0x2;
	s21 =	sand.u32 $0xFFFFFFF0, s14;
	s14 =	sadd.s32 $0xD000, s10;
	v25 =	vadd.f32 v0, v58;
	v0 =	vld [tilespmem:$0x1FE50]  }
0x356: {  	s11 =	sand.u32 $0xFFFFFFF0, s11;
	s24 =	sor.u32 s7, s14  }
0x357: {  	s13 =	sadd.s32 $0xD800, s10;
	s11 =	sadd.s32 $0x16C00, s11;
	v28 =	vld [tilespmem:s24+$0x50]  }
0x358: {  	s3 =	sor.u32 s6, s13;
	v44 =	vld [tilespmem:s11+$0x0]  }
0x359: {  	v32 =	vld [tilespmem:s3+$0x0]  }
0x35a: {  	s2 =	sor.u32 s7, s13;
	v1 =	vsub.f32 v1, v61;
	v59 =	vmul.f32 v59, v52;
	v58 =	vsub.f32 v0, v62;
	v0 =	vld [tilespmem:$0x1FE60]  }
0x35b: {  	v35 =	vld [tilespmem:s2+$0x20];
	v16 =	vmul.f32 v16, v52  }
0x35c: {  	s22 =	sadd.s32 $0x16C00, s21;
	v59 =	vadd.f32 v59, v43;
	v43 =	vmul.f32 v1, v52;
	v1 =	vld [tilespmem:$0x1FE80]  }
0x35d: {  	v60 =	vld [tilespmem:s22+$0x180];
	v40 =	vadd.f32 v16, v40;
	v16 =	vmul.f32 v27, v52  }
0x35e: {  	[tilespmem:$0x1FF20] =	vst v2;
	v33 =	vld [tilespmem:s2+$0x0];
	v2 =	vmax.f32 v42, v46  }
0x35f: {  	s8 =	sshll.u32 s15, $0x2;
	s5 =	sshra.s32 s5, $0x2;
	v11 =	vmax.f32 v49, v31;
	v18 =	vadd.f32 v16, v57;
	v16 =	vsub.f32 v0, v2;
	v0 =	vld [tilespmem:$0x1FE70]  }
0x360: {  	s5 =	sand.u32 $0xFFFFFFF0, s5;
	s8 =	sshra.s32 s8, $0x2;
	v36 =	vld [tilespmem:s3+$0x20];
	v11 =	vmax.f32 v11, v12  }
0x361: {  	s5 =	sadd.s32 $0x16C00, s5;
	s8 =	sand.u32 $0xFFFFFFF0, s8;
	v12 =	vadd.f32 v3, v30;
	v3 =	vmul.f32 v16, v52;
	v16 =	vsub.f32 v1, v5;
	v1 =	vld [tilespmem:$0x1FE90]  }
0x362: {  	s23 =	simm.s32 $0x100;
	s8 =	sadd.s32 $0x16C00, s8;
	v34 =	vld [tilespmem:s5+$0x80];
	v50 =	vmax.f32 v45, v50  }
0x363: {  	v54 =	vld [tilespmem:s8+$0x100];
	s8 =	sand.u32 $0x300, s23;
	v63 =	vmax.f32 v50, v47  }
0x364: {  	s26 =	sor.u32 s8, s14;
	v42 =	vld [tilespmem:s24+$0x0];
	v26 =	vadd.f32 v43, v61;
	v43 =	vmul.f32 v58, v52;
	v0 =	vsub.f32 v0, v63  }
0x365: {  	s25 =	sor.u32 s6, s14;
	v46 =	vld [tilespmem:s26+$0x0]  }
0x366: {  	v45 =	vld [tilespmem:s25+$0x0];
	v24 =	vadd.f32 v43, v62;
	v0 =	vmul.f32 v0, v52;
	v43 =	vsub.f32 v1, v10  }
0x367: {  	v47 =	vld [tilespmem:s24+$0x10]  }
0x368: {  	v50 =	vld [tilespmem:s25+$0x10];
	v6 =	vadd.f32 v0, v63;
	v0 =	vmul.f32 v43, v52  }
0x369: {  	v7 =	vadd.f32 v3, v2;
	v3 =	vld [tilespmem:$0x1FEB0]  }
0x36a: {  	v9 =	vadd.f32 v0, v10;
	v0 =	vld [tilespmem:$0x1FEC0]  }
0x36b: {  	s28 =	spop (v2sf);
	v48 =	vld [tilespmem:s26+$0x10];
	v53 =	vmul.f32 v53, v52  }
0x36c: {  	v4 =	vld.msk [tilespmem:s28+$0x1A000 ss:$0x0], $0xffff  }
0x36d: {  	v31 =	vld [tilespmem:s24+$0x20];
	v13 =	vadd.f32 v53, v13  }
0x36e: {  	v2 =	vld [tilespmem:$0x1FEA0];
	v1 =	vmul.f32 v16, v52;
	v16 =	vadd.f32 v19, v3  }
0x36f: {  	v19 =	vadd.f32 v13, v22;
	v22 =	vadd.f32 v21, v0;
	v0 =	vld [tilespmem:$0x1FED0]  }
0x370: {  	v49 =	vld [tilespmem:s25+$0x20];
	v56 =	vmul.f32 v56, v52  }
0x371: {  	v51 =	vld [tilespmem:s26+$0x20]  }
0x372: {  	v53 =	vld [tilespmem:s25+$0x30];
	v14 =	vadd.f32 v56, v39  }
0x373: {  	v2 =	vsub.f32 v2, v11;
	v8 =	vadd.f32 v1, v5;
	v5 =	vld [tilespmem:$0x1FF10]  }
0x374: {  	v21 =	vadd.f32 v14, v0;
	v0 =	vld [tilespmem:$0x1FEE0]  }
0x375: {  	v17 =	vadd.f32 v55, v37;
	v37 =	vld [tilespmem:s24+$0x30];
	v56 =	vmul.f32 v38, v52;
	v2 =	vmul.f32 v2, v52  }
0x376: {  	v55 =	vld [tilespmem:s26+$0x30]  }
0x377: {  	v56 =	vadd.f32 v56, v41;
	v15 =	vadd.f32 v2, v11;
	v2 =	vld [tilespmem:$0x1FF00]  }
0x378: {  	v14 =	vadd.f32 v59, v5;
	v5 =	vld [tilespmem:$0x1FF20]  }
0x379: {  	v20 =	vadd.f32 v17, v20;
	v17 =	vadd.f32 v56, v0;
	v0 =	vld [tilespmem:$0x1FEF0]  }
0x37a: {  	v39 =	vld [tilespmem:s25+$0x40]  }
0x37b: {  	v30 =	vld [tilespmem:s24+$0x70]  }
0x37c: {  	v38 =	vld [tilespmem:s24+$0x40]  }
0x37d: {  	v41 =	vld [tilespmem:s26+$0x40];
	v2 =	vbroadcast v2, $0x0;
	v5 =	vbroadcast v5, $0x0  }
0x37e: {  	v10 =	vld [tilespmem:$0x1FF30];
	v13 =	vadd.f32 v40, v0;
	v0 =	vbroadcast v23, $0x0  }
0x37f: {  	v34 =	vperm.xlane v34, v2;
	v2 =	vperm.xlane v54, v5;
	v5 =	vld [tilespmem:$0x1FF50]  }
0x380: {  	v40 =	vperm.xlane v44, v0;
	v0 =	vld [tilespmem:$0x1FF40]  }
0x381: {  	v27 =	vld [tilespmem:s25+$0x50]  }
0x382: {  	v57 =	vld [tilespmem:s26+$0x50]  }
0x383: {  	v61 =	vld [tilespmem:s25+$0x60]  }
0x384: {  	v58 =	vld [tilespmem:s24+$0x60];
	v11 =	vadd.f32 v25, v10  }
0x385: {  	v10 =	vadd.f32 v18, v0;
	v18 =	vadd.f32 v26, v5;
	v5 =	vld [tilespmem:$0x1FF60]  }
0x386: {  	v62 =	vld [tilespmem:s26+$0x60]  }
0x387: {  	v63 =	vld [tilespmem:s25+$0x70]  }
0x388: {  	s15 =	simm.s32 $0x180;
	s22 =	sor.u32 s8, s13;
	v43 =	vld [tilespmem:s26+$0x70]  }
0x389: {  	s21 =	sand.u32 $0x380, s15;
	v3 =	vld [tilespmem:s22+$0x20]  }
0x38a: {  	s13 =	sor.u32 s21, s13;
	v5 =	vadd.f32 v24, v5;
	v24 =	vld [tilespmem:$0x1FF70]  }
0x38b: {  	s29 =	simm.s32 $0x0;
	s24 =	sor.u32 s21, s14;
	v1 =	vld [tilespmem:s13+$0x20]  }
0x38c: {  	s5 =	smul.u32 $0x3000, s29;
	v52 =	vld [tilespmem:s24+$0x60]  }
0x38d: {  	v29 =	vbroadcast v29, $0x0;
	v25 =	vld [tilespmem:s24+$0x20]  }
0x38e: {  	s5 =	sshra.s32 s5, $0x2;
	s23 =	sand.u32 $0x380, s18;
	v59 =	vld [tilespmem:s24+$0x10]  }
0x38f: {  	s10 =	sadd.s32 $0xD400, s10;
	s19 =	sor.u32 s23, s5;
	v0 =	vperm.xlane v60, v29;
	v7 =	vadd.f32 v7, v24;
	v24 =	vld [tilespmem:$0x1FF80]  }
0x390: {  	s25 =	sor.u32 s7, s10;
	v56 =	vld [tilespmem:s19+$0xA820]  }
0x391: {  	v54 =	vld [tilespmem:s25+$0x10];
	v3 =	vmul.f32 v3, v2;
	v1 =	vmul.f32 v1, v0  }
0x392: {  	v23 =	vld [tilespmem:s24+$0x0]  }
0x393: {  	v1 =	vmax.f32 v3, v1;
	v3 =	vld [tilespmem:$0x1FFA0]  }
0x394: {  	v6 =	vadd.f32 v6, v24;
	v24 =	vld [tilespmem:$0x1FF90]  }
0x395: {  	v44 =	vld [tilespmem:s24+$0x50]  }
0x396: {  	v29 =	vld [tilespmem:s24+$0x30]  }
0x397: {  	v26 =	vmul.f32 v35, v40;
	v60 =	vmul.f32 v36, v34;
	v36 =	vld [tilespmem:s24+$0x40]  }
0x398: {  	v35 =	vld [tilespmem:s24+$0x70];
	v9 =	vadd.f32 v9, v3  }
0x399: {  	v3 =	vmul.f32 v42, v40;
	v42 =	vld [tilespmem:s25+$0x0];
	v8 =	vadd.f32 v8, v24;
	v24 =	vmax.f32 v26, v60  }
0x39a: {  	v32 =	vmul.f32 v32, v34;
	v60 =	vld [tilespmem:$0x1FFB0];
	v1 =	vmax.f32 v24, v1;
	v24 =	vmul.f32 v33, v40  }
0x39b: {  	v33 =	vsub.f32 v56, v1;
	v56 =	vmul.f32 v46, v2;
	v46 =	vld [tilespmem:s25+$0x20]  }
0x39c: {  	s26 =	sor.u32 s6, s10;
	v26 =	vmul.f32 v45, v34;
	v45 =	vmax.f32 v24, v32;
	v24 =	vmul.f32 v48, v2;
	v48 =	vld [tilespmem:s25+$0x70]  }
0x39d: {  	v23 =	vmul.f32 v23, v0;
	v32 =	vmul.f32 v51, v2;
	v51 =	vld [tilespmem:s26+$0x20]  }
0x39e: {  	v3 =	vmax.f32 v3, v26;
	v26 =	vmul.f32 v33, v4;
	v33 =	vld [tilespmem:s25+$0x30]  }
0x39f: {  	v50 =	vmul.f32 v50, v34;
	v27 =	vmul.f32 v27, v34;
	v23 =	vmax.f32 v56, v23;
	v56 =	vld [tilespmem:s25+$0x40]  }
0x3a0: {  	v61 =	vmul.f32 v61, v34;
	v59 =	vmul.f32 v59, v0;
	v23 =	vmax.f32 v3, v23;
	v3 =	vld [tilespmem:$0x1FFC0]  }
0x3a1: {  	v55 =	vmul.f32 v55, v2;
	v47 =	vmul.f32 v47, v40;
	v15 =	vadd.f32 v15, v60;
	v60 =	vld [tilespmem:s25+$0x50]  }
0x3a2: {  	v29 =	vmul.f32 v29, v0;
	v24 =	vmax.f32 v24, v59;
	v59 =	vmul.f32 v53, v34;
	v53 =	vld [tilespmem:s26+$0x70]  }
0x3a3: {  	v62 =	vmul.f32 v62, v2;
	v1 =	vadd.f32 v26, v1;
	v26 =	vmax.f32 v47, v50;
	v47 =	vld [tilespmem:s25+$0x60]  }
0x3a4: {  	v50 =	vld [tilespmem:s26+$0x10];
	v24 =	vmax.f32 v26, v24;
	v26 =	vmax.f32 v55, v29;
	v29 =	vmul.f32 v39, v34  }
0x3a5: {  	s28 =	sor.u32 s8, s10;
	v39 =	vld [tilespmem:s26+$0x60];
	v3 =	vadd.f32 v1, v3;
	v1 =	vmul.f32 v31, v40;
	v31 =	vmul.f32 v49, v34  }
0x3a6: {  	v28 =	vmul.f32 v28, v40;
	v25 =	vmul.f32 v25, v0;
	v55 =	vld [tilespmem:s28+$0x0]  }
0x3a7: {  	v30 =	vmul.f32 v30, v40;
	v49 =	vld [tilespmem:s26+$0x0];
	v1 =	vmax.f32 v1, v31;
	v31 =	vmul.f32 v37, v40  }
0x3a8: {  	v28 =	vmax.f32 v28, v27;
	v52 =	vmul.f32 v52, v0;
	v25 =	vmax.f32 v32, v25;
	v37 =	vld [tilespmem:s26+$0x30]  }
0x3a9: {  	v25 =	vmax.f32 v1, v25;
	v1 =	vmax.f32 v31, v59;
	v31 =	vmul.f32 v38, v40;
	v38 =	vld [tilespmem:s26+$0x40]  }
0x3aa: {  	s29 =	sor.u32 s21, s10;
	v59 =	vmul.f32 v36, v0;
	v36 =	vld [tilespmem:s26+$0x50];
	v26 =	vmax.f32 v1, v26;
	v1 =	vmul.f32 v41, v2  }
0x3ab: {  	v41 =	vmul.f32 v58, v40;
	v29 =	vmax.f32 v31, v29;
	v31 =	vmul.f32 v57, v2;
	v57 =	vld [tilespmem:s29+$0x0]  }
0x3ac: {  	v35 =	vmul.f32 v35, v0;
	v1 =	vmax.f32 v1, v59;
	v59 =	vmul.f32 v44, v0;
	v44 =	vld [tilespmem:s29+$0x20]  }
0x3ad: {  	v33 =	vmul.f32 v33, v40;
	v27 =	vmax.f32 v29, v1;
	v1 =	vmax.f32 v41, v61;
	v41 =	vld [tilespmem:s29+$0x10]  }
0x3ae: {  	v60 =	vmul.f32 v60, v40;
	v50 =	vmul.f32 v50, v34;
	v29 =	vmax.f32 v62, v52;
	v52 =	vld [tilespmem:s28+$0x30]  }
0x3af: {  	v39 =	vmul.f32 v39, v34;
	v62 =	vmul.f32 v49, v34;
	v49 =	vld [tilespmem:s28+$0x70];
	v31 =	vmax.f32 v31, v59  }
0x3b0: {  	v37 =	vmul.f32 v37, v34;
	v61 =	vmul.f32 v42, v40;
	v28 =	vmax.f32 v28, v31;
	v31 =	vld [tilespmem:s28+$0x10]  }
0x3b1: {  	v59 =	vmul.f32 v63, v34;
	v29 =	vmax.f32 v1, v29;
	v1 =	vmul.f32 v43, v2;
	v43 =	vld [tilespmem:s28+$0x20]  }
0x3b2: {  	v63 =	vmul.f32 v55, v2;
	v55 =	vld [tilespmem:s28+$0x40];
	v37 =	vmax.f32 v33, v37;
	v32 =	vmax.f32 v61, v62  }
0x3b3: {  	v61 =	vld [tilespmem:s29+$0x30];
	v30 =	vmax.f32 v30, v59;
	v1 =	vmax.f32 v1, v35;
	v58 =	vmul.f32 v57, v0  }
0x3b4: {  	v59 =	vmul.f32 v54, v40;
	v57 =	vmul.f32 v51, v34;
	v54 =	vld [tilespmem:s29+$0x60];
	v30 =	vmax.f32 v30, v1  }
0x3b5: {  	v51 =	vld [tilespmem:s13+$0x0];
	v35 =	vmax.f32 v63, v58;
	v41 =	vmul.f32 v41, v0;
	v62 =	vmul.f32 v31, v2  }
0x3b6: {  	v1 =	vmax.f32 v59, v50;
	v63 =	vmul.f32 v46, v40;
	v46 =	vld [tilespmem:s28+$0x50];
	v58 =	vmul.f32 v44, v0  }
0x3b7: {  	v59 =	vmul.f32 v52, v2;
	v31 =	vmax.f32 v32, v35;
	v35 =	vld [tilespmem:s29+$0x40];
	v50 =	vmax.f32 v62, v41  }
0x3b8: {  	v44 =	vld [tilespmem:s28+$0x60];
	v61 =	vmul.f32 v61, v0;
	v32 =	vmax.f32 v1, v50;
	v1 =	vmul.f32 v43, v2  }
0x3b9: {  	v49 =	vmul.f32 v49, v2;
	v41 =	vmax.f32 v63, v57;
	v62 =	vld [tilespmem:s29+$0x50];
	v63 =	vmul.f32 v56, v40  }
0x3ba: {  	v57 =	vmul.f32 v38, v34;
	v43 =	vld [tilespmem:s29+$0x70];
	v1 =	vmax.f32 v1, v58;
	v58 =	vmax.f32 v59, v61  }
0x3bb: {  	v56 =	vmul.f32 v47, v40;
	v59 =	vmul.f32 v55, v2;
	v38 =	vmax.f32 v37, v58;
	v37 =	vld [tilespmem:s22+$0x0]  }
0x3bc: {  	v35 =	vmul.f32 v35, v0;
	v33 =	vmax.f32 v41, v1;
	v1 =	vmax.f32 v63, v57;
	v63 =	vld [tilespmem:s2+$0x10]  }
0x3bd: {  	v44 =	vmul.f32 v44, v2;
	v61 =	vmul.f32 v36, v34;
	v57 =	vld [tilespmem:s3+$0x10]  }
0x3be: {  	v58 =	vmul.f32 v54, v0;
	v35 =	vmax.f32 v59, v35;
	v62 =	vmul.f32 v62, v0;
	v59 =	vld [tilespmem:s22+$0x10]  }
0x3bf: {  	v41 =	vmax.f32 v60, v61;
	v61 =	vld [tilespmem:s13+$0x10];
	v36 =	vmax.f32 v1, v35;
	v1 =	vmul.f32 v46, v2  }
0x3c0: {  	s8 =	sadd.s32 $0x4, s0;
	v51 =	vmul.f32 v51, v0;
	v42 =	vmax.f32 v56, v39;
	v60 =	vmul.f32 v53, v34  }
0x3c1: {  	v43 =	vmul.f32 v43, v0;
	v35 =	vld [tilespmem:s8+$0xFFFFFFFD];
	v44 =	vmax.f32 v44, v58;
	v1 =	vmax.f32 v1, v62  }
0x3c2: {  	v39 =	vld [tilespmem:s8+$0xFFFFFFFE];
	v41 =	vmax.f32 v41, v1;
	v1 =	vmul.f32 v48, v40;
	v62 =	vmul.f32 v37, v2  }
0x3c3: {  	v42 =	vmax.f32 v42, v44;
	v37 =	vld [tilespmem:s8+$0xFFFFFFFF];
	v46 =	vmul.f32 v63, v40;
	v34 =	vmul.f32 v57, v34  }
0x3c4: {  	v43 =	vmax.f32 v49, v43;
	v40 =	vld [tilespmem:s8+$0x0];
	v48 =	vmul.f32 v59, v2;
	v0 =	vmul.f32 v61, v0  }
0x3c5: {  	s11 =	simm.s32 $0x400;
	v52 =	vld [tilespmem:s19+$0xA000];
	v1 =	vmax.f32 v1, v60;
	v63 =	vmax.f32 v62, v51;
	v46 =	vmax.f32 v46, v34  }
0x3c6: {  	s10 =	simm.s32 $0x200;
	s7 =	simm.s32 $0x0;
	s2 =	smov.u32 s1;
	v53 =	vld [tilespmem:s19+$0xA010];
	(v2sf) =	vpush v35, $0x0;
	v44 =	vmax.f32 v1, v43;
	v43 =	vmax.f32 v45, v63  }
.LBB2_5:
0x3c7: {  	p0 =	sne.s32 s11, $0x3000;
	(v2sf) =	vpush v39, $0x0;
	v1 =	vld [tilespmem:s19+$0xA020];
	v0 =	vmax.f32 v48, v0  }
0x3c8: {  	(v2sf) =	vpush v37, $0x0;
	v2 =	vld [tilespmem:s19+$0xA030];
	v0 =	vmax.f32 v46, v0  }
0x3c9: {  	(v2sf) =	vpush v40, $0x0;
	v34 =	vld [tilespmem:s19+$0xA040]  }
0x3ca: {  	v45 =	vsub.f32 v52, v23;
	v46 =	vld [tilespmem:s19+$0xA050]  }
0x3cb: {  	v47 =	vsub.f32 v53, v24;
	v48 =	vld [tilespmem:s19+$0xA060]  }
0x3cc: {  	v45 =	vmul.f32 v45, v4;
	v1 =	vsub.f32 v1, v25;
	v49 =	vld [tilespmem:s19+$0xA070]  }
0x3cd: {  	v47 =	vmul.f32 v47, v4;
	v2 =	vsub.f32 v2, v26;
	v50 =	vld [tilespmem:s19+$0xA400]  }
0x3ce: {  	v23 =	vadd.f32 v45, v23;
	v1 =	vmul.f32 v1, v4;
	v34 =	vsub.f32 v34, v27;
	v45 =	vld [tilespmem:s19+$0xA410]  }
0x3cf: {  	v24 =	vadd.f32 v47, v24;
	v2 =	vmul.f32 v2, v4;
	v46 =	vsub.f32 v46, v28;
	v47 =	vld [tilespmem:s19+$0xA420]  }
0x3d0: {  	s2 =	sadd.s32 $0x1, s2;
	v1 =	vadd.f32 v1, v25;
	v25 =	vmul.f32 v34, v4;
	v34 =	vsub.f32 v48, v29;
	v48 =	vld [tilespmem:s19+$0xA430]  }
0x3d1: {  	s18 =	sadd.s32 $0x1, s18;
	v51 =	vld [tilespmem:s2+$0x0];
	v2 =	vadd.f32 v2, v26;
	v26 =	vmul.f32 v46, v4;
	v46 =	vsub.f32 v49, v30  }
0x3d2: {  	s3 =	sshrl.u32 s18, $0x1;
	v25 =	vadd.f32 v25, v27;
	v27 =	vmul.f32 v34, v4;
	v34 =	vsub.f32 v50, v31;
	v49 =	vld [tilespmem:s19+$0xA440]  }
0x3d3: {  	s3 =	smul.u32 $0x3000, s3;
	v26 =	vadd.f32 v26, v28;
	v28 =	vmul.f32 v46, v4;
	v45 =	vsub.f32 v45, v32;
	v46 =	vld [tilespmem:s19+$0xA450]  }
0x3d4: {  	s17 =	sadd.s32 $0x200, s17;
	v27 =	vadd.f32 v27, v29;
	v29 =	vmul.f32 v34, v4;
	v34 =	vsub.f32 v47, v33;
	v47 =	vld [tilespmem:s19+$0xA460]  }
0x3d5: {  	s20 =	sand.u32 $0x200, s10;
	s13 =	sshra.s32 s3, $0x2;
	s3 =	spop (v2sf);
	v28 =	vadd.f32 v28, v30;
	v30 =	vmul.f32 v45, v4;
	v45 =	vsub.f32 v48, v38;
	v48 =	vld [tilespmem:s19+$0xA470]  }
0x3d6: {  	s5 =	sadd.s32 $0x80, s10;
	s22 =	sadd.s32 $0xD800, s13;
	(v2sf) =	vpush v51, $0x0;
	s6 =	spop (v2sf);
	v29 =	vadd.f32 v29, v31;
	v31 =	vmul.f32 v34, v4;
	v34 =	vld [tilespmem:s19+$0xA800]  }
0x3d7: {  	s21 =	sand.u32 $0x280, s5;
	s14 =	sor.u32 s20, s22;
	s5 =	spop (v2sf);
	v30 =	vadd.f32 v30, v32;
	v32 =	vmul.f32 v45, v4;
	v45 =	vsub.f32 v49, v36;
	v49 =	vld [tilespmem:s19+$0xA810]  }
0x3d8: {  	s15 =	sshll.u32 s3, $0x2;
	s3 =	sor.u32 s21, s22;
	v50 =	vld [tilespmem:s14+$0x0];
	s19 =	spop (v2sf);
	v31 =	vadd.f32 v31, v33;
	v33 =	vsub.f32 v46, v41  }
0x3d9: {  	s15 =	sshra.s32 s15, $0x2;
	s6 =	sshll.u32 s6, $0x2;
	s5 =	sshll.u32 s5, $0x2;
	v46 =	vld [tilespmem:s3+$0x0];
	v32 =	vadd.f32 v32, v38;
	v38 =	vmul.f32 v45, v4;
	v45 =	vsub.f32 v47, v42  }
0x3da: {  	v12 =	vadd.f32 v23, v12;
	s15 =	sand.u32 $0xFFFFFFF0, s15;
	s6 =	sshra.s32 s6, $0x2;
	s19 =	sshll.u32 s19, $0x2;
	v47 =	vld [tilespmem:s14+$0x20];
	v23 =	vmul.f32 v33, v4;
	v33 =	vsub.f32 v48, v44  }
0x3db: {  	s15 =	sadd.s32 s15, s17;
	s6 =	sand.u32 $0xFFFFFFF0, s6;
	s5 =	sshra.s32 s5, $0x2;
	v48 =	vld [tilespmem:s3+$0x20];
	v36 =	vadd.f32 v38, v36;
	v38 =	vmul.f32 v45, v4;
	v34 =	vsub.f32 v34, v43  }
0x3dc: {  	s6 =	sadd.s32 s6, s17;
	s5 =	sand.u32 $0xFFFFFFF0, s5;
	v45 =	vld [tilespmem:s15+$0x0];
	s15 =	sshra.s32 s19, $0x2;
	v23 =	vadd.f32 v23, v41;
	v33 =	vmul.f32 v33, v4;
	v41 =	vsub.f32 v49, v0  }
0x3dd: {  	v16 =	vadd.f32 v24, v16;
	s5 =	sadd.s32 s5, s17;
	v49 =	vld [tilespmem:s6+$0x80];
	s6 =	sand.u32 $0xFFFFFFF0, s15;
	s15 =	sadd.s32 $0x100, s10;
	v24 =	vadd.f32 v38, v42;
	v34 =	vmul.f32 v34, v4  }
0x3de: {  	v19 =	vadd.f32 v1, v19;
	v38 =	vld [tilespmem:s5+$0x100];
	s5 =	sadd.s32 s6, s17;
	s15 =	sand.u32 $0x300, s15;
	s6 =	sadd.s32 $0x180, s10;
	v1 =	vadd.f32 v33, v44;
	v4 =	vmul.f32 v41, v4  }
0x3df: {  	v20 =	vadd.f32 v2, v20;
	v33 =	vld [tilespmem:s5+$0x180];
	s5 =	sadd.s32 $0xD000, s13;
	s10 =	sand.u32 $0x380, s6;
	s6 =	sor.u32 s15, s22;
	v41 =	vadd.f32 v34, v43  }
0x3e0: {  	s29 =	sadd.s32 $0xD400, s13;
	v22 =	vadd.f32 v25, v22;
	s19 =	sshrl.u32 s18, $0x3;
	s13 =	sor.u32 s10, s22;
	v42 =	vld [tilespmem:s6+$0x20];
	v25 =	vadd.f32 v4, v0  }
0x3e1: {  	v2 =	vbroadcast v39, $0x0;
	v21 =	vadd.f32 v26, v21;
	s19 =	smul.u32 $0x3000, s19;
	v0 =	vbroadcast v35, $0x0;
	s26 =	sor.u32 s20, s5;
	s24 =	sor.u32 s21, s5;
	v35 =	vld [tilespmem:s13+$0x20]  }
0x3e2: {  	s7 =	sadd.s32 $0x80, s7;
	v26 =	vbroadcast v40, $0x0;
	v17 =	vadd.f32 v27, v17;
	v4 =	vbroadcast v37, $0x0;
	s28 =	sor.u32 s15, s5;
	s25 =	sor.u32 s10, s5;
	v39 =	vld [tilespmem:s26+$0x0]  }
0x3e3: {  	v13 =	vadd.f32 v28, v13;
	s19 =	sshra.s32 s19, $0x2;
	s5 =	sand.u32 $0x380, s7;
	s20 =	sor.u32 s20, s29;
	v37 =	vperm.xlane v45, v0;
	v2 =	vperm.xlane v49, v2;
	v0 =	vld [tilespmem:s24+$0x0]  }
0x3e4: {  	s23 =	sor.u32 s21, s29;
	v14 =	vadd.f32 v29, v14;
	s22 =	sor.u32 s15, s29;
	s19 =	sor.u32 s5, s19;
	v45 =	vperm.xlane v38, v4;
	v34 =	vperm.xlane v33, v26;
	v26 =	vld [tilespmem:s28+$0x0]  }
0x3e5: {  	v11 =	vadd.f32 v30, v11;
	s21 =	sor.u32 s10, s29;
	s10 =	smov.u32 s11;
	v27 =	vmul.f32 v47, v37;
	v28 =	vmul.f32 v48, v2;
	v29 =	vld [tilespmem:s19+$0xA820];
	s5 =	spop (v2sf)  }
0x3e6: {  	v10 =	vadd.f32 v31, v10;
	v30 =	vmul.f32 v42, v45;
	v4 =	vld.msk [tilespmem:s5+$0x1A000 ss:$0x0], $0xffff;
	v33 =	vmul.f32 v35, v34  }
0x3e7: {  	v18 =	vadd.f32 v32, v18;
	v38 =	vmul.f32 v50, v37;
	v31 =	vmul.f32 v39, v37;
	v35 =	vld [tilespmem:s25+$0x0]  }
0x3e8: {  	v27 =	vmax.f32 v27, v28;
	v0 =	vmul.f32 v0, v2;
	v32 =	vld [tilespmem:s26+$0x10];
	v28 =	vmax.f32 v30, v33  }
0x3e9: {  	v33 =	vmul.f32 v46, v2;
	v26 =	vmul.f32 v26, v45;
	v30 =	vld [tilespmem:s24+$0x10];
	v27 =	vmax.f32 v27, v28  }
0x3ea: {  	v5 =	vadd.f32 v36, v5;
	v28 =	vmax.f32 v31, v0;
	v31 =	vld [tilespmem:s28+$0x10];
	v29 =	vsub.f32 v29, v27  }
0x3eb: {  	v7 =	vadd.f32 v23, v7;
	v6 =	vadd.f32 v24, v6;
	v0 =	vmax.f32 v38, v33;
	v36 =	vld [tilespmem:s25+$0x10]  }
0x3ec: {  	v8 =	vadd.f32 v1, v8;
	v23 =	vmul.f32 v35, v34;
	v24 =	vld [tilespmem:s26+$0x20];
	v29 =	vmul.f32 v29, v4  }
0x3ed: {  	v9 =	vadd.f32 v41, v9;
	v15 =	vadd.f32 v25, v15;
	v1 =	vmul.f32 v32, v37;
	v32 =	vld [tilespmem:s24+$0x20]  }
0x3ee: {  	v23 =	vmax.f32 v26, v23;
	v25 =	vmul.f32 v30, v2;
	v26 =	vld [tilespmem:s28+$0x20];
	v27 =	vadd.f32 v29, v27  }
0x3ef: {  	v23 =	vmax.f32 v28, v23;
	v28 =	vmul.f32 v31, v45;
	v29 =	vld [tilespmem:s25+$0x20]  }
0x3f0: {  	v1 =	vmax.f32 v1, v25;
	v25 =	vmul.f32 v36, v34;
	v30 =	vld [tilespmem:s26+$0x30];
	v3 =	vadd.f32 v27, v3  }
0x3f1: {  	v27 =	vmul.f32 v24, v37;
	v31 =	vld [tilespmem:s24+$0x30]  }
0x3f2: {  	v24 =	vmax.f32 v28, v25;
	v25 =	vmul.f32 v32, v2;
	v28 =	vld [tilespmem:s28+$0x30]  }
0x3f3: {  	v24 =	vmax.f32 v1, v24;
	v1 =	vmul.f32 v26, v45;
	v26 =	vld [tilespmem:s25+$0x30]  }
0x3f4: {  	v25 =	vmax.f32 v27, v25;
	v27 =	vmul.f32 v29, v34;
	v29 =	vld [tilespmem:s26+$0x40]  }
0x3f5: {  	v30 =	vmul.f32 v30, v37;
	v32 =	vld [tilespmem:s24+$0x40]  }
0x3f6: {  	v1 =	vmax.f32 v1, v27;
	v27 =	vmul.f32 v31, v2;
	v31 =	vld [tilespmem:s28+$0x40]  }
0x3f7: {  	v25 =	vmax.f32 v25, v1;
	v1 =	vmul.f32 v28, v45;
	v28 =	vld [tilespmem:s25+$0x40]  }
0x3f8: {  	v27 =	vmax.f32 v30, v27;
	v26 =	vmul.f32 v26, v34;
	v30 =	vld [tilespmem:s26+$0x50]  }
0x3f9: {  	v29 =	vmul.f32 v29, v37;
	v33 =	vld [tilespmem:s24+$0x50]  }
0x3fa: {  	v1 =	vmax.f32 v1, v26;
	v32 =	vmul.f32 v32, v2;
	v35 =	vld [tilespmem:s28+$0x50]  }
0x3fb: {  	v26 =	vmax.f32 v27, v1;
	v1 =	vmul.f32 v31, v45;
	v31 =	vld [tilespmem:s25+$0x50]  }
0x3fc: {  	v27 =	vmax.f32 v29, v32;
	v28 =	vmul.f32 v28, v34;
	v29 =	vld [tilespmem:s26+$0x60]  }
0x3fd: {  	v30 =	vmul.f32 v30, v37;
	v32 =	vld [tilespmem:s24+$0x60]  }
0x3fe: {  	v1 =	vmax.f32 v1, v28;
	v28 =	vmul.f32 v33, v2;
	v33 =	vld [tilespmem:s28+$0x60]  }
0x3ff: {  	v27 =	vmax.f32 v27, v1;
	v1 =	vmul.f32 v35, v45;
	v35 =	vld [tilespmem:s25+$0x60]  }
0x400: {  	v28 =	vmax.f32 v30, v28;
	v30 =	vmul.f32 v31, v34;
	v31 =	vld [tilespmem:s26+$0x70]  }
0x401: {  	v29 =	vmul.f32 v29, v37;
	v36 =	vld [tilespmem:s24+$0x70]  }
0x402: {  	v1 =	vmax.f32 v1, v30;
	v30 =	vmul.f32 v32, v2;
	v32 =	vld [tilespmem:s28+$0x70]  }
0x403: {  	v28 =	vmax.f32 v28, v1;
	v1 =	vmul.f32 v33, v45;
	v33 =	vld [tilespmem:s25+$0x70]  }
0x404: {  	v29 =	vmax.f32 v29, v30;
	v30 =	vmul.f32 v35, v34;
	v35 =	vld [tilespmem:s20+$0x0]  }
0x405: {  	v31 =	vmul.f32 v31, v37;
	v38 =	vld [tilespmem:s23+$0x0]  }
0x406: {  	v1 =	vmax.f32 v1, v30;
	v30 =	vmul.f32 v36, v2;
	v36 =	vld [tilespmem:s22+$0x0]  }
0x407: {  	v29 =	vmax.f32 v29, v1;
	v1 =	vmul.f32 v32, v45;
	v32 =	vld [tilespmem:s21+$0x0]  }
0x408: {  	v30 =	vmax.f32 v31, v30;
	v31 =	vmul.f32 v33, v34;
	v33 =	vld [tilespmem:s20+$0x10]  }
0x409: {  	v35 =	vmul.f32 v35, v37;
	v39 =	vld [tilespmem:s23+$0x10]  }
0x40a: {  	v1 =	vmax.f32 v1, v31;
	v31 =	vmul.f32 v38, v2;
	v38 =	vld [tilespmem:s22+$0x10]  }
0x40b: {  	v30 =	vmax.f32 v30, v1;
	v1 =	vmul.f32 v36, v45;
	v36 =	vld [tilespmem:s21+$0x10]  }
0x40c: {  	v31 =	vmax.f32 v35, v31;
	v32 =	vmul.f32 v32, v34;
	v35 =	vld [tilespmem:s20+$0x20]  }
0x40d: {  	v33 =	vmul.f32 v33, v37;
	v40 =	vld [tilespmem:s23+$0x20]  }
0x40e: {  	v1 =	vmax.f32 v1, v32;
	v32 =	vmul.f32 v39, v2;
	v39 =	vld [tilespmem:s22+$0x20]  }
0x40f: {  	v31 =	vmax.f32 v31, v1;
	v1 =	vmul.f32 v38, v45;
	v38 =	vld [tilespmem:s21+$0x20]  }
0x410: {  	v32 =	vmax.f32 v33, v32;
	v33 =	vmul.f32 v36, v34;
	v36 =	vld [tilespmem:s20+$0x30]  }
0x411: {  	v35 =	vmul.f32 v35, v37;
	v41 =	vld [tilespmem:s23+$0x30]  }
0x412: {  	v1 =	vmax.f32 v1, v33;
	v33 =	vmul.f32 v40, v2;
	v40 =	vld [tilespmem:s22+$0x30]  }
0x413: {  	v32 =	vmax.f32 v32, v1;
	v1 =	vmul.f32 v39, v45;
	v39 =	vld [tilespmem:s21+$0x30]  }
0x414: {  	v33 =	vmax.f32 v35, v33;
	v35 =	vmul.f32 v38, v34;
	v38 =	vld [tilespmem:s20+$0x40]  }
0x415: {  	v36 =	vmul.f32 v36, v37;
	v42 =	vld [tilespmem:s23+$0x40]  }
0x416: {  	v1 =	vmax.f32 v1, v35;
	v35 =	vmul.f32 v41, v2;
	v41 =	vld [tilespmem:s22+$0x40]  }
0x417: {  	v33 =	vmax.f32 v33, v1;
	v1 =	vmul.f32 v40, v45;
	v40 =	vld [tilespmem:s21+$0x40]  }
0x418: {  	v35 =	vmax.f32 v36, v35;
	v36 =	vmul.f32 v39, v34;
	v39 =	vld [tilespmem:s20+$0x50]  }
0x419: {  	v43 =	vmul.f32 v38, v37;
	v44 =	vld [tilespmem:s23+$0x50]  }
0x41a: {  	v1 =	vmax.f32 v1, v36;
	v36 =	vmul.f32 v42, v2;
	v42 =	vld [tilespmem:s22+$0x50]  }
0x41b: {  	v38 =	vmax.f32 v35, v1;
	v1 =	vmul.f32 v41, v45;
	v35 =	vld [tilespmem:s21+$0x50]  }
0x41c: {  	v36 =	vmax.f32 v43, v36;
	v40 =	vmul.f32 v40, v34;
	v41 =	vld [tilespmem:s20+$0x60]  }
0x41d: {  	v39 =	vmul.f32 v39, v37;
	v43 =	vld [tilespmem:s23+$0x60]  }
0x41e: {  	v1 =	vmax.f32 v1, v40;
	v40 =	vmul.f32 v44, v2;
	v44 =	vld [tilespmem:s22+$0x60]  }
0x41f: {  	v36 =	vmax.f32 v36, v1;
	v1 =	vmul.f32 v42, v45;
	v42 =	vld [tilespmem:s21+$0x60]  }
0x420: {  	v39 =	vmax.f32 v39, v40;
	v35 =	vmul.f32 v35, v34;
	v40 =	vld [tilespmem:s20+$0x70]  }
0x421: {  	v46 =	vmul.f32 v41, v37;
	v47 =	vld [tilespmem:s23+$0x70]  }
0x422: {  	v1 =	vmax.f32 v1, v35;
	v35 =	vmul.f32 v43, v2;
	v43 =	vld [tilespmem:s22+$0x70]  }
0x423: {  	v41 =	vmax.f32 v39, v1;
	v1 =	vmul.f32 v44, v45;
	v39 =	vld [tilespmem:s21+$0x70]  }
0x424: {  	v35 =	vmax.f32 v46, v35;
	v42 =	vmul.f32 v42, v34;
	v44 =	vld [tilespmem:s6+$0x0]  }
0x425: {  	v40 =	vmul.f32 v40, v37;
	v46 =	vld [tilespmem:s13+$0x0]  }
0x426: {  	v1 =	vmax.f32 v1, v42;
	v47 =	vmul.f32 v47, v2;
	v48 =	vld [tilespmem:s14+$0x10]  }
0x427: {  	v42 =	vmax.f32 v35, v1;
	v1 =	vmul.f32 v43, v45;
	v43 =	vld [tilespmem:s3+$0x10]  }
0x428: {  	v40 =	vmax.f32 v40, v47;
	v39 =	vmul.f32 v39, v34;
	v47 =	vld [tilespmem:s6+$0x10]  }
0x429: {  	s8 =	sadd.s32 $0x4, s8;
	v49 =	vmul.f32 v44, v45;
	v50 =	vld [tilespmem:s13+$0x10]  }
0x42a: {  	v35 =	vld [tilespmem:s8+$0xFFFFFFFD];
	v1 =	vmax.f32 v1, v39;
	v46 =	vmul.f32 v46, v34  }
.Ltmp1:
0x42b: {  	v39 =	vld [tilespmem:s8+$0xFFFFFFFE];
	v44 =	vmax.f32 v40, v1;
	v1 =	vmul.f32 v48, v37;
	(pc) =	sbr.rel @p0 .LBB2_5-.Ltmp1, $4  }
0x42c: {  	v37 =	vld [tilespmem:s8+$0xFFFFFFFF];
	v46 =	vmax.f32 v49, v46;
	v2 =	vmul.f32 v43, v2  }
0x42d: {  	v40 =	vld [tilespmem:s8+$0x0];
	v43 =	vmax.f32 v0, v46;
	v48 =	vmul.f32 v47, v45  }
0x42e: {  	v52 =	vld [tilespmem:s19+$0xA000];
	v46 =	vmax.f32 v1, v2;
	v0 =	vmul.f32 v50, v34  }
0x42f: {  	s11 =	sadd.s32 $0x200, s11;
	(v2sf) =	vpush v35, $0x0;
	v53 =	vld [tilespmem:s19+$0xA010]  }
0x430: {  	v45 =	vld [tilespmem:s19+$0xA020]  }
0x431: {  	v54 =	vld [tilespmem:s19+$0xA030]  }
0x432: {  	v55 =	vld [tilespmem:s19+$0xA040]  }
0x433: {  	v56 =	vld [tilespmem:s19+$0xA050]  }
0x434: {  	v57 =	vld [tilespmem:s19+$0xA060]  }
0x435: {  	v58 =	vld [tilespmem:s19+$0xA070]  }
0x436: {  	v59 =	vld [tilespmem:s19+$0xA400]  }
0x437: {  	(v2sf) =	vpush v39, $0x0;
	v60 =	vld [tilespmem:s19+$0xA410]  }
0x438: {  	v61 =	vld [tilespmem:s19+$0xA420];
	(v2sf) =	vpush v37, $0x0  }
0x439: {  	v62 =	vld [tilespmem:s19+$0xA430];
	s24 =	sadd.s32 $0x1, s18  }
0x43a: {  	v1 =	vld [tilespmem:s19+$0xA460];
	s3 =	sshrl.u32 s24, $0x1  }
0x43b: {  	v47 =	vld [tilespmem:s19+$0xA810];
	s3 =	smul.u32 $0x3000, s3  }
0x43c: {  	v63 =	vld [tilespmem:s19+$0xA440]  }
0x43d: {  	v49 =	vld [tilespmem:s19+$0xA450];
	s5 =	sadd.s32 $0x200, s17;
	s6 =	sadd.s32 $0x80, s10;
	s17 =	sshra.s32 s3, $0x2;
	v53 =	vsub.f32 v53, v24;
	v45 =	vsub.f32 v45, v25  }
0x43e: {  	v51 =	vld [tilespmem:s19+$0xA470];
	s14 =	sand.u32 $0x280, s6;
	s15 =	sadd.s32 $0xD800, s17  }
0x43f: {  	v34 =	vld [tilespmem:s19+$0xA800];
	[tilespmem:$0x1F700] =	vst v1;
	s6 =	sor.u32 s14, s15;
	v1 =	vmul.f32 v53, v4;
	v45 =	vmul.f32 v45, v4  }
0x440: {  	s2 =	sadd.s32 $0x1, s2;
	s13 =	sand.u32 $0x200, s10;
	[tilespmem:$0x1F730] =	vst v47;
	v57 =	vsub.f32 v57, v29;
	v47 =	vld [tilespmem:s6+$0x20]  }
0x441: {  	v2 =	vld [tilespmem:s2+$0x0];
	s11 =	sor.u32 s13, s15;
	v1 =	vadd.f32 v1, v24;
	v24 =	vadd.f32 v45, v25  }
0x442: {  	s21 =	sadd.s32 $0x180, s10;
	v50 =	vld [tilespmem:s11+$0x0];
	v45 =	vmul.f32 v57, v4;
	v57 =	vsub.f32 v58, v30;
	v58 =	vsub.f32 v59, v31  }
0x443: {  	s20 =	sadd.s32 $0x100, s10;
	s10 =	sand.u32 $0x380, s21;
	[tilespmem:$0x1F710] =	vst v51;
	v51 =	vld [tilespmem:s6+$0x0]  }
0x444: {  	s2 =	sshrl.u32 s24, $0x3;
	(v2sf) =	vpush v40, $0x0;
	[tilespmem:$0x1F720] =	vst v34;
	s23 =	sadd.s32 $0xD000, s17;
	s24 =	sor.u32 s10, s15;
	v34 =	vld [tilespmem:s11+$0x20];
	v58 =	vmul.f32 v58, v4  }
0x445: {  	v61 =	vsub.f32 v61, v33;
	v62 =	vsub.f32 v62, v38;
	s21 =	sor.u32 s10, s23;
	[tilespmem:$0x1F770] =	vst v47;
	v47 =	vld [tilespmem:s24+$0x20];
	s25 =	spop (v2sf)  }
0x446: {  	v52 =	vsub.f32 v52, v23;
	v53 =	vld [tilespmem:s21+$0x10];
	v31 =	vadd.f32 v58, v31;
	s8 =	spop (v2sf)  }
0x447: {  	v59 =	vld [tilespmem:s21+$0x20];
	v58 =	vmul.f32 v61, v4;
	v61 =	vmul.f32 v62, v4;
	v62 =	vsub.f32 v63, v36;
	s26 =	spop (v2sf)  }
0x448: {  	(v2sf) =	vpush v2, $0x0;
	v2 =	vmul.f32 v52, v4;
	s3 =	sshll.u32 s25, $0x2;
	s25 =	sor.u32 s14, s23;
	v14 =	vadd.f32 v31, v14;
	v31 =	vld [tilespmem:$0x1F770];
	s18 =	sshll.u32 s26, $0x2  }
0x449: {  	v48 =	vmax.f32 v48, v0;
	v33 =	vadd.f32 v58, v33;
	v58 =	vmul.f32 v62, v4;
	v0 =	vld [tilespmem:s25+$0x50];
	s18 =	sshra.s32 s18, $0x2  }
0x44a: {  	s3 =	sshra.s32 s3, $0x2;
	v2 =	vadd.f32 v2, v23;
	[tilespmem:$0x1F790] =	vst v47;
	v47 =	vld [tilespmem:s25+$0x0];
	s18 =	sand.u32 $0xFFFFFFF0, s18  }
0x44b: {  	s8 =	sshll.u32 s8, $0x2;
	v23 =	vsub.f32 v55, v27;
	v36 =	vadd.f32 v58, v36;
	v58 =	vld [tilespmem:$0x1F710];
	s29 =	sadd.s32 s18, s5;
	s18 =	sand.u32 $0x300, s20  }
0x44c: {  	s3 =	sand.u32 $0xFFFFFFF0, s3;
	s8 =	sshra.s32 s8, $0x2;
	v62 =	vadd.f32 v2, v12;
	v12 =	vld [tilespmem:$0x1F700];
	s22 =	sor.u32 s18, s15  }
0x44d: {  	[tilespmem:$0x1F760] =	vst v34;
	s3 =	sadd.s32 s3, s5;
	s8 =	sand.u32 $0xFFFFFFF0, s8;
	v23 =	vmul.f32 v23, v4;
	v34 =	vld [tilespmem:s22+$0x20]  }
0x44e: {  	[tilespmem:$0x1F7C0] =	vst v50;
	s8 =	sadd.s32 s8, s5;
	v50 =	vld [tilespmem:s3+$0x0]  }
0x44f: {  	[tilespmem:$0x1F7D0] =	vst v51;
	v51 =	vld [tilespmem:s8+$0x80];
	v23 =	vadd.f32 v23, v27  }
0x450: {  	v27 =	vadd.f32 v45, v29;
	v29 =	vmul.f32 v57, v4;
	v57 =	vsub.f32 v60, v32;
	v60 =	vld [tilespmem:s25+$0x30]  }
0x451: {  	s20 =	sor.u32 s13, s23;
	[tilespmem:$0x1F820] =	vst v62;
	v62 =	vld [tilespmem:s21+$0x40]  }
0x452: {  	[tilespmem:$0x1F780] =	vst v34;
	v34 =	vld [tilespmem:s20+$0x0]  }
0x453: {  	v52 =	vld [tilespmem:s20+$0x20]  }
0x454: {  	s28 =	spop (v2sf);
	v45 =	vld [tilespmem:s20+$0x30]  }
0x455: {  	s19 =	sshll.u32 s28, $0x2;
	s28 =	sor.u32 s18, s23;
	v63 =	vld [tilespmem:s20+$0x40]  }
0x456: {  	s2 =	smul.u32 $0x3000, s2;
	v55 =	vld [tilespmem:s28+$0x10]  }
0x457: {  	s26 =	sadd.s32 $0x80, s7;
	v30 =	vadd.f32 v29, v30;
	v29 =	vmul.f32 v57, v4;
	[tilespmem:$0x1F7A0] =	vst v34;
	v34 =	vld [tilespmem:s28+$0x0]  }
0x458: {  	s2 =	sshra.s32 s2, $0x2;
	v38 =	vadd.f32 v61, v38;
	s19 =	sshra.s32 s19, $0x2;
	s15 =	sand.u32 $0x380, s26;
	v57 =	vld [tilespmem:s21+$0x30]  }
0x459: {  	s19 =	sand.u32 $0xFFFFFFF0, s19;
	s2 =	sor.u32 s15, s2;
	v61 =	vld [tilespmem:s28+$0x40];
	v32 =	vadd.f32 v29, v32;
	v29 =	vsub.f32 v49, v41  }
0x45a: {  	s5 =	sadd.s32 s19, s5;
	[tilespmem:$0x1F7B0] =	vst v47;
	v47 =	vld [tilespmem:s2+$0xA820]  }
0x45b: {  	v2 =	vsub.f32 v12, v42;
	[tilespmem:$0x1F740] =	vst v50;
	v50 =	vld [tilespmem:s5+$0x180];
	v12 =	vmul.f32 v29, v4  }
0x45c: {  	[tilespmem:$0x1F7E0] =	vst v34;
	v34 =	vld [tilespmem:s21+$0x0]  }
0x45d: {  	v41 =	vadd.f32 v12, v41;
	v12 =	vld [tilespmem:$0x1F720]  }
0x45e: {  	v49 =	vld [tilespmem:s25+$0x40]  }
0x45f: {  	v13 =	vadd.f32 v30, v13;
	v30 =	vld [tilespmem:$0x1F760]  }
0x460: {  	[tilespmem:$0x1F750] =	vst v51;
	v51 =	vld [tilespmem:s29+$0x100];
	v29 =	vmax.f32 v46, v48;
	v46 =	vsub.f32 v58, v44  }
0x461: {  	[tilespmem:$0x1F7F0] =	vst v34;
	v34 =	vld [tilespmem:s20+$0x10]  }
0x462: {  	v58 =	vsub.f32 v12, v43;
	v12 =	vadd.f32 v1, v16;
	v1 =	vmul.f32 v46, v4;
	v46 =	vld [tilespmem:$0x1F730]  }
0x463: {  	v48 =	vld [tilespmem:s20+$0x50]  }
0x464: {  	v17 =	vadd.f32 v27, v17;
	v2 =	vmul.f32 v2, v4;
	v27 =	vld [tilespmem:$0x1F750]  }
0x465: {  	v11 =	vadd.f32 v32, v11;
	[tilespmem:$0x1F810] =	vst v47;
	v32 =	vld [tilespmem:$0x1F780];
	s29 =	spop (v2sf)  }
0x466: {  	v42 =	vadd.f32 v2, v42;
	v47 =	vld.msk [tilespmem:s29+$0x1A000 ss:$0x0], $0xffff;
	[tilespmem:$0x1F800] =	vst v34;
	v34 =	vsub.f32 v54, v26  }
0x467: {  	v2 =	vadd.f32 v24, v19;
	v16 =	vld [tilespmem:s28+$0x50];
	v19 =	vmul.f32 v58, v4;
	v46 =	vsub.f32 v46, v29  }
0x468: {  	v56 =	vsub.f32 v56, v28;
	v58 =	vld [tilespmem:s21+$0x50];
	v34 =	vmul.f32 v34, v4  }
0x469: {  	v43 =	vadd.f32 v19, v43;
	v19 =	vadd.f32 v23, v22;
	v22 =	vld [tilespmem:s25+$0x60];
	v24 =	vmul.f32 v46, v4  }
0x46a: {  	v46 =	vld [tilespmem:s20+$0x60];
	v25 =	vadd.f32 v34, v26;
	v26 =	vmul.f32 v56, v4  }
0x46b: {  	v23 =	vadd.f32 v24, v29;
	v29 =	vbroadcast v35, $0x0;
	v35 =	vld [tilespmem:s28+$0x60];
	v24 =	vbroadcast v37, $0x0  }
0x46c: {  	v26 =	vadd.f32 v26, v28;
	v20 =	vadd.f32 v25, v20;
	v25 =	vbroadcast v40, $0x0;
	v40 =	vld [tilespmem:$0x1F740]  }
0x46d: {  	v37 =	vld [tilespmem:s21+$0x60]  }
0x46e: {  	v21 =	vadd.f32 v26, v21;
	v26 =	vperm.xlane v51, v24;
	v51 =	vld [tilespmem:$0x1F790]  }
0x46f: {  	v54 =	vld [tilespmem:s25+$0x10]  }
0x470: {  	v34 =	vld [tilespmem:s25+$0x20];
	v4 =	vbroadcast v39, $0x0  }
0x471: {  	v56 =	vld [tilespmem:s28+$0x20];
	v25 =	vperm.xlane v50, v25;
	v29 =	vperm.xlane v40, v29  }
0x472: {  	s19 =	sadd.s32 $0xD400, s17;
	v39 =	vld [tilespmem:s20+$0x70];
	v27 =	vperm.xlane v27, v4;
	v24 =	vmul.f32 v32, v26  }
0x473: {  	v44 =	vadd.f32 v1, v44;
	s20 =	sor.u32 s13, s19;
	v28 =	vld [tilespmem:s28+$0x30];
	v1 =	vmul.f32 v30, v29;
	v30 =	vmul.f32 v51, v25  }
0x474: {  	v4 =	vmul.f32 v31, v27;
	v31 =	vadd.f32 v33, v10;
	v33 =	vld [tilespmem:s20+$0x0]  }
0x475: {  	v32 =	vmax.f32 v24, v30;
	v24 =	vld [tilespmem:$0x1F7A0]  }
0x476: {  	s14 =	sor.u32 s14, s19;
	v30 =	vld [tilespmem:$0x1F7B0]  }
0x477: {  	v10 =	vadd.f32 v38, v18;
	v38 =	vld [tilespmem:s14+$0x0]  }
0x478: {  	v50 =	vld [tilespmem:s28+$0x70];
	v49 =	vmul.f32 v49, v27;
	v0 =	vmul.f32 v0, v27;
	v1 =	vmax.f32 v1, v4  }
0x479: {  	v34 =	vmul.f32 v34, v27;
	v52 =	vmul.f32 v52, v29;
	v4 =	vmax.f32 v1, v32;
	v32 =	vld [tilespmem:$0x1F7C0]  }
0x47a: {  	v40 =	vld [tilespmem:s25+$0x70];
	v48 =	vmul.f32 v48, v29;
	v33 =	vmul.f32 v33, v29  }
0x47b: {  	v18 =	vmul.f32 v24, v29;
	v24 =	vmul.f32 v30, v27;
	v30 =	vld [tilespmem:$0x1F7D0]  }
0x47c: {  	s10 =	sor.u32 s10, s19;
	v51 =	vld [tilespmem:s21+$0x70];
	v38 =	vmul.f32 v38, v27;
	v52 =	vmax.f32 v52, v34;
	v34 =	vmul.f32 v63, v29  }
0x47d: {  	v0 =	vmax.f32 v48, v0;
	v48 =	vmul.f32 v37, v25;
	v37 =	vld [tilespmem:s10+$0x40]  }
0x47e: {  	v33 =	vmax.f32 v33, v38;
	v38 =	vld [tilespmem:s14+$0x60];
	v34 =	vmax.f32 v34, v49;
	v1 =	vmul.f32 v32, v29  }
0x47f: {  	v49 =	vld [tilespmem:s10+$0x30];
	v18 =	vmax.f32 v18, v24;
	v24 =	vadd.f32 v36, v5;
	v36 =	vadd.f32 v41, v7  }
0x480: {  	v41 =	vadd.f32 v42, v6;
	v42 =	vadd.f32 v43, v9;
	v43 =	vld [tilespmem:$0x1F7E0];
	v30 =	vmul.f32 v30, v27  }
0x481: {  	v9 =	vld [tilespmem:$0x1F7F0]  }
0x482: {  	s21 =	sor.u32 s18, s19;
	v1 =	vmax.f32 v1, v30;
	v30 =	vld [tilespmem:$0x1F800]  }
0x483: {  	v32 =	vld [tilespmem:s21+$0x0]  }
0x484: {  	v5 =	vld [tilespmem:s10+$0x0]  }
0x485: {  	v7 =	vadd.f32 v44, v8;
	v44 =	vld [tilespmem:s20+$0x10];
	v6 =	vadd.f32 v23, v15;
	v23 =	vmul.f32 v54, v27  }
0x486: {  	v54 =	vld [tilespmem:s21+$0x10];
	v8 =	vmul.f32 v43, v26;
	v9 =	vmul.f32 v9, v25  }
0x487: {  	v43 =	vld [tilespmem:s14+$0x10];
	v15 =	vmul.f32 v30, v29  }
0x488: {  	v8 =	vmax.f32 v8, v9;
	v9 =	vmul.f32 v55, v26;
	v55 =	vld [tilespmem:s20+$0x20];
	v30 =	vmul.f32 v53, v25  }
0x489: {  	v53 =	vld [tilespmem:s10+$0x10];
	v23 =	vmax.f32 v15, v23  }
0x48a: {  	v9 =	vmax.f32 v9, v30;
	v30 =	vmul.f32 v56, v26;
	v56 =	vmul.f32 v59, v25;
	v59 =	vld [tilespmem:s14+$0x20]  }
0x48b: {  	v15 =	vmax.f32 v18, v8;
	v18 =	vld [tilespmem:s21+$0x20];
	v8 =	vmax.f32 v23, v9;
	v23 =	vmul.f32 v45, v29  }
0x48c: {  	v45 =	vld [tilespmem:s10+$0x20];
	v30 =	vmax.f32 v30, v56;
	v56 =	vmul.f32 v60, v27;
	v60 =	vmul.f32 v57, v25  }
0x48d: {  	v57 =	vmul.f32 v62, v25;
	v62 =	vmul.f32 v46, v29;
	v46 =	vld [tilespmem:s21+$0x40]  }
0x48e: {  	v28 =	vmul.f32 v28, v26;
	v9 =	vmax.f32 v52, v30;
	v52 =	vld [tilespmem:s20+$0x30]  }
0x48f: {  	v30 =	vmul.f32 v61, v26;
	v61 =	vmul.f32 v58, v25;
	v58 =	vld [tilespmem:s20+$0x40]  }
0x490: {  	v22 =	vmul.f32 v22, v27;
	v16 =	vmul.f32 v16, v26;
	v23 =	vmax.f32 v23, v56;
	v56 =	vld [tilespmem:s14+$0x30]  }
0x491: {  	v63 =	vmul.f32 v35, v26;
	v37 =	vmul.f32 v37, v25;
	v28 =	vmax.f32 v28, v60;
	v60 =	vld [tilespmem:s21+$0x30]  }
0x492: {  	v38 =	vmul.f32 v38, v27;
	v22 =	vmax.f32 v62, v22;
	v62 =	vmul.f32 v50, v26;
	v50 =	vld [tilespmem:s14+$0x50]  }
0x493: {  	v32 =	vmul.f32 v32, v26;
	v5 =	vmul.f32 v5, v25;
	v23 =	vmax.f32 v23, v28;
	v28 =	vld [tilespmem:s14+$0x40]  }
0x494: {  	v49 =	vmul.f32 v49, v25;
	v16 =	vmax.f32 v16, v61;
	v61 =	vmul.f32 v40, v27;
	v40 =	vld [tilespmem:s20+$0x50]  }
0x495: {  	v5 =	vmax.f32 v32, v5;
	v30 =	vmax.f32 v30, v57;
	v57 =	vmul.f32 v39, v29;
	v39 =	vld [tilespmem:s21+$0x50]  }
0x496: {  	v18 =	vmul.f32 v18, v26;
	v0 =	vmax.f32 v0, v16;
	v16 =	vmax.f32 v63, v48;
	v48 =	vld [tilespmem:s10+$0x50]  }
0x497: {  	v5 =	vmax.f32 v33, v5;
	v63 =	vmul.f32 v51, v25;
	v51 =	vmul.f32 v44, v29;
	v44 =	vld [tilespmem:s21+$0x60]  }
0x498: {  	v30 =	vmax.f32 v34, v30;
	v34 =	vmax.f32 v57, v61;
	v61 =	vmul.f32 v54, v26;
	v54 =	vld [tilespmem:s14+$0x70]  }
0x499: {  	v57 =	vmul.f32 v43, v27;
	v35 =	vmax.f32 v62, v63;
	v62 =	vmul.f32 v53, v25;
	v53 =	vld [tilespmem:s10+$0x60]  }
0x49a: {  	v16 =	vmax.f32 v22, v16;
	v63 =	vmul.f32 v55, v29;
	v55 =	vld [tilespmem:s21+$0x70];
	v22 =	vmax.f32 v34, v35  }
0x49b: {  	v34 =	vld [tilespmem:s20+$0x60];
	v32 =	vmax.f32 v51, v57;
	v57 =	vmul.f32 v59, v27;
	v59 =	vmul.f32 v45, v25  }
0x49c: {  	v45 =	vld [tilespmem:s20+$0x70];
	v50 =	vmul.f32 v50, v27;
	v33 =	vmax.f32 v61, v62;
	v61 =	vmul.f32 v52, v29  }
0x49d: {  	v51 =	vld [tilespmem:s11+$0x10];
	v62 =	vmul.f32 v56, v27;
	v28 =	vmul.f32 v28, v27  }
0x49e: {  	v35 =	vmax.f32 v63, v57;
	v57 =	vmul.f32 v58, v29;
	v58 =	vmul.f32 v46, v26;
	v46 =	vld [tilespmem:s24+$0x0]  }
0x49f: {  	v40 =	vmul.f32 v40, v29;
	v18 =	vmax.f32 v18, v59;
	v59 =	vmul.f32 v48, v25;
	v48 =	vld [tilespmem:s2+$0xA000]  }
0x4a0: {  	v63 =	vmul.f32 v60, v26;
	v60 =	vmul.f32 v44, v26;
	v44 =	vld [tilespmem:s2+$0xA030]  }
0x4a1: {  	v39 =	vmul.f32 v39, v26;
	v32 =	vmax.f32 v32, v33;
	v18 =	vmax.f32 v35, v18;
	v35 =	vld [tilespmem:s10+$0x70]  }
0x4a2: {  	v56 =	vmax.f32 v61, v62;
	v40 =	vmax.f32 v40, v50;
	v50 =	vld [tilespmem:s6+$0x10];
	v43 =	vmax.f32 v63, v49  }
0x4a3: {  	v62 =	vld [tilespmem:s2+$0xA010];
	v28 =	vmax.f32 v57, v28;
	v37 =	vmax.f32 v58, v37;
	v61 =	vmul.f32 v53, v25  }
0x4a4: {  	v49 =	vld [tilespmem:s22+$0x0];
	v39 =	vmax.f32 v39, v59;
	v57 =	vmul.f32 v54, v27;
	v58 =	vmul.f32 v55, v26  }
0x4a5: {  	v59 =	vld [tilespmem:s2+$0xA040];
	v33 =	vmax.f32 v56, v43;
	v34 =	vmul.f32 v34, v29;
	v28 =	vmax.f32 v28, v37  }
0x4a6: {  	v53 =	vld [tilespmem:$0x1F810];
	v37 =	vmax.f32 v40, v39;
	v63 =	vmul.f32 v45, v29;
	v29 =	vmul.f32 v51, v29  }
0x4a7: {  	v56 =	vmax.f32 v60, v61;
	v61 =	vld [tilespmem:s2+$0xA050];
	v34 =	vmax.f32 v34, v38;
	v48 =	vsub.f32 v48, v15  }
0x4a8: {  	v38 =	vld [tilespmem:s2+$0xA020];
	v39 =	vmax.f32 v63, v57;
	v46 =	vmul.f32 v46, v25;
	v44 =	vsub.f32 v44, v23  }
0x4a9: {  	v63 =	vld [tilespmem:s2+$0xA060];
	v35 =	vmul.f32 v35, v25;
	v34 =	vmax.f32 v34, v56;
	v27 =	vmul.f32 v50, v27  }
0x4aa: {  	v57 =	vld [tilespmem:s2+$0xA400];
	v62 =	vsub.f32 v62, v8;
	v60 =	vmul.f32 v49, v26;
	v48 =	vmul.f32 v48, v47  }
0x4ab: {  	v56 =	vld [tilespmem:s2+$0xA070];
	v44 =	vmul.f32 v44, v47;
	v50 =	vsub.f32 v53, v4;
	v35 =	vmax.f32 v58, v35  }
0x4ac: {  	v54 =	vld [tilespmem:s2+$0xA470];
	v45 =	vmul.f32 v62, v47;
	v58 =	vsub.f32 v59, v30;
	v15 =	vadd.f32 v48, v15  }
0x4ad: {  	v59 =	vld [tilespmem:s2+$0xA410];
	v35 =	vmax.f32 v39, v35;
	v43 =	vsub.f32 v61, v0;
	v23 =	vadd.f32 v44, v23  }
0x4ae: {  	v62 =	vld [tilespmem:s2+$0xA430];
	v40 =	vmax.f32 v60, v46;
	v38 =	vsub.f32 v38, v9;
	v8 =	vadd.f32 v45, v8  }
0x4af: {  	v61 =	vld [tilespmem:s2+$0xA420];
	v60 =	vsub.f32 v63, v16;
	v52 =	vmul.f32 v58, v47;
	v51 =	vsub.f32 v57, v5  }
0x4b0: {  	v48 =	vld [tilespmem:s22+$0x10];
	v1 =	vmax.f32 v1, v40;
	v43 =	vmul.f32 v43, v47;
	v39 =	vsub.f32 v56, v22  }
0x4b1: {  	v63 =	vld [tilespmem:s2+$0xA440];
	v38 =	vmul.f32 v38, v47;
	v30 =	vadd.f32 v52, v30;
	v8 =	vadd.f32 v8, v12  }
0x4b2: {  	v45 =	vld [tilespmem:s24+$0x10];
	v51 =	vmul.f32 v51, v47;
	v0 =	vadd.f32 v43, v0;
	v46 =	vsub.f32 v59, v32  }
0x4b3: {  	v57 =	vld [tilespmem:s2+$0xA800];
	v40 =	vmax.f32 v29, v27;
	v55 =	vsub.f32 v62, v33;
	v9 =	vadd.f32 v38, v9  }
0x4b4: {  	v56 =	vld [tilespmem:$0x1F820];
	v39 =	vmul.f32 v39, v47;
	v49 =	vsub.f32 v61, v18;
	v5 =	vadd.f32 v51, v5  }
0x4b5: {  	v58 =	vld [tilespmem:s2+$0xA810];
	v38 =	vmul.f32 v60, v47;
	v19 =	vadd.f32 v30, v19;
	v51 =	vsub.f32 v54, v35  }
0x4b6: {  	v59 =	vmul.f32 v48, v26;
	v22 =	vadd.f32 v39, v22;
	v39 =	vld [tilespmem:s2+$0xA460];
	v60 =	vsub.f32 v63, v28  }
0x4b7: {  	v46 =	vmul.f32 v46, v47;
	v63 =	vadd.f32 v23, v20;
	v16 =	vadd.f32 v38, v16;
	v38 =	vld [tilespmem:s2+$0xA450];
	[tilespmem:$0x1B390] =	vst v8  }
0x4b8: {  	v61 =	vmul.f32 v55, v47;
	v0 =	vadd.f32 v0, v21;
	v54 =	vsub.f32 v57, v1;
	[tilespmem:$0x1B3C0] =	vst v19  }
0x4b9: {  	v15 =	vadd.f32 v15, v56;
	v49 =	vmul.f32 v49, v47;
	v2 =	vadd.f32 v9, v2;
	[tilespmem:$0x1B3B0] =	vst v63  }
0x4ba: {  	v5 =	vadd.f32 v5, v14;
	v57 =	vmul.f32 v51, v47;
	v32 =	vadd.f32 v46, v32;
	[tilespmem:$0x1B3D0] =	vst v0  }
0x4bb: {  	v9 =	vadd.f32 v61, v33;
	v48 =	vmul.f32 v60, v47;
	v13 =	vadd.f32 v22, v13;
	[tilespmem:$0x1B380] =	vst v15  }
0x4bc: {  	v45 =	vmul.f32 v45, v25;
	v62 =	vadd.f32 v49, v18;
	[tilespmem:$0x1B3A0] =	vst v2;
	v16 =	vadd.f32 v16, v17  }
0x4bd: {  	v8 =	vmul.f32 v54, v47;
	[tilespmem:$0x1B400] =	vst v5;
	v5 =	vadd.f32 v57, v35;
	v53 =	vadd.f32 v48, v28  }
0x4be: {  	v2 =	vmax.f32 v59, v45;
	v11 =	vadd.f32 v32, v11;
	[tilespmem:$0x1B3F0] =	vst v13;
	v49 =	vsub.f32 v39, v34  }
0x4bf: {  	v2 =	vmax.f32 v40, v2;
	v9 =	vadd.f32 v9, v10;
	[tilespmem:$0x1B3E0] =	vst v16;
	v43 =	vsub.f32 v38, v37  }
0x4c0: {  	v56 =	vadd.f32 v62, v31;
	v58 =	vsub.f32 v58, v2;
	[tilespmem:$0x1B410] =	vst v11;
	v55 =	vmul.f32 v49, v47  }
0x4c1: {  	v1 =	vadd.f32 v8, v1;
	v5 =	vadd.f32 v5, v7;
	[tilespmem:$0x1B430] =	vst v9;
	v52 =	vmul.f32 v43, v47  }
0x4c2: {  	s22 =	rddreg [dreg:$0xa];
	v60 =	vadd.f32 v53, v24;
	[tilespmem:$0x1B420] =	vst v56;
	v12 =	vmul.f32 v58, v47;
	v59 =	vadd.f32 v55, v34  }
0x4c3: {  	s2 =	sadd.s32 s22, s16;
	v61 =	vmul.f32 v50, v47;
	v1 =	vadd.f32 v1, v42;
	[tilespmem:$0x1B470] =	vst v5;
	v0 =	vadd.f32 v52, v37  }
0x4c4: {  	s2 =	sshrl.u32 s2, $0x3;
	[tilespmem:$0x1B440] =	vst v60;
	v2 =	vadd.f32 v12, v2;
	v62 =	vadd.f32 v59, v41  }
0x4c5: {  	s23 =	sshll.u32 s16, $0x7;
	s2 =	smul.u32 $0xC00, s2;
	v63 =	vadd.f32 v61, v4;
	[tilespmem:$0x1B480] =	vst v1;
	v0 =	vadd.f32 v0, v36  }
0x4c6: {  	s26 =	simm.s32 $0x400;
	s3 =	sand.u32 $0x380, s23;
	s29 =	simm.s32 $0x2;
	v2 =	vadd.f32 v2, v6;
	[tilespmem:$0x1B460] =	vst v62  }
0x4c7: {  	s28 =	simm.s32 $0x1B380;
	s16 =	sadd.s32 $0x1, s16;
	s2 =	sor.u32 s3, s2;
	[tilespmem:$0x1B450] =	vst v0;
	v0 =	vadd.f32 v63, v3  }
0x4c8: {  	s24 =	rddreg [dreg:$0x4];
	p0 =	sne.s32 s16, $0x20;
	s2 =	sshrl.u32 s2, $0x3;
	[tilespmem:$0x1B490] =	vst v2  }
.Ltmp2:
0x4c9: {  	s25 =	simm.s32 $0x80;
	s2 =	sadd.s32 s24, s2;
	[tilespmem:$0x1B4A0] =	vst v0;
	(pc) =	sbr.rel @p0 .LBB2_2-.Ltmp2, $4  }
0x4ca: {  	[hbm4b:s2+s25] =	stream.strided.scatter [tilespmem:s28], [sflag:$0x2], $0x180, s26, s25, $0x38;
	[tilespmem:$0x1B500] =	vst v63  }
0x4cb: {  	_ =	swait.ge [sflag:s29], $0x180  }
0x4cc: {  	s9 =	sadd.s32 $0x100, s9;
	s31 =	sadd.s32 $0x100, s31;
	[sflag:s29] =	ssyncset.done $0x0  }
0x4cd: {  	s1 =	sadd.s32 $0x100, s1;
	s0 =	sadd.s32 $0x100, s0;
	[sflag:s29] =	ssyncadd.s32 $0xFFFFFE80  }
0x4ce: {  	s1 =	rddreg [dreg:$0xc]  }
0x4cf: {  	s0 =	rddreg [dreg:$0xb];
	s1 =	sadd.s32 $0x1, s1  }
0x4d0: {  	p0 =	sne.s32 s1, s0  }
.Ltmp3:
0x4d1: {  	_ = 	snop;
	(pc) =	sbr.rel @p0 .LBB2_1-.Ltmp3, $1  }
0x4d2: {  	_ =	sdelay $0x3  }
0x4d3: {  	_ =	sfence.sel $0x180000  }
0x4d4: {  	[bflag:$0x0] =	sbarrier.arrive $0xFFFF  }
0x4d5: {  	_ =	strace $0x90000047  }
0x4d6: {  	s0 =	stileid.u32;
	[bflag:$0x2] =	sbarrier.arrive $0xFFFF  }
0x4d7: {  	p0 =	sne.s32 s0, $0x0;
	s0 =	rddreg [dreg:$0x2]  }
0x4d8: {  	s0 =	sadd.s32 @!p0 $0x100000, s0  }
0x4d9: {  	[sflag:s0] =	ssyncadd.tile.s32 @!p0 $0x1;
	_ =	shalt  }
.Lfunc_end2:
_tile_overlayer_lowered:
.L_overlay_start_2:
0x4da: {  	(tag) =	ssettag $0x2  }
0x4db: {  	s0 =	rddreg [dreg:$0x0];
	s2 =	stileid.u32  }
0x4dc: {  	s1 =	rddreg [dreg:$0x1];
	p0 =	sne.s32 s2, $0x0  }
0x4dd: {  	s3 =	rddreg [dreg:$0x2];
	[bflag:$0x3] =	sbarrier.arrive $0xFFFF;
	s2 =	simm.s32 @!p0 $0x1C02  }
0x4de: {  	[timem:s3], [sflag:s2] =	dma.local @!p0 [hbm:s0], s1  }
0x4df: {  	s0 =	simm.s32 @!p0 $0x2  }
0x4e0: {  	_ =	swait.ge @!p0 [sflag:s0], s1  }
0x4e1: {  	s1 =	ssub.s32 @!p0 $0x0, s1;
	[sflag:s0] =	ssyncset.done @!p0 $0x0  }
0x4e2: {  	[sflag:s0] =	ssyncadd.s32 @!p0 s1  }
0x4e3: {  	[bflag:$0x3] =	sbarrier.arrive $0xFFFF  }
0x4e4: {  	_ =	shalt  }

</sc_bundles>
